<compile_context>
chip_gen: v7x
topology: tpu7x:2x2x1
jax: 0.10.2.dev20260603
libtpu: 0.0.44.dev20260713+nightly
codegen_flags: <defaults>
</compile_context>

<pallas_src>
import jax
import jax.numpy as jnp
from jax import lax
from jax.experimental import pallas as pl
from jax.experimental.pallas import tpu as pltpu
from jax.experimental.pallas import tpu_sc as plsc

EPS = 1e-05
B, N, DIN, DN = 8, 1250, 128, 128
E = 320000
H_OUT = 256
N_CLASSES = 10
BN = B * N

NC, NS = 2, 16
NW = NC * NS
EPT = E // NW
CH = 125
NCH = EPT // CH
WB_TILES = 10
WB_ROWS = BN // WB_TILES
DEGW = 16


G = 8
NG = NCH // G


def _make_sc_seg():
  mesh = plsc.VectorSubcoreMesh(core_axis_name="c", subcore_axis_name="s")

  def body(m_hbm, edger, zerosr, agg_out,
           src_b0, src_b1, dst_b0, dst_b1, rows0, rows1,
           agg_sh, semr0, semr1, semi0, semi1, sems0, sems1):
    c = lax.axis_index("c")
    s = lax.axis_index("s")
    wid = c * NS + s
    r0 = s * WB_ROWS
    rows = (rows0, rows1)
    semr = (semr0, semr1)

    @pl.when(s < WB_TILES)
    def _zero():
      pltpu.sync_copy(zerosr, agg_sh.at[pl.ds(r0, WB_ROWS)])

    def idx_start(g, src_b, dst_b, semi):
      off = pl.multiple_of(g * G, G)
      pltpu.async_copy(edger.at[0, wid, pl.ds(off, G)], src_b, semi)
      pltpu.async_copy(edger.at[1, wid, pl.ds(off, G)], dst_b, semi)

    def idx_wait(g, src_b, dst_b, semi):
      off = pl.multiple_of(g * G, G)
      pltpu.make_async_copy(edger.at[0, wid, pl.ds(off, G)], src_b, semi).wait()
      pltpu.make_async_copy(edger.at[1, wid, pl.ds(off, G)], dst_b, semi).wait()

    semsc = (sems0, sems1)

    def process_group(src_b, dst_b):
      gat = [None] * G
      scat = [None] * G
      for j in range(G):
        if j >= 2:
          scat[j - 2].wait()
        gat[j] = pltpu.async_copy(m_hbm.at[src_b.at[j]], rows[j % 2],
                                  semr[j % 2])
        if j >= 1:
          gat[j - 1].wait()
          scat[j - 1] = pltpu.async_copy(
              rows[(j - 1) % 2], agg_sh.at[dst_b.at[j - 1]],
              semsc[(j - 1) % 2], add=True)
      gat[G - 1].wait()
      scat[G - 1] = pltpu.async_copy(
          rows[(G - 1) % 2], agg_sh.at[dst_b.at[G - 1]],
          semsc[(G - 1) % 2], add=True)
      scat[G - 2].wait()
      scat[G - 1].wait()

    idx_start(0, src_b0, dst_b0, semi0)
    plsc.subcore_barrier()

    def pair(k, carry):
      g0 = 2 * k
      idx_start(g0 + 1, src_b1, dst_b1, semi1)
      idx_wait(g0, src_b0, dst_b0, semi0)
      process_group(src_b0, dst_b0)

      @pl.when(k < NG // 2 - 1)
      def _prefetch():
        idx_start(g0 + 2, src_b0, dst_b0, semi0)

      idx_wait(g0 + 1, src_b1, dst_b1, semi1)
      process_group(src_b1, dst_b1)
      return carry

    lax.fori_loop(0, NG // 2, pair, 0)
    plsc.subcore_barrier()

    @pl.when(s < WB_TILES)
    def _writeback():
      pltpu.sync_copy(agg_sh.at[pl.ds(r0, WB_ROWS)],
                      agg_out.at[c, pl.ds(r0, WB_ROWS)])

  scratch = [
      pltpu.VMEM((G, CH), jnp.int32),
      pltpu.VMEM((G, CH), jnp.int32),
      pltpu.VMEM((G, CH), jnp.int32),
      pltpu.VMEM((G, CH), jnp.int32),
      pltpu.VMEM((CH, DN), jnp.float32),
      pltpu.VMEM((CH, DN), jnp.float32),
      pltpu.VMEM_SHARED((BN, DN), jnp.float32),
      pltpu.SemaphoreType.DMA,
      pltpu.SemaphoreType.DMA,
      pltpu.SemaphoreType.DMA,
      pltpu.SemaphoreType.DMA,
      pltpu.SemaphoreType.DMA,
      pltpu.SemaphoreType.DMA,
  ]
  return pl.kernel(
      body, (jax.ShapeDtypeStruct((NC, BN, DN), jnp.float32),),
      mesh=mesh, scratch_types=tuple(scratch))


def _make_sc_deg():
  mesh = plsc.VectorSubcoreMesh(core_axis_name="c", subcore_axis_name="s")

  def body(edger, zerosdr, onesr, deg_out,
           dst_b0, dst_b1, ones_v, deg_sh, sems0, sems1, semi0, semi1):
    c = lax.axis_index("c")
    s = lax.axis_index("s")
    wid = c * NS + s
    r0 = s * WB_ROWS

    @pl.when(s < WB_TILES)
    def _zero():
      pltpu.sync_copy(zerosdr, deg_sh.at[pl.ds(r0, WB_ROWS)])

    pltpu.sync_copy(onesr, ones_v)

    def idx_start(g, dst_b, semi):
      off = pl.multiple_of(g * G, G)
      pltpu.async_copy(edger.at[1, wid, pl.ds(off, G)], dst_b, semi)

    def idx_wait(g, dst_b, semi):
      off = pl.multiple_of(g * G, G)
      pltpu.make_async_copy(edger.at[1, wid, pl.ds(off, G)], dst_b, semi).wait()

    def fire_group(dst_b, sems):
      for j in range(G):
        pltpu.async_copy(ones_v, deg_sh.at[dst_b.at[j]], sems, add=True)

    def drain_group(dst_b, sems):
      for j in range(G):
        pltpu.make_async_copy(ones_v, deg_sh.at[dst_b.at[j]], sems).wait()

    idx_start(0, dst_b0, semi0)
    plsc.subcore_barrier()

    def pair(k, carry):
      g0 = 2 * k

      @pl.when(k > 0)
      def _drain1():
        drain_group(dst_b1, sems1)

      idx_start(g0 + 1, dst_b1, semi1)
      idx_wait(g0, dst_b0, semi0)
      fire_group(dst_b0, sems0)

      @pl.when(k < NG // 2 - 1)
      def _prefetch():
        drain_group(dst_b0, sems0)
        idx_start(g0 + 2, dst_b0, semi0)

      idx_wait(g0 + 1, dst_b1, semi1)
      fire_group(dst_b1, sems1)
      return carry

    lax.fori_loop(0, NG // 2, pair, 0)
    drain_group(dst_b0, sems0)
    drain_group(dst_b1, sems1)
    plsc.subcore_barrier()

    @pl.when(s < WB_TILES)
    def _writeback():
      pltpu.sync_copy(deg_sh.at[pl.ds(r0, WB_ROWS)],
                      deg_out.at[c, pl.ds(r0, WB_ROWS)])

  scratch = [
      pltpu.VMEM((G, CH), jnp.int32),
      pltpu.VMEM((G, CH), jnp.int32),
      pltpu.VMEM((CH, DEGW), jnp.float32),
      pltpu.VMEM_SHARED((BN, DEGW), jnp.float32),
      pltpu.SemaphoreType.DMA,
      pltpu.SemaphoreType.DMA,
      pltpu.SemaphoreType.DMA,
      pltpu.SemaphoreType.DMA,
  ]
  return pl.kernel(
      body, (jax.ShapeDtypeStruct((NC, BN, DEGW), jnp.float32),),
      mesh=mesh, scratch_types=tuple(scratch))


_sc_seg = _make_sc_seg()
_sc_deg = _make_sc_deg()

RB = 2000


def _msg_body(h_ref, w_ref, b_ref, o_ref):
  o_ref[...] = jnp.maximum(
      jnp.dot(h_ref[...], w_ref[...], preferred_element_type=jnp.float32)
      + b_ref[...], 0.0)


_msg = pl.pallas_call(
    _msg_body,
    grid=(BN // RB,),
    in_specs=[
        pl.BlockSpec((RB, DN), lambda i: (i, 0)),
        pl.BlockSpec((DN, DN), lambda i: (0, 0)),
        pl.BlockSpec((1, DN), lambda i: (0, 0)),
    ],
    out_specs=pl.BlockSpec((RB, DN), lambda i: (i, 0)),
    out_shape=jax.ShapeDtypeStruct((BN, DN), jnp.float32),
)


def _upd_body(h_ref, a_ref, d_ref, wu_ref, bu_ref, wm_ref, bm_ref,
              h1_ref, m2_ref):
  agg = a_ref[0] + a_ref[1]
  deg = d_ref[0, :, 0:1] + d_ref[1, :, 0:1]
  mask = jnp.where(deg > EPS, 1.0, 0.0)
  x = jnp.dot(h_ref[...], wu_ref[:DN], preferred_element_type=jnp.float32)
  x = x + jnp.dot(agg, wu_ref[DN:], preferred_element_type=jnp.float32)
  h1 = jnp.maximum(x + bu_ref[...], 0.0) * mask
  h1_ref[...] = h1
  m2_ref[...] = jnp.maximum(
      jnp.dot(h1, wm_ref[...], preferred_element_type=jnp.float32)
      + bm_ref[...], 0.0)


_upd = pl.pallas_call(
    _upd_body,
    grid=(BN // RB,),
    in_specs=[
        pl.BlockSpec((RB, DN), lambda i: (i, 0)),
        pl.BlockSpec((NC, RB, DN), lambda i: (0, i, 0)),
        pl.BlockSpec((NC, RB, DEGW), lambda i: (0, i, 0)),
        pl.BlockSpec((2 * DN, DN), lambda i: (0, 0)),
        pl.BlockSpec((1, DN), lambda i: (0, 0)),
        pl.BlockSpec((DN, DN), lambda i: (0, 0)),
        pl.BlockSpec((1, DN), lambda i: (0, 0)),
    ],
    out_specs=[
        pl.BlockSpec((RB, DN), lambda i: (i, 0)),
        pl.BlockSpec((RB, DN), lambda i: (i, 0)),
    ],
    out_shape=[
        jax.ShapeDtypeStruct((BN, DN), jnp.float32),
        jax.ShapeDtypeStruct((BN, DN), jnp.float32),
    ],
)


def _tail_body(h_ref, a_ref, d_ref, wu_ref, bu_ref, w1_ref, b1_ref,
               w2_ref, b2_ref, o_ref):
  agg = a_ref[0] + a_ref[1]
  deg = d_ref[0, :, 0:1] + d_ref[1, :, 0:1]
  mask = jnp.where(deg > EPS, 1.0, 0.0)
  x = jnp.dot(h_ref[...], wu_ref[:DN], preferred_element_type=jnp.float32)
  x = x + jnp.dot(agg, wu_ref[DN:], preferred_element_type=jnp.float32)
  h2 = jnp.maximum(x + bu_ref[...], 0.0) * mask
  gid = lax.broadcasted_iota(jnp.int32, (B, BN), 1) // N
  bid = lax.broadcasted_iota(jnp.int32, (B, BN), 0)
  sel = jnp.where(gid == bid, 1.0, 0.0)
  pooled = jnp.dot(sel, h2, preferred_element_type=jnp.float32)
  counts = jnp.dot(sel, mask, preferred_element_type=jnp.float32)
  combined = pooled / counts
  hidden = jnp.maximum(
      jnp.dot(combined, w1_ref[...], preferred_element_type=jnp.float32)
      + b1_ref[...], 0.0)
  o_ref[...] = jnp.dot(hidden, w2_ref[...],
                       preferred_element_type=jnp.float32) + b2_ref[...]


_tail = pl.pallas_call(
    _tail_body,
    out_shape=jax.ShapeDtypeStruct((B, DN), jnp.float32),
)


@jax.jit
def kernel(node_feats, edge_index, W_msg, b_msg, W_upd, b_upd, W_out1, b_out1,
           W_out2, b_out2):
  h0 = node_feats.reshape(BN, DIN)
  edges = edge_index.astype(jnp.int32).reshape(2, NW, NCH, CH)
  zeros = jnp.zeros((WB_ROWS, DN), jnp.float32)
  zerosd = jnp.zeros((WB_ROWS, DEGW), jnp.float32)
  ones = jnp.ones((CH, DEGW), jnp.float32)
  bm = b_msg.reshape(1, DN)
  bu = b_upd.reshape(1, DN)
  b1 = b_out1.reshape(1, H_OUT)
  W2p = jnp.pad(W_out2, ((0, 0), (0, DN - N_CLASSES)))
  b2p = jnp.pad(b_out2, (0, DN - N_CLASSES)).reshape(1, DN)

  m1 = _msg(h0, W_msg, bm)
  (degP,) = _sc_deg(edges, zerosd, ones)
  zeros = zeros + degP[0, :1, :1] * 0.0
  (aggP1,) = _sc_seg(m1, edges, zeros)
  h1, m2 = _upd(h0, aggP1, degP, W_upd, bu, W_msg, bm)
  (aggP2,) = _sc_seg(m2, edges, zeros)
  logits_p = _tail(h1, aggP2, degP, W_upd, bu, W_out1, b1, W2p, b2p)
  return logits_p[:, :N_CLASSES]

# --- scband reference (transcript-rebuilt; emitter-appended) ---
"""Pipeline reference for scband-gnnglobal-classifier-67173288509991 (READ-ONLY COPY).

The authoritative reference and input builder live on the scoring server;
editing this copy changes nothing except your own understanding.
"""

import jax, jax.numpy as jnp
import numpy as np

EPS = 1e-05
B, N, DIN, DN = 8, 1250, 128, 128
E = 320000
N_LAYERS = 2
H_OUT = 256
N_CLASSES = 10

def setup_inputs(seed: int = 0) -> dict:
    key = jax.random.key(seed)
    ks = jax.random.split(key, 10)
    node_feats = jax.random.normal(ks[0], (B, N, DIN), dtype=jnp.float32)
    edge_index = jax.random.randint(ks[1], (2, E), 0, B * N, dtype=jnp.int64)
    W_msg = jax.random.normal(ks[2], (DN, DN), dtype=jnp.float32) * (1.0 / np.sqrt(DN))
    b_msg = jnp.zeros((DN,), dtype=jnp.float32)
    W_upd = jax.random.normal(ks[3], (2 * DN, DN), dtype=jnp.float32) * (1.0 / np.sqrt(2 * DN))
    b_upd = jnp.zeros((DN,), dtype=jnp.float32)
    W_out1 = jax.random.normal(ks[4], (DN, H_OUT), dtype=jnp.float32) * (1.0 / np.sqrt(DN))
    b_out1 = jnp.zeros((H_OUT,), dtype=jnp.float32)
    W_out2 = jax.random.normal(ks[5], (H_OUT, N_CLASSES), dtype=jnp.float32) * (1.0 / np.sqrt(H_OUT))
    b_out2 = jnp.zeros((N_CLASSES,), dtype=jnp.float32)
    return {"node_feats": node_feats, "edge_index": edge_index, "W_msg": W_msg, "b_msg": b_msg, "W_upd": W_upd, "b_upd": b_upd, "W_out1": W_out1, "b_out1": b_out1, "W_out2": W_out2, "b_out2": b_out2}

def reference(node_feats, edge_index, W_msg, b_msg, W_upd, b_upd, W_out1, b_out1, W_out2, b_out2):
    # node_feats: (B, N, Din) dense version of ragged (B, 1, N_i, Din)[:, 0]
    h = node_feats.reshape(B * N, DIN)
    # pad Din -> Dn if needed (here Din == Dn, but keep logic faithful)
    if DIN < DN:
        h = jnp.pad(h, ((0, 0), (0, DN - DIN)))
    src = edge_index[0]
    dst = edge_index[1]
    # sum_nbrs = sparse reduce_sum of adj over axis=2 (per-dst degree, adj values = 1.0)
    sum_nbrs = jax.ops.segment_sum(jnp.ones((E,), dtype=jnp.float32), dst, num_segments=B * N)
    mask = jnp.where(sum_nbrs > EPS, jnp.ones_like(sum_nbrs), jnp.zeros_like(sum_nbrs))
    for _ in range(N_LAYERS):
        # message MLP on source nodes, then sparse aggregate (scatter-add by dst)
        m = jax.nn.relu(h @ W_msg + b_msg)
        agg = jax.ops.segment_sum(jnp.take(m, src, axis=0), dst, num_segments=B * N)
        # node update MLP on [h, agg]; masked to real nodes
        h = jax.nn.relu(jnp.concatenate([h, agg], axis=-1) @ W_upd + b_upd) * mask[:, None]
    hg = h.reshape(B, N, DN)
    mg = mask.reshape(B, N)
    combined = jnp.sum(hg, axis=1) / jnp.sum(mg, axis=1, keepdims=True)
    hidden = jax.nn.relu(combined @ W_out1 + b_out1)
    logits = hidden @ W_out2 + b_out2
    return logits

if __name__ == "__main__":
    import jax
    _d = setup_inputs()
    print(jax.jit(kernel)(*tuple(_d.values())))

</pallas_src>

<mosaic_0001>
#map = affine_map<(d0, d1) -> (0, 0, 0, 0)>
#map1 = affine_map<(d0, d1) -> (0, 0)>
#map2 = affine_map<(d0, d1) -> (0, 0, 0)>
module attributes {stable_mosaic.version = 14 : i64} {
  func.func @body(%arg0: i32, %arg1: i32, %arg2: memref<2x32x80x125xi32, #tpu.memory_space<hbm>>, %arg3: memref<1000x16xf32, #tpu.memory_space<hbm>>, %arg4: memref<125x16xf32, #tpu.memory_space<hbm>>, %arg5: memref<2x10000x16xf32, #tpu.memory_space<hbm>>, %arg6: memref<8x125xi32, #tpu.memory_space<vmem>>, %arg7: memref<8x125xi32, #tpu.memory_space<vmem>>, %arg8: memref<125x16xf32, #tpu.memory_space<vmem>>, %arg9: memref<10000x16xf32, #tpu.memory_space<vmem_shared>>, %arg10: memref<!tpu.dma_semaphore, #tpu.memory_space<semaphore_mem>>, %arg11: memref<!tpu.dma_semaphore, #tpu.memory_space<semaphore_mem>>, %arg12: memref<!tpu.dma_semaphore, #tpu.memory_space<semaphore_mem>>, %arg13: memref<!tpu.dma_semaphore, #tpu.memory_space<semaphore_mem>>) attributes {dimension_semantics = [#tpu.dimension_semantics<core_parallel>, #tpu.dimension_semantics<subcore_parallel>], iteration_bounds = array<i64: 2, 16>, scalar_prefetch = 0 : i64, scratch_operands = 8 : i64, tpu.core_type = #tpu.core_type<sc_vector_subcore>, window_params = [{transform_indices = #map}, {transform_indices = #map1}, {transform_indices = #map1}, {transform_indices = #map2}]} {
    %mul3A = arith.constant 16 : i32
    %mul3A_0 = arith.muli %arg0, %mul3A : i32
    %add3A = arith.addi %mul3A_0, %arg1 : i32
    %mul3A_1 = arith.constant 1000 : i32
    %mul3A_2 = arith.muli %arg1, %mul3A_1 : i32
    %lt3A = arith.constant 10 : i32
    %lt3A_3 = arith.cmpi slt, %arg1, %lt3A : i32
    %convert_element_type3A = arith.extui %lt3A_3 : i1 to i32
    %cond3A = arith.constant 0 : i32
    %cond3A_4 = arith.cmpi ne, %convert_element_type3A, %cond3A : i32
    scf.if %cond3A_4 {
      "tpu.region"() ({
        %run_scoped3A = tpu.sem_alloc : memref<!tpu.dma_semaphore, #tpu.memory_space<semaphore_mem>>
        %dma_start3A_134 = arith.constant 0 : i32
        %dma_start3A_135 = tpu.memref_slice %arg9[%mul3A_2, %dma_start3A_134] : memref<10000x16xf32, #tpu.memory_space<vmem_shared>> -> memref<1000x16xf32, #tpu.memory_space<vmem_shared>>
        tpu.enqueue_dma source(%arg3 : memref<1000x16xf32, #tpu.memory_space<hbm>>) target(%dma_start3A_135 : memref<1000x16xf32, #tpu.memory_space<vmem_shared>>) target_semaphore(%run_scoped3A : memref<!tpu.dma_semaphore, #tpu.memory_space<semaphore_mem>>)
        %dma_wait3A_136 = arith.constant 0 : i32
        %dma_wait3A_137 = tpu.memref_slice %arg9[%mul3A_2, %dma_wait3A_136] : memref<10000x16xf32, #tpu.memory_space<vmem_shared>> -> memref<1000x16xf32, #tpu.memory_space<vmem_shared>>
        tpu.wait_dma2 semaphore(%run_scoped3A : memref<!tpu.dma_semaphore, #tpu.memory_space<semaphore_mem>>) src(%arg3 : memref<1000x16xf32, #tpu.memory_space<hbm>>) dst(%dma_wait3A_137 : memref<1000x16xf32, #tpu.memory_space<vmem_shared>>)
        tpu.yield
      }) : () -> ()
    } else {
    }
    "tpu.region"() ({
      %run_scoped3A = tpu.sem_alloc : memref<!tpu.dma_semaphore, #tpu.memory_space<semaphore_mem>>
      tpu.enqueue_dma source(%arg4 : memref<125x16xf32, #tpu.memory_space<hbm>>) target(%arg8 : memref<125x16xf32, #tpu.memory_space<vmem>>) target_semaphore(%run_scoped3A : memref<!tpu.dma_semaphore, #tpu.memory_space<semaphore_mem>>)
      tpu.wait_dma2 semaphore(%run_scoped3A : memref<!tpu.dma_semaphore, #tpu.memory_space<semaphore_mem>>) src(%arg4 : memref<125x16xf32, #tpu.memory_space<hbm>>) dst(%arg8 : memref<125x16xf32, #tpu.memory_space<vmem>>)
      tpu.yield
    }) : () -> ()
    %multiple_of3A = arith.constant 0 : i32
    %multiple_of3A_5 = tpu.assume_multiple %multiple_of3A, 8 : i32
    %dma_start3A = arith.constant 1 : i32
    %dma_start3A_6 = arith.constant 0 : i32
    %dma_start3A_7 = tpu.memref_slice %arg2[%dma_start3A, %add3A, %multiple_of3A_5, %dma_start3A_6] : memref<2x32x80x125xi32, #tpu.memory_space<hbm>> -> memref<1x1x8x125xi32, #tpu.memory_space<hbm>>
    %dma_start3A_8 = tpu.memref_squeeze %dma_start3A_7 : memref<1x1x8x125xi32, #tpu.memory_space<hbm>> -> memref<8x125xi32, #tpu.memory_space<hbm>>
    %dma_start3A_9 = arith.constant 0 : i32
    %dma_start3A_10 = tpu.memref_slice %arg2[%dma_start3A, %add3A, %multiple_of3A_5, %dma_start3A_9] : memref<2x32x80x125xi32, #tpu.memory_space<hbm>> -> memref<1x1x8x125xi32, #tpu.memory_space<hbm>>
    %dma_start3A_11 = tpu.memref_squeeze %dma_start3A_10 : memref<1x1x8x125xi32, #tpu.memory_space<hbm>> -> memref<8x125xi32, #tpu.memory_space<hbm>>
    tpu.enqueue_dma source(%dma_start3A_11 : memref<8x125xi32, #tpu.memory_space<hbm>>) target(%arg6 : memref<8x125xi32, #tpu.memory_space<vmem>>) target_semaphore(%arg12 : memref<!tpu.dma_semaphore, #tpu.memory_space<semaphore_mem>>)
    %barrier3A = arith.constant 0 : index
    tpu.barrier barrier_id(%barrier3A)
    %scan3A = arith.constant 0 : i32
    %scan3A_12 = arith.constant 0 : i32
    %scan3A_13 = arith.constant 5 : i32
    %scan3A_14 = arith.addi %scan3A_12, %scan3A_13 : i32
    %scan3A_15 = arith.constant 1 : i32
    scf.for %scan3A_134 = %scan3A_12 to %scan3A_14 step %scan3A_15  : i32 {
      %mul3A_135 = arith.constant 2 : i32
      %mul3A_136 = arith.muli %mul3A_135, %scan3A_134 : i32
      %gt3A = arith.constant 0 : i32
      %gt3A_137 = arith.cmpi sgt, %scan3A_134, %gt3A : i32
      %convert_element_type3A_138 = arith.extui %gt3A_137 : i1 to i32
      %cond3A_139 = arith.constant 0 : i32
      %cond3A_140 = arith.cmpi ne, %convert_element_type3A_138, %cond3A_139 : i32
      scf.if %cond3A_140 {
        %dma_wait3A_292 = arith.constant 0 : i32
        %dma_wait3A_293 = arith.constant 0 : i32
        %dma_wait3A_294 = tpu.memref_slice %arg7[%dma_wait3A_292, %dma_wait3A_293] : memref<8x125xi32, #tpu.memory_space<vmem>> -> memref<1x125xi32, #tpu.memory_space<vmem>>
        %dma_wait3A_295 = tpu.memref_squeeze %dma_wait3A_294 : memref<1x125xi32, #tpu.memory_space<vmem>> -> memref<125xi32, #tpu.memory_space<vmem>>
        %dma_wait3A_296 = arith.constant 0 : i32
        %dma_wait3A_297 = arith.constant 0 : i32
        %dma_wait3A_298 = tpu.memref_slice %arg9[%dma_wait3A_296, %dma_wait3A_297] : memref<10000x16xf32, #tpu.memory_space<vmem_shared>> -> memref<10000x16xf32, #tpu.memory_space<vmem_shared>>
        tpu.wait_indirect_dma semaphore(%arg11 : memref<!tpu.dma_semaphore, #tpu.memory_space<semaphore_mem>>) src(%arg8 : memref<125x16xf32, #tpu.memory_space<vmem>>) dst(%dma_wait3A_298 : memref<10000x16xf32, #tpu.memory_space<vmem_shared>>)
        %dma_wait3A_299 = arith.constant 1 : i32
        %dma_wait3A_300 = arith.constant 0 : i32
        %dma_wait3A_301 = tpu.memref_slice %arg7[%dma_wait3A_299, %dma_wait3A_300] : memref<8x125xi32, #tpu.memory_space<vmem>> -> memref<1x125xi32, #tpu.memory_space<vmem>>
        %dma_wait3A_302 = tpu.memref_squeeze %dma_wait3A_301 : memref<1x125xi32, #tpu.memory_space<vmem>> -> memref<125xi32, #tpu.memory_space<vmem>>
        %dma_wait3A_303 = arith.constant 0 : i32
        %dma_wait3A_304 = arith.constant 0 : i32
        %dma_wait3A_305 = tpu.memref_slice %arg9[%dma_wait3A_303, %dma_wait3A_304] : memref<10000x16xf32, #tpu.memory_space<vmem_shared>> -> memref<10000x16xf32, #tpu.memory_space<vmem_shared>>
        tpu.wait_indirect_dma semaphore(%arg11 : memref<!tpu.dma_semaphore, #tpu.memory_space<semaphore_mem>>) src(%arg8 : memref<125x16xf32, #tpu.memory_space<vmem>>) dst(%dma_wait3A_305 : memref<10000x16xf32, #tpu.memory_space<vmem_shared>>)
        %dma_wait3A_306 = arith.constant 2 : i32
        %dma_wait3A_307 = arith.constant 0 : i32
        %dma_wait3A_308 = tpu.memref_slice %arg7[%dma_wait3A_306, %dma_wait3A_307] : memref<8x125xi32, #tpu.memory_space<vmem>> -> memref<1x125xi32, #tpu.memory_space<vmem>>
        %dma_wait3A_309 = tpu.memref_squeeze %dma_wait3A_308 : memref<1x125xi32, #tpu.memory_space<vmem>> -> memref<125xi32, #tpu.memory_space<vmem>>
        %dma_wait3A_310 = arith.constant 0 : i32
        %dma_wait3A_311 = arith.constant 0 : i32
        %dma_wait3A_312 = tpu.memref_slice %arg9[%dma_wait3A_310, %dma_wait3A_311] : memref<10000x16xf32, #tpu.memory_space<vmem_shared>> -> memref<10000x16xf32, #tpu.memory_space<vmem_shared>>
        tpu.wait_indirect_dma semaphore(%arg11 : memref<!tpu.dma_semaphore, #tpu.memory_space<semaphore_mem>>) src(%arg8 : memref<125x16xf32, #tpu.memory_space<vmem>>) dst(%dma_wait3A_312 : memref<10000x16xf32, #tpu.memory_space<vmem_shared>>)
        %dma_wait3A_313 = arith.constant 3 : i32
        %dma_wait3A_314 = arith.constant 0 : i32
        %dma_wait3A_315 = tpu.memref_slice %arg7[%dma_wait3A_313, %dma_wait3A_314] : memref<8x125xi32, #tpu.memory_space<vmem>> -> memref<1x125xi32, #tpu.memory_space<vmem>>
        %dma_wait3A_316 = tpu.memref_squeeze %dma_wait3A_315 : memref<1x125xi32, #tpu.memory_space<vmem>> -> memref<125xi32, #tpu.memory_space<vmem>>
        %dma_wait3A_317 = arith.constant 0 : i32
        %dma_wait3A_318 = arith.constant 0 : i32
        %dma_wait3A_319 = tpu.memref_slice %arg9[%dma_wait3A_317, %dma_wait3A_318] : memref<10000x16xf32, #tpu.memory_space<vmem_shared>> -> memref<10000x16xf32, #tpu.memory_space<vmem_shared>>
        tpu.wait_indirect_dma semaphore(%arg11 : memref<!tpu.dma_semaphore, #tpu.memory_space<semaphore_mem>>) src(%arg8 : memref<125x16xf32, #tpu.memory_space<vmem>>) dst(%dma_wait3A_319 : memref<10000x16xf32, #tpu.memory_space<vmem_shared>>)
        %dma_wait3A_320 = arith.constant 4 : i32
        %dma_wait3A_321 = arith.constant 0 : i32
        %dma_wait3A_322 = tpu.memref_slice %arg7[%dma_wait3A_320, %dma_wait3A_321] : memref<8x125xi32, #tpu.memory_space<vmem>> -> memref<1x125xi32, #tpu.memory_space<vmem>>
        %dma_wait3A_323 = tpu.memref_squeeze %dma_wait3A_322 : memref<1x125xi32, #tpu.memory_space<vmem>> -> memref<125xi32, #tpu.memory_space<vmem>>
        %dma_wait3A_324 = arith.constant 0 : i32
        %dma_wait3A_325 = arith.constant 0 : i32
        %dma_wait3A_326 = tpu.memref_slice %arg9[%dma_wait3A_324, %dma_wait3A_325] : memref<10000x16xf32, #tpu.memory_space<vmem_shared>> -> memref<10000x16xf32, #tpu.memory_space<vmem_shared>>
        tpu.wait_indirect_dma semaphore(%arg11 : memref<!tpu.dma_semaphore, #tpu.memory_space<semaphore_mem>>) src(%arg8 : memref<125x16xf32, #tpu.memory_space<vmem>>) dst(%dma_wait3A_326 : memref<10000x16xf32, #tpu.memory_space<vmem_shared>>)
        %dma_wait3A_327 = arith.constant 5 : i32
        %dma_wait3A_328 = arith.constant 0 : i32
        %dma_wait3A_329 = tpu.memref_slice %arg7[%dma_wait3A_327, %dma_wait3A_328] : memref<8x125xi32, #tpu.memory_space<vmem>> -> memref<1x125xi32, #tpu.memory_space<vmem>>
        %dma_wait3A_330 = tpu.memref_squeeze %dma_wait3A_329 : memref<1x125xi32, #tpu.memory_space<vmem>> -> memref<125xi32, #tpu.memory_space<vmem>>
        %dma_wait3A_331 = arith.constant 0 : i32
        %dma_wait3A_332 = arith.constant 0 : i32
        %dma_wait3A_333 = tpu.memref_slice %arg9[%dma_wait3A_331, %dma_wait3A_332] : memref<10000x16xf32, #tpu.memory_space<vmem_shared>> -> memref<10000x16xf32, #tpu.memory_space<vmem_shared>>
        tpu.wait_indirect_dma semaphore(%arg11 : memref<!tpu.dma_semaphore, #tpu.memory_space<semaphore_mem>>) src(%arg8 : memref<125x16xf32, #tpu.memory_space<vmem>>) dst(%dma_wait3A_333 : memref<10000x16xf32, #tpu.memory_space<vmem_shared>>)
        %dma_wait3A_334 = arith.constant 6 : i32
        %dma_wait3A_335 = arith.constant 0 : i32
        %dma_wait3A_336 = tpu.memref_slice %arg7[%dma_wait3A_334, %dma_wait3A_335] : memref<8x125xi32, #tpu.memory_space<vmem>> -> memref<1x125xi32, #tpu.memory_space<vmem>>
        %dma_wait3A_337 = tpu.memref_squeeze %dma_wait3A_336 : memref<1x125xi32, #tpu.memory_space<vmem>> -> memref<125xi32, #tpu.memory_space<vmem>>
        %dma_wait3A_338 = arith.constant 0 : i32
        %dma_wait3A_339 = arith.constant 0 : i32
        %dma_wait3A_340 = tpu.memref_slice %arg9[%dma_wait3A_338, %dma_wait3A_339] : memref<10000x16xf32, #tpu.memory_space<vmem_shared>> -> memref<10000x16xf32, #tpu.memory_space<vmem_shared>>
        tpu.wait_indirect_dma semaphore(%arg11 : memref<!tpu.dma_semaphore, #tpu.memory_space<semaphore_mem>>) src(%arg8 : memref<125x16xf32, #tpu.memory_space<vmem>>) dst(%dma_wait3A_340 : memref<10000x16xf32, #tpu.memory_space<vmem_shared>>)
        %dma_wait3A_341 = arith.constant 7 : i32
        %dma_wait3A_342 = arith.constant 0 : i32
        %dma_wait3A_343 = tpu.memref_slice %arg7[%dma_wait3A_341, %dma_wait3A_342] : memref<8x125xi32, #tpu.memory_space<vmem>> -> memref<1x125xi32, #tpu.memory_space<vmem>>
        %dma_wait3A_344 = tpu.memref_squeeze %dma_wait3A_343 : memref<1x125xi32, #tpu.memory_space<vmem>> -> memref<125xi32, #tpu.memory_space<vmem>>
        %dma_wait3A_345 = arith.constant 0 : i32
        %dma_wait3A_346 = arith.constant 0 : i32
        %dma_wait3A_347 = tpu.memref_slice %arg9[%dma_wait3A_345, %dma_wait3A_346] : memref<10000x16xf32, #tpu.memory_space<vmem_shared>> -> memref<10000x16xf32, #tpu.memory_space<vmem_shared>>
        tpu.wait_indirect_dma semaphore(%arg11 : memref<!tpu.dma_semaphore, #tpu.memory_space<semaphore_mem>>) src(%arg8 : memref<125x16xf32, #tpu.memory_space<vmem>>) dst(%dma_wait3A_347 : memref<10000x16xf32, #tpu.memory_space<vmem_shared>>)
      } else {
      }
      %add3A_141 = arith.constant 1 : i32
      %add3A_142 = arith.addi %mul3A_136, %add3A_141 : i32
      %mul3A_143 = arith.constant 8 : i32
      %mul3A_144 = arith.muli %add3A_142, %mul3A_143 : i32
      %multiple_of3A_145 = tpu.assume_multiple %mul3A_144, 8 : i32
      %dma_start3A_146 = arith.constant 1 : i32
      %dma_start3A_147 = arith.constant 0 : i32
      %dma_start3A_148 = tpu.memref_slice %arg2[%dma_start3A_146, %add3A, %multiple_of3A_145, %dma_start3A_147] : memref<2x32x80x125xi32, #tpu.memory_space<hbm>> -> memref<1x1x8x125xi32, #tpu.memory_space<hbm>>
      %dma_start3A_149 = tpu.memref_squeeze %dma_start3A_148 : memref<1x1x8x125xi32, #tpu.memory_space<hbm>> -> memref<8x125xi32, #tpu.memory_space<hbm>>
      %dma_start3A_150 = arith.constant 0 : i32
      %dma_start3A_151 = tpu.memref_slice %arg2[%dma_start3A_146, %add3A, %multiple_of3A_145, %dma_start3A_150] : memref<2x32x80x125xi32, #tpu.memory_space<hbm>> -> memref<1x1x8x125xi32, #tpu.memory_space<hbm>>
      %dma_start3A_152 = tpu.memref_squeeze %dma_start3A_151 : memref<1x1x8x125xi32, #tpu.memory_space<hbm>> -> memref<8x125xi32, #tpu.memory_space<hbm>>
      tpu.enqueue_dma source(%dma_start3A_152 : memref<8x125xi32, #tpu.memory_space<hbm>>) target(%arg7 : memref<8x125xi32, #tpu.memory_space<vmem>>) target_semaphore(%arg13 : memref<!tpu.dma_semaphore, #tpu.memory_space<semaphore_mem>>)
      %mul3A_153 = arith.constant 8 : i32
      %mul3A_154 = arith.muli %mul3A_136, %mul3A_153 : i32
      %multiple_of3A_155 = tpu.assume_multiple %mul3A_154, 8 : i32
      %dma_wait3A_156 = arith.constant 1 : i32
      %dma_wait3A_157 = arith.constant 0 : i32
      %dma_wait3A_158 = tpu.memref_slice %arg2[%dma_wait3A_156, %add3A, %multiple_of3A_155, %dma_wait3A_157] : memref<2x32x80x125xi32, #tpu.memory_space<hbm>> -> memref<1x1x8x125xi32, #tpu.memory_space<hbm>>
      %dma_wait3A_159 = tpu.memref_squeeze %dma_wait3A_158 : memref<1x1x8x125xi32, #tpu.memory_space<hbm>> -> memref<8x125xi32, #tpu.memory_space<hbm>>
      %dma_wait3A_160 = arith.constant 0 : i32
      %dma_wait3A_161 = tpu.memref_slice %arg2[%dma_wait3A_156, %add3A, %multiple_of3A_155, %dma_wait3A_160] : memref<2x32x80x125xi32, #tpu.memory_space<hbm>> -> memref<1x1x8x125xi32, #tpu.memory_space<hbm>>
      %dma_wait3A_162 = tpu.memref_squeeze %dma_wait3A_161 : memref<1x1x8x125xi32, #tpu.memory_space<hbm>> -> memref<8x125xi32, #tpu.memory_space<hbm>>
      tpu.wait_dma2 semaphore(%arg12 : memref<!tpu.dma_semaphore, #tpu.memory_space<semaphore_mem>>) src(%dma_wait3A_162 : memref<8x125xi32, #tpu.memory_space<hbm>>) dst(%arg6 : memref<8x125xi32, #tpu.memory_space<vmem>>)
      %dma_start3A_163 = arith.constant 0 : i32
      %dma_start3A_164 = arith.constant 0 : i32
      %dma_start3A_165 = tpu.memref_slice %arg6[%dma_start3A_163, %dma_start3A_164] : memref<8x125xi32, #tpu.memory_space<vmem>> -> memref<1x125xi32, #tpu.memory_space<vmem>>
      %dma_start3A_166 = tpu.memref_squeeze %dma_start3A_165 : memref<1x125xi32, #tpu.memory_space<vmem>> -> memref<125xi32, #tpu.memory_space<vmem>>
      %dma_start3A_167 = arith.constant 0 : i32
      %dma_start3A_168 = arith.constant 0 : i32
      %dma_start3A_169 = tpu.memref_slice %arg9[%dma_start3A_167, %dma_start3A_168] : memref<10000x16xf32, #tpu.memory_space<vmem_shared>> -> memref<10000x16xf32, #tpu.memory_space<vmem_shared>>
      tpu.enqueue_indirect_dma source(%arg8 : memref<125x16xf32, #tpu.memory_space<vmem>>) target(%dma_start3A_169 : memref<10000x16xf32, #tpu.memory_space<vmem_shared>>) offsets(%dma_start3A_166 : memref<125xi32, #tpu.memory_space<vmem>>) semaphore(%arg10 : memref<!tpu.dma_semaphore, #tpu.memory_space<semaphore_mem>>) {add = true}
      %dma_start3A_170 = arith.constant 1 : i32
      %dma_start3A_171 = arith.constant 0 : i32
      %dma_start3A_172 = tpu.memref_slice %arg6[%dma_start3A_170, %dma_start3A_171] : memref<8x125xi32, #tpu.memory_space<vmem>> -> memref<1x125xi32, #tpu.memory_space<vmem>>
      %dma_start3A_173 = tpu.memref_squeeze %dma_start3A_172 : memref<1x125xi32, #tpu.memory_space<vmem>> -> memref<125xi32, #tpu.memory_space<vmem>>
      %dma_start3A_174 = arith.constant 0 : i32
      %dma_start3A_175 = arith.constant 0 : i32
      %dma_start3A_176 = tpu.memref_slice %arg9[%dma_start3A_174, %dma_start3A_175] : memref<10000x16xf32, #tpu.memory_space<vmem_shared>> -> memref<10000x16xf32, #tpu.memory_space<vmem_shared>>
      tpu.enqueue_indirect_dma source(%arg8 : memref<125x16xf32, #tpu.memory_space<vmem>>) target(%dma_start3A_176 : memref<10000x16xf32, #tpu.memory_space<vmem_shared>>) offsets(%dma_start3A_173 : memref<125xi32, #tpu.memory_space<vmem>>) semaphore(%arg10 : memref<!tpu.dma_semaphore, #tpu.memory_space<semaphore_mem>>) {add = true}
      %dma_start3A_177 = arith.constant 2 : i32
      %dma_start3A_178 = arith.constant 0 : i32
      %dma_start3A_179 = tpu.memref_slice %arg6[%dma_start3A_177, %dma_start3A_178] : memref<8x125xi32, #tpu.memory_space<vmem>> -> memref<1x125xi32, #tpu.memory_space<vmem>>
      %dma_start3A_180 = tpu.memref_squeeze %dma_start3A_179 : memref<1x125xi32, #tpu.memory_space<vmem>> -> memref<125xi32, #tpu.memory_space<vmem>>
      %dma_start3A_181 = arith.constant 0 : i32
      %dma_start3A_182 = arith.constant 0 : i32
      %dma_start3A_183 = tpu.memref_slice %arg9[%dma_start3A_181, %dma_start3A_182] : memref<10000x16xf32, #tpu.memory_space<vmem_shared>> -> memref<10000x16xf32, #tpu.memory_space<vmem_shared>>
      tpu.enqueue_indirect_dma source(%arg8 : memref<125x16xf32, #tpu.memory_space<vmem>>) target(%dma_start3A_183 : memref<10000x16xf32, #tpu.memory_space<vmem_shared>>) offsets(%dma_start3A_180 : memref<125xi32, #tpu.memory_space<vmem>>) semaphore(%arg10 : memref<!tpu.dma_semaphore, #tpu.memory_space<semaphore_mem>>) {add = true}
      %dma_start3A_184 = arith.constant 3 : i32
      %dma_start3A_185 = arith.constant 0 : i32
      %dma_start3A_186 = tpu.memref_slice %arg6[%dma_start3A_184, %dma_start3A_185] : memref<8x125xi32, #tpu.memory_space<vmem>> -> memref<1x125xi32, #tpu.memory_space<vmem>>
      %dma_start3A_187 = tpu.memref_squeeze %dma_start3A_186 : memref<1x125xi32, #tpu.memory_space<vmem>> -> memref<125xi32, #tpu.memory_space<vmem>>
      %dma_start3A_188 = arith.constant 0 : i32
      %dma_start3A_189 = arith.constant 0 : i32
      %dma_start3A_190 = tpu.memref_slice %arg9[%dma_start3A_188, %dma_start3A_189] : memref<10000x16xf32, #tpu.memory_space<vmem_shared>> -> memref<10000x16xf32, #tpu.memory_space<vmem_shared>>
      tpu.enqueue_indirect_dma source(%arg8 : memref<125x16xf32, #tpu.memory_space<vmem>>) target(%dma_start3A_190 : memref<10000x16xf32, #tpu.memory_space<vmem_shared>>) offsets(%dma_start3A_187 : memref<125xi32, #tpu.memory_space<vmem>>) semaphore(%arg10 : memref<!tpu.dma_semaphore, #tpu.memory_space<semaphore_mem>>) {add = true}
      %dma_start3A_191 = arith.constant 4 : i32
      %dma_start3A_192 = arith.constant 0 : i32
      %dma_start3A_193 = tpu.memref_slice %arg6[%dma_start3A_191, %dma_start3A_192] : memref<8x125xi32, #tpu.memory_space<vmem>> -> memref<1x125xi32, #tpu.memory_space<vmem>>
      %dma_start3A_194 = tpu.memref_squeeze %dma_start3A_193 : memref<1x125xi32, #tpu.memory_space<vmem>> -> memref<125xi32, #tpu.memory_space<vmem>>
      %dma_start3A_195 = arith.constant 0 : i32
      %dma_start3A_196 = arith.constant 0 : i32
      %dma_start3A_197 = tpu.memref_slice %arg9[%dma_start3A_195, %dma_start3A_196] : memref<10000x16xf32, #tpu.memory_space<vmem_shared>> -> memref<10000x16xf32, #tpu.memory_space<vmem_shared>>
      tpu.enqueue_indirect_dma source(%arg8 : memref<125x16xf32, #tpu.memory_space<vmem>>) target(%dma_start3A_197 : memref<10000x16xf32, #tpu.memory_space<vmem_shared>>) offsets(%dma_start3A_194 : memref<125xi32, #tpu.memory_space<vmem>>) semaphore(%arg10 : memref<!tpu.dma_semaphore, #tpu.memory_space<semaphore_mem>>) {add = true}
      %dma_start3A_198 = arith.constant 5 : i32
      %dma_start3A_199 = arith.constant 0 : i32
      %dma_start3A_200 = tpu.memref_slice %arg6[%dma_start3A_198, %dma_start3A_199] : memref<8x125xi32, #tpu.memory_space<vmem>> -> memref<1x125xi32, #tpu.memory_space<vmem>>
      %dma_start3A_201 = tpu.memref_squeeze %dma_start3A_200 : memref<1x125xi32, #tpu.memory_space<vmem>> -> memref<125xi32, #tpu.memory_space<vmem>>
      %dma_start3A_202 = arith.constant 0 : i32
      %dma_start3A_203 = arith.constant 0 : i32
      %dma_start3A_204 = tpu.memref_slice %arg9[%dma_start3A_202, %dma_start3A_203] : memref<10000x16xf32, #tpu.memory_space<vmem_shared>> -> memref<10000x16xf32, #tpu.memory_space<vmem_shared>>
      tpu.enqueue_indirect_dma source(%arg8 : memref<125x16xf32, #tpu.memory_space<vmem>>) target(%dma_start3A_204 : memref<10000x16xf32, #tpu.memory_space<vmem_shared>>) offsets(%dma_start3A_201 : memref<125xi32, #tpu.memory_space<vmem>>) semaphore(%arg10 : memref<!tpu.dma_semaphore, #tpu.memory_space<semaphore_mem>>) {add = true}
      %dma_start3A_205 = arith.constant 6 : i32
      %dma_start3A_206 = arith.constant 0 : i32
      %dma_start3A_207 = tpu.memref_slice %arg6[%dma_start3A_205, %dma_start3A_206] : memref<8x125xi32, #tpu.memory_space<vmem>> -> memref<1x125xi32, #tpu.memory_space<vmem>>
      %dma_start3A_208 = tpu.memref_squeeze %dma_start3A_207 : memref<1x125xi32, #tpu.memory_space<vmem>> -> memref<125xi32, #tpu.memory_space<vmem>>
      %dma_start3A_209 = arith.constant 0 : i32
      %dma_start3A_210 = arith.constant 0 : i32
      %dma_start3A_211 = tpu.memref_slice %arg9[%dma_start3A_209, %dma_start3A_210] : memref<10000x16xf32, #tpu.memory_space<vmem_shared>> -> memref<10000x16xf32, #tpu.memory_space<vmem_shared>>
      tpu.enqueue_indirect_dma source(%arg8 : memref<125x16xf32, #tpu.memory_space<vmem>>) target(%dma_start3A_211 : memref<10000x16xf32, #tpu.memory_space<vmem_shared>>) offsets(%dma_start3A_208 : memref<125xi32, #tpu.memory_space<vmem>>) semaphore(%arg10 : memref<!tpu.dma_semaphore, #tpu.memory_space<semaphore_mem>>) {add = true}
      %dma_start3A_212 = arith.constant 7 : i32
      %dma_start3A_213 = arith.constant 0 : i32
      %dma_start3A_214 = tpu.memref_slice %arg6[%dma_start3A_212, %dma_start3A_213] : memref<8x125xi32, #tpu.memory_space<vmem>> -> memref<1x125xi32, #tpu.memory_space<vmem>>
      %dma_start3A_215 = tpu.memref_squeeze %dma_start3A_214 : memref<1x125xi32, #tpu.memory_space<vmem>> -> memref<125xi32, #tpu.memory_space<vmem>>
      %dma_start3A_216 = arith.constant 0 : i32
      %dma_start3A_217 = arith.constant 0 : i32
      %dma_start3A_218 = tpu.memref_slice %arg9[%dma_start3A_216, %dma_start3A_217] : memref<10000x16xf32, #tpu.memory_space<vmem_shared>> -> memref<10000x16xf32, #tpu.memory_space<vmem_shared>>
      tpu.enqueue_indirect_dma source(%arg8 : memref<125x16xf32, #tpu.memory_space<vmem>>) target(%dma_start3A_218 : memref<10000x16xf32, #tpu.memory_space<vmem_shared>>) offsets(%dma_start3A_215 : memref<125xi32, #tpu.memory_space<vmem>>) semaphore(%arg10 : memref<!tpu.dma_semaphore, #tpu.memory_space<semaphore_mem>>) {add = true}
      %lt3A_219 = arith.constant 4 : i32
      %lt3A_220 = arith.cmpi slt, %scan3A_134, %lt3A_219 : i32
      %convert_element_type3A_221 = arith.extui %lt3A_220 : i1 to i32
      %cond3A_222 = arith.constant 0 : i32
      %cond3A_223 = arith.cmpi ne, %convert_element_type3A_221, %cond3A_222 : i32
      scf.if %cond3A_223 {
        %dma_wait3A_292 = arith.constant 0 : i32
        %dma_wait3A_293 = arith.constant 0 : i32
        %dma_wait3A_294 = tpu.memref_slice %arg6[%dma_wait3A_292, %dma_wait3A_293] : memref<8x125xi32, #tpu.memory_space<vmem>> -> memref<1x125xi32, #tpu.memory_space<vmem>>
        %dma_wait3A_295 = tpu.memref_squeeze %dma_wait3A_294 : memref<1x125xi32, #tpu.memory_space<vmem>> -> memref<125xi32, #tpu.memory_space<vmem>>
        %dma_wait3A_296 = arith.constant 0 : i32
        %dma_wait3A_297 = arith.constant 0 : i32
        %dma_wait3A_298 = tpu.memref_slice %arg9[%dma_wait3A_296, %dma_wait3A_297] : memref<10000x16xf32, #tpu.memory_space<vmem_shared>> -> memref<10000x16xf32, #tpu.memory_space<vmem_shared>>
        tpu.wait_indirect_dma semaphore(%arg10 : memref<!tpu.dma_semaphore, #tpu.memory_space<semaphore_mem>>) src(%arg8 : memref<125x16xf32, #tpu.memory_space<vmem>>) dst(%dma_wait3A_298 : memref<10000x16xf32, #tpu.memory_space<vmem_shared>>)
        %dma_wait3A_299 = arith.constant 1 : i32
        %dma_wait3A_300 = arith.constant 0 : i32
        %dma_wait3A_301 = tpu.memref_slice %arg6[%dma_wait3A_299, %dma_wait3A_300] : memref<8x125xi32, #tpu.memory_space<vmem>> -> memref<1x125xi32, #tpu.memory_space<vmem>>
        %dma_wait3A_302 = tpu.memref_squeeze %dma_wait3A_301 : memref<1x125xi32, #tpu.memory_space<vmem>> -> memref<125xi32, #tpu.memory_space<vmem>>
        %dma_wait3A_303 = arith.constant 0 : i32
        %dma_wait3A_304 = arith.constant 0 : i32
        %dma_wait3A_305 = tpu.memref_slice %arg9[%dma_wait3A_303, %dma_wait3A_304] : memref<10000x16xf32, #tpu.memory_space<vmem_shared>> -> memref<10000x16xf32, #tpu.memory_space<vmem_shared>>
        tpu.wait_indirect_dma semaphore(%arg10 : memref<!tpu.dma_semaphore, #tpu.memory_space<semaphore_mem>>) src(%arg8 : memref<125x16xf32, #tpu.memory_space<vmem>>) dst(%dma_wait3A_305 : memref<10000x16xf32, #tpu.memory_space<vmem_shared>>)
        %dma_wait3A_306 = arith.constant 2 : i32
        %dma_wait3A_307 = arith.constant 0 : i32
        %dma_wait3A_308 = tpu.memref_slice %arg6[%dma_wait3A_306, %dma_wait3A_307] : memref<8x125xi32, #tpu.memory_space<vmem>> -> memref<1x125xi32, #tpu.memory_space<vmem>>
        %dma_wait3A_309 = tpu.memref_squeeze %dma_wait3A_308 : memref<1x125xi32, #tpu.memory_space<vmem>> -> memref<125xi32, #tpu.memory_space<vmem>>
        %dma_wait3A_310 = arith.constant 0 : i32
        %dma_wait3A_311 = arith.constant 0 : i32
        %dma_wait3A_312 = tpu.memref_slice %arg9[%dma_wait3A_310, %dma_wait3A_311] : memref<10000x16xf32, #tpu.memory_space<vmem_shared>> -> memref<10000x16xf32, #tpu.memory_space<vmem_shared>>
        tpu.wait_indirect_dma semaphore(%arg10 : memref<!tpu.dma_semaphore, #tpu.memory_space<semaphore_mem>>) src(%arg8 : memref<125x16xf32, #tpu.memory_space<vmem>>) dst(%dma_wait3A_312 : memref<10000x16xf32, #tpu.memory_space<vmem_shared>>)
        %dma_wait3A_313 = arith.constant 3 : i32
        %dma_wait3A_314 = arith.constant 0 : i32
        %dma_wait3A_315 = tpu.memref_slice %arg6[%dma_wait3A_313, %dma_wait3A_314] : memref<8x125xi32, #tpu.memory_space<vmem>> -> memref<1x125xi32, #tpu.memory_space<vmem>>
        %dma_wait3A_316 = tpu.memref_squeeze %dma_wait3A_315 : memref<1x125xi32, #tpu.memory_space<vmem>> -> memref<125xi32, #tpu.memory_space<vmem>>
        %dma_wait3A_317 = arith.constant 0 : i32
        %dma_wait3A_318 = arith.constant 0 : i32
        %dma_wait3A_319 = tpu.memref_slice %arg9[%dma_wait3A_317, %dma_wait3A_318] : memref<10000x16xf32, #tpu.memory_space<vmem_shared>> -> memref<10000x16xf32, #tpu.memory_space<vmem_shared>>
        tpu.wait_indirect_dma semaphore(%arg10 : memref<!tpu.dma_semaphore, #tpu.memory_space<semaphore_mem>>) src(%arg8 : memref<125x16xf32, #tpu.memory_space<vmem>>) dst(%dma_wait3A_319 : memref<10000x16xf32, #tpu.memory_space<vmem_shared>>)
        %dma_wait3A_320 = arith.constant 4 : i32
        %dma_wait3A_321 = arith.constant 0 : i32
        %dma_wait3A_322 = tpu.memref_slice %arg6[%dma_wait3A_320, %dma_wait3A_321] : memref<8x125xi32, #tpu.memory_space<vmem>> -> memref<1x125xi32, #tpu.memory_space<vmem>>
        %dma_wait3A_323 = tpu.memref_squeeze %dma_wait3A_322 : memref<1x125xi32, #tpu.memory_space<vmem>> -> memref<125xi32, #tpu.memory_space<vmem>>
        %dma_wait3A_324 = arith.constant 0 : i32
        %dma_wait3A_325 = arith.constant 0 : i32
        %dma_wait3A_326 = tpu.memref_slice %arg9[%dma_wait3A_324, %dma_wait3A_325] : memref<10000x16xf32, #tpu.memory_space<vmem_shared>> -> memref<10000x16xf32, #tpu.memory_space<vmem_shared>>
        tpu.wait_indirect_dma semaphore(%arg10 : memref<!tpu.dma_semaphore, #tpu.memory_space<semaphore_mem>>) src(%arg8 : memref<125x16xf32, #tpu.memory_space<vmem>>) dst(%dma_wait3A_326 : memref<10000x16xf32, #tpu.memory_space<vmem_shared>>)
        %dma_wait3A_327 = arith.constant 5 : i32
        %dma_wait3A_328 = arith.constant 0 : i32
        %dma_wait3A_329 = tpu.memref_slice %arg6[%dma_wait3A_327, %dma_wait3A_328] : memref<8x125xi32, #tpu.memory_space<vmem>> -> memref<1x125xi32, #tpu.memory_space<vmem>>
        %dma_wait3A_330 = tpu.memref_squeeze %dma_wait3A_329 : memref<1x125xi32, #tpu.memory_space<vmem>> -> memref<125xi32, #tpu.memory_space<vmem>>
        %dma_wait3A_331 = arith.constant 0 : i32
        %dma_wait3A_332 = arith.constant 0 : i32
        %dma_wait3A_333 = tpu.memref_slice %arg9[%dma_wait3A_331, %dma_wait3A_332] : memref<10000x16xf32, #tpu.memory_space<vmem_shared>> -> memref<10000x16xf32, #tpu.memory_space<vmem_shared>>
        tpu.wait_indirect_dma semaphore(%arg10 : memref<!tpu.dma_semaphore, #tpu.memory_space<semaphore_mem>>) src(%arg8 : memref<125x16xf32, #tpu.memory_space<vmem>>) dst(%dma_wait3A_333 : memref<10000x16xf32, #tpu.memory_space<vmem_shared>>)
        %dma_wait3A_334 = arith.constant 6 : i32
        %dma_wait3A_335 = arith.constant 0 : i32
        %dma_wait3A_336 = tpu.memref_slice %arg6[%dma_wait3A_334, %dma_wait3A_335] : memref<8x125xi32, #tpu.memory_space<vmem>> -> memref<1x125xi32, #tpu.memory_space<vmem>>
        %dma_wait3A_337 = tpu.memref_squeeze %dma_wait3A_336 : memref<1x125xi32, #tpu.memory_space<vmem>> -> memref<125xi32, #tpu.memory_space<vmem>>
        %dma_wait3A_338 = arith.constant 0 : i32
        %dma_wait3A_339 = arith.constant 0 : i32
        %dma_wait3A_340 = tpu.memref_slice %arg9[%dma_wait3A_338, %dma_wait3A_339] : memref<10000x16xf32, #tpu.memory_space<vmem_shared>> -> memref<10000x16xf32, #tpu.memory_space<vmem_shared>>
        tpu.wait_indirect_dma semaphore(%arg10 : memref<!tpu.dma_semaphore, #tpu.memory_space<semaphore_mem>>) src(%arg8 : memref<125x16xf32, #tpu.memory_space<vmem>>) dst(%dma_wait3A_340 : memref<10000x16xf32, #tpu.memory_space<vmem_shared>>)
        %dma_wait3A_341 = arith.constant 7 : i32
        %dma_wait3A_342 = arith.constant 0 : i32
        %dma_wait3A_343 = tpu.memref_slice %arg6[%dma_wait3A_341, %dma_wait3A_342] : memref<8x125xi32, #tpu.memory_space<vmem>> -> memref<1x125xi32, #tpu.memory_space<vmem>>
        %dma_wait3A_344 = tpu.memref_squeeze %dma_wait3A_343 : memref<1x125xi32, #tpu.memory_space<vmem>> -> memref<125xi32, #tpu.memory_space<vmem>>
        %dma_wait3A_345 = arith.constant 0 : i32
        %dma_wait3A_346 = arith.constant 0 : i32
        %dma_wait3A_347 = tpu.memref_slice %arg9[%dma_wait3A_345, %dma_wait3A_346] : memref<10000x16xf32, #tpu.memory_space<vmem_shared>> -> memref<10000x16xf32, #tpu.memory_space<vmem_shared>>
        tpu.wait_indirect_dma semaphore(%arg10 : memref<!tpu.dma_semaphore, #tpu.memory_space<semaphore_mem>>) src(%arg8 : memref<125x16xf32, #tpu.memory_space<vmem>>) dst(%dma_wait3A_347 : memref<10000x16xf32, #tpu.memory_space<vmem_shared>>)
        %add3A_348 = arith.constant 2 : i32
        %add3A_349 = arith.addi %mul3A_136, %add3A_348 : i32
        %mul3A_350 = arith.constant 8 : i32
        %mul3A_351 = arith.muli %add3A_349, %mul3A_350 : i32
        %multiple_of3A_352 = tpu.assume_multiple %mul3A_351, 8 : i32
        %dma_start3A_353 = arith.constant 1 : i32
        %dma_start3A_354 = arith.constant 0 : i32
        %dma_start3A_355 = tpu.memref_slice %arg2[%dma_start3A_353, %add3A, %multiple_of3A_352, %dma_start3A_354] : memref<2x32x80x125xi32, #tpu.memory_space<hbm>> -> memref<1x1x8x125xi32, #tpu.memory_space<hbm>>
        %dma_start3A_356 = tpu.memref_squeeze %dma_start3A_355 : memref<1x1x8x125xi32, #tpu.memory_space<hbm>> -> memref<8x125xi32, #tpu.memory_space<hbm>>
        %dma_start3A_357 = arith.constant 0 : i32
        %dma_start3A_358 = tpu.memref_slice %arg2[%dma_start3A_353, %add3A, %multiple_of3A_352, %dma_start3A_357] : memref<2x32x80x125xi32, #tpu.memory_space<hbm>> -> memref<1x1x8x125xi32, #tpu.memory_space<hbm>>
        %dma_start3A_359 = tpu.memref_squeeze %dma_start3A_358 : memref<1x1x8x125xi32, #tpu.memory_space<hbm>> -> memref<8x125xi32, #tpu.memory_space<hbm>>
        tpu.enqueue_dma source(%dma_start3A_359 : memref<8x125xi32, #tpu.memory_space<hbm>>) target(%arg6 : memref<8x125xi32, #tpu.memory_space<vmem>>) target_semaphore(%arg12 : memref<!tpu.dma_semaphore, #tpu.memory_space<semaphore_mem>>)
      } else {
      }
      %add3A_224 = arith.constant 1 : i32
      %add3A_225 = arith.addi %mul3A_136, %add3A_224 : i32
      %mul3A_226 = arith.constant 8 : i32
      %mul3A_227 = arith.muli %add3A_225, %mul3A_226 : i32
      %multiple_of3A_228 = tpu.assume_multiple %mul3A_227, 8 : i32
      %dma_wait3A_229 = arith.constant 1 : i32
      %dma_wait3A_230 = arith.constant 0 : i32
      %dma_wait3A_231 = tpu.memref_slice %arg2[%dma_wait3A_229, %add3A, %multiple_of3A_228, %dma_wait3A_230] : memref<2x32x80x125xi32, #tpu.memory_space<hbm>> -> memref<1x1x8x125xi32, #tpu.memory_space<hbm>>
      %dma_wait3A_232 = tpu.memref_squeeze %dma_wait3A_231 : memref<1x1x8x125xi32, #tpu.memory_space<hbm>> -> memref<8x125xi32, #tpu.memory_space<hbm>>
      %dma_wait3A_233 = arith.constant 0 : i32
      %dma_wait3A_234 = tpu.memref_slice %arg2[%dma_wait3A_229, %add3A, %multiple_of3A_228, %dma_wait3A_233] : memref<2x32x80x125xi32, #tpu.memory_space<hbm>> -> memref<1x1x8x125xi32, #tpu.memory_space<hbm>>
      %dma_wait3A_235 = tpu.memref_squeeze %dma_wait3A_234 : memref<1x1x8x125xi32, #tpu.memory_space<hbm>> -> memref<8x125xi32, #tpu.memory_space<hbm>>
      tpu.wait_dma2 semaphore(%arg13 : memref<!tpu.dma_semaphore, #tpu.memory_space<semaphore_mem>>) src(%dma_wait3A_235 : memref<8x125xi32, #tpu.memory_space<hbm>>) dst(%arg7 : memref<8x125xi32, #tpu.memory_space<vmem>>)
      %dma_start3A_236 = arith.constant 0 : i32
      %dma_start3A_237 = arith.constant 0 : i32
      %dma_start3A_238 = tpu.memref_slice %arg7[%dma_start3A_236, %dma_start3A_237] : memref<8x125xi32, #tpu.memory_space<vmem>> -> memref<1x125xi32, #tpu.memory_space<vmem>>
      %dma_start3A_239 = tpu.memref_squeeze %dma_start3A_238 : memref<1x125xi32, #tpu.memory_space<vmem>> -> memref<125xi32, #tpu.memory_space<vmem>>
      %dma_start3A_240 = arith.constant 0 : i32
      %dma_start3A_241 = arith.constant 0 : i32
      %dma_start3A_242 = tpu.memref_slice %arg9[%dma_start3A_240, %dma_start3A_241] : memref<10000x16xf32, #tpu.memory_space<vmem_shared>> -> memref<10000x16xf32, #tpu.memory_space<vmem_shared>>
      tpu.enqueue_indirect_dma source(%arg8 : memref<125x16xf32, #tpu.memory_space<vmem>>) target(%dma_start3A_242 : memref<10000x16xf32, #tpu.memory_space<vmem_shared>>) offsets(%dma_start3A_239 : memref<125xi32, #tpu.memory_space<vmem>>) semaphore(%arg11 : memref<!tpu.dma_semaphore, #tpu.memory_space<semaphore_mem>>) {add = true}
      %dma_start3A_243 = arith.constant 1 : i32
      %dma_start3A_244 = arith.constant 0 : i32
      %dma_start3A_245 = tpu.memref_slice %arg7[%dma_start3A_243, %dma_start3A_244] : memref<8x125xi32, #tpu.memory_space<vmem>> -> memref<1x125xi32, #tpu.memory_space<vmem>>
      %dma_start3A_246 = tpu.memref_squeeze %dma_start3A_245 : memref<1x125xi32, #tpu.memory_space<vmem>> -> memref<125xi32, #tpu.memory_space<vmem>>
      %dma_start3A_247 = arith.constant 0 : i32
      %dma_start3A_248 = arith.constant 0 : i32
      %dma_start3A_249 = tpu.memref_slice %arg9[%dma_start3A_247, %dma_start3A_248] : memref<10000x16xf32, #tpu.memory_space<vmem_shared>> -> memref<10000x16xf32, #tpu.memory_space<vmem_shared>>
      tpu.enqueue_indirect_dma source(%arg8 : memref<125x16xf32, #tpu.memory_space<vmem>>) target(%dma_start3A_249 : memref<10000x16xf32, #tpu.memory_space<vmem_shared>>) offsets(%dma_start3A_246 : memref<125xi32, #tpu.memory_space<vmem>>) semaphore(%arg11 : memref<!tpu.dma_semaphore, #tpu.memory_space<semaphore_mem>>) {add = true}
      %dma_start3A_250 = arith.constant 2 : i32
      %dma_start3A_251 = arith.constant 0 : i32
      %dma_start3A_252 = tpu.memref_slice %arg7[%dma_start3A_250, %dma_start3A_251] : memref<8x125xi32, #tpu.memory_space<vmem>> -> memref<1x125xi32, #tpu.memory_space<vmem>>
      %dma_start3A_253 = tpu.memref_squeeze %dma_start3A_252 : memref<1x125xi32, #tpu.memory_space<vmem>> -> memref<125xi32, #tpu.memory_space<vmem>>
      %dma_start3A_254 = arith.constant 0 : i32
      %dma_start3A_255 = arith.constant 0 : i32
      %dma_start3A_256 = tpu.memref_slice %arg9[%dma_start3A_254, %dma_start3A_255] : memref<10000x16xf32, #tpu.memory_space<vmem_shared>> -> memref<10000x16xf32, #tpu.memory_space<vmem_shared>>
      tpu.enqueue_indirect_dma source(%arg8 : memref<125x16xf32, #tpu.memory_space<vmem>>) target(%dma_start3A_256 : memref<10000x16xf32, #tpu.memory_space<vmem_shared>>) offsets(%dma_start3A_253 : memref<125xi32, #tpu.memory_space<vmem>>) semaphore(%arg11 : memref<!tpu.dma_semaphore, #tpu.memory_space<semaphore_mem>>) {add = true}
      %dma_start3A_257 = arith.constant 3 : i32
      %dma_start3A_258 = arith.constant 0 : i32
      %dma_start3A_259 = tpu.memref_slice %arg7[%dma_start3A_257, %dma_start3A_258] : memref<8x125xi32, #tpu.memory_space<vmem>> -> memref<1x125xi32, #tpu.memory_space<vmem>>
      %dma_start3A_260 = tpu.memref_squeeze %dma_start3A_259 : memref<1x125xi32, #tpu.memory_space<vmem>> -> memref<125xi32, #tpu.memory_space<vmem>>
      %dma_start3A_261 = arith.constant 0 : i32
      %dma_start3A_262 = arith.constant 0 : i32
      %dma_start3A_263 = tpu.memref_slice %arg9[%dma_start3A_261, %dma_start3A_262] : memref<10000x16xf32, #tpu.memory_space<vmem_shared>> -> memref<10000x16xf32, #tpu.memory_space<vmem_shared>>
      tpu.enqueue_indirect_dma source(%arg8 : memref<125x16xf32, #tpu.memory_space<vmem>>) target(%dma_start3A_263 : memref<10000x16xf32, #tpu.memory_space<vmem_shared>>) offsets(%dma_start3A_260 : memref<125xi32, #tpu.memory_space<vmem>>) semaphore(%arg11 : memref<!tpu.dma_semaphore, #tpu.memory_space<semaphore_mem>>) {add = true}
      %dma_start3A_264 = arith.constant 4 : i32
      %dma_start3A_265 = arith.constant 0 : i32
      %dma_start3A_266 = tpu.memref_slice %arg7[%dma_start3A_264, %dma_start3A_265] : memref<8x125xi32, #tpu.memory_space<vmem>> -> memref<1x125xi32, #tpu.memory_space<vmem>>
      %dma_start3A_267 = tpu.memref_squeeze %dma_start3A_266 : memref<1x125xi32, #tpu.memory_space<vmem>> -> memref<125xi32, #tpu.memory_space<vmem>>
      %dma_start3A_268 = arith.constant 0 : i32
      %dma_start3A_269 = arith.constant 0 : i32
      %dma_start3A_270 = tpu.memref_slice %arg9[%dma_start3A_268, %dma_start3A_269] : memref<10000x16xf32, #tpu.memory_space<vmem_shared>> -> memref<10000x16xf32, #tpu.memory_space<vmem_shared>>
      tpu.enqueue_indirect_dma source(%arg8 : memref<125x16xf32, #tpu.memory_space<vmem>>) target(%dma_start3A_270 : memref<10000x16xf32, #tpu.memory_space<vmem_shared>>) offsets(%dma_start3A_267 : memref<125xi32, #tpu.memory_space<vmem>>) semaphore(%arg11 : memref<!tpu.dma_semaphore, #tpu.memory_space<semaphore_mem>>) {add = true}
      %dma_start3A_271 = arith.constant 5 : i32
      %dma_start3A_272 = arith.constant 0 : i32
      %dma_start3A_273 = tpu.memref_slice %arg7[%dma_start3A_271, %dma_start3A_272] : memref<8x125xi32, #tpu.memory_space<vmem>> -> memref<1x125xi32, #tpu.memory_space<vmem>>
      %dma_start3A_274 = tpu.memref_squeeze %dma_start3A_273 : memref<1x125xi32, #tpu.memory_space<vmem>> -> memref<125xi32, #tpu.memory_space<vmem>>
      %dma_start3A_275 = arith.constant 0 : i32
      %dma_start3A_276 = arith.constant 0 : i32
      %dma_start3A_277 = tpu.memref_slice %arg9[%dma_start3A_275, %dma_start3A_276] : memref<10000x16xf32, #tpu.memory_space<vmem_shared>> -> memref<10000x16xf32, #tpu.memory_space<vmem_shared>>
      tpu.enqueue_indirect_dma source(%arg8 : memref<125x16xf32, #tpu.memory_space<vmem>>) target(%dma_start3A_277 : memref<10000x16xf32, #tpu.memory_space<vmem_shared>>) offsets(%dma_start3A_274 : memref<125xi32, #tpu.memory_space<vmem>>) semaphore(%arg11 : memref<!tpu.dma_semaphore, #tpu.memory_space<semaphore_mem>>) {add = true}
      %dma_start3A_278 = arith.constant 6 : i32
      %dma_start3A_279 = arith.constant 0 : i32
      %dma_start3A_280 = tpu.memref_slice %arg7[%dma_start3A_278, %dma_start3A_279] : memref<8x125xi32, #tpu.memory_space<vmem>> -> memref<1x125xi32, #tpu.memory_space<vmem>>
      %dma_start3A_281 = tpu.memref_squeeze %dma_start3A_280 : memref<1x125xi32, #tpu.memory_space<vmem>> -> memref<125xi32, #tpu.memory_space<vmem>>
      %dma_start3A_282 = arith.constant 0 : i32
      %dma_start3A_283 = arith.constant 0 : i32
      %dma_start3A_284 = tpu.memref_slice %arg9[%dma_start3A_282, %dma_start3A_283] : memref<10000x16xf32, #tpu.memory_space<vmem_shared>> -> memref<10000x16xf32, #tpu.memory_space<vmem_shared>>
      tpu.enqueue_indirect_dma source(%arg8 : memref<125x16xf32, #tpu.memory_space<vmem>>) target(%dma_start3A_284 : memref<10000x16xf32, #tpu.memory_space<vmem_shared>>) offsets(%dma_start3A_281 : memref<125xi32, #tpu.memory_space<vmem>>) semaphore(%arg11 : memref<!tpu.dma_semaphore, #tpu.memory_space<semaphore_mem>>) {add = true}
      %dma_start3A_285 = arith.constant 7 : i32
      %dma_start3A_286 = arith.constant 0 : i32
      %dma_start3A_287 = tpu.memref_slice %arg7[%dma_start3A_285, %dma_start3A_286] : memref<8x125xi32, #tpu.memory_space<vmem>> -> memref<1x125xi32, #tpu.memory_space<vmem>>
      %dma_start3A_288 = tpu.memref_squeeze %dma_start3A_287 : memref<1x125xi32, #tpu.memory_space<vmem>> -> memref<125xi32, #tpu.memory_space<vmem>>
      %dma_start3A_289 = arith.constant 0 : i32
      %dma_start3A_290 = arith.constant 0 : i32
      %dma_start3A_291 = tpu.memref_slice %arg9[%dma_start3A_289, %dma_start3A_290] : memref<10000x16xf32, #tpu.memory_space<vmem_shared>> -> memref<10000x16xf32, #tpu.memory_space<vmem_shared>>
      tpu.enqueue_indirect_dma source(%arg8 : memref<125x16xf32, #tpu.memory_space<vmem>>) target(%dma_start3A_291 : memref<10000x16xf32, #tpu.memory_space<vmem_shared>>) offsets(%dma_start3A_288 : memref<125xi32, #tpu.memory_space<vmem>>) semaphore(%arg11 : memref<!tpu.dma_semaphore, #tpu.memory_space<semaphore_mem>>) {add = true}
    }
    %scan3A_16 = arith.constant 5 : i32
    %dma_wait3A = arith.constant 0 : i32
    %dma_wait3A_17 = arith.constant 0 : i32
    %dma_wait3A_18 = tpu.memref_slice %arg6[%dma_wait3A, %dma_wait3A_17] : memref<8x125xi32, #tpu.memory_space<vmem>> -> memref<1x125xi32, #tpu.memory_space<vmem>>
    %dma_wait3A_19 = tpu.memref_squeeze %dma_wait3A_18 : memref<1x125xi32, #tpu.memory_space<vmem>> -> memref<125xi32, #tpu.memory_space<vmem>>
    %dma_wait3A_20 = arith.constant 0 : i32
    %dma_wait3A_21 = arith.constant 0 : i32
    %dma_wait3A_22 = tpu.memref_slice %arg9[%dma_wait3A_20, %dma_wait3A_21] : memref<10000x16xf32, #tpu.memory_space<vmem_shared>> -> memref<10000x16xf32, #tpu.memory_space<vmem_shared>>
    tpu.wait_indirect_dma semaphore(%arg10 : memref<!tpu.dma_semaphore, #tpu.memory_space<semaphore_mem>>) src(%arg8 : memref<125x16xf32, #tpu.memory_space<vmem>>) dst(%dma_wait3A_22 : memref<10000x16xf32, #tpu.memory_space<vmem_shared>>)
    %dma_wait3A_23 = arith.constant 1 : i32
    %dma_wait3A_24 = arith.constant 0 : i32
    %dma_wait3A_25 = tpu.memref_slice %arg6[%dma_wait3A_23, %dma_wait3A_24] : memref<8x125xi32, #tpu.memory_space<vmem>> -> memref<1x125xi32, #tpu.memory_space<vmem>>
    %dma_wait3A_26 = tpu.memref_squeeze %dma_wait3A_25 : memref<1x125xi32, #tpu.memory_space<vmem>> -> memref<125xi32, #tpu.memory_space<vmem>>
    %dma_wait3A_27 = arith.constant 0 : i32
    %dma_wait3A_28 = arith.constant 0 : i32
    %dma_wait3A_29 = tpu.memref_slice %arg9[%dma_wait3A_27, %dma_wait3A_28] : memref<10000x16xf32, #tpu.memory_space<vmem_shared>> -> memref<10000x16xf32, #tpu.memory_space<vmem_shared>>
    tpu.wait_indirect_dma semaphore(%arg10 : memref<!tpu.dma_semaphore, #tpu.memory_space<semaphore_mem>>) src(%arg8 : memref<125x16xf32, #tpu.memory_space<vmem>>) dst(%dma_wait3A_29 : memref<10000x16xf32, #tpu.memory_space<vmem_shared>>)
    %dma_wait3A_30 = arith.constant 2 : i32
    %dma_wait3A_31 = arith.constant 0 : i32
    %dma_wait3A_32 = tpu.memref_slice %arg6[%dma_wait3A_30, %dma_wait3A_31] : memref<8x125xi32, #tpu.memory_space<vmem>> -> memref<1x125xi32, #tpu.memory_space<vmem>>
    %dma_wait3A_33 = tpu.memref_squeeze %dma_wait3A_32 : memref<1x125xi32, #tpu.memory_space<vmem>> -> memref<125xi32, #tpu.memory_space<vmem>>
    %dma_wait3A_34 = arith.constant 0 : i32
    %dma_wait3A_35 = arith.constant 0 : i32
    %dma_wait3A_36 = tpu.memref_slice %arg9[%dma_wait3A_34, %dma_wait3A_35] : memref<10000x16xf32, #tpu.memory_space<vmem_shared>> -> memref<10000x16xf32, #tpu.memory_space<vmem_shared>>
    tpu.wait_indirect_dma semaphore(%arg10 : memref<!tpu.dma_semaphore, #tpu.memory_space<semaphore_mem>>) src(%arg8 : memref<125x16xf32, #tpu.memory_space<vmem>>) dst(%dma_wait3A_36 : memref<10000x16xf32, #tpu.memory_space<vmem_shared>>)
    %dma_wait3A_37 = arith.constant 3 : i32
    %dma_wait3A_38 = arith.constant 0 : i32
    %dma_wait3A_39 = tpu.memref_slice %arg6[%dma_wait3A_37, %dma_wait3A_38] : memref<8x125xi32, #tpu.memory_space<vmem>> -> memref<1x125xi32, #tpu.memory_space<vmem>>
    %dma_wait3A_40 = tpu.memref_squeeze %dma_wait3A_39 : memref<1x125xi32, #tpu.memory_space<vmem>> -> memref<125xi32, #tpu.memory_space<vmem>>
    %dma_wait3A_41 = arith.constant 0 : i32
    %dma_wait3A_42 = arith.constant 0 : i32
    %dma_wait3A_43 = tpu.memref_slice %arg9[%dma_wait3A_41, %dma_wait3A_42] : memref<10000x16xf32, #tpu.memory_space<vmem_shared>> -> memref<10000x16xf32, #tpu.memory_space<vmem_shared>>
    tpu.wait_indirect_dma semaphore(%arg10 : memref<!tpu.dma_semaphore, #tpu.memory_space<semaphore_mem>>) src(%arg8 : memref<125x16xf32, #tpu.memory_space<vmem>>) dst(%dma_wait3A_43 : memref<10000x16xf32, #tpu.memory_space<vmem_shared>>)
    %dma_wait3A_44 = arith.constant 4 : i32
    %dma_wait3A_45 = arith.constant 0 : i32
    %dma_wait3A_46 = tpu.memref_slice %arg6[%dma_wait3A_44, %dma_wait3A_45] : memref<8x125xi32, #tpu.memory_space<vmem>> -> memref<1x125xi32, #tpu.memory_space<vmem>>
    %dma_wait3A_47 = tpu.memref_squeeze %dma_wait3A_46 : memref<1x125xi32, #tpu.memory_space<vmem>> -> memref<125xi32, #tpu.memory_space<vmem>>
    %dma_wait3A_48 = arith.constant 0 : i32
    %dma_wait3A_49 = arith.constant 0 : i32
    %dma_wait3A_50 = tpu.memref_slice %arg9[%dma_wait3A_48, %dma_wait3A_49] : memref<10000x16xf32, #tpu.memory_space<vmem_shared>> -> memref<10000x16xf32, #tpu.memory_space<vmem_shared>>
    tpu.wait_indirect_dma semaphore(%arg10 : memref<!tpu.dma_semaphore, #tpu.memory_space<semaphore_mem>>) src(%arg8 : memref<125x16xf32, #tpu.memory_space<vmem>>) dst(%dma_wait3A_50 : memref<10000x16xf32, #tpu.memory_space<vmem_shared>>)
    %dma_wait3A_51 = arith.constant 5 : i32
    %dma_wait3A_52 = arith.constant 0 : i32
    %dma_wait3A_53 = tpu.memref_slice %arg6[%dma_wait3A_51, %dma_wait3A_52] : memref<8x125xi32, #tpu.memory_space<vmem>> -> memref<1x125xi32, #tpu.memory_space<vmem>>
    %dma_wait3A_54 = tpu.memref_squeeze %dma_wait3A_53 : memref<1x125xi32, #tpu.memory_space<vmem>> -> memref<125xi32, #tpu.memory_space<vmem>>
    %dma_wait3A_55 = arith.constant 0 : i32
    %dma_wait3A_56 = arith.constant 0 : i32
    %dma_wait3A_57 = tpu.memref_slice %arg9[%dma_wait3A_55, %dma_wait3A_56] : memref<10000x16xf32, #tpu.memory_space<vmem_shared>> -> memref<10000x16xf32, #tpu.memory_space<vmem_shared>>
    tpu.wait_indirect_dma semaphore(%arg10 : memref<!tpu.dma_semaphore, #tpu.memory_space<semaphore_mem>>) src(%arg8 : memref<125x16xf32, #tpu.memory_space<vmem>>) dst(%dma_wait3A_57 : memref<10000x16xf32, #tpu.memory_space<vmem_shared>>)
    %dma_wait3A_58 = arith.constant 6 : i32
    %dma_wait3A_59 = arith.constant 0 : i32
    %dma_wait3A_60 = tpu.memref_slice %arg6[%dma_wait3A_58, %dma_wait3A_59] : memref<8x125xi32, #tpu.memory_space<vmem>> -> memref<1x125xi32, #tpu.memory_space<vmem>>
    %dma_wait3A_61 = tpu.memref_squeeze %dma_wait3A_60 : memref<1x125xi32, #tpu.memory_space<vmem>> -> memref<125xi32, #tpu.memory_space<vmem>>
    %dma_wait3A_62 = arith.constant 0 : i32
    %dma_wait3A_63 = arith.constant 0 : i32
    %dma_wait3A_64 = tpu.memref_slice %arg9[%dma_wait3A_62, %dma_wait3A_63] : memref<10000x16xf32, #tpu.memory_space<vmem_shared>> -> memref<10000x16xf32, #tpu.memory_space<vmem_shared>>
    tpu.wait_indirect_dma semaphore(%arg10 : memref<!tpu.dma_semaphore, #tpu.memory_space<semaphore_mem>>) src(%arg8 : memref<125x16xf32, #tpu.memory_space<vmem>>) dst(%dma_wait3A_64 : memref<10000x16xf32, #tpu.memory_space<vmem_shared>>)
    %dma_wait3A_65 = arith.constant 7 : i32
    %dma_wait3A_66 = arith.constant 0 : i32
    %dma_wait3A_67 = tpu.memref_slice %arg6[%dma_wait3A_65, %dma_wait3A_66] : memref<8x125xi32, #tpu.memory_space<vmem>> -> memref<1x125xi32, #tpu.memory_space<vmem>>
    %dma_wait3A_68 = tpu.memref_squeeze %dma_wait3A_67 : memref<1x125xi32, #tpu.memory_space<vmem>> -> memref<125xi32, #tpu.memory_space<vmem>>
    %dma_wait3A_69 = arith.constant 0 : i32
    %dma_wait3A_70 = arith.constant 0 : i32
    %dma_wait3A_71 = tpu.memref_slice %arg9[%dma_wait3A_69, %dma_wait3A_70] : memref<10000x16xf32, #tpu.memory_space<vmem_shared>> -> memref<10000x16xf32, #tpu.memory_space<vmem_shared>>
    tpu.wait_indirect_dma semaphore(%arg10 : memref<!tpu.dma_semaphore, #tpu.memory_space<semaphore_mem>>) src(%arg8 : memref<125x16xf32, #tpu.memory_space<vmem>>) dst(%dma_wait3A_71 : memref<10000x16xf32, #tpu.memory_space<vmem_shared>>)
    %dma_wait3A_72 = arith.constant 0 : i32
    %dma_wait3A_73 = arith.constant 0 : i32
    %dma_wait3A_74 = tpu.memref_slice %arg7[%dma_wait3A_72, %dma_wait3A_73] : memref<8x125xi32, #tpu.memory_space<vmem>> -> memref<1x125xi32, #tpu.memory_space<vmem>>
    %dma_wait3A_75 = tpu.memref_squeeze %dma_wait3A_74 : memref<1x125xi32, #tpu.memory_space<vmem>> -> memref<125xi32, #tpu.memory_space<vmem>>
    %dma_wait3A_76 = arith.constant 0 : i32
    %dma_wait3A_77 = arith.constant 0 : i32
    %dma_wait3A_78 = tpu.memref_slice %arg9[%dma_wait3A_76, %dma_wait3A_77] : memref<10000x16xf32, #tpu.memory_space<vmem_shared>> -> memref<10000x16xf32, #tpu.memory_space<vmem_shared>>
    tpu.wait_indirect_dma semaphore(%arg11 : memref<!tpu.dma_semaphore, #tpu.memory_space<semaphore_mem>>) src(%arg8 : memref<125x16xf32, #tpu.memory_space<vmem>>) dst(%dma_wait3A_78 : memref<10000x16xf32, #tpu.memory_space<vmem_shared>>)
    %dma_wait3A_79 = arith.constant 1 : i32
    %dma_wait3A_80 = arith.constant 0 : i32
    %dma_wait3A_81 = tpu.memref_slice %arg7[%dma_wait3A_79, %dma_wait3A_80] : memref<8x125xi32, #tpu.memory_space<vmem>> -> memref<1x125xi32, #tpu.memory_space<vmem>>
    %dma_wait3A_82 = tpu.memref_squeeze %dma_wait3A_81 : memref<1x125xi32, #tpu.memory_space<vmem>> -> memref<125xi32, #tpu.memory_space<vmem>>
    %dma_wait3A_83 = arith.constant 0 : i32
    %dma_wait3A_84 = arith.constant 0 : i32
    %dma_wait3A_85 = tpu.memref_slice %arg9[%dma_wait3A_83, %dma_wait3A_84] : memref<10000x16xf32, #tpu.memory_space<vmem_shared>> -> memref<10000x16xf32, #tpu.memory_space<vmem_shared>>
    tpu.wait_indirect_dma semaphore(%arg11 : memref<!tpu.dma_semaphore, #tpu.memory_space<semaphore_mem>>) src(%arg8 : memref<125x16xf32, #tpu.memory_space<vmem>>) dst(%dma_wait3A_85 : memref<10000x16xf32, #tpu.memory_space<vmem_shared>>)
    %dma_wait3A_86 = arith.constant 2 : i32
    %dma_wait3A_87 = arith.constant 0 : i32
    %dma_wait3A_88 = tpu.memref_slice %arg7[%dma_wait3A_86, %dma_wait3A_87] : memref<8x125xi32, #tpu.memory_space<vmem>> -> memref<1x125xi32, #tpu.memory_space<vmem>>
    %dma_wait3A_89 = tpu.memref_squeeze %dma_wait3A_88 : memref<1x125xi32, #tpu.memory_space<vmem>> -> memref<125xi32, #tpu.memory_space<vmem>>
    %dma_wait3A_90 = arith.constant 0 : i32
    %dma_wait3A_91 = arith.constant 0 : i32
    %dma_wait3A_92 = tpu.memref_slice %arg9[%dma_wait3A_90, %dma_wait3A_91] : memref<10000x16xf32, #tpu.memory_space<vmem_shared>> -> memref<10000x16xf32, #tpu.memory_space<vmem_shared>>
    tpu.wait_indirect_dma semaphore(%arg11 : memref<!tpu.dma_semaphore, #tpu.memory_space<semaphore_mem>>) src(%arg8 : memref<125x16xf32, #tpu.memory_space<vmem>>) dst(%dma_wait3A_92 : memref<10000x16xf32, #tpu.memory_space<vmem_shared>>)
    %dma_wait3A_93 = arith.constant 3 : i32
    %dma_wait3A_94 = arith.constant 0 : i32
    %dma_wait3A_95 = tpu.memref_slice %arg7[%dma_wait3A_93, %dma_wait3A_94] : memref<8x125xi32, #tpu.memory_space<vmem>> -> memref<1x125xi32, #tpu.memory_space<vmem>>
    %dma_wait3A_96 = tpu.memref_squeeze %dma_wait3A_95 : memref<1x125xi32, #tpu.memory_space<vmem>> -> memref<125xi32, #tpu.memory_space<vmem>>
    %dma_wait3A_97 = arith.constant 0 : i32
    %dma_wait3A_98 = arith.constant 0 : i32
    %dma_wait3A_99 = tpu.memref_slice %arg9[%dma_wait3A_97, %dma_wait3A_98] : memref<10000x16xf32, #tpu.memory_space<vmem_shared>> -> memref<10000x16xf32, #tpu.memory_space<vmem_shared>>
    tpu.wait_indirect_dma semaphore(%arg11 : memref<!tpu.dma_semaphore, #tpu.memory_space<semaphore_mem>>) src(%arg8 : memref<125x16xf32, #tpu.memory_space<vmem>>) dst(%dma_wait3A_99 : memref<10000x16xf32, #tpu.memory_space<vmem_shared>>)
    %dma_wait3A_100 = arith.constant 4 : i32
    %dma_wait3A_101 = arith.constant 0 : i32
    %dma_wait3A_102 = tpu.memref_slice %arg7[%dma_wait3A_100, %dma_wait3A_101] : memref<8x125xi32, #tpu.memory_space<vmem>> -> memref<1x125xi32, #tpu.memory_space<vmem>>
    %dma_wait3A_103 = tpu.memref_squeeze %dma_wait3A_102 : memref<1x125xi32, #tpu.memory_space<vmem>> -> memref<125xi32, #tpu.memory_space<vmem>>
    %dma_wait3A_104 = arith.constant 0 : i32
    %dma_wait3A_105 = arith.constant 0 : i32
    %dma_wait3A_106 = tpu.memref_slice %arg9[%dma_wait3A_104, %dma_wait3A_105] : memref<10000x16xf32, #tpu.memory_space<vmem_shared>> -> memref<10000x16xf32, #tpu.memory_space<vmem_shared>>
    tpu.wait_indirect_dma semaphore(%arg11 : memref<!tpu.dma_semaphore, #tpu.memory_space<semaphore_mem>>) src(%arg8 : memref<125x16xf32, #tpu.memory_space<vmem>>) dst(%dma_wait3A_106 : memref<10000x16xf32, #tpu.memory_space<vmem_shared>>)
    %dma_wait3A_107 = arith.constant 5 : i32
    %dma_wait3A_108 = arith.constant 0 : i32
    %dma_wait3A_109 = tpu.memref_slice %arg7[%dma_wait3A_107, %dma_wait3A_108] : memref<8x125xi32, #tpu.memory_space<vmem>> -> memref<1x125xi32, #tpu.memory_space<vmem>>
    %dma_wait3A_110 = tpu.memref_squeeze %dma_wait3A_109 : memref<1x125xi32, #tpu.memory_space<vmem>> -> memref<125xi32, #tpu.memory_space<vmem>>
    %dma_wait3A_111 = arith.constant 0 : i32
    %dma_wait3A_112 = arith.constant 0 : i32
    %dma_wait3A_113 = tpu.memref_slice %arg9[%dma_wait3A_111, %dma_wait3A_112] : memref<10000x16xf32, #tpu.memory_space<vmem_shared>> -> memref<10000x16xf32, #tpu.memory_space<vmem_shared>>
    tpu.wait_indirect_dma semaphore(%arg11 : memref<!tpu.dma_semaphore, #tpu.memory_space<semaphore_mem>>) src(%arg8 : memref<125x16xf32, #tpu.memory_space<vmem>>) dst(%dma_wait3A_113 : memref<10000x16xf32, #tpu.memory_space<vmem_shared>>)
    %dma_wait3A_114 = arith.constant 6 : i32
    %dma_wait3A_115 = arith.constant 0 : i32
    %dma_wait3A_116 = tpu.memref_slice %arg7[%dma_wait3A_114, %dma_wait3A_115] : memref<8x125xi32, #tpu.memory_space<vmem>> -> memref<1x125xi32, #tpu.memory_space<vmem>>
    %dma_wait3A_117 = tpu.memref_squeeze %dma_wait3A_116 : memref<1x125xi32, #tpu.memory_space<vmem>> -> memref<125xi32, #tpu.memory_space<vmem>>
    %dma_wait3A_118 = arith.constant 0 : i32
    %dma_wait3A_119 = arith.constant 0 : i32
    %dma_wait3A_120 = tpu.memref_slice %arg9[%dma_wait3A_118, %dma_wait3A_119] : memref<10000x16xf32, #tpu.memory_space<vmem_shared>> -> memref<10000x16xf32, #tpu.memory_space<vmem_shared>>
    tpu.wait_indirect_dma semaphore(%arg11 : memref<!tpu.dma_semaphore, #tpu.memory_space<semaphore_mem>>) src(%arg8 : memref<125x16xf32, #tpu.memory_space<vmem>>) dst(%dma_wait3A_120 : memref<10000x16xf32, #tpu.memory_space<vmem_shared>>)
    %dma_wait3A_121 = arith.constant 7 : i32
    %dma_wait3A_122 = arith.constant 0 : i32
    %dma_wait3A_123 = tpu.memref_slice %arg7[%dma_wait3A_121, %dma_wait3A_122] : memref<8x125xi32, #tpu.memory_space<vmem>> -> memref<1x125xi32, #tpu.memory_space<vmem>>
    %dma_wait3A_124 = tpu.memref_squeeze %dma_wait3A_123 : memref<1x125xi32, #tpu.memory_space<vmem>> -> memref<125xi32, #tpu.memory_space<vmem>>
    %dma_wait3A_125 = arith.constant 0 : i32
    %dma_wait3A_126 = arith.constant 0 : i32
    %dma_wait3A_127 = tpu.memref_slice %arg9[%dma_wait3A_125, %dma_wait3A_126] : memref<10000x16xf32, #tpu.memory_space<vmem_shared>> -> memref<10000x16xf32, #tpu.memory_space<vmem_shared>>
    tpu.wait_indirect_dma semaphore(%arg11 : memref<!tpu.dma_semaphore, #tpu.memory_space<semaphore_mem>>) src(%arg8 : memref<125x16xf32, #tpu.memory_space<vmem>>) dst(%dma_wait3A_127 : memref<10000x16xf32, #tpu.memory_space<vmem_shared>>)
    %barrier3A_128 = arith.constant 0 : index
    tpu.barrier barrier_id(%barrier3A_128)
    %lt3A_129 = arith.constant 10 : i32
    %lt3A_130 = arith.cmpi slt, %arg1, %lt3A_129 : i32
    %convert_element_type3A_131 = arith.extui %lt3A_130 : i1 to i32
    %cond3A_132 = arith.constant 0 : i32
    %cond3A_133 = arith.cmpi ne, %convert_element_type3A_131, %cond3A_132 : i32
    scf.if %cond3A_133 {
      "tpu.region"() ({
        %run_scoped3A = tpu.sem_alloc : memref<!tpu.dma_semaphore, #tpu.memory_space<semaphore_mem>>
        %dma_start3A_134 = arith.constant 0 : i32
        %dma_start3A_135 = tpu.memref_slice %arg5[%arg0, %mul3A_2, %dma_start3A_134] : memref<2x10000x16xf32, #tpu.memory_space<hbm>> -> memref<1x1000x16xf32, #tpu.memory_space<hbm>>
        %dma_start3A_136 = tpu.memref_squeeze %dma_start3A_135 : memref<1x1000x16xf32, #tpu.memory_space<hbm>> -> memref<1000x16xf32, #tpu.memory_space<hbm>>
        %dma_start3A_137 = arith.constant 0 : i32
        %dma_start3A_138 = tpu.memref_slice %arg9[%mul3A_2, %dma_start3A_137] : memref<10000x16xf32, #tpu.memory_space<vmem_shared>> -> memref<1000x16xf32, #tpu.memory_space<vmem_shared>>
        tpu.enqueue_dma source(%dma_start3A_138 : memref<1000x16xf32, #tpu.memory_space<vmem_shared>>) target(%dma_start3A_136 : memref<1000x16xf32, #tpu.memory_space<hbm>>) target_semaphore(%run_scoped3A : memref<!tpu.dma_semaphore, #tpu.memory_space<semaphore_mem>>)
        %dma_wait3A_139 = arith.constant 0 : i32
        %dma_wait3A_140 = tpu.memref_slice %arg5[%arg0, %mul3A_2, %dma_wait3A_139] : memref<2x10000x16xf32, #tpu.memory_space<hbm>> -> memref<1x1000x16xf32, #tpu.memory_space<hbm>>
        %dma_wait3A_141 = tpu.memref_squeeze %dma_wait3A_140 : memref<1x1000x16xf32, #tpu.memory_space<hbm>> -> memref<1000x16xf32, #tpu.memory_space<hbm>>
        %dma_wait3A_142 = arith.constant 0 : i32
        %dma_wait3A_143 = tpu.memref_slice %arg9[%mul3A_2, %dma_wait3A_142] : memref<10000x16xf32, #tpu.memory_space<vmem_shared>> -> memref<1000x16xf32, #tpu.memory_space<vmem_shared>>
        tpu.wait_dma2 semaphore(%run_scoped3A : memref<!tpu.dma_semaphore, #tpu.memory_space<semaphore_mem>>) src(%dma_wait3A_143 : memref<1000x16xf32, #tpu.memory_space<vmem_shared>>) dst(%dma_wait3A_141 : memref<1000x16xf32, #tpu.memory_space<hbm>>)
        tpu.yield
      }) : () -> ()
    } else {
    }
    return
  }
}

#map = affine_map<(d0, d1) -> (0, 0)>
#map1 = affine_map<(d0, d1) -> (0, 0, 0, 0)>
#map2 = affine_map<(d0, d1) -> (0, 0, 0)>
module attributes {stable_mosaic.version = 14 : i64} {
  func.func @body(%arg0: i32, %arg1: i32, %arg2: memref<10000x128xf32, #tpu.memory_space<hbm>>, %arg3: memref<2x32x80x125xi32, #tpu.memory_space<hbm>>, %arg4: memref<1000x128xf32, #tpu.memory_space<hbm>>, %arg5: memref<2x10000x128xf32, #tpu.memory_space<hbm>>, %arg6: memref<8x125xi32, #tpu.memory_space<vmem>>, %arg7: memref<8x125xi32, #tpu.memory_space<vmem>>, %arg8: memref<8x125xi32, #tpu.memory_space<vmem>>, %arg9: memref<8x125xi32, #tpu.memory_space<vmem>>, %arg10: memref<125x128xf32, #tpu.memory_space<vmem>>, %arg11: memref<125x128xf32, #tpu.memory_space<vmem>>, %arg12: memref<10000x128xf32, #tpu.memory_space<vmem_shared>>, %arg13: memref<!tpu.dma_semaphore, #tpu.memory_space<semaphore_mem>>, %arg14: memref<!tpu.dma_semaphore, #tpu.memory_space<semaphore_mem>>, %arg15: memref<!tpu.dma_semaphore, #tpu.memory_space<semaphore_mem>>, %arg16: memref<!tpu.dma_semaphore, #tpu.memory_space<semaphore_mem>>, %arg17: memref<!tpu.dma_semaphore, #tpu.memory_space<semaphore_mem>>, %arg18: memref<!tpu.dma_semaphore, #tpu.memory_space<semaphore_mem>>) attributes {dimension_semantics = [#tpu.dimension_semantics<core_parallel>, #tpu.dimension_semantics<subcore_parallel>], iteration_bounds = array<i64: 2, 16>, scalar_prefetch = 0 : i64, scratch_operands = 13 : i64, tpu.core_type = #tpu.core_type<sc_vector_subcore>, window_params = [{transform_indices = #map}, {transform_indices = #map1}, {transform_indices = #map}, {transform_indices = #map2}]} {
    %mul3A = arith.constant 16 : i32
    %mul3A_0 = arith.muli %arg0, %mul3A : i32
    %add3A = arith.addi %mul3A_0, %arg1 : i32
    %mul3A_1 = arith.constant 1000 : i32
    %mul3A_2 = arith.muli %arg1, %mul3A_1 : i32
    %lt3A = arith.constant 10 : i32
    %lt3A_3 = arith.cmpi slt, %arg1, %lt3A : i32
    %convert_element_type3A = arith.extui %lt3A_3 : i1 to i32
    %cond3A = arith.constant 0 : i32
    %cond3A_4 = arith.cmpi ne, %convert_element_type3A, %cond3A : i32
    scf.if %cond3A_4 {
      "tpu.region"() ({
        %run_scoped3A = tpu.sem_alloc : memref<!tpu.dma_semaphore, #tpu.memory_space<semaphore_mem>>
        %dma_start3A_30 = arith.constant 0 : i32
        %dma_start3A_31 = tpu.memref_slice %arg12[%mul3A_2, %dma_start3A_30] : memref<10000x128xf32, #tpu.memory_space<vmem_shared>> -> memref<1000x128xf32, #tpu.memory_space<vmem_shared>>
        tpu.enqueue_dma source(%arg4 : memref<1000x128xf32, #tpu.memory_space<hbm>>) target(%dma_start3A_31 : memref<1000x128xf32, #tpu.memory_space<vmem_shared>>) target_semaphore(%run_scoped3A : memref<!tpu.dma_semaphore, #tpu.memory_space<semaphore_mem>>)
        %dma_wait3A = arith.constant 0 : i32
        %dma_wait3A_32 = tpu.memref_slice %arg12[%mul3A_2, %dma_wait3A] : memref<10000x128xf32, #tpu.memory_space<vmem_shared>> -> memref<1000x128xf32, #tpu.memory_space<vmem_shared>>
        tpu.wait_dma2 semaphore(%run_scoped3A : memref<!tpu.dma_semaphore, #tpu.memory_space<semaphore_mem>>) src(%arg4 : memref<1000x128xf32, #tpu.memory_space<hbm>>) dst(%dma_wait3A_32 : memref<1000x128xf32, #tpu.memory_space<vmem_shared>>)
        tpu.yield
      }) : () -> ()
    } else {
    }
    %multiple_of3A = arith.constant 0 : i32
    %multiple_of3A_5 = tpu.assume_multiple %multiple_of3A, 8 : i32
    %dma_start3A = arith.constant 0 : i32
    %dma_start3A_6 = arith.constant 0 : i32
    %dma_start3A_7 = tpu.memref_slice %arg3[%dma_start3A, %add3A, %multiple_of3A_5, %dma_start3A_6] : memref<2x32x80x125xi32, #tpu.memory_space<hbm>> -> memref<1x1x8x125xi32, #tpu.memory_space<hbm>>
    %dma_start3A_8 = tpu.memref_squeeze %dma_start3A_7 : memref<1x1x8x125xi32, #tpu.memory_space<hbm>> -> memref<8x125xi32, #tpu.memory_space<hbm>>
    %dma_start3A_9 = arith.constant 0 : i32
    %dma_start3A_10 = tpu.memref_slice %arg3[%dma_start3A, %add3A, %multiple_of3A_5, %dma_start3A_9] : memref<2x32x80x125xi32, #tpu.memory_space<hbm>> -> memref<1x1x8x125xi32, #tpu.memory_space<hbm>>
    %dma_start3A_11 = tpu.memref_squeeze %dma_start3A_10 : memref<1x1x8x125xi32, #tpu.memory_space<hbm>> -> memref<8x125xi32, #tpu.memory_space<hbm>>
    tpu.enqueue_dma source(%dma_start3A_11 : memref<8x125xi32, #tpu.memory_space<hbm>>) target(%arg6 : memref<8x125xi32, #tpu.memory_space<vmem>>) target_semaphore(%arg15 : memref<!tpu.dma_semaphore, #tpu.memory_space<semaphore_mem>>)
    %dma_start3A_12 = arith.constant 1 : i32
    %dma_start3A_13 = arith.constant 0 : i32
    %dma_start3A_14 = tpu.memref_slice %arg3[%dma_start3A_12, %add3A, %multiple_of3A_5, %dma_start3A_13] : memref<2x32x80x125xi32, #tpu.memory_space<hbm>> -> memref<1x1x8x125xi32, #tpu.memory_space<hbm>>
    %dma_start3A_15 = tpu.memref_squeeze %dma_start3A_14 : memref<1x1x8x125xi32, #tpu.memory_space<hbm>> -> memref<8x125xi32, #tpu.memory_space<hbm>>
    %dma_start3A_16 = arith.constant 0 : i32
    %dma_start3A_17 = tpu.memref_slice %arg3[%dma_start3A_12, %add3A, %multiple_of3A_5, %dma_start3A_16] : memref<2x32x80x125xi32, #tpu.memory_space<hbm>> -> memref<1x1x8x125xi32, #tpu.memory_space<hbm>>
    %dma_start3A_18 = tpu.memref_squeeze %dma_start3A_17 : memref<1x1x8x125xi32, #tpu.memory_space<hbm>> -> memref<8x125xi32, #tpu.memory_space<hbm>>
    tpu.enqueue_dma source(%dma_start3A_18 : memref<8x125xi32, #tpu.memory_space<hbm>>) target(%arg8 : memref<8x125xi32, #tpu.memory_space<vmem>>) target_semaphore(%arg15 : memref<!tpu.dma_semaphore, #tpu.memory_space<semaphore_mem>>)
    %barrier3A = arith.constant 0 : index
    tpu.barrier barrier_id(%barrier3A)
    %scan3A = arith.constant 0 : i32
    %scan3A_19 = arith.constant 0 : i32
    %scan3A_20 = arith.constant 5 : i32
    %scan3A_21 = arith.addi %scan3A_19, %scan3A_20 : i32
    %scan3A_22 = arith.constant 1 : i32
    scf.for %scan3A_30 = %scan3A_19 to %scan3A_21 step %scan3A_22  : i32 {
      %mul3A_31 = arith.constant 2 : i32
      %mul3A_32 = arith.muli %mul3A_31, %scan3A_30 : i32
      %add3A_33 = arith.constant 1 : i32
      %add3A_34 = arith.addi %mul3A_32, %add3A_33 : i32
      %mul3A_35 = arith.constant 8 : i32
      %mul3A_36 = arith.muli %add3A_34, %mul3A_35 : i32
      %multiple_of3A_37 = tpu.assume_multiple %mul3A_36, 8 : i32
      %dma_start3A_38 = arith.constant 0 : i32
      %dma_start3A_39 = arith.constant 0 : i32
      %dma_start3A_40 = tpu.memref_slice %arg3[%dma_start3A_38, %add3A, %multiple_of3A_37, %dma_start3A_39] : memref<2x32x80x125xi32, #tpu.memory_space<hbm>> -> memref<1x1x8x125xi32, #tpu.memory_space<hbm>>
      %dma_start3A_41 = tpu.memref_squeeze %dma_start3A_40 : memref<1x1x8x125xi32, #tpu.memory_space<hbm>> -> memref<8x125xi32, #tpu.memory_space<hbm>>
      %dma_start3A_42 = arith.constant 0 : i32
      %dma_start3A_43 = tpu.memref_slice %arg3[%dma_start3A_38, %add3A, %multiple_of3A_37, %dma_start3A_42] : memref<2x32x80x125xi32, #tpu.memory_space<hbm>> -> memref<1x1x8x125xi32, #tpu.memory_space<hbm>>
      %dma_start3A_44 = tpu.memref_squeeze %dma_start3A_43 : memref<1x1x8x125xi32, #tpu.memory_space<hbm>> -> memref<8x125xi32, #tpu.memory_space<hbm>>
      tpu.enqueue_dma source(%dma_start3A_44 : memref<8x125xi32, #tpu.memory_space<hbm>>) target(%arg7 : memref<8x125xi32, #tpu.memory_space<vmem>>) target_semaphore(%arg16 : memref<!tpu.dma_semaphore, #tpu.memory_space<semaphore_mem>>)
      %dma_start3A_45 = arith.constant 1 : i32
      %dma_start3A_46 = arith.constant 0 : i32
      %dma_start3A_47 = tpu.memref_slice %arg3[%dma_start3A_45, %add3A, %multiple_of3A_37, %dma_start3A_46] : memref<2x32x80x125xi32, #tpu.memory_space<hbm>> -> memref<1x1x8x125xi32, #tpu.memory_space<hbm>>
      %dma_start3A_48 = tpu.memref_squeeze %dma_start3A_47 : memref<1x1x8x125xi32, #tpu.memory_space<hbm>> -> memref<8x125xi32, #tpu.memory_space<hbm>>
      %dma_start3A_49 = arith.constant 0 : i32
      %dma_start3A_50 = tpu.memref_slice %arg3[%dma_start3A_45, %add3A, %multiple_of3A_37, %dma_start3A_49] : memref<2x32x80x125xi32, #tpu.memory_space<hbm>> -> memref<1x1x8x125xi32, #tpu.memory_space<hbm>>
      %dma_start3A_51 = tpu.memref_squeeze %dma_start3A_50 : memref<1x1x8x125xi32, #tpu.memory_space<hbm>> -> memref<8x125xi32, #tpu.memory_space<hbm>>
      tpu.enqueue_dma source(%dma_start3A_51 : memref<8x125xi32, #tpu.memory_space<hbm>>) target(%arg9 : memref<8x125xi32, #tpu.memory_space<vmem>>) target_semaphore(%arg16 : memref<!tpu.dma_semaphore, #tpu.memory_space<semaphore_mem>>)
      %mul3A_52 = arith.constant 8 : i32
      %mul3A_53 = arith.muli %mul3A_32, %mul3A_52 : i32
      %multiple_of3A_54 = tpu.assume_multiple %mul3A_53, 8 : i32
      %dma_wait3A = arith.constant 0 : i32
      %dma_wait3A_55 = arith.constant 0 : i32
      %dma_wait3A_56 = tpu.memref_slice %arg3[%dma_wait3A, %add3A, %multiple_of3A_54, %dma_wait3A_55] : memref<2x32x80x125xi32, #tpu.memory_space<hbm>> -> memref<1x1x8x125xi32, #tpu.memory_space<hbm>>
      %dma_wait3A_57 = tpu.memref_squeeze %dma_wait3A_56 : memref<1x1x8x125xi32, #tpu.memory_space<hbm>> -> memref<8x125xi32, #tpu.memory_space<hbm>>
      %dma_wait3A_58 = arith.constant 0 : i32
      %dma_wait3A_59 = tpu.memref_slice %arg3[%dma_wait3A, %add3A, %multiple_of3A_54, %dma_wait3A_58] : memref<2x32x80x125xi32, #tpu.memory_space<hbm>> -> memref<1x1x8x125xi32, #tpu.memory_space<hbm>>
      %dma_wait3A_60 = tpu.memref_squeeze %dma_wait3A_59 : memref<1x1x8x125xi32, #tpu.memory_space<hbm>> -> memref<8x125xi32, #tpu.memory_space<hbm>>
      tpu.wait_dma2 semaphore(%arg15 : memref<!tpu.dma_semaphore, #tpu.memory_space<semaphore_mem>>) src(%dma_wait3A_60 : memref<8x125xi32, #tpu.memory_space<hbm>>) dst(%arg6 : memref<8x125xi32, #tpu.memory_space<vmem>>)
      %dma_wait3A_61 = arith.constant 1 : i32
      %dma_wait3A_62 = arith.constant 0 : i32
      %dma_wait3A_63 = tpu.memref_slice %arg3[%dma_wait3A_61, %add3A, %multiple_of3A_54, %dma_wait3A_62] : memref<2x32x80x125xi32, #tpu.memory_space<hbm>> -> memref<1x1x8x125xi32, #tpu.memory_space<hbm>>
      %dma_wait3A_64 = tpu.memref_squeeze %dma_wait3A_63 : memref<1x1x8x125xi32, #tpu.memory_space<hbm>> -> memref<8x125xi32, #tpu.memory_space<hbm>>
      %dma_wait3A_65 = arith.constant 0 : i32
      %dma_wait3A_66 = tpu.memref_slice %arg3[%dma_wait3A_61, %add3A, %multiple_of3A_54, %dma_wait3A_65] : memref<2x32x80x125xi32, #tpu.memory_space<hbm>> -> memref<1x1x8x125xi32, #tpu.memory_space<hbm>>
      %dma_wait3A_67 = tpu.memref_squeeze %dma_wait3A_66 : memref<1x1x8x125xi32, #tpu.memory_space<hbm>> -> memref<8x125xi32, #tpu.memory_space<hbm>>
      tpu.wait_dma2 semaphore(%arg15 : memref<!tpu.dma_semaphore, #tpu.memory_space<semaphore_mem>>) src(%dma_wait3A_67 : memref<8x125xi32, #tpu.memory_space<hbm>>) dst(%arg8 : memref<8x125xi32, #tpu.memory_space<vmem>>)
      %dma_start3A_68 = arith.constant 0 : i32
      %dma_start3A_69 = arith.constant 0 : i32
      %dma_start3A_70 = tpu.memref_slice %arg6[%dma_start3A_68, %dma_start3A_69] : memref<8x125xi32, #tpu.memory_space<vmem>> -> memref<1x125xi32, #tpu.memory_space<vmem>>
      %dma_start3A_71 = tpu.memref_squeeze %dma_start3A_70 : memref<1x125xi32, #tpu.memory_space<vmem>> -> memref<125xi32, #tpu.memory_space<vmem>>
      %dma_start3A_72 = arith.constant 0 : i32
      %dma_start3A_73 = arith.constant 0 : i32
      %dma_start3A_74 = tpu.memref_slice %arg2[%dma_start3A_72, %dma_start3A_73] : memref<10000x128xf32, #tpu.memory_space<hbm>> -> memref<10000x128xf32, #tpu.memory_space<hbm>>
      tpu.enqueue_indirect_dma source(%dma_start3A_74 : memref<10000x128xf32, #tpu.memory_space<hbm>>) target(%arg10 : memref<125x128xf32, #tpu.memory_space<vmem>>) offsets(%dma_start3A_71 : memref<125xi32, #tpu.memory_space<vmem>>) semaphore(%arg13 : memref<!tpu.dma_semaphore, #tpu.memory_space<semaphore_mem>>)
      %dma_start3A_75 = arith.constant 1 : i32
      %dma_start3A_76 = arith.constant 0 : i32
      %dma_start3A_77 = tpu.memref_slice %arg6[%dma_start3A_75, %dma_start3A_76] : memref<8x125xi32, #tpu.memory_space<vmem>> -> memref<1x125xi32, #tpu.memory_space<vmem>>
      %dma_start3A_78 = tpu.memref_squeeze %dma_start3A_77 : memref<1x125xi32, #tpu.memory_space<vmem>> -> memref<125xi32, #tpu.memory_space<vmem>>
      %dma_start3A_79 = arith.constant 0 : i32
      %dma_start3A_80 = arith.constant 0 : i32
      %dma_start3A_81 = tpu.memref_slice %arg2[%dma_start3A_79, %dma_start3A_80] : memref<10000x128xf32, #tpu.memory_space<hbm>> -> memref<10000x128xf32, #tpu.memory_space<hbm>>
      tpu.enqueue_indirect_dma source(%dma_start3A_81 : memref<10000x128xf32, #tpu.memory_space<hbm>>) target(%arg11 : memref<125x128xf32, #tpu.memory_space<vmem>>) offsets(%dma_start3A_78 : memref<125xi32, #tpu.memory_space<vmem>>) semaphore(%arg14 : memref<!tpu.dma_semaphore, #tpu.memory_space<semaphore_mem>>)
      %dma_wait3A_82 = arith.constant 0 : i32
      %dma_wait3A_83 = arith.constant 0 : i32
      %dma_wait3A_84 = tpu.memref_slice %arg6[%dma_wait3A_82, %dma_wait3A_83] : memref<8x125xi32, #tpu.memory_space<vmem>> -> memref<1x125xi32, #tpu.memory_space<vmem>>
      %dma_wait3A_85 = tpu.memref_squeeze %dma_wait3A_84 : memref<1x125xi32, #tpu.memory_space<vmem>> -> memref<125xi32, #tpu.memory_space<vmem>>
      %dma_wait3A_86 = arith.constant 0 : i32
      %dma_wait3A_87 = arith.constant 0 : i32
      %dma_wait3A_88 = tpu.memref_slice %arg2[%dma_wait3A_86, %dma_wait3A_87] : memref<10000x128xf32, #tpu.memory_space<hbm>> -> memref<10000x128xf32, #tpu.memory_space<hbm>>
      tpu.wait_indirect_dma semaphore(%arg13 : memref<!tpu.dma_semaphore, #tpu.memory_space<semaphore_mem>>) src(%dma_wait3A_88 : memref<10000x128xf32, #tpu.memory_space<hbm>>) dst(%arg10 : memref<125x128xf32, #tpu.memory_space<vmem>>)
      %dma_start3A_89 = arith.constant 0 : i32
      %dma_start3A_90 = arith.constant 0 : i32
      %dma_start3A_91 = tpu.memref_slice %arg8[%dma_start3A_89, %dma_start3A_90] : memref<8x125xi32, #tpu.memory_space<vmem>> -> memref<1x125xi32, #tpu.memory_space<vmem>>
      %dma_start3A_92 = tpu.memref_squeeze %dma_start3A_91 : memref<1x125xi32, #tpu.memory_space<vmem>> -> memref<125xi32, #tpu.memory_space<vmem>>
      %dma_start3A_93 = arith.constant 0 : i32
      %dma_start3A_94 = arith.constant 0 : i32
      %dma_start3A_95 = tpu.memref_slice %arg12[%dma_start3A_93, %dma_start3A_94] : memref<10000x128xf32, #tpu.memory_space<vmem_shared>> -> memref<10000x128xf32, #tpu.memory_space<vmem_shared>>
      tpu.enqueue_indirect_dma source(%arg10 : memref<125x128xf32, #tpu.memory_space<vmem>>) target(%dma_start3A_95 : memref<10000x128xf32, #tpu.memory_space<vmem_shared>>) offsets(%dma_start3A_92 : memref<125xi32, #tpu.memory_space<vmem>>) semaphore(%arg17 : memref<!tpu.dma_semaphore, #tpu.memory_space<semaphore_mem>>) {add = true}
      %dma_wait3A_96 = arith.constant 0 : i32
      %dma_wait3A_97 = arith.constant 0 : i32
      %dma_wait3A_98 = tpu.memref_slice %arg8[%dma_wait3A_96, %dma_wait3A_97] : memref<8x125xi32, #tpu.memory_space<vmem>> -> memref<1x125xi32, #tpu.memory_space<vmem>>
      %dma_wait3A_99 = tpu.memref_squeeze %dma_wait3A_98 : memref<1x125xi32, #tpu.memory_space<vmem>> -> memref<125xi32, #tpu.memory_space<vmem>>
      %dma_wait3A_100 = arith.constant 0 : i32
      %dma_wait3A_101 = arith.constant 0 : i32
      %dma_wait3A_102 = tpu.memref_slice %arg12[%dma_wait3A_100, %dma_wait3A_101] : memref<10000x128xf32, #tpu.memory_space<vmem_shared>> -> memref<10000x128xf32, #tpu.memory_space<vmem_shared>>
      tpu.wait_indirect_dma semaphore(%arg17 : memref<!tpu.dma_semaphore, #tpu.memory_space<semaphore_mem>>) src(%arg10 : memref<125x128xf32, #tpu.memory_space<vmem>>) dst(%dma_wait3A_102 : memref<10000x128xf32, #tpu.memory_space<vmem_shared>>)
      %dma_start3A_103 = arith.constant 2 : i32
      %dma_start3A_104 = arith.constant 0 : i32
      %dma_start3A_105 = tpu.memref_slice %arg6[%dma_start3A_103, %dma_start3A_104] : memref<8x125xi32, #tpu.memory_space<vmem>> -> memref<1x125xi32, #tpu.memory_space<vmem>>
      %dma_start3A_106 = tpu.memref_squeeze %dma_start3A_105 : memref<1x125xi32, #tpu.memory_space<vmem>> -> memref<125xi32, #tpu.memory_space<vmem>>
      %dma_start3A_107 = arith.constant 0 : i32
      %dma_start3A_108 = arith.constant 0 : i32
      %dma_start3A_109 = tpu.memref_slice %arg2[%dma_start3A_107, %dma_start3A_108] : memref<10000x128xf32, #tpu.memory_space<hbm>> -> memref<10000x128xf32, #tpu.memory_space<hbm>>
      tpu.enqueue_indirect_dma source(%dma_start3A_109 : memref<10000x128xf32, #tpu.memory_space<hbm>>) target(%arg10 : memref<125x128xf32, #tpu.memory_space<vmem>>) offsets(%dma_start3A_106 : memref<125xi32, #tpu.memory_space<vmem>>) semaphore(%arg13 : memref<!tpu.dma_semaphore, #tpu.memory_space<semaphore_mem>>)
      %dma_wait3A_110 = arith.constant 1 : i32
      %dma_wait3A_111 = arith.constant 0 : i32
      %dma_wait3A_112 = tpu.memref_slice %arg6[%dma_wait3A_110, %dma_wait3A_111] : memref<8x125xi32, #tpu.memory_space<vmem>> -> memref<1x125xi32, #tpu.memory_space<vmem>>
      %dma_wait3A_113 = tpu.memref_squeeze %dma_wait3A_112 : memref<1x125xi32, #tpu.memory_space<vmem>> -> memref<125xi32, #tpu.memory_space<vmem>>
      %dma_wait3A_114 = arith.constant 0 : i32
      %dma_wait3A_115 = arith.constant 0 : i32
      %dma_wait3A_116 = tpu.memref_slice %arg2[%dma_wait3A_114, %dma_wait3A_115] : memref<10000x128xf32, #tpu.memory_space<hbm>> -> memref<10000x128xf32, #tpu.memory_space<hbm>>
      tpu.wait_indirect_dma semaphore(%arg14 : memref<!tpu.dma_semaphore, #tpu.memory_space<semaphore_mem>>) src(%dma_wait3A_116 : memref<10000x128xf32, #tpu.memory_space<hbm>>) dst(%arg11 : memref<125x128xf32, #tpu.memory_space<vmem>>)
      %dma_start3A_117 = arith.constant 1 : i32
      %dma_start3A_118 = arith.constant 0 : i32
      %dma_start3A_119 = tpu.memref_slice %arg8[%dma_start3A_117, %dma_start3A_118] : memref<8x125xi32, #tpu.memory_space<vmem>> -> memref<1x125xi32, #tpu.memory_space<vmem>>
      %dma_start3A_120 = tpu.memref_squeeze %dma_start3A_119 : memref<1x125xi32, #tpu.memory_space<vmem>> -> memref<125xi32, #tpu.memory_space<vmem>>
      %dma_start3A_121 = arith.constant 0 : i32
      %dma_start3A_122 = arith.constant 0 : i32
      %dma_start3A_123 = tpu.memref_slice %arg12[%dma_start3A_121, %dma_start3A_122] : memref<10000x128xf32, #tpu.memory_space<vmem_shared>> -> memref<10000x128xf32, #tpu.memory_space<vmem_shared>>
      tpu.enqueue_indirect_dma source(%arg11 : memref<125x128xf32, #tpu.memory_space<vmem>>) target(%dma_start3A_123 : memref<10000x128xf32, #tpu.memory_space<vmem_shared>>) offsets(%dma_start3A_120 : memref<125xi32, #tpu.memory_space<vmem>>) semaphore(%arg18 : memref<!tpu.dma_semaphore, #tpu.memory_space<semaphore_mem>>) {add = true}
      %dma_wait3A_124 = arith.constant 1 : i32
      %dma_wait3A_125 = arith.constant 0 : i32
      %dma_wait3A_126 = tpu.memref_slice %arg8[%dma_wait3A_124, %dma_wait3A_125] : memref<8x125xi32, #tpu.memory_space<vmem>> -> memref<1x125xi32, #tpu.memory_space<vmem>>
      %dma_wait3A_127 = tpu.memref_squeeze %dma_wait3A_126 : memref<1x125xi32, #tpu.memory_space<vmem>> -> memref<125xi32, #tpu.memory_space<vmem>>
      %dma_wait3A_128 = arith.constant 0 : i32
      %dma_wait3A_129 = arith.constant 0 : i32
      %dma_wait3A_130 = tpu.memref_slice %arg12[%dma_wait3A_128, %dma_wait3A_129] : memref<10000x128xf32, #tpu.memory_space<vmem_shared>> -> memref<10000x128xf32, #tpu.memory_space<vmem_shared>>
      tpu.wait_indirect_dma semaphore(%arg18 : memref<!tpu.dma_semaphore, #tpu.memory_space<semaphore_mem>>) src(%arg11 : memref<125x128xf32, #tpu.memory_space<vmem>>) dst(%dma_wait3A_130 : memref<10000x128xf32, #tpu.memory_space<vmem_shared>>)
      %dma_start3A_131 = arith.constant 3 : i32
      %dma_start3A_132 = arith.constant 0 : i32
      %dma_start3A_133 = tpu.memref_slice %arg6[%dma_start3A_131, %dma_start3A_132] : memref<8x125xi32, #tpu.memory_space<vmem>> -> memref<1x125xi32, #tpu.memory_space<vmem>>
      %dma_start3A_134 = tpu.memref_squeeze %dma_start3A_133 : memref<1x125xi32, #tpu.memory_space<vmem>> -> memref<125xi32, #tpu.memory_space<vmem>>
      %dma_start3A_135 = arith.constant 0 : i32
      %dma_start3A_136 = arith.constant 0 : i32
      %dma_start3A_137 = tpu.memref_slice %arg2[%dma_start3A_135, %dma_start3A_136] : memref<10000x128xf32, #tpu.memory_space<hbm>> -> memref<10000x128xf32, #tpu.memory_space<hbm>>
      tpu.enqueue_indirect_dma source(%dma_start3A_137 : memref<10000x128xf32, #tpu.memory_space<hbm>>) target(%arg11 : memref<125x128xf32, #tpu.memory_space<vmem>>) offsets(%dma_start3A_134 : memref<125xi32, #tpu.memory_space<vmem>>) semaphore(%arg14 : memref<!tpu.dma_semaphore, #tpu.memory_space<semaphore_mem>>)
      %dma_wait3A_138 = arith.constant 2 : i32
      %dma_wait3A_139 = arith.constant 0 : i32
      %dma_wait3A_140 = tpu.memref_slice %arg6[%dma_wait3A_138, %dma_wait3A_139] : memref<8x125xi32, #tpu.memory_space<vmem>> -> memref<1x125xi32, #tpu.memory_space<vmem>>
      %dma_wait3A_141 = tpu.memref_squeeze %dma_wait3A_140 : memref<1x125xi32, #tpu.memory_space<vmem>> -> memref<125xi32, #tpu.memory_space<vmem>>
      %dma_wait3A_142 = arith.constant 0 : i32
      %dma_wait3A_143 = arith.constant 0 : i32
      %dma_wait3A_144 = tpu.memref_slice %arg2[%dma_wait3A_142, %dma_wait3A_143] : memref<10000x128xf32, #tpu.memory_space<hbm>> -> memref<10000x128xf32, #tpu.memory_space<hbm>>
      tpu.wait_indirect_dma semaphore(%arg13 : memref<!tpu.dma_semaphore, #tpu.memory_space<semaphore_mem>>) src(%dma_wait3A_144 : memref<10000x128xf32, #tpu.memory_space<hbm>>) dst(%arg10 : memref<125x128xf32, #tpu.memory_space<vmem>>)
      %dma_start3A_145 = arith.constant 2 : i32
      %dma_start3A_146 = arith.constant 0 : i32
      %dma_start3A_147 = tpu.memref_slice %arg8[%dma_start3A_145, %dma_start3A_146] : memref<8x125xi32, #tpu.memory_space<vmem>> -> memref<1x125xi32, #tpu.memory_space<vmem>>
      %dma_start3A_148 = tpu.memref_squeeze %dma_start3A_147 : memref<1x125xi32, #tpu.memory_space<vmem>> -> memref<125xi32, #tpu.memory_space<vmem>>
      %dma_start3A_149 = arith.constant 0 : i32
      %dma_start3A_150 = arith.constant 0 : i32
      %dma_start3A_151 = tpu.memref_slice %arg12[%dma_start3A_149, %dma_start3A_150] : memref<10000x128xf32, #tpu.memory_space<vmem_shared>> -> memref<10000x128xf32, #tpu.memory_space<vmem_shared>>
      tpu.enqueue_indirect_dma source(%arg10 : memref<125x128xf32, #tpu.memory_space<vmem>>) target(%dma_start3A_151 : memref<10000x128xf32, #tpu.memory_space<vmem_shared>>) offsets(%dma_start3A_148 : memref<125xi32, #tpu.memory_space<vmem>>) semaphore(%arg17 : memref<!tpu.dma_semaphore, #tpu.memory_space<semaphore_mem>>) {add = true}
      %dma_wait3A_152 = arith.constant 2 : i32
      %dma_wait3A_153 = arith.constant 0 : i32
      %dma_wait3A_154 = tpu.memref_slice %arg8[%dma_wait3A_152, %dma_wait3A_153] : memref<8x125xi32, #tpu.memory_space<vmem>> -> memref<1x125xi32, #tpu.memory_space<vmem>>
      %dma_wait3A_155 = tpu.memref_squeeze %dma_wait3A_154 : memref<1x125xi32, #tpu.memory_space<vmem>> -> memref<125xi32, #tpu.memory_space<vmem>>
      %dma_wait3A_156 = arith.constant 0 : i32
      %dma_wait3A_157 = arith.constant 0 : i32
      %dma_wait3A_158 = tpu.memref_slice %arg12[%dma_wait3A_156, %dma_wait3A_157] : memref<10000x128xf32, #tpu.memory_space<vmem_shared>> -> memref<10000x128xf32, #tpu.memory_space<vmem_shared>>
      tpu.wait_indirect_dma semaphore(%arg17 : memref<!tpu.dma_semaphore, #tpu.memory_space<semaphore_mem>>) src(%arg10 : memref<125x128xf32, #tpu.memory_space<vmem>>) dst(%dma_wait3A_158 : memref<10000x128xf32, #tpu.memory_space<vmem_shared>>)
      %dma_start3A_159 = arith.constant 4 : i32
      %dma_start3A_160 = arith.constant 0 : i32
      %dma_start3A_161 = tpu.memref_slice %arg6[%dma_start3A_159, %dma_start3A_160] : memref<8x125xi32, #tpu.memory_space<vmem>> -> memref<1x125xi32, #tpu.memory_space<vmem>>
      %dma_start3A_162 = tpu.memref_squeeze %dma_start3A_161 : memref<1x125xi32, #tpu.memory_space<vmem>> -> memref<125xi32, #tpu.memory_space<vmem>>
      %dma_start3A_163 = arith.constant 0 : i32
      %dma_start3A_164 = arith.constant 0 : i32
      %dma_start3A_165 = tpu.memref_slice %arg2[%dma_start3A_163, %dma_start3A_164] : memref<10000x128xf32, #tpu.memory_space<hbm>> -> memref<10000x128xf32, #tpu.memory_space<hbm>>
      tpu.enqueue_indirect_dma source(%dma_start3A_165 : memref<10000x128xf32, #tpu.memory_space<hbm>>) target(%arg10 : memref<125x128xf32, #tpu.memory_space<vmem>>) offsets(%dma_start3A_162 : memref<125xi32, #tpu.memory_space<vmem>>) semaphore(%arg13 : memref<!tpu.dma_semaphore, #tpu.memory_space<semaphore_mem>>)
      %dma_wait3A_166 = arith.constant 3 : i32
      %dma_wait3A_167 = arith.constant 0 : i32
      %dma_wait3A_168 = tpu.memref_slice %arg6[%dma_wait3A_166, %dma_wait3A_167] : memref<8x125xi32, #tpu.memory_space<vmem>> -> memref<1x125xi32, #tpu.memory_space<vmem>>
      %dma_wait3A_169 = tpu.memref_squeeze %dma_wait3A_168 : memref<1x125xi32, #tpu.memory_space<vmem>> -> memref<125xi32, #tpu.memory_space<vmem>>
      %dma_wait3A_170 = arith.constant 0 : i32
      %dma_wait3A_171 = arith.constant 0 : i32
      %dma_wait3A_172 = tpu.memref_slice %arg2[%dma_wait3A_170, %dma_wait3A_171] : memref<10000x128xf32, #tpu.memory_space<hbm>> -> memref<10000x128xf32, #tpu.memory_space<hbm>>
      tpu.wait_indirect_dma semaphore(%arg14 : memref<!tpu.dma_semaphore, #tpu.memory_space<semaphore_mem>>) src(%dma_wait3A_172 : memref<10000x128xf32, #tpu.memory_space<hbm>>) dst(%arg11 : memref<125x128xf32, #tpu.memory_space<vmem>>)
      %dma_start3A_173 = arith.constant 3 : i32
      %dma_start3A_174 = arith.constant 0 : i32
      %dma_start3A_175 = tpu.memref_slice %arg8[%dma_start3A_173, %dma_start3A_174] : memref<8x125xi32, #tpu.memory_space<vmem>> -> memref<1x125xi32, #tpu.memory_space<vmem>>
      %dma_start3A_176 = tpu.memref_squeeze %dma_start3A_175 : memref<1x125xi32, #tpu.memory_space<vmem>> -> memref<125xi32, #tpu.memory_space<vmem>>
      %dma_start3A_177 = arith.constant 0 : i32
      %dma_start3A_178 = arith.constant 0 : i32
      %dma_start3A_179 = tpu.memref_slice %arg12[%dma_start3A_177, %dma_start3A_178] : memref<10000x128xf32, #tpu.memory_space<vmem_shared>> -> memref<10000x128xf32, #tpu.memory_space<vmem_shared>>
      tpu.enqueue_indirect_dma source(%arg11 : memref<125x128xf32, #tpu.memory_space<vmem>>) target(%dma_start3A_179 : memref<10000x128xf32, #tpu.memory_space<vmem_shared>>) offsets(%dma_start3A_176 : memref<125xi32, #tpu.memory_space<vmem>>) semaphore(%arg18 : memref<!tpu.dma_semaphore, #tpu.memory_space<semaphore_mem>>) {add = true}
      %dma_wait3A_180 = arith.constant 3 : i32
      %dma_wait3A_181 = arith.constant 0 : i32
      %dma_wait3A_182 = tpu.memref_slice %arg8[%dma_wait3A_180, %dma_wait3A_181] : memref<8x125xi32, #tpu.memory_space<vmem>> -> memref<1x125xi32, #tpu.memory_space<vmem>>
      %dma_wait3A_183 = tpu.memref_squeeze %dma_wait3A_182 : memref<1x125xi32, #tpu.memory_space<vmem>> -> memref<125xi32, #tpu.memory_space<vmem>>
      %dma_wait3A_184 = arith.constant 0 : i32
      %dma_wait3A_185 = arith.constant 0 : i32
      %dma_wait3A_186 = tpu.memref_slice %arg12[%dma_wait3A_184, %dma_wait3A_185] : memref<10000x128xf32, #tpu.memory_space<vmem_shared>> -> memref<10000x128xf32, #tpu.memory_space<vmem_shared>>
      tpu.wait_indirect_dma semaphore(%arg18 : memref<!tpu.dma_semaphore, #tpu.memory_space<semaphore_mem>>) src(%arg11 : memref<125x128xf32, #tpu.memory_space<vmem>>) dst(%dma_wait3A_186 : memref<10000x128xf32, #tpu.memory_space<vmem_shared>>)
      %dma_start3A_187 = arith.constant 5 : i32
      %dma_start3A_188 = arith.constant 0 : i32
      %dma_start3A_189 = tpu.memref_slice %arg6[%dma_start3A_187, %dma_start3A_188] : memref<8x125xi32, #tpu.memory_space<vmem>> -> memref<1x125xi32, #tpu.memory_space<vmem>>
      %dma_start3A_190 = tpu.memref_squeeze %dma_start3A_189 : memref<1x125xi32, #tpu.memory_space<vmem>> -> memref<125xi32, #tpu.memory_space<vmem>>
      %dma_start3A_191 = arith.constant 0 : i32
      %dma_start3A_192 = arith.constant 0 : i32
      %dma_start3A_193 = tpu.memref_slice %arg2[%dma_start3A_191, %dma_start3A_192] : memref<10000x128xf32, #tpu.memory_space<hbm>> -> memref<10000x128xf32, #tpu.memory_space<hbm>>
      tpu.enqueue_indirect_dma source(%dma_start3A_193 : memref<10000x128xf32, #tpu.memory_space<hbm>>) target(%arg11 : memref<125x128xf32, #tpu.memory_space<vmem>>) offsets(%dma_start3A_190 : memref<125xi32, #tpu.memory_space<vmem>>) semaphore(%arg14 : memref<!tpu.dma_semaphore, #tpu.memory_space<semaphore_mem>>)
      %dma_wait3A_194 = arith.constant 4 : i32
      %dma_wait3A_195 = arith.constant 0 : i32
      %dma_wait3A_196 = tpu.memref_slice %arg6[%dma_wait3A_194, %dma_wait3A_195] : memref<8x125xi32, #tpu.memory_space<vmem>> -> memref<1x125xi32, #tpu.memory_space<vmem>>
      %dma_wait3A_197 = tpu.memref_squeeze %dma_wait3A_196 : memref<1x125xi32, #tpu.memory_space<vmem>> -> memref<125xi32, #tpu.memory_space<vmem>>
      %dma_wait3A_198 = arith.constant 0 : i32
      %dma_wait3A_199 = arith.constant 0 : i32
      %dma_wait3A_200 = tpu.memref_slice %arg2[%dma_wait3A_198, %dma_wait3A_199] : memref<10000x128xf32, #tpu.memory_space<hbm>> -> memref<10000x128xf32, #tpu.memory_space<hbm>>
      tpu.wait_indirect_dma semaphore(%arg13 : memref<!tpu.dma_semaphore, #tpu.memory_space<semaphore_mem>>) src(%dma_wait3A_200 : memref<10000x128xf32, #tpu.memory_space<hbm>>) dst(%arg10 : memref<125x128xf32, #tpu.memory_space<vmem>>)
      %dma_start3A_201 = arith.constant 4 : i32
      %dma_start3A_202 = arith.constant 0 : i32
      %dma_start3A_203 = tpu.memref_slice %arg8[%dma_start3A_201, %dma_start3A_202] : memref<8x125xi32, #tpu.memory_space<vmem>> -> memref<1x125xi32, #tpu.memory_space<vmem>>
      %dma_start3A_204 = tpu.memref_squeeze %dma_start3A_203 : memref<1x125xi32, #tpu.memory_space<vmem>> -> memref<125xi32, #tpu.memory_space<vmem>>
      %dma_start3A_205 = arith.constant 0 : i32
      %dma_start3A_206 = arith.constant 0 : i32
      %dma_start3A_207 = tpu.memref_slice %arg12[%dma_start3A_205, %dma_start3A_206] : memref<10000x128xf32, #tpu.memory_space<vmem_shared>> -> memref<10000x128xf32, #tpu.memory_space<vmem_shared>>
      tpu.enqueue_indirect_dma source(%arg10 : memref<125x128xf32, #tpu.memory_space<vmem>>) target(%dma_start3A_207 : memref<10000x128xf32, #tpu.memory_space<vmem_shared>>) offsets(%dma_start3A_204 : memref<125xi32, #tpu.memory_space<vmem>>) semaphore(%arg17 : memref<!tpu.dma_semaphore, #tpu.memory_space<semaphore_mem>>) {add = true}
      %dma_wait3A_208 = arith.constant 4 : i32
      %dma_wait3A_209 = arith.constant 0 : i32
      %dma_wait3A_210 = tpu.memref_slice %arg8[%dma_wait3A_208, %dma_wait3A_209] : memref<8x125xi32, #tpu.memory_space<vmem>> -> memref<1x125xi32, #tpu.memory_space<vmem>>
      %dma_wait3A_211 = tpu.memref_squeeze %dma_wait3A_210 : memref<1x125xi32, #tpu.memory_space<vmem>> -> memref<125xi32, #tpu.memory_space<vmem>>
      %dma_wait3A_212 = arith.constant 0 : i32
      %dma_wait3A_213 = arith.constant 0 : i32
      %dma_wait3A_214 = tpu.memref_slice %arg12[%dma_wait3A_212, %dma_wait3A_213] : memref<10000x128xf32, #tpu.memory_space<vmem_shared>> -> memref<10000x128xf32, #tpu.memory_space<vmem_shared>>
      tpu.wait_indirect_dma semaphore(%arg17 : memref<!tpu.dma_semaphore, #tpu.memory_space<semaphore_mem>>) src(%arg10 : memref<125x128xf32, #tpu.memory_space<vmem>>) dst(%dma_wait3A_214 : memref<10000x128xf32, #tpu.memory_space<vmem_shared>>)
      %dma_start3A_215 = arith.constant 6 : i32
      %dma_start3A_216 = arith.constant 0 : i32
      %dma_start3A_217 = tpu.memref_slice %arg6[%dma_start3A_215, %dma_start3A_216] : memref<8x125xi32, #tpu.memory_space<vmem>> -> memref<1x125xi32, #tpu.memory_space<vmem>>
      %dma_start3A_218 = tpu.memref_squeeze %dma_start3A_217 : memref<1x125xi32, #tpu.memory_space<vmem>> -> memref<125xi32, #tpu.memory_space<vmem>>
      %dma_start3A_219 = arith.constant 0 : i32
      %dma_start3A_220 = arith.constant 0 : i32
      %dma_start3A_221 = tpu.memref_slice %arg2[%dma_start3A_219, %dma_start3A_220] : memref<10000x128xf32, #tpu.memory_space<hbm>> -> memref<10000x128xf32, #tpu.memory_space<hbm>>
      tpu.enqueue_indirect_dma source(%dma_start3A_221 : memref<10000x128xf32, #tpu.memory_space<hbm>>) target(%arg10 : memref<125x128xf32, #tpu.memory_space<vmem>>) offsets(%dma_start3A_218 : memref<125xi32, #tpu.memory_space<vmem>>) semaphore(%arg13 : memref<!tpu.dma_semaphore, #tpu.memory_space<semaphore_mem>>)
      %dma_wait3A_222 = arith.constant 5 : i32
      %dma_wait3A_223 = arith.constant 0 : i32
      %dma_wait3A_224 = tpu.memref_slice %arg6[%dma_wait3A_222, %dma_wait3A_223] : memref<8x125xi32, #tpu.memory_space<vmem>> -> memref<1x125xi32, #tpu.memory_space<vmem>>
      %dma_wait3A_225 = tpu.memref_squeeze %dma_wait3A_224 : memref<1x125xi32, #tpu.memory_space<vmem>> -> memref<125xi32, #tpu.memory_space<vmem>>
      %dma_wait3A_226 = arith.constant 0 : i32
      %dma_wait3A_227 = arith.constant 0 : i32
      %dma_wait3A_228 = tpu.memref_slice %arg2[%dma_wait3A_226, %dma_wait3A_227] : memref<10000x128xf32, #tpu.memory_space<hbm>> -> memref<10000x128xf32, #tpu.memory_space<hbm>>
      tpu.wait_indirect_dma semaphore(%arg14 : memref<!tpu.dma_semaphore, #tpu.memory_space<semaphore_mem>>) src(%dma_wait3A_228 : memref<10000x128xf32, #tpu.memory_space<hbm>>) dst(%arg11 : memref<125x128xf32, #tpu.memory_space<vmem>>)
      %dma_start3A_229 = arith.constant 5 : i32
      %dma_start3A_230 = arith.constant 0 : i32
      %dma_start3A_231 = tpu.memref_slice %arg8[%dma_start3A_229, %dma_start3A_230] : memref<8x125xi32, #tpu.memory_space<vmem>> -> memref<1x125xi32, #tpu.memory_space<vmem>>
      %dma_start3A_232 = tpu.memref_squeeze %dma_start3A_231 : memref<1x125xi32, #tpu.memory_space<vmem>> -> memref<125xi32, #tpu.memory_space<vmem>>
      %dma_start3A_233 = arith.constant 0 : i32
      %dma_start3A_234 = arith.constant 0 : i32
      %dma_start3A_235 = tpu.memref_slice %arg12[%dma_start3A_233, %dma_start3A_234] : memref<10000x128xf32, #tpu.memory_space<vmem_shared>> -> memref<10000x128xf32, #tpu.memory_space<vmem_shared>>
      tpu.enqueue_indirect_dma source(%arg11 : memref<125x128xf32, #tpu.memory_space<vmem>>) target(%dma_start3A_235 : memref<10000x128xf32, #tpu.memory_space<vmem_shared>>) offsets(%dma_start3A_232 : memref<125xi32, #tpu.memory_space<vmem>>) semaphore(%arg18 : memref<!tpu.dma_semaphore, #tpu.memory_space<semaphore_mem>>) {add = true}
      %dma_wait3A_236 = arith.constant 5 : i32
      %dma_wait3A_237 = arith.constant 0 : i32
      %dma_wait3A_238 = tpu.memref_slice %arg8[%dma_wait3A_236, %dma_wait3A_237] : memref<8x125xi32, #tpu.memory_space<vmem>> -> memref<1x125xi32, #tpu.memory_space<vmem>>
      %dma_wait3A_239 = tpu.memref_squeeze %dma_wait3A_238 : memref<1x125xi32, #tpu.memory_space<vmem>> -> memref<125xi32, #tpu.memory_space<vmem>>
      %dma_wait3A_240 = arith.constant 0 : i32
      %dma_wait3A_241 = arith.constant 0 : i32
      %dma_wait3A_242 = tpu.memref_slice %arg12[%dma_wait3A_240, %dma_wait3A_241] : memref<10000x128xf32, #tpu.memory_space<vmem_shared>> -> memref<10000x128xf32, #tpu.memory_space<vmem_shared>>
      tpu.wait_indirect_dma semaphore(%arg18 : memref<!tpu.dma_semaphore, #tpu.memory_space<semaphore_mem>>) src(%arg11 : memref<125x128xf32, #tpu.memory_space<vmem>>) dst(%dma_wait3A_242 : memref<10000x128xf32, #tpu.memory_space<vmem_shared>>)
      %dma_start3A_243 = arith.constant 7 : i32
      %dma_start3A_244 = arith.constant 0 : i32
      %dma_start3A_245 = tpu.memref_slice %arg6[%dma_start3A_243, %dma_start3A_244] : memref<8x125xi32, #tpu.memory_space<vmem>> -> memref<1x125xi32, #tpu.memory_space<vmem>>
      %dma_start3A_246 = tpu.memref_squeeze %dma_start3A_245 : memref<1x125xi32, #tpu.memory_space<vmem>> -> memref<125xi32, #tpu.memory_space<vmem>>
      %dma_start3A_247 = arith.constant 0 : i32
      %dma_start3A_248 = arith.constant 0 : i32
      %dma_start3A_249 = tpu.memref_slice %arg2[%dma_start3A_247, %dma_start3A_248] : memref<10000x128xf32, #tpu.memory_space<hbm>> -> memref<10000x128xf32, #tpu.memory_space<hbm>>
      tpu.enqueue_indirect_dma source(%dma_start3A_249 : memref<10000x128xf32, #tpu.memory_space<hbm>>) target(%arg11 : memref<125x128xf32, #tpu.memory_space<vmem>>) offsets(%dma_start3A_246 : memref<125xi32, #tpu.memory_space<vmem>>) semaphore(%arg14 : memref<!tpu.dma_semaphore, #tpu.memory_space<semaphore_mem>>)
      %dma_wait3A_250 = arith.constant 6 : i32
      %dma_wait3A_251 = arith.constant 0 : i32
      %dma_wait3A_252 = tpu.memref_slice %arg6[%dma_wait3A_250, %dma_wait3A_251] : memref<8x125xi32, #tpu.memory_space<vmem>> -> memref<1x125xi32, #tpu.memory_space<vmem>>
      %dma_wait3A_253 = tpu.memref_squeeze %dma_wait3A_252 : memref<1x125xi32, #tpu.memory_space<vmem>> -> memref<125xi32, #tpu.memory_space<vmem>>
      %dma_wait3A_254 = arith.constant 0 : i32
      %dma_wait3A_255 = arith.constant 0 : i32
      %dma_wait3A_256 = tpu.memref_slice %arg2[%dma_wait3A_254, %dma_wait3A_255] : memref<10000x128xf32, #tpu.memory_space<hbm>> -> memref<10000x128xf32, #tpu.memory_space<hbm>>
      tpu.wait_indirect_dma semaphore(%arg13 : memref<!tpu.dma_semaphore, #tpu.memory_space<semaphore_mem>>) src(%dma_wait3A_256 : memref<10000x128xf32, #tpu.memory_space<hbm>>) dst(%arg10 : memref<125x128xf32, #tpu.memory_space<vmem>>)
      %dma_start3A_257 = arith.constant 6 : i32
      %dma_start3A_258 = arith.constant 0 : i32
      %dma_start3A_259 = tpu.memref_slice %arg8[%dma_start3A_257, %dma_start3A_258] : memref<8x125xi32, #tpu.memory_space<vmem>> -> memref<1x125xi32, #tpu.memory_space<vmem>>
      %dma_start3A_260 = tpu.memref_squeeze %dma_start3A_259 : memref<1x125xi32, #tpu.memory_space<vmem>> -> memref<125xi32, #tpu.memory_space<vmem>>
      %dma_start3A_261 = arith.constant 0 : i32
      %dma_start3A_262 = arith.constant 0 : i32
      %dma_start3A_263 = tpu.memref_slice %arg12[%dma_start3A_261, %dma_start3A_262] : memref<10000x128xf32, #tpu.memory_space<vmem_shared>> -> memref<10000x128xf32, #tpu.memory_space<vmem_shared>>
      tpu.enqueue_indirect_dma source(%arg10 : memref<125x128xf32, #tpu.memory_space<vmem>>) target(%dma_start3A_263 : memref<10000x128xf32, #tpu.memory_space<vmem_shared>>) offsets(%dma_start3A_260 : memref<125xi32, #tpu.memory_space<vmem>>) semaphore(%arg17 : memref<!tpu.dma_semaphore, #tpu.memory_space<semaphore_mem>>) {add = true}
      %dma_wait3A_264 = arith.constant 7 : i32
      %dma_wait3A_265 = arith.constant 0 : i32
      %dma_wait3A_266 = tpu.memref_slice %arg6[%dma_wait3A_264, %dma_wait3A_265] : memref<8x125xi32, #tpu.memory_space<vmem>> -> memref<1x125xi32, #tpu.memory_space<vmem>>
      %dma_wait3A_267 = tpu.memref_squeeze %dma_wait3A_266 : memref<1x125xi32, #tpu.memory_space<vmem>> -> memref<125xi32, #tpu.memory_space<vmem>>
      %dma_wait3A_268 = arith.constant 0 : i32
      %dma_wait3A_269 = arith.constant 0 : i32
      %dma_wait3A_270 = tpu.memref_slice %arg2[%dma_wait3A_268, %dma_wait3A_269] : memref<10000x128xf32, #tpu.memory_space<hbm>> -> memref<10000x128xf32, #tpu.memory_space<hbm>>
      tpu.wait_indirect_dma semaphore(%arg14 : memref<!tpu.dma_semaphore, #tpu.memory_space<semaphore_mem>>) src(%dma_wait3A_270 : memref<10000x128xf32, #tpu.memory_space<hbm>>) dst(%arg11 : memref<125x128xf32, #tpu.memory_space<vmem>>)
      %dma_start3A_271 = arith.constant 7 : i32
      %dma_start3A_272 = arith.constant 0 : i32
      %dma_start3A_273 = tpu.memref_slice %arg8[%dma_start3A_271, %dma_start3A_272] : memref<8x125xi32, #tpu.memory_space<vmem>> -> memref<1x125xi32, #tpu.memory_space<vmem>>
      %dma_start3A_274 = tpu.memref_squeeze %dma_start3A_273 : memref<1x125xi32, #tpu.memory_space<vmem>> -> memref<125xi32, #tpu.memory_space<vmem>>
      %dma_start3A_275 = arith.constant 0 : i32
      %dma_start3A_276 = arith.constant 0 : i32
      %dma_start3A_277 = tpu.memref_slice %arg12[%dma_start3A_275, %dma_start3A_276] : memref<10000x128xf32, #tpu.memory_space<vmem_shared>> -> memref<10000x128xf32, #tpu.memory_space<vmem_shared>>
      tpu.enqueue_indirect_dma source(%arg11 : memref<125x128xf32, #tpu.memory_space<vmem>>) target(%dma_start3A_277 : memref<10000x128xf32, #tpu.memory_space<vmem_shared>>) offsets(%dma_start3A_274 : memref<125xi32, #tpu.memory_space<vmem>>) semaphore(%arg18 : memref<!tpu.dma_semaphore, #tpu.memory_space<semaphore_mem>>) {add = true}
      %dma_wait3A_278 = arith.constant 6 : i32
      %dma_wait3A_279 = arith.constant 0 : i32
      %dma_wait3A_280 = tpu.memref_slice %arg8[%dma_wait3A_278, %dma_wait3A_279] : memref<8x125xi32, #tpu.memory_space<vmem>> -> memref<1x125xi32, #tpu.memory_space<vmem>>
      %dma_wait3A_281 = tpu.memref_squeeze %dma_wait3A_280 : memref<1x125xi32, #tpu.memory_space<vmem>> -> memref<125xi32, #tpu.memory_space<vmem>>
      %dma_wait3A_282 = arith.constant 0 : i32
      %dma_wait3A_283 = arith.constant 0 : i32
      %dma_wait3A_284 = tpu.memref_slice %arg12[%dma_wait3A_282, %dma_wait3A_283] : memref<10000x128xf32, #tpu.memory_space<vmem_shared>> -> memref<10000x128xf32, #tpu.memory_space<vmem_shared>>
      tpu.wait_indirect_dma semaphore(%arg17 : memref<!tpu.dma_semaphore, #tpu.memory_space<semaphore_mem>>) src(%arg10 : memref<125x128xf32, #tpu.memory_space<vmem>>) dst(%dma_wait3A_284 : memref<10000x128xf32, #tpu.memory_space<vmem_shared>>)
      %dma_wait3A_285 = arith.constant 7 : i32
      %dma_wait3A_286 = arith.constant 0 : i32
      %dma_wait3A_287 = tpu.memref_slice %arg8[%dma_wait3A_285, %dma_wait3A_286] : memref<8x125xi32, #tpu.memory_space<vmem>> -> memref<1x125xi32, #tpu.memory_space<vmem>>
      %dma_wait3A_288 = tpu.memref_squeeze %dma_wait3A_287 : memref<1x125xi32, #tpu.memory_space<vmem>> -> memref<125xi32, #tpu.memory_space<vmem>>
      %dma_wait3A_289 = arith.constant 0 : i32
      %dma_wait3A_290 = arith.constant 0 : i32
      %dma_wait3A_291 = tpu.memref_slice %arg12[%dma_wait3A_289, %dma_wait3A_290] : memref<10000x128xf32, #tpu.memory_space<vmem_shared>> -> memref<10000x128xf32, #tpu.memory_space<vmem_shared>>
      tpu.wait_indirect_dma semaphore(%arg18 : memref<!tpu.dma_semaphore, #tpu.memory_space<semaphore_mem>>) src(%arg11 : memref<125x128xf32, #tpu.memory_space<vmem>>) dst(%dma_wait3A_291 : memref<10000x128xf32, #tpu.memory_space<vmem_shared>>)
      %lt3A_292 = arith.constant 4 : i32
      %lt3A_293 = arith.cmpi slt, %scan3A_30, %lt3A_292 : i32
      %convert_element_type3A_294 = arith.extui %lt3A_293 : i1 to i32
      %cond3A_295 = arith.constant 0 : i32
      %cond3A_296 = arith.cmpi ne, %convert_element_type3A_294, %cond3A_295 : i32
      scf.if %cond3A_296 {
        %add3A_540 = arith.constant 2 : i32
        %add3A_541 = arith.addi %mul3A_32, %add3A_540 : i32
        %mul3A_542 = arith.constant 8 : i32
        %mul3A_543 = arith.muli %add3A_541, %mul3A_542 : i32
        %multiple_of3A_544 = tpu.assume_multiple %mul3A_543, 8 : i32
        %dma_start3A_545 = arith.constant 0 : i32
        %dma_start3A_546 = arith.constant 0 : i32
        %dma_start3A_547 = tpu.memref_slice %arg3[%dma_start3A_545, %add3A, %multiple_of3A_544, %dma_start3A_546] : memref<2x32x80x125xi32, #tpu.memory_space<hbm>> -> memref<1x1x8x125xi32, #tpu.memory_space<hbm>>
        %dma_start3A_548 = tpu.memref_squeeze %dma_start3A_547 : memref<1x1x8x125xi32, #tpu.memory_space<hbm>> -> memref<8x125xi32, #tpu.memory_space<hbm>>
        %dma_start3A_549 = arith.constant 0 : i32
        %dma_start3A_550 = tpu.memref_slice %arg3[%dma_start3A_545, %add3A, %multiple_of3A_544, %dma_start3A_549] : memref<2x32x80x125xi32, #tpu.memory_space<hbm>> -> memref<1x1x8x125xi32, #tpu.memory_space<hbm>>
        %dma_start3A_551 = tpu.memref_squeeze %dma_start3A_550 : memref<1x1x8x125xi32, #tpu.memory_space<hbm>> -> memref<8x125xi32, #tpu.memory_space<hbm>>
        tpu.enqueue_dma source(%dma_start3A_551 : memref<8x125xi32, #tpu.memory_space<hbm>>) target(%arg6 : memref<8x125xi32, #tpu.memory_space<vmem>>) target_semaphore(%arg15 : memref<!tpu.dma_semaphore, #tpu.memory_space<semaphore_mem>>)
        %dma_start3A_552 = arith.constant 1 : i32
        %dma_start3A_553 = arith.constant 0 : i32
        %dma_start3A_554 = tpu.memref_slice %arg3[%dma_start3A_552, %add3A, %multiple_of3A_544, %dma_start3A_553] : memref<2x32x80x125xi32, #tpu.memory_space<hbm>> -> memref<1x1x8x125xi32, #tpu.memory_space<hbm>>
        %dma_start3A_555 = tpu.memref_squeeze %dma_start3A_554 : memref<1x1x8x125xi32, #tpu.memory_space<hbm>> -> memref<8x125xi32, #tpu.memory_space<hbm>>
        %dma_start3A_556 = arith.constant 0 : i32
        %dma_start3A_557 = tpu.memref_slice %arg3[%dma_start3A_552, %add3A, %multiple_of3A_544, %dma_start3A_556] : memref<2x32x80x125xi32, #tpu.memory_space<hbm>> -> memref<1x1x8x125xi32, #tpu.memory_space<hbm>>
        %dma_start3A_558 = tpu.memref_squeeze %dma_start3A_557 : memref<1x1x8x125xi32, #tpu.memory_space<hbm>> -> memref<8x125xi32, #tpu.memory_space<hbm>>
        tpu.enqueue_dma source(%dma_start3A_558 : memref<8x125xi32, #tpu.memory_space<hbm>>) target(%arg8 : memref<8x125xi32, #tpu.memory_space<vmem>>) target_semaphore(%arg15 : memref<!tpu.dma_semaphore, #tpu.memory_space<semaphore_mem>>)
      } else {
      }
      %add3A_297 = arith.constant 1 : i32
      %add3A_298 = arith.addi %mul3A_32, %add3A_297 : i32
      %mul3A_299 = arith.constant 8 : i32
      %mul3A_300 = arith.muli %add3A_298, %mul3A_299 : i32
      %multiple_of3A_301 = tpu.assume_multiple %mul3A_300, 8 : i32
      %dma_wait3A_302 = arith.constant 0 : i32
      %dma_wait3A_303 = arith.constant 0 : i32
      %dma_wait3A_304 = tpu.memref_slice %arg3[%dma_wait3A_302, %add3A, %multiple_of3A_301, %dma_wait3A_303] : memref<2x32x80x125xi32, #tpu.memory_space<hbm>> -> memref<1x1x8x125xi32, #tpu.memory_space<hbm>>
      %dma_wait3A_305 = tpu.memref_squeeze %dma_wait3A_304 : memref<1x1x8x125xi32, #tpu.memory_space<hbm>> -> memref<8x125xi32, #tpu.memory_space<hbm>>
      %dma_wait3A_306 = arith.constant 0 : i32
      %dma_wait3A_307 = tpu.memref_slice %arg3[%dma_wait3A_302, %add3A, %multiple_of3A_301, %dma_wait3A_306] : memref<2x32x80x125xi32, #tpu.memory_space<hbm>> -> memref<1x1x8x125xi32, #tpu.memory_space<hbm>>
      %dma_wait3A_308 = tpu.memref_squeeze %dma_wait3A_307 : memref<1x1x8x125xi32, #tpu.memory_space<hbm>> -> memref<8x125xi32, #tpu.memory_space<hbm>>
      tpu.wait_dma2 semaphore(%arg16 : memref<!tpu.dma_semaphore, #tpu.memory_space<semaphore_mem>>) src(%dma_wait3A_308 : memref<8x125xi32, #tpu.memory_space<hbm>>) dst(%arg7 : memref<8x125xi32, #tpu.memory_space<vmem>>)
      %dma_wait3A_309 = arith.constant 1 : i32
      %dma_wait3A_310 = arith.constant 0 : i32
      %dma_wait3A_311 = tpu.memref_slice %arg3[%dma_wait3A_309, %add3A, %multiple_of3A_301, %dma_wait3A_310] : memref<2x32x80x125xi32, #tpu.memory_space<hbm>> -> memref<1x1x8x125xi32, #tpu.memory_space<hbm>>
      %dma_wait3A_312 = tpu.memref_squeeze %dma_wait3A_311 : memref<1x1x8x125xi32, #tpu.memory_space<hbm>> -> memref<8x125xi32, #tpu.memory_space<hbm>>
      %dma_wait3A_313 = arith.constant 0 : i32
      %dma_wait3A_314 = tpu.memref_slice %arg3[%dma_wait3A_309, %add3A, %multiple_of3A_301, %dma_wait3A_313] : memref<2x32x80x125xi32, #tpu.memory_space<hbm>> -> memref<1x1x8x125xi32, #tpu.memory_space<hbm>>
      %dma_wait3A_315 = tpu.memref_squeeze %dma_wait3A_314 : memref<1x1x8x125xi32, #tpu.memory_space<hbm>> -> memref<8x125xi32, #tpu.memory_space<hbm>>
      tpu.wait_dma2 semaphore(%arg16 : memref<!tpu.dma_semaphore, #tpu.memory_space<semaphore_mem>>) src(%dma_wait3A_315 : memref<8x125xi32, #tpu.memory_space<hbm>>) dst(%arg9 : memref<8x125xi32, #tpu.memory_space<vmem>>)
      %dma_start3A_316 = arith.constant 0 : i32
      %dma_start3A_317 = arith.constant 0 : i32
      %dma_start3A_318 = tpu.memref_slice %arg7[%dma_start3A_316, %dma_start3A_317] : memref<8x125xi32, #tpu.memory_space<vmem>> -> memref<1x125xi32, #tpu.memory_space<vmem>>
      %dma_start3A_319 = tpu.memref_squeeze %dma_start3A_318 : memref<1x125xi32, #tpu.memory_space<vmem>> -> memref<125xi32, #tpu.memory_space<vmem>>
      %dma_start3A_320 = arith.constant 0 : i32
      %dma_start3A_321 = arith.constant 0 : i32
      %dma_start3A_322 = tpu.memref_slice %arg2[%dma_start3A_320, %dma_start3A_321] : memref<10000x128xf32, #tpu.memory_space<hbm>> -> memref<10000x128xf32, #tpu.memory_space<hbm>>
      tpu.enqueue_indirect_dma source(%dma_start3A_322 : memref<10000x128xf32, #tpu.memory_space<hbm>>) target(%arg10 : memref<125x128xf32, #tpu.memory_space<vmem>>) offsets(%dma_start3A_319 : memref<125xi32, #tpu.memory_space<vmem>>) semaphore(%arg13 : memref<!tpu.dma_semaphore, #tpu.memory_space<semaphore_mem>>)
      %dma_start3A_323 = arith.constant 1 : i32
      %dma_start3A_324 = arith.constant 0 : i32
      %dma_start3A_325 = tpu.memref_slice %arg7[%dma_start3A_323, %dma_start3A_324] : memref<8x125xi32, #tpu.memory_space<vmem>> -> memref<1x125xi32, #tpu.memory_space<vmem>>
      %dma_start3A_326 = tpu.memref_squeeze %dma_start3A_325 : memref<1x125xi32, #tpu.memory_space<vmem>> -> memref<125xi32, #tpu.memory_space<vmem>>
      %dma_start3A_327 = arith.constant 0 : i32
      %dma_start3A_328 = arith.constant 0 : i32
      %dma_start3A_329 = tpu.memref_slice %arg2[%dma_start3A_327, %dma_start3A_328] : memref<10000x128xf32, #tpu.memory_space<hbm>> -> memref<10000x128xf32, #tpu.memory_space<hbm>>
      tpu.enqueue_indirect_dma source(%dma_start3A_329 : memref<10000x128xf32, #tpu.memory_space<hbm>>) target(%arg11 : memref<125x128xf32, #tpu.memory_space<vmem>>) offsets(%dma_start3A_326 : memref<125xi32, #tpu.memory_space<vmem>>) semaphore(%arg14 : memref<!tpu.dma_semaphore, #tpu.memory_space<semaphore_mem>>)
      %dma_wait3A_330 = arith.constant 0 : i32
      %dma_wait3A_331 = arith.constant 0 : i32
      %dma_wait3A_332 = tpu.memref_slice %arg7[%dma_wait3A_330, %dma_wait3A_331] : memref<8x125xi32, #tpu.memory_space<vmem>> -> memref<1x125xi32, #tpu.memory_space<vmem>>
      %dma_wait3A_333 = tpu.memref_squeeze %dma_wait3A_332 : memref<1x125xi32, #tpu.memory_space<vmem>> -> memref<125xi32, #tpu.memory_space<vmem>>
      %dma_wait3A_334 = arith.constant 0 : i32
      %dma_wait3A_335 = arith.constant 0 : i32
      %dma_wait3A_336 = tpu.memref_slice %arg2[%dma_wait3A_334, %dma_wait3A_335] : memref<10000x128xf32, #tpu.memory_space<hbm>> -> memref<10000x128xf32, #tpu.memory_space<hbm>>
      tpu.wait_indirect_dma semaphore(%arg13 : memref<!tpu.dma_semaphore, #tpu.memory_space<semaphore_mem>>) src(%dma_wait3A_336 : memref<10000x128xf32, #tpu.memory_space<hbm>>) dst(%arg10 : memref<125x128xf32, #tpu.memory_space<vmem>>)
      %dma_start3A_337 = arith.constant 0 : i32
      %dma_start3A_338 = arith.constant 0 : i32
      %dma_start3A_339 = tpu.memref_slice %arg9[%dma_start3A_337, %dma_start3A_338] : memref<8x125xi32, #tpu.memory_space<vmem>> -> memref<1x125xi32, #tpu.memory_space<vmem>>
      %dma_start3A_340 = tpu.memref_squeeze %dma_start3A_339 : memref<1x125xi32, #tpu.memory_space<vmem>> -> memref<125xi32, #tpu.memory_space<vmem>>
      %dma_start3A_341 = arith.constant 0 : i32
      %dma_start3A_342 = arith.constant 0 : i32
      %dma_start3A_343 = tpu.memref_slice %arg12[%dma_start3A_341, %dma_start3A_342] : memref<10000x128xf32, #tpu.memory_space<vmem_shared>> -> memref<10000x128xf32, #tpu.memory_space<vmem_shared>>
      tpu.enqueue_indirect_dma source(%arg10 : memref<125x128xf32, #tpu.memory_space<vmem>>) target(%dma_start3A_343 : memref<10000x128xf32, #tpu.memory_space<vmem_shared>>) offsets(%dma_start3A_340 : memref<125xi32, #tpu.memory_space<vmem>>) semaphore(%arg17 : memref<!tpu.dma_semaphore, #tpu.memory_space<semaphore_mem>>) {add = true}
      %dma_wait3A_344 = arith.constant 0 : i32
      %dma_wait3A_345 = arith.constant 0 : i32
      %dma_wait3A_346 = tpu.memref_slice %arg9[%dma_wait3A_344, %dma_wait3A_345] : memref<8x125xi32, #tpu.memory_space<vmem>> -> memref<1x125xi32, #tpu.memory_space<vmem>>
      %dma_wait3A_347 = tpu.memref_squeeze %dma_wait3A_346 : memref<1x125xi32, #tpu.memory_space<vmem>> -> memref<125xi32, #tpu.memory_space<vmem>>
      %dma_wait3A_348 = arith.constant 0 : i32
      %dma_wait3A_349 = arith.constant 0 : i32
      %dma_wait3A_350 = tpu.memref_slice %arg12[%dma_wait3A_348, %dma_wait3A_349] : memref<10000x128xf32, #tpu.memory_space<vmem_shared>> -> memref<10000x128xf32, #tpu.memory_space<vmem_shared>>
      tpu.wait_indirect_dma semaphore(%arg17 : memref<!tpu.dma_semaphore, #tpu.memory_space<semaphore_mem>>) src(%arg10 : memref<125x128xf32, #tpu.memory_space<vmem>>) dst(%dma_wait3A_350 : memref<10000x128xf32, #tpu.memory_space<vmem_shared>>)
      %dma_start3A_351 = arith.constant 2 : i32
      %dma_start3A_352 = arith.constant 0 : i32
      %dma_start3A_353 = tpu.memref_slice %arg7[%dma_start3A_351, %dma_start3A_352] : memref<8x125xi32, #tpu.memory_space<vmem>> -> memref<1x125xi32, #tpu.memory_space<vmem>>
      %dma_start3A_354 = tpu.memref_squeeze %dma_start3A_353 : memref<1x125xi32, #tpu.memory_space<vmem>> -> memref<125xi32, #tpu.memory_space<vmem>>
      %dma_start3A_355 = arith.constant 0 : i32
      %dma_start3A_356 = arith.constant 0 : i32
      %dma_start3A_357 = tpu.memref_slice %arg2[%dma_start3A_355, %dma_start3A_356] : memref<10000x128xf32, #tpu.memory_space<hbm>> -> memref<10000x128xf32, #tpu.memory_space<hbm>>
      tpu.enqueue_indirect_dma source(%dma_start3A_357 : memref<10000x128xf32, #tpu.memory_space<hbm>>) target(%arg10 : memref<125x128xf32, #tpu.memory_space<vmem>>) offsets(%dma_start3A_354 : memref<125xi32, #tpu.memory_space<vmem>>) semaphore(%arg13 : memref<!tpu.dma_semaphore, #tpu.memory_space<semaphore_mem>>)
      %dma_wait3A_358 = arith.constant 1 : i32
      %dma_wait3A_359 = arith.constant 0 : i32
      %dma_wait3A_360 = tpu.memref_slice %arg7[%dma_wait3A_358, %dma_wait3A_359] : memref<8x125xi32, #tpu.memory_space<vmem>> -> memref<1x125xi32, #tpu.memory_space<vmem>>
      %dma_wait3A_361 = tpu.memref_squeeze %dma_wait3A_360 : memref<1x125xi32, #tpu.memory_space<vmem>> -> memref<125xi32, #tpu.memory_space<vmem>>
      %dma_wait3A_362 = arith.constant 0 : i32
      %dma_wait3A_363 = arith.constant 0 : i32
      %dma_wait3A_364 = tpu.memref_slice %arg2[%dma_wait3A_362, %dma_wait3A_363] : memref<10000x128xf32, #tpu.memory_space<hbm>> -> memref<10000x128xf32, #tpu.memory_space<hbm>>
      tpu.wait_indirect_dma semaphore(%arg14 : memref<!tpu.dma_semaphore, #tpu.memory_space<semaphore_mem>>) src(%dma_wait3A_364 : memref<10000x128xf32, #tpu.memory_space<hbm>>) dst(%arg11 : memref<125x128xf32, #tpu.memory_space<vmem>>)
      %dma_start3A_365 = arith.constant 1 : i32
      %dma_start3A_366 = arith.constant 0 : i32
      %dma_start3A_367 = tpu.memref_slice %arg9[%dma_start3A_365, %dma_start3A_366] : memref<8x125xi32, #tpu.memory_space<vmem>> -> memref<1x125xi32, #tpu.memory_space<vmem>>
      %dma_start3A_368 = tpu.memref_squeeze %dma_start3A_367 : memref<1x125xi32, #tpu.memory_space<vmem>> -> memref<125xi32, #tpu.memory_space<vmem>>
      %dma_start3A_369 = arith.constant 0 : i32
      %dma_start3A_370 = arith.constant 0 : i32
      %dma_start3A_371 = tpu.memref_slice %arg12[%dma_start3A_369, %dma_start3A_370] : memref<10000x128xf32, #tpu.memory_space<vmem_shared>> -> memref<10000x128xf32, #tpu.memory_space<vmem_shared>>
      tpu.enqueue_indirect_dma source(%arg11 : memref<125x128xf32, #tpu.memory_space<vmem>>) target(%dma_start3A_371 : memref<10000x128xf32, #tpu.memory_space<vmem_shared>>) offsets(%dma_start3A_368 : memref<125xi32, #tpu.memory_space<vmem>>) semaphore(%arg18 : memref<!tpu.dma_semaphore, #tpu.memory_space<semaphore_mem>>) {add = true}
      %dma_wait3A_372 = arith.constant 1 : i32
      %dma_wait3A_373 = arith.constant 0 : i32
      %dma_wait3A_374 = tpu.memref_slice %arg9[%dma_wait3A_372, %dma_wait3A_373] : memref<8x125xi32, #tpu.memory_space<vmem>> -> memref<1x125xi32, #tpu.memory_space<vmem>>
      %dma_wait3A_375 = tpu.memref_squeeze %dma_wait3A_374 : memref<1x125xi32, #tpu.memory_space<vmem>> -> memref<125xi32, #tpu.memory_space<vmem>>
      %dma_wait3A_376 = arith.constant 0 : i32
      %dma_wait3A_377 = arith.constant 0 : i32
      %dma_wait3A_378 = tpu.memref_slice %arg12[%dma_wait3A_376, %dma_wait3A_377] : memref<10000x128xf32, #tpu.memory_space<vmem_shared>> -> memref<10000x128xf32, #tpu.memory_space<vmem_shared>>
      tpu.wait_indirect_dma semaphore(%arg18 : memref<!tpu.dma_semaphore, #tpu.memory_space<semaphore_mem>>) src(%arg11 : memref<125x128xf32, #tpu.memory_space<vmem>>) dst(%dma_wait3A_378 : memref<10000x128xf32, #tpu.memory_space<vmem_shared>>)
      %dma_start3A_379 = arith.constant 3 : i32
      %dma_start3A_380 = arith.constant 0 : i32
      %dma_start3A_381 = tpu.memref_slice %arg7[%dma_start3A_379, %dma_start3A_380] : memref<8x125xi32, #tpu.memory_space<vmem>> -> memref<1x125xi32, #tpu.memory_space<vmem>>
      %dma_start3A_382 = tpu.memref_squeeze %dma_start3A_381 : memref<1x125xi32, #tpu.memory_space<vmem>> -> memref<125xi32, #tpu.memory_space<vmem>>
      %dma_start3A_383 = arith.constant 0 : i32
      %dma_start3A_384 = arith.constant 0 : i32
      %dma_start3A_385 = tpu.memref_slice %arg2[%dma_start3A_383, %dma_start3A_384] : memref<10000x128xf32, #tpu.memory_space<hbm>> -> memref<10000x128xf32, #tpu.memory_space<hbm>>
      tpu.enqueue_indirect_dma source(%dma_start3A_385 : memref<10000x128xf32, #tpu.memory_space<hbm>>) target(%arg11 : memref<125x128xf32, #tpu.memory_space<vmem>>) offsets(%dma_start3A_382 : memref<125xi32, #tpu.memory_space<vmem>>) semaphore(%arg14 : memref<!tpu.dma_semaphore, #tpu.memory_space<semaphore_mem>>)
      %dma_wait3A_386 = arith.constant 2 : i32
      %dma_wait3A_387 = arith.constant 0 : i32
      %dma_wait3A_388 = tpu.memref_slice %arg7[%dma_wait3A_386, %dma_wait3A_387] : memref<8x125xi32, #tpu.memory_space<vmem>> -> memref<1x125xi32, #tpu.memory_space<vmem>>
      %dma_wait3A_389 = tpu.memref_squeeze %dma_wait3A_388 : memref<1x125xi32, #tpu.memory_space<vmem>> -> memref<125xi32, #tpu.memory_space<vmem>>
      %dma_wait3A_390 = arith.constant 0 : i32
      %dma_wait3A_391 = arith.constant 0 : i32
      %dma_wait3A_392 = tpu.memref_slice %arg2[%dma_wait3A_390, %dma_wait3A_391] : memref<10000x128xf32, #tpu.memory_space<hbm>> -> memref<10000x128xf32, #tpu.memory_space<hbm>>
      tpu.wait_indirect_dma semaphore(%arg13 : memref<!tpu.dma_semaphore, #tpu.memory_space<semaphore_mem>>) src(%dma_wait3A_392 : memref<10000x128xf32, #tpu.memory_space<hbm>>) dst(%arg10 : memref<125x128xf32, #tpu.memory_space<vmem>>)
      %dma_start3A_393 = arith.constant 2 : i32
      %dma_start3A_394 = arith.constant 0 : i32
      %dma_start3A_395 = tpu.memref_slice %arg9[%dma_start3A_393, %dma_start3A_394] : memref<8x125xi32, #tpu.memory_space<vmem>> -> memref<1x125xi32, #tpu.memory_space<vmem>>
      %dma_start3A_396 = tpu.memref_squeeze %dma_start3A_395 : memref<1x125xi32, #tpu.memory_space<vmem>> -> memref<125xi32, #tpu.memory_space<vmem>>
      %dma_start3A_397 = arith.constant 0 : i32
      %dma_start3A_398 = arith.constant 0 : i32
      %dma_start3A_399 = tpu.memref_slice %arg12[%dma_start3A_397, %dma_start3A_398] : memref<10000x128xf32, #tpu.memory_space<vmem_shared>> -> memref<10000x128xf32, #tpu.memory_space<vmem_shared>>
      tpu.enqueue_indirect_dma source(%arg10 : memref<125x128xf32, #tpu.memory_space<vmem>>) target(%dma_start3A_399 : memref<10000x128xf32, #tpu.memory_space<vmem_shared>>) offsets(%dma_start3A_396 : memref<125xi32, #tpu.memory_space<vmem>>) semaphore(%arg17 : memref<!tpu.dma_semaphore, #tpu.memory_space<semaphore_mem>>) {add = true}
      %dma_wait3A_400 = arith.constant 2 : i32
      %dma_wait3A_401 = arith.constant 0 : i32
      %dma_wait3A_402 = tpu.memref_slice %arg9[%dma_wait3A_400, %dma_wait3A_401] : memref<8x125xi32, #tpu.memory_space<vmem>> -> memref<1x125xi32, #tpu.memory_space<vmem>>
      %dma_wait3A_403 = tpu.memref_squeeze %dma_wait3A_402 : memref<1x125xi32, #tpu.memory_space<vmem>> -> memref<125xi32, #tpu.memory_space<vmem>>
      %dma_wait3A_404 = arith.constant 0 : i32
      %dma_wait3A_405 = arith.constant 0 : i32
      %dma_wait3A_406 = tpu.memref_slice %arg12[%dma_wait3A_404, %dma_wait3A_405] : memref<10000x128xf32, #tpu.memory_space<vmem_shared>> -> memref<10000x128xf32, #tpu.memory_space<vmem_shared>>
      tpu.wait_indirect_dma semaphore(%arg17 : memref<!tpu.dma_semaphore, #tpu.memory_space<semaphore_mem>>) src(%arg10 : memref<125x128xf32, #tpu.memory_space<vmem>>) dst(%dma_wait3A_406 : memref<10000x128xf32, #tpu.memory_space<vmem_shared>>)
      %dma_start3A_407 = arith.constant 4 : i32
      %dma_start3A_408 = arith.constant 0 : i32
      %dma_start3A_409 = tpu.memref_slice %arg7[%dma_start3A_407, %dma_start3A_408] : memref<8x125xi32, #tpu.memory_space<vmem>> -> memref<1x125xi32, #tpu.memory_space<vmem>>
      %dma_start3A_410 = tpu.memref_squeeze %dma_start3A_409 : memref<1x125xi32, #tpu.memory_space<vmem>> -> memref<125xi32, #tpu.memory_space<vmem>>
      %dma_start3A_411 = arith.constant 0 : i32
      %dma_start3A_412 = arith.constant 0 : i32
      %dma_start3A_413 = tpu.memref_slice %arg2[%dma_start3A_411, %dma_start3A_412] : memref<10000x128xf32, #tpu.memory_space<hbm>> -> memref<10000x128xf32, #tpu.memory_space<hbm>>
      tpu.enqueue_indirect_dma source(%dma_start3A_413 : memref<10000x128xf32, #tpu.memory_space<hbm>>) target(%arg10 : memref<125x128xf32, #tpu.memory_space<vmem>>) offsets(%dma_start3A_410 : memref<125xi32, #tpu.memory_space<vmem>>) semaphore(%arg13 : memref<!tpu.dma_semaphore, #tpu.memory_space<semaphore_mem>>)
      %dma_wait3A_414 = arith.constant 3 : i32
      %dma_wait3A_415 = arith.constant 0 : i32
      %dma_wait3A_416 = tpu.memref_slice %arg7[%dma_wait3A_414, %dma_wait3A_415] : memref<8x125xi32, #tpu.memory_space<vmem>> -> memref<1x125xi32, #tpu.memory_space<vmem>>
      %dma_wait3A_417 = tpu.memref_squeeze %dma_wait3A_416 : memref<1x125xi32, #tpu.memory_space<vmem>> -> memref<125xi32, #tpu.memory_space<vmem>>
      %dma_wait3A_418 = arith.constant 0 : i32
      %dma_wait3A_419 = arith.constant 0 : i32
      %dma_wait3A_420 = tpu.memref_slice %arg2[%dma_wait3A_418, %dma_wait3A_419] : memref<10000x128xf32, #tpu.memory_space<hbm>> -> memref<10000x128xf32, #tpu.memory_space<hbm>>
      tpu.wait_indirect_dma semaphore(%arg14 : memref<!tpu.dma_semaphore, #tpu.memory_space<semaphore_mem>>) src(%dma_wait3A_420 : memref<10000x128xf32, #tpu.memory_space<hbm>>) dst(%arg11 : memref<125x128xf32, #tpu.memory_space<vmem>>)
      %dma_start3A_421 = arith.constant 3 : i32
      %dma_start3A_422 = arith.constant 0 : i32
      %dma_start3A_423 = tpu.memref_slice %arg9[%dma_start3A_421, %dma_start3A_422] : memref<8x125xi32, #tpu.memory_space<vmem>> -> memref<1x125xi32, #tpu.memory_space<vmem>>
      %dma_start3A_424 = tpu.memref_squeeze %dma_start3A_423 : memref<1x125xi32, #tpu.memory_space<vmem>> -> memref<125xi32, #tpu.memory_space<vmem>>
      %dma_start3A_425 = arith.constant 0 : i32
      %dma_start3A_426 = arith.constant 0 : i32
      %dma_start3A_427 = tpu.memref_slice %arg12[%dma_start3A_425, %dma_start3A_426] : memref<10000x128xf32, #tpu.memory_space<vmem_shared>> -> memref<10000x128xf32, #tpu.memory_space<vmem_shared>>
      tpu.enqueue_indirect_dma source(%arg11 : memref<125x128xf32, #tpu.memory_space<vmem>>) target(%dma_start3A_427 : memref<10000x128xf32, #tpu.memory_space<vmem_shared>>) offsets(%dma_start3A_424 : memref<125xi32, #tpu.memory_space<vmem>>) semaphore(%arg18 : memref<!tpu.dma_semaphore, #tpu.memory_space<semaphore_mem>>) {add = true}
      %dma_wait3A_428 = arith.constant 3 : i32
      %dma_wait3A_429 = arith.constant 0 : i32
      %dma_wait3A_430 = tpu.memref_slice %arg9[%dma_wait3A_428, %dma_wait3A_429] : memref<8x125xi32, #tpu.memory_space<vmem>> -> memref<1x125xi32, #tpu.memory_space<vmem>>
      %dma_wait3A_431 = tpu.memref_squeeze %dma_wait3A_430 : memref<1x125xi32, #tpu.memory_space<vmem>> -> memref<125xi32, #tpu.memory_space<vmem>>
      %dma_wait3A_432 = arith.constant 0 : i32
      %dma_wait3A_433 = arith.constant 0 : i32
      %dma_wait3A_434 = tpu.memref_slice %arg12[%dma_wait3A_432, %dma_wait3A_433] : memref<10000x128xf32, #tpu.memory_space<vmem_shared>> -> memref<10000x128xf32, #tpu.memory_space<vmem_shared>>
      tpu.wait_indirect_dma semaphore(%arg18 : memref<!tpu.dma_semaphore, #tpu.memory_space<semaphore_mem>>) src(%arg11 : memref<125x128xf32, #tpu.memory_space<vmem>>) dst(%dma_wait3A_434 : memref<10000x128xf32, #tpu.memory_space<vmem_shared>>)
      %dma_start3A_435 = arith.constant 5 : i32
      %dma_start3A_436 = arith.constant 0 : i32
      %dma_start3A_437 = tpu.memref_slice %arg7[%dma_start3A_435, %dma_start3A_436] : memref<8x125xi32, #tpu.memory_space<vmem>> -> memref<1x125xi32, #tpu.memory_space<vmem>>
      %dma_start3A_438 = tpu.memref_squeeze %dma_start3A_437 : memref<1x125xi32, #tpu.memory_space<vmem>> -> memref<125xi32, #tpu.memory_space<vmem>>
      %dma_start3A_439 = arith.constant 0 : i32
      %dma_start3A_440 = arith.constant 0 : i32
      %dma_start3A_441 = tpu.memref_slice %arg2[%dma_start3A_439, %dma_start3A_440] : memref<10000x128xf32, #tpu.memory_space<hbm>> -> memref<10000x128xf32, #tpu.memory_space<hbm>>
      tpu.enqueue_indirect_dma source(%dma_start3A_441 : memref<10000x128xf32, #tpu.memory_space<hbm>>) target(%arg11 : memref<125x128xf32, #tpu.memory_space<vmem>>) offsets(%dma_start3A_438 : memref<125xi32, #tpu.memory_space<vmem>>) semaphore(%arg14 : memref<!tpu.dma_semaphore, #tpu.memory_space<semaphore_mem>>)
      %dma_wait3A_442 = arith.constant 4 : i32
      %dma_wait3A_443 = arith.constant 0 : i32
      %dma_wait3A_444 = tpu.memref_slice %arg7[%dma_wait3A_442, %dma_wait3A_443] : memref<8x125xi32, #tpu.memory_space<vmem>> -> memref<1x125xi32, #tpu.memory_space<vmem>>
      %dma_wait3A_445 = tpu.memref_squeeze %dma_wait3A_444 : memref<1x125xi32, #tpu.memory_space<vmem>> -> memref<125xi32, #tpu.memory_space<vmem>>
      %dma_wait3A_446 = arith.constant 0 : i32
      %dma_wait3A_447 = arith.constant 0 : i32
      %dma_wait3A_448 = tpu.memref_slice %arg2[%dma_wait3A_446, %dma_wait3A_447] : memref<10000x128xf32, #tpu.memory_space<hbm>> -> memref<10000x128xf32, #tpu.memory_space<hbm>>
      tpu.wait_indirect_dma semaphore(%arg13 : memref<!tpu.dma_semaphore, #tpu.memory_space<semaphore_mem>>) src(%dma_wait3A_448 : memref<10000x128xf32, #tpu.memory_space<hbm>>) dst(%arg10 : memref<125x128xf32, #tpu.memory_space<vmem>>)
      %dma_start3A_449 = arith.constant 4 : i32
      %dma_start3A_450 = arith.constant 0 : i32
      %dma_start3A_451 = tpu.memref_slice %arg9[%dma_start3A_449, %dma_start3A_450] : memref<8x125xi32, #tpu.memory_space<vmem>> -> memref<1x125xi32, #tpu.memory_space<vmem>>
      %dma_start3A_452 = tpu.memref_squeeze %dma_start3A_451 : memref<1x125xi32, #tpu.memory_space<vmem>> -> memref<125xi32, #tpu.memory_space<vmem>>
      %dma_start3A_453 = arith.constant 0 : i32
      %dma_start3A_454 = arith.constant 0 : i32
      %dma_start3A_455 = tpu.memref_slice %arg12[%dma_start3A_453, %dma_start3A_454] : memref<10000x128xf32, #tpu.memory_space<vmem_shared>> -> memref<10000x128xf32, #tpu.memory_space<vmem_shared>>
      tpu.enqueue_indirect_dma source(%arg10 : memref<125x128xf32, #tpu.memory_space<vmem>>) target(%dma_start3A_455 : memref<10000x128xf32, #tpu.memory_space<vmem_shared>>) offsets(%dma_start3A_452 : memref<125xi32, #tpu.memory_space<vmem>>) semaphore(%arg17 : memref<!tpu.dma_semaphore, #tpu.memory_space<semaphore_mem>>) {add = true}
      %dma_wait3A_456 = arith.constant 4 : i32
      %dma_wait3A_457 = arith.constant 0 : i32
      %dma_wait3A_458 = tpu.memref_slice %arg9[%dma_wait3A_456, %dma_wait3A_457] : memref<8x125xi32, #tpu.memory_space<vmem>> -> memref<1x125xi32, #tpu.memory_space<vmem>>
      %dma_wait3A_459 = tpu.memref_squeeze %dma_wait3A_458 : memref<1x125xi32, #tpu.memory_space<vmem>> -> memref<125xi32, #tpu.memory_space<vmem>>
      %dma_wait3A_460 = arith.constant 0 : i32
      %dma_wait3A_461 = arith.constant 0 : i32
      %dma_wait3A_462 = tpu.memref_slice %arg12[%dma_wait3A_460, %dma_wait3A_461] : memref<10000x128xf32, #tpu.memory_space<vmem_shared>> -> memref<10000x128xf32, #tpu.memory_space<vmem_shared>>
      tpu.wait_indirect_dma semaphore(%arg17 : memref<!tpu.dma_semaphore, #tpu.memory_space<semaphore_mem>>) src(%arg10 : memref<125x128xf32, #tpu.memory_space<vmem>>) dst(%dma_wait3A_462 : memref<10000x128xf32, #tpu.memory_space<vmem_shared>>)
      %dma_start3A_463 = arith.constant 6 : i32
      %dma_start3A_464 = arith.constant 0 : i32
      %dma_start3A_465 = tpu.memref_slice %arg7[%dma_start3A_463, %dma_start3A_464] : memref<8x125xi32, #tpu.memory_space<vmem>> -> memref<1x125xi32, #tpu.memory_space<vmem>>
      %dma_start3A_466 = tpu.memref_squeeze %dma_start3A_465 : memref<1x125xi32, #tpu.memory_space<vmem>> -> memref<125xi32, #tpu.memory_space<vmem>>
      %dma_start3A_467 = arith.constant 0 : i32
      %dma_start3A_468 = arith.constant 0 : i32
      %dma_start3A_469 = tpu.memref_slice %arg2[%dma_start3A_467, %dma_start3A_468] : memref<10000x128xf32, #tpu.memory_space<hbm>> -> memref<10000x128xf32, #tpu.memory_space<hbm>>
      tpu.enqueue_indirect_dma source(%dma_start3A_469 : memref<10000x128xf32, #tpu.memory_space<hbm>>) target(%arg10 : memref<125x128xf32, #tpu.memory_space<vmem>>) offsets(%dma_start3A_466 : memref<125xi32, #tpu.memory_space<vmem>>) semaphore(%arg13 : memref<!tpu.dma_semaphore, #tpu.memory_space<semaphore_mem>>)
      %dma_wait3A_470 = arith.constant 5 : i32
      %dma_wait3A_471 = arith.constant 0 : i32
      %dma_wait3A_472 = tpu.memref_slice %arg7[%dma_wait3A_470, %dma_wait3A_471] : memref<8x125xi32, #tpu.memory_space<vmem>> -> memref<1x125xi32, #tpu.memory_space<vmem>>
      %dma_wait3A_473 = tpu.memref_squeeze %dma_wait3A_472 : memref<1x125xi32, #tpu.memory_space<vmem>> -> memref<125xi32, #tpu.memory_space<vmem>>
      %dma_wait3A_474 = arith.constant 0 : i32
      %dma_wait3A_475 = arith.constant 0 : i32
      %dma_wait3A_476 = tpu.memref_slice %arg2[%dma_wait3A_474, %dma_wait3A_475] : memref<10000x128xf32, #tpu.memory_space<hbm>> -> memref<10000x128xf32, #tpu.memory_space<hbm>>
      tpu.wait_indirect_dma semaphore(%arg14 : memref<!tpu.dma_semaphore, #tpu.memory_space<semaphore_mem>>) src(%dma_wait3A_476 : memref<10000x128xf32, #tpu.memory_space<hbm>>) dst(%arg11 : memref<125x128xf32, #tpu.memory_space<vmem>>)
      %dma_start3A_477 = arith.constant 5 : i32
      %dma_start3A_478 = arith.constant 0 : i32
      %dma_start3A_479 = tpu.memref_slice %arg9[%dma_start3A_477, %dma_start3A_478] : memref<8x125xi32, #tpu.memory_space<vmem>> -> memref<1x125xi32, #tpu.memory_space<vmem>>
      %dma_start3A_480 = tpu.memref_squeeze %dma_start3A_479 : memref<1x125xi32, #tpu.memory_space<vmem>> -> memref<125xi32, #tpu.memory_space<vmem>>
      %dma_start3A_481 = arith.constant 0 : i32
      %dma_start3A_482 = arith.constant 0 : i32
      %dma_start3A_483 = tpu.memref_slice %arg12[%dma_start3A_481, %dma_start3A_482] : memref<10000x128xf32, #tpu.memory_space<vmem_shared>> -> memref<10000x128xf32, #tpu.memory_space<vmem_shared>>
      tpu.enqueue_indirect_dma source(%arg11 : memref<125x128xf32, #tpu.memory_space<vmem>>) target(%dma_start3A_483 : memref<10000x128xf32, #tpu.memory_space<vmem_shared>>) offsets(%dma_start3A_480 : memref<125xi32, #tpu.memory_space<vmem>>) semaphore(%arg18 : memref<!tpu.dma_semaphore, #tpu.memory_space<semaphore_mem>>) {add = true}
      %dma_wait3A_484 = arith.constant 5 : i32
      %dma_wait3A_485 = arith.constant 0 : i32
      %dma_wait3A_486 = tpu.memref_slice %arg9[%dma_wait3A_484, %dma_wait3A_485] : memref<8x125xi32, #tpu.memory_space<vmem>> -> memref<1x125xi32, #tpu.memory_space<vmem>>
      %dma_wait3A_487 = tpu.memref_squeeze %dma_wait3A_486 : memref<1x125xi32, #tpu.memory_space<vmem>> -> memref<125xi32, #tpu.memory_space<vmem>>
      %dma_wait3A_488 = arith.constant 0 : i32
      %dma_wait3A_489 = arith.constant 0 : i32
      %dma_wait3A_490 = tpu.memref_slice %arg12[%dma_wait3A_488, %dma_wait3A_489] : memref<10000x128xf32, #tpu.memory_space<vmem_shared>> -> memref<10000x128xf32, #tpu.memory_space<vmem_shared>>
      tpu.wait_indirect_dma semaphore(%arg18 : memref<!tpu.dma_semaphore, #tpu.memory_space<semaphore_mem>>) src(%arg11 : memref<125x128xf32, #tpu.memory_space<vmem>>) dst(%dma_wait3A_490 : memref<10000x128xf32, #tpu.memory_space<vmem_shared>>)
      %dma_start3A_491 = arith.constant 7 : i32
      %dma_start3A_492 = arith.constant 0 : i32
      %dma_start3A_493 = tpu.memref_slice %arg7[%dma_start3A_491, %dma_start3A_492] : memref<8x125xi32, #tpu.memory_space<vmem>> -> memref<1x125xi32, #tpu.memory_space<vmem>>
      %dma_start3A_494 = tpu.memref_squeeze %dma_start3A_493 : memref<1x125xi32, #tpu.memory_space<vmem>> -> memref<125xi32, #tpu.memory_space<vmem>>
      %dma_start3A_495 = arith.constant 0 : i32
      %dma_start3A_496 = arith.constant 0 : i32
      %dma_start3A_497 = tpu.memref_slice %arg2[%dma_start3A_495, %dma_start3A_496] : memref<10000x128xf32, #tpu.memory_space<hbm>> -> memref<10000x128xf32, #tpu.memory_space<hbm>>
      tpu.enqueue_indirect_dma source(%dma_start3A_497 : memref<10000x128xf32, #tpu.memory_space<hbm>>) target(%arg11 : memref<125x128xf32, #tpu.memory_space<vmem>>) offsets(%dma_start3A_494 : memref<125xi32, #tpu.memory_space<vmem>>) semaphore(%arg14 : memref<!tpu.dma_semaphore, #tpu.memory_space<semaphore_mem>>)
      %dma_wait3A_498 = arith.constant 6 : i32
      %dma_wait3A_499 = arith.constant 0 : i32
      %dma_wait3A_500 = tpu.memref_slice %arg7[%dma_wait3A_498, %dma_wait3A_499] : memref<8x125xi32, #tpu.memory_space<vmem>> -> memref<1x125xi32, #tpu.memory_space<vmem>>
      %dma_wait3A_501 = tpu.memref_squeeze %dma_wait3A_500 : memref<1x125xi32, #tpu.memory_space<vmem>> -> memref<125xi32, #tpu.memory_space<vmem>>
      %dma_wait3A_502 = arith.constant 0 : i32
      %dma_wait3A_503 = arith.constant 0 : i32
      %dma_wait3A_504 = tpu.memref_slice %arg2[%dma_wait3A_502, %dma_wait3A_503] : memref<10000x128xf32, #tpu.memory_space<hbm>> -> memref<10000x128xf32, #tpu.memory_space<hbm>>
      tpu.wait_indirect_dma semaphore(%arg13 : memref<!tpu.dma_semaphore, #tpu.memory_space<semaphore_mem>>) src(%dma_wait3A_504 : memref<10000x128xf32, #tpu.memory_space<hbm>>) dst(%arg10 : memref<125x128xf32, #tpu.memory_space<vmem>>)
      %dma_start3A_505 = arith.constant 6 : i32
      %dma_start3A_506 = arith.constant 0 : i32
      %dma_start3A_507 = tpu.memref_slice %arg9[%dma_start3A_505, %dma_start3A_506] : memref<8x125xi32, #tpu.memory_space<vmem>> -> memref<1x125xi32, #tpu.memory_space<vmem>>
      %dma_start3A_508 = tpu.memref_squeeze %dma_start3A_507 : memref<1x125xi32, #tpu.memory_space<vmem>> -> memref<125xi32, #tpu.memory_space<vmem>>
      %dma_start3A_509 = arith.constant 0 : i32
      %dma_start3A_510 = arith.constant 0 : i32
      %dma_start3A_511 = tpu.memref_slice %arg12[%dma_start3A_509, %dma_start3A_510] : memref<10000x128xf32, #tpu.memory_space<vmem_shared>> -> memref<10000x128xf32, #tpu.memory_space<vmem_shared>>
      tpu.enqueue_indirect_dma source(%arg10 : memref<125x128xf32, #tpu.memory_space<vmem>>) target(%dma_start3A_511 : memref<10000x128xf32, #tpu.memory_space<vmem_shared>>) offsets(%dma_start3A_508 : memref<125xi32, #tpu.memory_space<vmem>>) semaphore(%arg17 : memref<!tpu.dma_semaphore, #tpu.memory_space<semaphore_mem>>) {add = true}
      %dma_wait3A_512 = arith.constant 7 : i32
      %dma_wait3A_513 = arith.constant 0 : i32
      %dma_wait3A_514 = tpu.memref_slice %arg7[%dma_wait3A_512, %dma_wait3A_513] : memref<8x125xi32, #tpu.memory_space<vmem>> -> memref<1x125xi32, #tpu.memory_space<vmem>>
      %dma_wait3A_515 = tpu.memref_squeeze %dma_wait3A_514 : memref<1x125xi32, #tpu.memory_space<vmem>> -> memref<125xi32, #tpu.memory_space<vmem>>
      %dma_wait3A_516 = arith.constant 0 : i32
      %dma_wait3A_517 = arith.constant 0 : i32
      %dma_wait3A_518 = tpu.memref_slice %arg2[%dma_wait3A_516, %dma_wait3A_517] : memref<10000x128xf32, #tpu.memory_space<hbm>> -> memref<10000x128xf32, #tpu.memory_space<hbm>>
      tpu.wait_indirect_dma semaphore(%arg14 : memref<!tpu.dma_semaphore, #tpu.memory_space<semaphore_mem>>) src(%dma_wait3A_518 : memref<10000x128xf32, #tpu.memory_space<hbm>>) dst(%arg11 : memref<125x128xf32, #tpu.memory_space<vmem>>)
      %dma_start3A_519 = arith.constant 7 : i32
      %dma_start3A_520 = arith.constant 0 : i32
      %dma_start3A_521 = tpu.memref_slice %arg9[%dma_start3A_519, %dma_start3A_520] : memref<8x125xi32, #tpu.memory_space<vmem>> -> memref<1x125xi32, #tpu.memory_space<vmem>>
      %dma_start3A_522 = tpu.memref_squeeze %dma_start3A_521 : memref<1x125xi32, #tpu.memory_space<vmem>> -> memref<125xi32, #tpu.memory_space<vmem>>
      %dma_start3A_523 = arith.constant 0 : i32
      %dma_start3A_524 = arith.constant 0 : i32
      %dma_start3A_525 = tpu.memref_slice %arg12[%dma_start3A_523, %dma_start3A_524] : memref<10000x128xf32, #tpu.memory_space<vmem_shared>> -> memref<10000x128xf32, #tpu.memory_space<vmem_shared>>
      tpu.enqueue_indirect_dma source(%arg11 : memref<125x128xf32, #tpu.memory_space<vmem>>) target(%dma_start3A_525 : memref<10000x128xf32, #tpu.memory_space<vmem_shared>>) offsets(%dma_start3A_522 : memref<125xi32, #tpu.memory_space<vmem>>) semaphore(%arg18 : memref<!tpu.dma_semaphore, #tpu.memory_space<semaphore_mem>>) {add = true}
      %dma_wait3A_526 = arith.constant 6 : i32
      %dma_wait3A_527 = arith.constant 0 : i32
      %dma_wait3A_528 = tpu.memref_slice %arg9[%dma_wait3A_526, %dma_wait3A_527] : memref<8x125xi32, #tpu.memory_space<vmem>> -> memref<1x125xi32, #tpu.memory_space<vmem>>
      %dma_wait3A_529 = tpu.memref_squeeze %dma_wait3A_528 : memref<1x125xi32, #tpu.memory_space<vmem>> -> memref<125xi32, #tpu.memory_space<vmem>>
      %dma_wait3A_530 = arith.constant 0 : i32
      %dma_wait3A_531 = arith.constant 0 : i32
      %dma_wait3A_532 = tpu.memref_slice %arg12[%dma_wait3A_530, %dma_wait3A_531] : memref<10000x128xf32, #tpu.memory_space<vmem_shared>> -> memref<10000x128xf32, #tpu.memory_space<vmem_shared>>
      tpu.wait_indirect_dma semaphore(%arg17 : memref<!tpu.dma_semaphore, #tpu.memory_space<semaphore_mem>>) src(%arg10 : memref<125x128xf32, #tpu.memory_space<vmem>>) dst(%dma_wait3A_532 : memref<10000x128xf32, #tpu.memory_space<vmem_shared>>)
      %dma_wait3A_533 = arith.constant 7 : i32
      %dma_wait3A_534 = arith.constant 0 : i32
      %dma_wait3A_535 = tpu.memref_slice %arg9[%dma_wait3A_533, %dma_wait3A_534] : memref<8x125xi32, #tpu.memory_space<vmem>> -> memref<1x125xi32, #tpu.memory_space<vmem>>
      %dma_wait3A_536 = tpu.memref_squeeze %dma_wait3A_535 : memref<1x125xi32, #tpu.memory_space<vmem>> -> memref<125xi32, #tpu.memory_space<vmem>>
      %dma_wait3A_537 = arith.constant 0 : i32
      %dma_wait3A_538 = arith.constant 0 : i32
      %dma_wait3A_539 = tpu.memref_slice %arg12[%dma_wait3A_537, %dma_wait3A_538] : memref<10000x128xf32, #tpu.memory_space<vmem_shared>> -> memref<10000x128xf32, #tpu.memory_space<vmem_shared>>
      tpu.wait_indirect_dma semaphore(%arg18 : memref<!tpu.dma_semaphore, #tpu.memory_space<semaphore_mem>>) src(%arg11 : memref<125x128xf32, #tpu.memory_space<vmem>>) dst(%dma_wait3A_539 : memref<10000x128xf32, #tpu.memory_space<vmem_shared>>)
    }
    %scan3A_23 = arith.constant 5 : i32
    %barrier3A_24 = arith.constant 0 : index
    tpu.barrier barrier_id(%barrier3A_24)
    %lt3A_25 = arith.constant 10 : i32
    %lt3A_26 = arith.cmpi slt, %arg1, %lt3A_25 : i32
    %convert_element_type3A_27 = arith.extui %lt3A_26 : i1 to i32
    %cond3A_28 = arith.constant 0 : i32
    %cond3A_29 = arith.cmpi ne, %convert_element_type3A_27, %cond3A_28 : i32
    scf.if %cond3A_29 {
      "tpu.region"() ({
        %run_scoped3A = tpu.sem_alloc : memref<!tpu.dma_semaphore, #tpu.memory_space<semaphore_mem>>
        %dma_start3A_30 = arith.constant 0 : i32
        %dma_start3A_31 = tpu.memref_slice %arg5[%arg0, %mul3A_2, %dma_start3A_30] : memref<2x10000x128xf32, #tpu.memory_space<hbm>> -> memref<1x1000x128xf32, #tpu.memory_space<hbm>>
        %dma_start3A_32 = tpu.memref_squeeze %dma_start3A_31 : memref<1x1000x128xf32, #tpu.memory_space<hbm>> -> memref<1000x128xf32, #tpu.memory_space<hbm>>
        %dma_start3A_33 = arith.constant 0 : i32
        %dma_start3A_34 = tpu.memref_slice %arg12[%mul3A_2, %dma_start3A_33] : memref<10000x128xf32, #tpu.memory_space<vmem_shared>> -> memref<1000x128xf32, #tpu.memory_space<vmem_shared>>
        tpu.enqueue_dma source(%dma_start3A_34 : memref<1000x128xf32, #tpu.memory_space<vmem_shared>>) target(%dma_start3A_32 : memref<1000x128xf32, #tpu.memory_space<hbm>>) target_semaphore(%run_scoped3A : memref<!tpu.dma_semaphore, #tpu.memory_space<semaphore_mem>>)
        %dma_wait3A = arith.constant 0 : i32
        %dma_wait3A_35 = tpu.memref_slice %arg5[%arg0, %mul3A_2, %dma_wait3A] : memref<2x10000x128xf32, #tpu.memory_space<hbm>> -> memref<1x1000x128xf32, #tpu.memory_space<hbm>>
        %dma_wait3A_36 = tpu.memref_squeeze %dma_wait3A_35 : memref<1x1000x128xf32, #tpu.memory_space<hbm>> -> memref<1000x128xf32, #tpu.memory_space<hbm>>
        %dma_wait3A_37 = arith.constant 0 : i32
        %dma_wait3A_38 = tpu.memref_slice %arg12[%mul3A_2, %dma_wait3A_37] : memref<10000x128xf32, #tpu.memory_space<vmem_shared>> -> memref<1000x128xf32, #tpu.memory_space<vmem_shared>>
        tpu.wait_dma2 semaphore(%run_scoped3A : memref<!tpu.dma_semaphore, #tpu.memory_space<semaphore_mem>>) src(%dma_wait3A_38 : memref<1000x128xf32, #tpu.memory_space<vmem_shared>>) dst(%dma_wait3A_36 : memref<1000x128xf32, #tpu.memory_space<hbm>>)
        tpu.yield
      }) : () -> ()
    } else {
    }
    return
  }
}

#map = affine_map<(d0, d1) -> (0, 0)>
#map1 = affine_map<(d0, d1) -> (0, 0, 0, 0)>
#map2 = affine_map<(d0, d1) -> (0, 0, 0)>
module attributes {stable_mosaic.version = 14 : i64} {
  func.func @body(%arg0: i32, %arg1: i32, %arg2: memref<10000x128xf32, #tpu.memory_space<hbm>>, %arg3: memref<2x32x80x125xi32, #tpu.memory_space<hbm>>, %arg4: memref<1000x128xf32, #tpu.memory_space<hbm>>, %arg5: memref<2x10000x128xf32, #tpu.memory_space<hbm>>, %arg6: memref<8x125xi32, #tpu.memory_space<vmem>>, %arg7: memref<8x125xi32, #tpu.memory_space<vmem>>, %arg8: memref<8x125xi32, #tpu.memory_space<vmem>>, %arg9: memref<8x125xi32, #tpu.memory_space<vmem>>, %arg10: memref<125x128xf32, #tpu.memory_space<vmem>>, %arg11: memref<125x128xf32, #tpu.memory_space<vmem>>, %arg12: memref<10000x128xf32, #tpu.memory_space<vmem_shared>>, %arg13: memref<!tpu.dma_semaphore, #tpu.memory_space<semaphore_mem>>, %arg14: memref<!tpu.dma_semaphore, #tpu.memory_space<semaphore_mem>>, %arg15: memref<!tpu.dma_semaphore, #tpu.memory_space<semaphore_mem>>, %arg16: memref<!tpu.dma_semaphore, #tpu.memory_space<semaphore_mem>>, %arg17: memref<!tpu.dma_semaphore, #tpu.memory_space<semaphore_mem>>, %arg18: memref<!tpu.dma_semaphore, #tpu.memory_space<semaphore_mem>>) attributes {dimension_semantics = [#tpu.dimension_semantics<core_parallel>, #tpu.dimension_semantics<subcore_parallel>], iteration_bounds = array<i64: 2, 16>, scalar_prefetch = 0 : i64, scratch_operands = 13 : i64, tpu.core_type = #tpu.core_type<sc_vector_subcore>, window_params = [{transform_indices = #map}, {transform_indices = #map1}, {transform_indices = #map}, {transform_indices = #map2}]} {
    %mul3A = arith.constant 16 : i32
    %mul3A_0 = arith.muli %arg0, %mul3A : i32
    %add3A = arith.addi %mul3A_0, %arg1 : i32
    %mul3A_1 = arith.constant 1000 : i32
    %mul3A_2 = arith.muli %arg1, %mul3A_1 : i32
    %lt3A = arith.constant 10 : i32
    %lt3A_3 = arith.cmpi slt, %arg1, %lt3A : i32
    %convert_element_type3A = arith.extui %lt3A_3 : i1 to i32
    %cond3A = arith.constant 0 : i32
    %cond3A_4 = arith.cmpi ne, %convert_element_type3A, %cond3A : i32
    scf.if %cond3A_4 {
      "tpu.region"() ({
        %run_scoped3A = tpu.sem_alloc : memref<!tpu.dma_semaphore, #tpu.memory_space<semaphore_mem>>
        %dma_start3A_30 = arith.constant 0 : i32
        %dma_start3A_31 = tpu.memref_slice %arg12[%mul3A_2, %dma_start3A_30] : memref<10000x128xf32, #tpu.memory_space<vmem_shared>> -> memref<1000x128xf32, #tpu.memory_space<vmem_shared>>
        tpu.enqueue_dma source(%arg4 : memref<1000x128xf32, #tpu.memory_space<hbm>>) target(%dma_start3A_31 : memref<1000x128xf32, #tpu.memory_space<vmem_shared>>) target_semaphore(%run_scoped3A : memref<!tpu.dma_semaphore, #tpu.memory_space<semaphore_mem>>)
        %dma_wait3A = arith.constant 0 : i32
        %dma_wait3A_32 = tpu.memref_slice %arg12[%mul3A_2, %dma_wait3A] : memref<10000x128xf32, #tpu.memory_space<vmem_shared>> -> memref<1000x128xf32, #tpu.memory_space<vmem_shared>>
        tpu.wait_dma2 semaphore(%run_scoped3A : memref<!tpu.dma_semaphore, #tpu.memory_space<semaphore_mem>>) src(%arg4 : memref<1000x128xf32, #tpu.memory_space<hbm>>) dst(%dma_wait3A_32 : memref<1000x128xf32, #tpu.memory_space<vmem_shared>>)
        tpu.yield
      }) : () -> ()
    } else {
    }
    %multiple_of3A = arith.constant 0 : i32
    %multiple_of3A_5 = tpu.assume_multiple %multiple_of3A, 8 : i32
    %dma_start3A = arith.constant 0 : i32
    %dma_start3A_6 = arith.constant 0 : i32
    %dma_start3A_7 = tpu.memref_slice %arg3[%dma_start3A, %add3A, %multiple_of3A_5, %dma_start3A_6] : memref<2x32x80x125xi32, #tpu.memory_space<hbm>> -> memref<1x1x8x125xi32, #tpu.memory_space<hbm>>
    %dma_start3A_8 = tpu.memref_squeeze %dma_start3A_7 : memref<1x1x8x125xi32, #tpu.memory_space<hbm>> -> memref<8x125xi32, #tpu.memory_space<hbm>>
    %dma_start3A_9 = arith.constant 0 : i32
    %dma_start3A_10 = tpu.memref_slice %arg3[%dma_start3A, %add3A, %multiple_of3A_5, %dma_start3A_9] : memref<2x32x80x125xi32, #tpu.memory_space<hbm>> -> memref<1x1x8x125xi32, #tpu.memory_space<hbm>>
    %dma_start3A_11 = tpu.memref_squeeze %dma_start3A_10 : memref<1x1x8x125xi32, #tpu.memory_space<hbm>> -> memref<8x125xi32, #tpu.memory_space<hbm>>
    tpu.enqueue_dma source(%dma_start3A_11 : memref<8x125xi32, #tpu.memory_space<hbm>>) target(%arg6 : memref<8x125xi32, #tpu.memory_space<vmem>>) target_semaphore(%arg15 : memref<!tpu.dma_semaphore, #tpu.memory_space<semaphore_mem>>)
    %dma_start3A_12 = arith.constant 1 : i32
    %dma_start3A_13 = arith.constant 0 : i32
    %dma_start3A_14 = tpu.memref_slice %arg3[%dma_start3A_12, %add3A, %multiple_of3A_5, %dma_start3A_13] : memref<2x32x80x125xi32, #tpu.memory_space<hbm>> -> memref<1x1x8x125xi32, #tpu.memory_space<hbm>>
    %dma_start3A_15 = tpu.memref_squeeze %dma_start3A_14 : memref<1x1x8x125xi32, #tpu.memory_space<hbm>> -> memref<8x125xi32, #tpu.memory_space<hbm>>
    %dma_start3A_16 = arith.constant 0 : i32
    %dma_start3A_17 = tpu.memref_slice %arg3[%dma_start3A_12, %add3A, %multiple_of3A_5, %dma_start3A_16] : memref<2x32x80x125xi32, #tpu.memory_space<hbm>> -> memref<1x1x8x125xi32, #tpu.memory_space<hbm>>
    %dma_start3A_18 = tpu.memref_squeeze %dma_start3A_17 : memref<1x1x8x125xi32, #tpu.memory_space<hbm>> -> memref<8x125xi32, #tpu.memory_space<hbm>>
    tpu.enqueue_dma source(%dma_start3A_18 : memref<8x125xi32, #tpu.memory_space<hbm>>) target(%arg8 : memref<8x125xi32, #tpu.memory_space<vmem>>) target_semaphore(%arg15 : memref<!tpu.dma_semaphore, #tpu.memory_space<semaphore_mem>>)
    %barrier3A = arith.constant 0 : index
    tpu.barrier barrier_id(%barrier3A)
    %scan3A = arith.constant 0 : i32
    %scan3A_19 = arith.constant 0 : i32
    %scan3A_20 = arith.constant 5 : i32
    %scan3A_21 = arith.addi %scan3A_19, %scan3A_20 : i32
    %scan3A_22 = arith.constant 1 : i32
    scf.for %scan3A_30 = %scan3A_19 to %scan3A_21 step %scan3A_22  : i32 {
      %mul3A_31 = arith.constant 2 : i32
      %mul3A_32 = arith.muli %mul3A_31, %scan3A_30 : i32
      %add3A_33 = arith.constant 1 : i32
      %add3A_34 = arith.addi %mul3A_32, %add3A_33 : i32
      %mul3A_35 = arith.constant 8 : i32
      %mul3A_36 = arith.muli %add3A_34, %mul3A_35 : i32
      %multiple_of3A_37 = tpu.assume_multiple %mul3A_36, 8 : i32
      %dma_start3A_38 = arith.constant 0 : i32
      %dma_start3A_39 = arith.constant 0 : i32
      %dma_start3A_40 = tpu.memref_slice %arg3[%dma_start3A_38, %add3A, %multiple_of3A_37, %dma_start3A_39] : memref<2x32x80x125xi32, #tpu.memory_space<hbm>> -> memref<1x1x8x125xi32, #tpu.memory_space<hbm>>
      %dma_start3A_41 = tpu.memref_squeeze %dma_start3A_40 : memref<1x1x8x125xi32, #tpu.memory_space<hbm>> -> memref<8x125xi32, #tpu.memory_space<hbm>>
      %dma_start3A_42 = arith.constant 0 : i32
      %dma_start3A_43 = tpu.memref_slice %arg3[%dma_start3A_38, %add3A, %multiple_of3A_37, %dma_start3A_42] : memref<2x32x80x125xi32, #tpu.memory_space<hbm>> -> memref<1x1x8x125xi32, #tpu.memory_space<hbm>>
      %dma_start3A_44 = tpu.memref_squeeze %dma_start3A_43 : memref<1x1x8x125xi32, #tpu.memory_space<hbm>> -> memref<8x125xi32, #tpu.memory_space<hbm>>
      tpu.enqueue_dma source(%dma_start3A_44 : memref<8x125xi32, #tpu.memory_space<hbm>>) target(%arg7 : memref<8x125xi32, #tpu.memory_space<vmem>>) target_semaphore(%arg16 : memref<!tpu.dma_semaphore, #tpu.memory_space<semaphore_mem>>)
      %dma_start3A_45 = arith.constant 1 : i32
      %dma_start3A_46 = arith.constant 0 : i32
      %dma_start3A_47 = tpu.memref_slice %arg3[%dma_start3A_45, %add3A, %multiple_of3A_37, %dma_start3A_46] : memref<2x32x80x125xi32, #tpu.memory_space<hbm>> -> memref<1x1x8x125xi32, #tpu.memory_space<hbm>>
      %dma_start3A_48 = tpu.memref_squeeze %dma_start3A_47 : memref<1x1x8x125xi32, #tpu.memory_space<hbm>> -> memref<8x125xi32, #tpu.memory_space<hbm>>
      %dma_start3A_49 = arith.constant 0 : i32
      %dma_start3A_50 = tpu.memref_slice %arg3[%dma_start3A_45, %add3A, %multiple_of3A_37, %dma_start3A_49] : memref<2x32x80x125xi32, #tpu.memory_space<hbm>> -> memref<1x1x8x125xi32, #tpu.memory_space<hbm>>
      %dma_start3A_51 = tpu.memref_squeeze %dma_start3A_50 : memref<1x1x8x125xi32, #tpu.memory_space<hbm>> -> memref<8x125xi32, #tpu.memory_space<hbm>>
      tpu.enqueue_dma source(%dma_start3A_51 : memref<8x125xi32, #tpu.memory_space<hbm>>) target(%arg9 : memref<8x125xi32, #tpu.memory_space<vmem>>) target_semaphore(%arg16 : memref<!tpu.dma_semaphore, #tpu.memory_space<semaphore_mem>>)
      %mul3A_52 = arith.constant 8 : i32
      %mul3A_53 = arith.muli %mul3A_32, %mul3A_52 : i32
      %multiple_of3A_54 = tpu.assume_multiple %mul3A_53, 8 : i32
      %dma_wait3A = arith.constant 0 : i32
      %dma_wait3A_55 = arith.constant 0 : i32
      %dma_wait3A_56 = tpu.memref_slice %arg3[%dma_wait3A, %add3A, %multiple_of3A_54, %dma_wait3A_55] : memref<2x32x80x125xi32, #tpu.memory_space<hbm>> -> memref<1x1x8x125xi32, #tpu.memory_space<hbm>>
      %dma_wait3A_57 = tpu.memref_squeeze %dma_wait3A_56 : memref<1x1x8x125xi32, #tpu.memory_space<hbm>> -> memref<8x125xi32, #tpu.memory_space<hbm>>
      %dma_wait3A_58 = arith.constant 0 : i32
      %dma_wait3A_59 = tpu.memref_slice %arg3[%dma_wait3A, %add3A, %multiple_of3A_54, %dma_wait3A_58] : memref<2x32x80x125xi32, #tpu.memory_space<hbm>> -> memref<1x1x8x125xi32, #tpu.memory_space<hbm>>
      %dma_wait3A_60 = tpu.memref_squeeze %dma_wait3A_59 : memref<1x1x8x125xi32, #tpu.memory_space<hbm>> -> memref<8x125xi32, #tpu.memory_space<hbm>>
      tpu.wait_dma2 semaphore(%arg15 : memref<!tpu.dma_semaphore, #tpu.memory_space<semaphore_mem>>) src(%dma_wait3A_60 : memref<8x125xi32, #tpu.memory_space<hbm>>) dst(%arg6 : memref<8x125xi32, #tpu.memory_space<vmem>>)
      %dma_wait3A_61 = arith.constant 1 : i32
      %dma_wait3A_62 = arith.constant 0 : i32
      %dma_wait3A_63 = tpu.memref_slice %arg3[%dma_wait3A_61, %add3A, %multiple_of3A_54, %dma_wait3A_62] : memref<2x32x80x125xi32, #tpu.memory_space<hbm>> -> memref<1x1x8x125xi32, #tpu.memory_space<hbm>>
      %dma_wait3A_64 = tpu.memref_squeeze %dma_wait3A_63 : memref<1x1x8x125xi32, #tpu.memory_space<hbm>> -> memref<8x125xi32, #tpu.memory_space<hbm>>
      %dma_wait3A_65 = arith.constant 0 : i32
      %dma_wait3A_66 = tpu.memref_slice %arg3[%dma_wait3A_61, %add3A, %multiple_of3A_54, %dma_wait3A_65] : memref<2x32x80x125xi32, #tpu.memory_space<hbm>> -> memref<1x1x8x125xi32, #tpu.memory_space<hbm>>
      %dma_wait3A_67 = tpu.memref_squeeze %dma_wait3A_66 : memref<1x1x8x125xi32, #tpu.memory_space<hbm>> -> memref<8x125xi32, #tpu.memory_space<hbm>>
      tpu.wait_dma2 semaphore(%arg15 : memref<!tpu.dma_semaphore, #tpu.memory_space<semaphore_mem>>) src(%dma_wait3A_67 : memref<8x125xi32, #tpu.memory_space<hbm>>) dst(%arg8 : memref<8x125xi32, #tpu.memory_space<vmem>>)
      %dma_start3A_68 = arith.constant 0 : i32
      %dma_start3A_69 = arith.constant 0 : i32
      %dma_start3A_70 = tpu.memref_slice %arg6[%dma_start3A_68, %dma_start3A_69] : memref<8x125xi32, #tpu.memory_space<vmem>> -> memref<1x125xi32, #tpu.memory_space<vmem>>
      %dma_start3A_71 = tpu.memref_squeeze %dma_start3A_70 : memref<1x125xi32, #tpu.memory_space<vmem>> -> memref<125xi32, #tpu.memory_space<vmem>>
      %dma_start3A_72 = arith.constant 0 : i32
      %dma_start3A_73 = arith.constant 0 : i32
      %dma_start3A_74 = tpu.memref_slice %arg2[%dma_start3A_72, %dma_start3A_73] : memref<10000x128xf32, #tpu.memory_space<hbm>> -> memref<10000x128xf32, #tpu.memory_space<hbm>>
      tpu.enqueue_indirect_dma source(%dma_start3A_74 : memref<10000x128xf32, #tpu.memory_space<hbm>>) target(%arg10 : memref<125x128xf32, #tpu.memory_space<vmem>>) offsets(%dma_start3A_71 : memref<125xi32, #tpu.memory_space<vmem>>) semaphore(%arg13 : memref<!tpu.dma_semaphore, #tpu.memory_space<semaphore_mem>>)
      %dma_start3A_75 = arith.constant 1 : i32
      %dma_start3A_76 = arith.constant 0 : i32
      %dma_start3A_77 = tpu.memref_slice %arg6[%dma_start3A_75, %dma_start3A_76] : memref<8x125xi32, #tpu.memory_space<vmem>> -> memref<1x125xi32, #tpu.memory_space<vmem>>
      %dma_start3A_78 = tpu.memref_squeeze %dma_start3A_77 : memref<1x125xi32, #tpu.memory_space<vmem>> -> memref<125xi32, #tpu.memory_space<vmem>>
      %dma_start3A_79 = arith.constant 0 : i32
      %dma_start3A_80 = arith.constant 0 : i32
      %dma_start3A_81 = tpu.memref_slice %arg2[%dma_start3A_79, %dma_start3A_80] : memref<10000x128xf32, #tpu.memory_space<hbm>> -> memref<10000x128xf32, #tpu.memory_space<hbm>>
      tpu.enqueue_indirect_dma source(%dma_start3A_81 : memref<10000x128xf32, #tpu.memory_space<hbm>>) target(%arg11 : memref<125x128xf32, #tpu.memory_space<vmem>>) offsets(%dma_start3A_78 : memref<125xi32, #tpu.memory_space<vmem>>) semaphore(%arg14 : memref<!tpu.dma_semaphore, #tpu.memory_space<semaphore_mem>>)
      %dma_wait3A_82 = arith.constant 0 : i32
      %dma_wait3A_83 = arith.constant 0 : i32
      %dma_wait3A_84 = tpu.memref_slice %arg6[%dma_wait3A_82, %dma_wait3A_83] : memref<8x125xi32, #tpu.memory_space<vmem>> -> memref<1x125xi32, #tpu.memory_space<vmem>>
      %dma_wait3A_85 = tpu.memref_squeeze %dma_wait3A_84 : memref<1x125xi32, #tpu.memory_space<vmem>> -> memref<125xi32, #tpu.memory_space<vmem>>
      %dma_wait3A_86 = arith.constant 0 : i32
      %dma_wait3A_87 = arith.constant 0 : i32
      %dma_wait3A_88 = tpu.memref_slice %arg2[%dma_wait3A_86, %dma_wait3A_87] : memref<10000x128xf32, #tpu.memory_space<hbm>> -> memref<10000x128xf32, #tpu.memory_space<hbm>>
      tpu.wait_indirect_dma semaphore(%arg13 : memref<!tpu.dma_semaphore, #tpu.memory_space<semaphore_mem>>) src(%dma_wait3A_88 : memref<10000x128xf32, #tpu.memory_space<hbm>>) dst(%arg10 : memref<125x128xf32, #tpu.memory_space<vmem>>)
      %dma_start3A_89 = arith.constant 0 : i32
      %dma_start3A_90 = arith.constant 0 : i32
      %dma_start3A_91 = tpu.memref_slice %arg8[%dma_start3A_89, %dma_start3A_90] : memref<8x125xi32, #tpu.memory_space<vmem>> -> memref<1x125xi32, #tpu.memory_space<vmem>>
      %dma_start3A_92 = tpu.memref_squeeze %dma_start3A_91 : memref<1x125xi32, #tpu.memory_space<vmem>> -> memref<125xi32, #tpu.memory_space<vmem>>
      %dma_start3A_93 = arith.constant 0 : i32
      %dma_start3A_94 = arith.constant 0 : i32
      %dma_start3A_95 = tpu.memref_slice %arg12[%dma_start3A_93, %dma_start3A_94] : memref<10000x128xf32, #tpu.memory_space<vmem_shared>> -> memref<10000x128xf32, #tpu.memory_space<vmem_shared>>
      tpu.enqueue_indirect_dma source(%arg10 : memref<125x128xf32, #tpu.memory_space<vmem>>) target(%dma_start3A_95 : memref<10000x128xf32, #tpu.memory_space<vmem_shared>>) offsets(%dma_start3A_92 : memref<125xi32, #tpu.memory_space<vmem>>) semaphore(%arg17 : memref<!tpu.dma_semaphore, #tpu.memory_space<semaphore_mem>>) {add = true}
      %dma_wait3A_96 = arith.constant 0 : i32
      %dma_wait3A_97 = arith.constant 0 : i32
      %dma_wait3A_98 = tpu.memref_slice %arg8[%dma_wait3A_96, %dma_wait3A_97] : memref<8x125xi32, #tpu.memory_space<vmem>> -> memref<1x125xi32, #tpu.memory_space<vmem>>
      %dma_wait3A_99 = tpu.memref_squeeze %dma_wait3A_98 : memref<1x125xi32, #tpu.memory_space<vmem>> -> memref<125xi32, #tpu.memory_space<vmem>>
      %dma_wait3A_100 = arith.constant 0 : i32
      %dma_wait3A_101 = arith.constant 0 : i32
      %dma_wait3A_102 = tpu.memref_slice %arg12[%dma_wait3A_100, %dma_wait3A_101] : memref<10000x128xf32, #tpu.memory_space<vmem_shared>> -> memref<10000x128xf32, #tpu.memory_space<vmem_shared>>
      tpu.wait_indirect_dma semaphore(%arg17 : memref<!tpu.dma_semaphore, #tpu.memory_space<semaphore_mem>>) src(%arg10 : memref<125x128xf32, #tpu.memory_space<vmem>>) dst(%dma_wait3A_102 : memref<10000x128xf32, #tpu.memory_space<vmem_shared>>)
      %dma_start3A_103 = arith.constant 2 : i32
      %dma_start3A_104 = arith.constant 0 : i32
      %dma_start3A_105 = tpu.memref_slice %arg6[%dma_start3A_103, %dma_start3A_104] : memref<8x125xi32, #tpu.memory_space<vmem>> -> memref<1x125xi32, #tpu.memory_space<vmem>>
      %dma_start3A_106 = tpu.memref_squeeze %dma_start3A_105 : memref<1x125xi32, #tpu.memory_space<vmem>> -> memref<125xi32, #tpu.memory_space<vmem>>
      %dma_start3A_107 = arith.constant 0 : i32
      %dma_start3A_108 = arith.constant 0 : i32
      %dma_start3A_109 = tpu.memref_slice %arg2[%dma_start3A_107, %dma_start3A_108] : memref<10000x128xf32, #tpu.memory_space<hbm>> -> memref<10000x128xf32, #tpu.memory_space<hbm>>
      tpu.enqueue_indirect_dma source(%dma_start3A_109 : memref<10000x128xf32, #tpu.memory_space<hbm>>) target(%arg10 : memref<125x128xf32, #tpu.memory_space<vmem>>) offsets(%dma_start3A_106 : memref<125xi32, #tpu.memory_space<vmem>>) semaphore(%arg13 : memref<!tpu.dma_semaphore, #tpu.memory_space<semaphore_mem>>)
      %dma_wait3A_110 = arith.constant 1 : i32
      %dma_wait3A_111 = arith.constant 0 : i32
      %dma_wait3A_112 = tpu.memref_slice %arg6[%dma_wait3A_110, %dma_wait3A_111] : memref<8x125xi32, #tpu.memory_space<vmem>> -> memref<1x125xi32, #tpu.memory_space<vmem>>
      %dma_wait3A_113 = tpu.memref_squeeze %dma_wait3A_112 : memref<1x125xi32, #tpu.memory_space<vmem>> -> memref<125xi32, #tpu.memory_space<vmem>>
      %dma_wait3A_114 = arith.constant 0 : i32
      %dma_wait3A_115 = arith.constant 0 : i32
      %dma_wait3A_116 = tpu.memref_slice %arg2[%dma_wait3A_114, %dma_wait3A_115] : memref<10000x128xf32, #tpu.memory_space<hbm>> -> memref<10000x128xf32, #tpu.memory_space<hbm>>
      tpu.wait_indirect_dma semaphore(%arg14 : memref<!tpu.dma_semaphore, #tpu.memory_space<semaphore_mem>>) src(%dma_wait3A_116 : memref<10000x128xf32, #tpu.memory_space<hbm>>) dst(%arg11 : memref<125x128xf32, #tpu.memory_space<vmem>>)
      %dma_start3A_117 = arith.constant 1 : i32
      %dma_start3A_118 = arith.constant 0 : i32
      %dma_start3A_119 = tpu.memref_slice %arg8[%dma_start3A_117, %dma_start3A_118] : memref<8x125xi32, #tpu.memory_space<vmem>> -> memref<1x125xi32, #tpu.memory_space<vmem>>
      %dma_start3A_120 = tpu.memref_squeeze %dma_start3A_119 : memref<1x125xi32, #tpu.memory_space<vmem>> -> memref<125xi32, #tpu.memory_space<vmem>>
      %dma_start3A_121 = arith.constant 0 : i32
      %dma_start3A_122 = arith.constant 0 : i32
      %dma_start3A_123 = tpu.memref_slice %arg12[%dma_start3A_121, %dma_start3A_122] : memref<10000x128xf32, #tpu.memory_space<vmem_shared>> -> memref<10000x128xf32, #tpu.memory_space<vmem_shared>>
      tpu.enqueue_indirect_dma source(%arg11 : memref<125x128xf32, #tpu.memory_space<vmem>>) target(%dma_start3A_123 : memref<10000x128xf32, #tpu.memory_space<vmem_shared>>) offsets(%dma_start3A_120 : memref<125xi32, #tpu.memory_space<vmem>>) semaphore(%arg18 : memref<!tpu.dma_semaphore, #tpu.memory_space<semaphore_mem>>) {add = true}
      %dma_wait3A_124 = arith.constant 1 : i32
      %dma_wait3A_125 = arith.constant 0 : i32
      %dma_wait3A_126 = tpu.memref_slice %arg8[%dma_wait3A_124, %dma_wait3A_125] : memref<8x125xi32, #tpu.memory_space<vmem>> -> memref<1x125xi32, #tpu.memory_space<vmem>>
      %dma_wait3A_127 = tpu.memref_squeeze %dma_wait3A_126 : memref<1x125xi32, #tpu.memory_space<vmem>> -> memref<125xi32, #tpu.memory_space<vmem>>
      %dma_wait3A_128 = arith.constant 0 : i32
      %dma_wait3A_129 = arith.constant 0 : i32
      %dma_wait3A_130 = tpu.memref_slice %arg12[%dma_wait3A_128, %dma_wait3A_129] : memref<10000x128xf32, #tpu.memory_space<vmem_shared>> -> memref<10000x128xf32, #tpu.memory_space<vmem_shared>>
      tpu.wait_indirect_dma semaphore(%arg18 : memref<!tpu.dma_semaphore, #tpu.memory_space<semaphore_mem>>) src(%arg11 : memref<125x128xf32, #tpu.memory_space<vmem>>) dst(%dma_wait3A_130 : memref<10000x128xf32, #tpu.memory_space<vmem_shared>>)
      %dma_start3A_131 = arith.constant 3 : i32
      %dma_start3A_132 = arith.constant 0 : i32
      %dma_start3A_133 = tpu.memref_slice %arg6[%dma_start3A_131, %dma_start3A_132] : memref<8x125xi32, #tpu.memory_space<vmem>> -> memref<1x125xi32, #tpu.memory_space<vmem>>
      %dma_start3A_134 = tpu.memref_squeeze %dma_start3A_133 : memref<1x125xi32, #tpu.memory_space<vmem>> -> memref<125xi32, #tpu.memory_space<vmem>>
      %dma_start3A_135 = arith.constant 0 : i32
      %dma_start3A_136 = arith.constant 0 : i32
      %dma_start3A_137 = tpu.memref_slice %arg2[%dma_start3A_135, %dma_start3A_136] : memref<10000x128xf32, #tpu.memory_space<hbm>> -> memref<10000x128xf32, #tpu.memory_space<hbm>>
      tpu.enqueue_indirect_dma source(%dma_start3A_137 : memref<10000x128xf32, #tpu.memory_space<hbm>>) target(%arg11 : memref<125x128xf32, #tpu.memory_space<vmem>>) offsets(%dma_start3A_134 : memref<125xi32, #tpu.memory_space<vmem>>) semaphore(%arg14 : memref<!tpu.dma_semaphore, #tpu.memory_space<semaphore_mem>>)
      %dma_wait3A_138 = arith.constant 2 : i32
      %dma_wait3A_139 = arith.constant 0 : i32
      %dma_wait3A_140 = tpu.memref_slice %arg6[%dma_wait3A_138, %dma_wait3A_139] : memref<8x125xi32, #tpu.memory_space<vmem>> -> memref<1x125xi32, #tpu.memory_space<vmem>>
      %dma_wait3A_141 = tpu.memref_squeeze %dma_wait3A_140 : memref<1x125xi32, #tpu.memory_space<vmem>> -> memref<125xi32, #tpu.memory_space<vmem>>
      %dma_wait3A_142 = arith.constant 0 : i32
      %dma_wait3A_143 = arith.constant 0 : i32
      %dma_wait3A_144 = tpu.memref_slice %arg2[%dma_wait3A_142, %dma_wait3A_143] : memref<10000x128xf32, #tpu.memory_space<hbm>> -> memref<10000x128xf32, #tpu.memory_space<hbm>>
      tpu.wait_indirect_dma semaphore(%arg13 : memref<!tpu.dma_semaphore, #tpu.memory_space<semaphore_mem>>) src(%dma_wait3A_144 : memref<10000x128xf32, #tpu.memory_space<hbm>>) dst(%arg10 : memref<125x128xf32, #tpu.memory_space<vmem>>)
      %dma_start3A_145 = arith.constant 2 : i32
      %dma_start3A_146 = arith.constant 0 : i32
      %dma_start3A_147 = tpu.memref_slice %arg8[%dma_start3A_145, %dma_start3A_146] : memref<8x125xi32, #tpu.memory_space<vmem>> -> memref<1x125xi32, #tpu.memory_space<vmem>>
      %dma_start3A_148 = tpu.memref_squeeze %dma_start3A_147 : memref<1x125xi32, #tpu.memory_space<vmem>> -> memref<125xi32, #tpu.memory_space<vmem>>
      %dma_start3A_149 = arith.constant 0 : i32
      %dma_start3A_150 = arith.constant 0 : i32
      %dma_start3A_151 = tpu.memref_slice %arg12[%dma_start3A_149, %dma_start3A_150] : memref<10000x128xf32, #tpu.memory_space<vmem_shared>> -> memref<10000x128xf32, #tpu.memory_space<vmem_shared>>
      tpu.enqueue_indirect_dma source(%arg10 : memref<125x128xf32, #tpu.memory_space<vmem>>) target(%dma_start3A_151 : memref<10000x128xf32, #tpu.memory_space<vmem_shared>>) offsets(%dma_start3A_148 : memref<125xi32, #tpu.memory_space<vmem>>) semaphore(%arg17 : memref<!tpu.dma_semaphore, #tpu.memory_space<semaphore_mem>>) {add = true}
      %dma_wait3A_152 = arith.constant 2 : i32
      %dma_wait3A_153 = arith.constant 0 : i32
      %dma_wait3A_154 = tpu.memref_slice %arg8[%dma_wait3A_152, %dma_wait3A_153] : memref<8x125xi32, #tpu.memory_space<vmem>> -> memref<1x125xi32, #tpu.memory_space<vmem>>
      %dma_wait3A_155 = tpu.memref_squeeze %dma_wait3A_154 : memref<1x125xi32, #tpu.memory_space<vmem>> -> memref<125xi32, #tpu.memory_space<vmem>>
      %dma_wait3A_156 = arith.constant 0 : i32
      %dma_wait3A_157 = arith.constant 0 : i32
      %dma_wait3A_158 = tpu.memref_slice %arg12[%dma_wait3A_156, %dma_wait3A_157] : memref<10000x128xf32, #tpu.memory_space<vmem_shared>> -> memref<10000x128xf32, #tpu.memory_space<vmem_shared>>
      tpu.wait_indirect_dma semaphore(%arg17 : memref<!tpu.dma_semaphore, #tpu.memory_space<semaphore_mem>>) src(%arg10 : memref<125x128xf32, #tpu.memory_space<vmem>>) dst(%dma_wait3A_158 : memref<10000x128xf32, #tpu.memory_space<vmem_shared>>)
      %dma_start3A_159 = arith.constant 4 : i32
      %dma_start3A_160 = arith.constant 0 : i32
      %dma_start3A_161 = tpu.memref_slice %arg6[%dma_start3A_159, %dma_start3A_160] : memref<8x125xi32, #tpu.memory_space<vmem>> -> memref<1x125xi32, #tpu.memory_space<vmem>>
      %dma_start3A_162 = tpu.memref_squeeze %dma_start3A_161 : memref<1x125xi32, #tpu.memory_space<vmem>> -> memref<125xi32, #tpu.memory_space<vmem>>
      %dma_start3A_163 = arith.constant 0 : i32
      %dma_start3A_164 = arith.constant 0 : i32
      %dma_start3A_165 = tpu.memref_slice %arg2[%dma_start3A_163, %dma_start3A_164] : memref<10000x128xf32, #tpu.memory_space<hbm>> -> memref<10000x128xf32, #tpu.memory_space<hbm>>
      tpu.enqueue_indirect_dma source(%dma_start3A_165 : memref<10000x128xf32, #tpu.memory_space<hbm>>) target(%arg10 : memref<125x128xf32, #tpu.memory_space<vmem>>) offsets(%dma_start3A_162 : memref<125xi32, #tpu.memory_space<vmem>>) semaphore(%arg13 : memref<!tpu.dma_semaphore, #tpu.memory_space<semaphore_mem>>)
      %dma_wait3A_166 = arith.constant 3 : i32
      %dma_wait3A_167 = arith.constant 0 : i32
      %dma_wait3A_168 = tpu.memref_slice %arg6[%dma_wait3A_166, %dma_wait3A_167] : memref<8x125xi32, #tpu.memory_space<vmem>> -> memref<1x125xi32, #tpu.memory_space<vmem>>
      %dma_wait3A_169 = tpu.memref_squeeze %dma_wait3A_168 : memref<1x125xi32, #tpu.memory_space<vmem>> -> memref<125xi32, #tpu.memory_space<vmem>>
      %dma_wait3A_170 = arith.constant 0 : i32
      %dma_wait3A_171 = arith.constant 0 : i32
      %dma_wait3A_172 = tpu.memref_slice %arg2[%dma_wait3A_170, %dma_wait3A_171] : memref<10000x128xf32, #tpu.memory_space<hbm>> -> memref<10000x128xf32, #tpu.memory_space<hbm>>
      tpu.wait_indirect_dma semaphore(%arg14 : memref<!tpu.dma_semaphore, #tpu.memory_space<semaphore_mem>>) src(%dma_wait3A_172 : memref<10000x128xf32, #tpu.memory_space<hbm>>) dst(%arg11 : memref<125x128xf32, #tpu.memory_space<vmem>>)
      %dma_start3A_173 = arith.constant 3 : i32
      %dma_start3A_174 = arith.constant 0 : i32
      %dma_start3A_175 = tpu.memref_slice %arg8[%dma_start3A_173, %dma_start3A_174] : memref<8x125xi32, #tpu.memory_space<vmem>> -> memref<1x125xi32, #tpu.memory_space<vmem>>
      %dma_start3A_176 = tpu.memref_squeeze %dma_start3A_175 : memref<1x125xi32, #tpu.memory_space<vmem>> -> memref<125xi32, #tpu.memory_space<vmem>>
      %dma_start3A_177 = arith.constant 0 : i32
      %dma_start3A_178 = arith.constant 0 : i32
      %dma_start3A_179 = tpu.memref_slice %arg12[%dma_start3A_177, %dma_start3A_178] : memref<10000x128xf32, #tpu.memory_space<vmem_shared>> -> memref<10000x128xf32, #tpu.memory_space<vmem_shared>>
      tpu.enqueue_indirect_dma source(%arg11 : memref<125x128xf32, #tpu.memory_space<vmem>>) target(%dma_start3A_179 : memref<10000x128xf32, #tpu.memory_space<vmem_shared>>) offsets(%dma_start3A_176 : memref<125xi32, #tpu.memory_space<vmem>>) semaphore(%arg18 : memref<!tpu.dma_semaphore, #tpu.memory_space<semaphore_mem>>) {add = true}
      %dma_wait3A_180 = arith.constant 3 : i32
      %dma_wait3A_181 = arith.constant 0 : i32
      %dma_wait3A_182 = tpu.memref_slice %arg8[%dma_wait3A_180, %dma_wait3A_181] : memref<8x125xi32, #tpu.memory_space<vmem>> -> memref<1x125xi32, #tpu.memory_space<vmem>>
      %dma_wait3A_183 = tpu.memref_squeeze %dma_wait3A_182 : memref<1x125xi32, #tpu.memory_space<vmem>> -> memref<125xi32, #tpu.memory_space<vmem>>
      %dma_wait3A_184 = arith.constant 0 : i32
      %dma_wait3A_185 = arith.constant 0 : i32
      %dma_wait3A_186 = tpu.memref_slice %arg12[%dma_wait3A_184, %dma_wait3A_185] : memref<10000x128xf32, #tpu.memory_space<vmem_shared>> -> memref<10000x128xf32, #tpu.memory_space<vmem_shared>>
      tpu.wait_indirect_dma semaphore(%arg18 : memref<!tpu.dma_semaphore, #tpu.memory_space<semaphore_mem>>) src(%arg11 : memref<125x128xf32, #tpu.memory_space<vmem>>) dst(%dma_wait3A_186 : memref<10000x128xf32, #tpu.memory_space<vmem_shared>>)
      %dma_start3A_187 = arith.constant 5 : i32
      %dma_start3A_188 = arith.constant 0 : i32
      %dma_start3A_189 = tpu.memref_slice %arg6[%dma_start3A_187, %dma_start3A_188] : memref<8x125xi32, #tpu.memory_space<vmem>> -> memref<1x125xi32, #tpu.memory_space<vmem>>
      %dma_start3A_190 = tpu.memref_squeeze %dma_start3A_189 : memref<1x125xi32, #tpu.memory_space<vmem>> -> memref<125xi32, #tpu.memory_space<vmem>>
      %dma_start3A_191 = arith.constant 0 : i32
      %dma_start3A_192 = arith.constant 0 : i32
      %dma_start3A_193 = tpu.memref_slice %arg2[%dma_start3A_191, %dma_start3A_192] : memref<10000x128xf32, #tpu.memory_space<hbm>> -> memref<10000x128xf32, #tpu.memory_space<hbm>>
      tpu.enqueue_indirect_dma source(%dma_start3A_193 : memref<10000x128xf32, #tpu.memory_space<hbm>>) target(%arg11 : memref<125x128xf32, #tpu.memory_space<vmem>>) offsets(%dma_start3A_190 : memref<125xi32, #tpu.memory_space<vmem>>) semaphore(%arg14 : memref<!tpu.dma_semaphore, #tpu.memory_space<semaphore_mem>>)
      %dma_wait3A_194 = arith.constant 4 : i32
      %dma_wait3A_195 = arith.constant 0 : i32
      %dma_wait3A_196 = tpu.memref_slice %arg6[%dma_wait3A_194, %dma_wait3A_195] : memref<8x125xi32, #tpu.memory_space<vmem>> -> memref<1x125xi32, #tpu.memory_space<vmem>>
      %dma_wait3A_197 = tpu.memref_squeeze %dma_wait3A_196 : memref<1x125xi32, #tpu.memory_space<vmem>> -> memref<125xi32, #tpu.memory_space<vmem>>
      %dma_wait3A_198 = arith.constant 0 : i32
      %dma_wait3A_199 = arith.constant 0 : i32
      %dma_wait3A_200 = tpu.memref_slice %arg2[%dma_wait3A_198, %dma_wait3A_199] : memref<10000x128xf32, #tpu.memory_space<hbm>> -> memref<10000x128xf32, #tpu.memory_space<hbm>>
      tpu.wait_indirect_dma semaphore(%arg13 : memref<!tpu.dma_semaphore, #tpu.memory_space<semaphore_mem>>) src(%dma_wait3A_200 : memref<10000x128xf32, #tpu.memory_space<hbm>>) dst(%arg10 : memref<125x128xf32, #tpu.memory_space<vmem>>)
      %dma_start3A_201 = arith.constant 4 : i32
      %dma_start3A_202 = arith.constant 0 : i32
      %dma_start3A_203 = tpu.memref_slice %arg8[%dma_start3A_201, %dma_start3A_202] : memref<8x125xi32, #tpu.memory_space<vmem>> -> memref<1x125xi32, #tpu.memory_space<vmem>>
      %dma_start3A_204 = tpu.memref_squeeze %dma_start3A_203 : memref<1x125xi32, #tpu.memory_space<vmem>> -> memref<125xi32, #tpu.memory_space<vmem>>
      %dma_start3A_205 = arith.constant 0 : i32
      %dma_start3A_206 = arith.constant 0 : i32
      %dma_start3A_207 = tpu.memref_slice %arg12[%dma_start3A_205, %dma_start3A_206] : memref<10000x128xf32, #tpu.memory_space<vmem_shared>> -> memref<10000x128xf32, #tpu.memory_space<vmem_shared>>
      tpu.enqueue_indirect_dma source(%arg10 : memref<125x128xf32, #tpu.memory_space<vmem>>) target(%dma_start3A_207 : memref<10000x128xf32, #tpu.memory_space<vmem_shared>>) offsets(%dma_start3A_204 : memref<125xi32, #tpu.memory_space<vmem>>) semaphore(%arg17 : memref<!tpu.dma_semaphore, #tpu.memory_space<semaphore_mem>>) {add = true}
      %dma_wait3A_208 = arith.constant 4 : i32
      %dma_wait3A_209 = arith.constant 0 : i32
      %dma_wait3A_210 = tpu.memref_slice %arg8[%dma_wait3A_208, %dma_wait3A_209] : memref<8x125xi32, #tpu.memory_space<vmem>> -> memref<1x125xi32, #tpu.memory_space<vmem>>
      %dma_wait3A_211 = tpu.memref_squeeze %dma_wait3A_210 : memref<1x125xi32, #tpu.memory_space<vmem>> -> memref<125xi32, #tpu.memory_space<vmem>>
      %dma_wait3A_212 = arith.constant 0 : i32
      %dma_wait3A_213 = arith.constant 0 : i32
      %dma_wait3A_214 = tpu.memref_slice %arg12[%dma_wait3A_212, %dma_wait3A_213] : memref<10000x128xf32, #tpu.memory_space<vmem_shared>> -> memref<10000x128xf32, #tpu.memory_space<vmem_shared>>
      tpu.wait_indirect_dma semaphore(%arg17 : memref<!tpu.dma_semaphore, #tpu.memory_space<semaphore_mem>>) src(%arg10 : memref<125x128xf32, #tpu.memory_space<vmem>>) dst(%dma_wait3A_214 : memref<10000x128xf32, #tpu.memory_space<vmem_shared>>)
      %dma_start3A_215 = arith.constant 6 : i32
      %dma_start3A_216 = arith.constant 0 : i32
      %dma_start3A_217 = tpu.memref_slice %arg6[%dma_start3A_215, %dma_start3A_216] : memref<8x125xi32, #tpu.memory_space<vmem>> -> memref<1x125xi32, #tpu.memory_space<vmem>>
      %dma_start3A_218 = tpu.memref_squeeze %dma_start3A_217 : memref<1x125xi32, #tpu.memory_space<vmem>> -> memref<125xi32, #tpu.memory_space<vmem>>
      %dma_start3A_219 = arith.constant 0 : i32
      %dma_start3A_220 = arith.constant 0 : i32
      %dma_start3A_221 = tpu.memref_slice %arg2[%dma_start3A_219, %dma_start3A_220] : memref<10000x128xf32, #tpu.memory_space<hbm>> -> memref<10000x128xf32, #tpu.memory_space<hbm>>
      tpu.enqueue_indirect_dma source(%dma_start3A_221 : memref<10000x128xf32, #tpu.memory_space<hbm>>) target(%arg10 : memref<125x128xf32, #tpu.memory_space<vmem>>) offsets(%dma_start3A_218 : memref<125xi32, #tpu.memory_space<vmem>>) semaphore(%arg13 : memref<!tpu.dma_semaphore, #tpu.memory_space<semaphore_mem>>)
      %dma_wait3A_222 = arith.constant 5 : i32
      %dma_wait3A_223 = arith.constant 0 : i32
      %dma_wait3A_224 = tpu.memref_slice %arg6[%dma_wait3A_222, %dma_wait3A_223] : memref<8x125xi32, #tpu.memory_space<vmem>> -> memref<1x125xi32, #tpu.memory_space<vmem>>
      %dma_wait3A_225 = tpu.memref_squeeze %dma_wait3A_224 : memref<1x125xi32, #tpu.memory_space<vmem>> -> memref<125xi32, #tpu.memory_space<vmem>>
      %dma_wait3A_226 = arith.constant 0 : i32
      %dma_wait3A_227 = arith.constant 0 : i32
      %dma_wait3A_228 = tpu.memref_slice %arg2[%dma_wait3A_226, %dma_wait3A_227] : memref<10000x128xf32, #tpu.memory_space<hbm>> -> memref<10000x128xf32, #tpu.memory_space<hbm>>
      tpu.wait_indirect_dma semaphore(%arg14 : memref<!tpu.dma_semaphore, #tpu.memory_space<semaphore_mem>>) src(%dma_wait3A_228 : memref<10000x128xf32, #tpu.memory_space<hbm>>) dst(%arg11 : memref<125x128xf32, #tpu.memory_space<vmem>>)
      %dma_start3A_229 = arith.constant 5 : i32
      %dma_start3A_230 = arith.constant 0 : i32
      %dma_start3A_231 = tpu.memref_slice %arg8[%dma_start3A_229, %dma_start3A_230] : memref<8x125xi32, #tpu.memory_space<vmem>> -> memref<1x125xi32, #tpu.memory_space<vmem>>
      %dma_start3A_232 = tpu.memref_squeeze %dma_start3A_231 : memref<1x125xi32, #tpu.memory_space<vmem>> -> memref<125xi32, #tpu.memory_space<vmem>>
      %dma_start3A_233 = arith.constant 0 : i32
      %dma_start3A_234 = arith.constant 0 : i32
      %dma_start3A_235 = tpu.memref_slice %arg12[%dma_start3A_233, %dma_start3A_234] : memref<10000x128xf32, #tpu.memory_space<vmem_shared>> -> memref<10000x128xf32, #tpu.memory_space<vmem_shared>>
      tpu.enqueue_indirect_dma source(%arg11 : memref<125x128xf32, #tpu.memory_space<vmem>>) target(%dma_start3A_235 : memref<10000x128xf32, #tpu.memory_space<vmem_shared>>) offsets(%dma_start3A_232 : memref<125xi32, #tpu.memory_space<vmem>>) semaphore(%arg18 : memref<!tpu.dma_semaphore, #tpu.memory_space<semaphore_mem>>) {add = true}
      %dma_wait3A_236 = arith.constant 5 : i32
      %dma_wait3A_237 = arith.constant 0 : i32
      %dma_wait3A_238 = tpu.memref_slice %arg8[%dma_wait3A_236, %dma_wait3A_237] : memref<8x125xi32, #tpu.memory_space<vmem>> -> memref<1x125xi32, #tpu.memory_space<vmem>>
      %dma_wait3A_239 = tpu.memref_squeeze %dma_wait3A_238 : memref<1x125xi32, #tpu.memory_space<vmem>> -> memref<125xi32, #tpu.memory_space<vmem>>
      %dma_wait3A_240 = arith.constant 0 : i32
      %dma_wait3A_241 = arith.constant 0 : i32
      %dma_wait3A_242 = tpu.memref_slice %arg12[%dma_wait3A_240, %dma_wait3A_241] : memref<10000x128xf32, #tpu.memory_space<vmem_shared>> -> memref<10000x128xf32, #tpu.memory_space<vmem_shared>>
      tpu.wait_indirect_dma semaphore(%arg18 : memref<!tpu.dma_semaphore, #tpu.memory_space<semaphore_mem>>) src(%arg11 : memref<125x128xf32, #tpu.memory_space<vmem>>) dst(%dma_wait3A_242 : memref<10000x128xf32, #tpu.memory_space<vmem_shared>>)
      %dma_start3A_243 = arith.constant 7 : i32
      %dma_start3A_244 = arith.constant 0 : i32
      %dma_start3A_245 = tpu.memref_slice %arg6[%dma_start3A_243, %dma_start3A_244] : memref<8x125xi32, #tpu.memory_space<vmem>> -> memref<1x125xi32, #tpu.memory_space<vmem>>
      %dma_start3A_246 = tpu.memref_squeeze %dma_start3A_245 : memref<1x125xi32, #tpu.memory_space<vmem>> -> memref<125xi32, #tpu.memory_space<vmem>>
      %dma_start3A_247 = arith.constant 0 : i32
      %dma_start3A_248 = arith.constant 0 : i32
      %dma_start3A_249 = tpu.memref_slice %arg2[%dma_start3A_247, %dma_start3A_248] : memref<10000x128xf32, #tpu.memory_space<hbm>> -> memref<10000x128xf32, #tpu.memory_space<hbm>>
      tpu.enqueue_indirect_dma source(%dma_start3A_249 : memref<10000x128xf32, #tpu.memory_space<hbm>>) target(%arg11 : memref<125x128xf32, #tpu.memory_space<vmem>>) offsets(%dma_start3A_246 : memref<125xi32, #tpu.memory_space<vmem>>) semaphore(%arg14 : memref<!tpu.dma_semaphore, #tpu.memory_space<semaphore_mem>>)
      %dma_wait3A_250 = arith.constant 6 : i32
      %dma_wait3A_251 = arith.constant 0 : i32
      %dma_wait3A_252 = tpu.memref_slice %arg6[%dma_wait3A_250, %dma_wait3A_251] : memref<8x125xi32, #tpu.memory_space<vmem>> -> memref<1x125xi32, #tpu.memory_space<vmem>>
      %dma_wait3A_253 = tpu.memref_squeeze %dma_wait3A_252 : memref<1x125xi32, #tpu.memory_space<vmem>> -> memref<125xi32, #tpu.memory_space<vmem>>
      %dma_wait3A_254 = arith.constant 0 : i32
      %dma_wait3A_255 = arith.constant 0 : i32
      %dma_wait3A_256 = tpu.memref_slice %arg2[%dma_wait3A_254, %dma_wait3A_255] : memref<10000x128xf32, #tpu.memory_space<hbm>> -> memref<10000x128xf32, #tpu.memory_space<hbm>>
      tpu.wait_indirect_dma semaphore(%arg13 : memref<!tpu.dma_semaphore, #tpu.memory_space<semaphore_mem>>) src(%dma_wait3A_256 : memref<10000x128xf32, #tpu.memory_space<hbm>>) dst(%arg10 : memref<125x128xf32, #tpu.memory_space<vmem>>)
      %dma_start3A_257 = arith.constant 6 : i32
      %dma_start3A_258 = arith.constant 0 : i32
      %dma_start3A_259 = tpu.memref_slice %arg8[%dma_start3A_257, %dma_start3A_258] : memref<8x125xi32, #tpu.memory_space<vmem>> -> memref<1x125xi32, #tpu.memory_space<vmem>>
      %dma_start3A_260 = tpu.memref_squeeze %dma_start3A_259 : memref<1x125xi32, #tpu.memory_space<vmem>> -> memref<125xi32, #tpu.memory_space<vmem>>
      %dma_start3A_261 = arith.constant 0 : i32
      %dma_start3A_262 = arith.constant 0 : i32
      %dma_start3A_263 = tpu.memref_slice %arg12[%dma_start3A_261, %dma_start3A_262] : memref<10000x128xf32, #tpu.memory_space<vmem_shared>> -> memref<10000x128xf32, #tpu.memory_space<vmem_shared>>
      tpu.enqueue_indirect_dma source(%arg10 : memref<125x128xf32, #tpu.memory_space<vmem>>) target(%dma_start3A_263 : memref<10000x128xf32, #tpu.memory_space<vmem_shared>>) offsets(%dma_start3A_260 : memref<125xi32, #tpu.memory_space<vmem>>) semaphore(%arg17 : memref<!tpu.dma_semaphore, #tpu.memory_space<semaphore_mem>>) {add = true}
      %dma_wait3A_264 = arith.constant 7 : i32
      %dma_wait3A_265 = arith.constant 0 : i32
      %dma_wait3A_266 = tpu.memref_slice %arg6[%dma_wait3A_264, %dma_wait3A_265] : memref<8x125xi32, #tpu.memory_space<vmem>> -> memref<1x125xi32, #tpu.memory_space<vmem>>
      %dma_wait3A_267 = tpu.memref_squeeze %dma_wait3A_266 : memref<1x125xi32, #tpu.memory_space<vmem>> -> memref<125xi32, #tpu.memory_space<vmem>>
      %dma_wait3A_268 = arith.constant 0 : i32
      %dma_wait3A_269 = arith.constant 0 : i32
      %dma_wait3A_270 = tpu.memref_slice %arg2[%dma_wait3A_268, %dma_wait3A_269] : memref<10000x128xf32, #tpu.memory_space<hbm>> -> memref<10000x128xf32, #tpu.memory_space<hbm>>
      tpu.wait_indirect_dma semaphore(%arg14 : memref<!tpu.dma_semaphore, #tpu.memory_space<semaphore_mem>>) src(%dma_wait3A_270 : memref<10000x128xf32, #tpu.memory_space<hbm>>) dst(%arg11 : memref<125x128xf32, #tpu.memory_space<vmem>>)
      %dma_start3A_271 = arith.constant 7 : i32
      %dma_start3A_272 = arith.constant 0 : i32
      %dma_start3A_273 = tpu.memref_slice %arg8[%dma_start3A_271, %dma_start3A_272] : memref<8x125xi32, #tpu.memory_space<vmem>> -> memref<1x125xi32, #tpu.memory_space<vmem>>
      %dma_start3A_274 = tpu.memref_squeeze %dma_start3A_273 : memref<1x125xi32, #tpu.memory_space<vmem>> -> memref<125xi32, #tpu.memory_space<vmem>>
      %dma_start3A_275 = arith.constant 0 : i32
      %dma_start3A_276 = arith.constant 0 : i32
      %dma_start3A_277 = tpu.memref_slice %arg12[%dma_start3A_275, %dma_start3A_276] : memref<10000x128xf32, #tpu.memory_space<vmem_shared>> -> memref<10000x128xf32, #tpu.memory_space<vmem_shared>>
      tpu.enqueue_indirect_dma source(%arg11 : memref<125x128xf32, #tpu.memory_space<vmem>>) target(%dma_start3A_277 : memref<10000x128xf32, #tpu.memory_space<vmem_shared>>) offsets(%dma_start3A_274 : memref<125xi32, #tpu.memory_space<vmem>>) semaphore(%arg18 : memref<!tpu.dma_semaphore, #tpu.memory_space<semaphore_mem>>) {add = true}
      %dma_wait3A_278 = arith.constant 6 : i32
      %dma_wait3A_279 = arith.constant 0 : i32
      %dma_wait3A_280 = tpu.memref_slice %arg8[%dma_wait3A_278, %dma_wait3A_279] : memref<8x125xi32, #tpu.memory_space<vmem>> -> memref<1x125xi32, #tpu.memory_space<vmem>>
      %dma_wait3A_281 = tpu.memref_squeeze %dma_wait3A_280 : memref<1x125xi32, #tpu.memory_space<vmem>> -> memref<125xi32, #tpu.memory_space<vmem>>
      %dma_wait3A_282 = arith.constant 0 : i32
      %dma_wait3A_283 = arith.constant 0 : i32
      %dma_wait3A_284 = tpu.memref_slice %arg12[%dma_wait3A_282, %dma_wait3A_283] : memref<10000x128xf32, #tpu.memory_space<vmem_shared>> -> memref<10000x128xf32, #tpu.memory_space<vmem_shared>>
      tpu.wait_indirect_dma semaphore(%arg17 : memref<!tpu.dma_semaphore, #tpu.memory_space<semaphore_mem>>) src(%arg10 : memref<125x128xf32, #tpu.memory_space<vmem>>) dst(%dma_wait3A_284 : memref<10000x128xf32, #tpu.memory_space<vmem_shared>>)
      %dma_wait3A_285 = arith.constant 7 : i32
      %dma_wait3A_286 = arith.constant 0 : i32
      %dma_wait3A_287 = tpu.memref_slice %arg8[%dma_wait3A_285, %dma_wait3A_286] : memref<8x125xi32, #tpu.memory_space<vmem>> -> memref<1x125xi32, #tpu.memory_space<vmem>>
      %dma_wait3A_288 = tpu.memref_squeeze %dma_wait3A_287 : memref<1x125xi32, #tpu.memory_space<vmem>> -> memref<125xi32, #tpu.memory_space<vmem>>
      %dma_wait3A_289 = arith.constant 0 : i32
      %dma_wait3A_290 = arith.constant 0 : i32
      %dma_wait3A_291 = tpu.memref_slice %arg12[%dma_wait3A_289, %dma_wait3A_290] : memref<10000x128xf32, #tpu.memory_space<vmem_shared>> -> memref<10000x128xf32, #tpu.memory_space<vmem_shared>>
      tpu.wait_indirect_dma semaphore(%arg18 : memref<!tpu.dma_semaphore, #tpu.memory_space<semaphore_mem>>) src(%arg11 : memref<125x128xf32, #tpu.memory_space<vmem>>) dst(%dma_wait3A_291 : memref<10000x128xf32, #tpu.memory_space<vmem_shared>>)
      %lt3A_292 = arith.constant 4 : i32
      %lt3A_293 = arith.cmpi slt, %scan3A_30, %lt3A_292 : i32
      %convert_element_type3A_294 = arith.extui %lt3A_293 : i1 to i32
      %cond3A_295 = arith.constant 0 : i32
      %cond3A_296 = arith.cmpi ne, %convert_element_type3A_294, %cond3A_295 : i32
      scf.if %cond3A_296 {
        %add3A_540 = arith.constant 2 : i32
        %add3A_541 = arith.addi %mul3A_32, %add3A_540 : i32
        %mul3A_542 = arith.constant 8 : i32
        %mul3A_543 = arith.muli %add3A_541, %mul3A_542 : i32
        %multiple_of3A_544 = tpu.assume_multiple %mul3A_543, 8 : i32
        %dma_start3A_545 = arith.constant 0 : i32
        %dma_start3A_546 = arith.constant 0 : i32
        %dma_start3A_547 = tpu.memref_slice %arg3[%dma_start3A_545, %add3A, %multiple_of3A_544, %dma_start3A_546] : memref<2x32x80x125xi32, #tpu.memory_space<hbm>> -> memref<1x1x8x125xi32, #tpu.memory_space<hbm>>
        %dma_start3A_548 = tpu.memref_squeeze %dma_start3A_547 : memref<1x1x8x125xi32, #tpu.memory_space<hbm>> -> memref<8x125xi32, #tpu.memory_space<hbm>>
        %dma_start3A_549 = arith.constant 0 : i32
        %dma_start3A_550 = tpu.memref_slice %arg3[%dma_start3A_545, %add3A, %multiple_of3A_544, %dma_start3A_549] : memref<2x32x80x125xi32, #tpu.memory_space<hbm>> -> memref<1x1x8x125xi32, #tpu.memory_space<hbm>>
        %dma_start3A_551 = tpu.memref_squeeze %dma_start3A_550 : memref<1x1x8x125xi32, #tpu.memory_space<hbm>> -> memref<8x125xi32, #tpu.memory_space<hbm>>
        tpu.enqueue_dma source(%dma_start3A_551 : memref<8x125xi32, #tpu.memory_space<hbm>>) target(%arg6 : memref<8x125xi32, #tpu.memory_space<vmem>>) target_semaphore(%arg15 : memref<!tpu.dma_semaphore, #tpu.memory_space<semaphore_mem>>)
        %dma_start3A_552 = arith.constant 1 : i32
        %dma_start3A_553 = arith.constant 0 : i32
        %dma_start3A_554 = tpu.memref_slice %arg3[%dma_start3A_552, %add3A, %multiple_of3A_544, %dma_start3A_553] : memref<2x32x80x125xi32, #tpu.memory_space<hbm>> -> memref<1x1x8x125xi32, #tpu.memory_space<hbm>>
        %dma_start3A_555 = tpu.memref_squeeze %dma_start3A_554 : memref<1x1x8x125xi32, #tpu.memory_space<hbm>> -> memref<8x125xi32, #tpu.memory_space<hbm>>
        %dma_start3A_556 = arith.constant 0 : i32
        %dma_start3A_557 = tpu.memref_slice %arg3[%dma_start3A_552, %add3A, %multiple_of3A_544, %dma_start3A_556] : memref<2x32x80x125xi32, #tpu.memory_space<hbm>> -> memref<1x1x8x125xi32, #tpu.memory_space<hbm>>
        %dma_start3A_558 = tpu.memref_squeeze %dma_start3A_557 : memref<1x1x8x125xi32, #tpu.memory_space<hbm>> -> memref<8x125xi32, #tpu.memory_space<hbm>>
        tpu.enqueue_dma source(%dma_start3A_558 : memref<8x125xi32, #tpu.memory_space<hbm>>) target(%arg8 : memref<8x125xi32, #tpu.memory_space<vmem>>) target_semaphore(%arg15 : memref<!tpu.dma_semaphore, #tpu.memory_space<semaphore_mem>>)
      } else {
      }
      %add3A_297 = arith.constant 1 : i32
      %add3A_298 = arith.addi %mul3A_32, %add3A_297 : i32
      %mul3A_299 = arith.constant 8 : i32
      %mul3A_300 = arith.muli %add3A_298, %mul3A_299 : i32
      %multiple_of3A_301 = tpu.assume_multiple %mul3A_300, 8 : i32
      %dma_wait3A_302 = arith.constant 0 : i32
      %dma_wait3A_303 = arith.constant 0 : i32
      %dma_wait3A_304 = tpu.memref_slice %arg3[%dma_wait3A_302, %add3A, %multiple_of3A_301, %dma_wait3A_303] : memref<2x32x80x125xi32, #tpu.memory_space<hbm>> -> memref<1x1x8x125xi32, #tpu.memory_space<hbm>>
      %dma_wait3A_305 = tpu.memref_squeeze %dma_wait3A_304 : memref<1x1x8x125xi32, #tpu.memory_space<hbm>> -> memref<8x125xi32, #tpu.memory_space<hbm>>
      %dma_wait3A_306 = arith.constant 0 : i32
      %dma_wait3A_307 = tpu.memref_slice %arg3[%dma_wait3A_302, %add3A, %multiple_of3A_301, %dma_wait3A_306] : memref<2x32x80x125xi32, #tpu.memory_space<hbm>> -> memref<1x1x8x125xi32, #tpu.memory_space<hbm>>
      %dma_wait3A_308 = tpu.memref_squeeze %dma_wait3A_307 : memref<1x1x8x125xi32, #tpu.memory_space<hbm>> -> memref<8x125xi32, #tpu.memory_space<hbm>>
      tpu.wait_dma2 semaphore(%arg16 : memref<!tpu.dma_semaphore, #tpu.memory_space<semaphore_mem>>) src(%dma_wait3A_308 : memref<8x125xi32, #tpu.memory_space<hbm>>) dst(%arg7 : memref<8x125xi32, #tpu.memory_space<vmem>>)
      %dma_wait3A_309 = arith.constant 1 : i32
      %dma_wait3A_310 = arith.constant 0 : i32
      %dma_wait3A_311 = tpu.memref_slice %arg3[%dma_wait3A_309, %add3A, %multiple_of3A_301, %dma_wait3A_310] : memref<2x32x80x125xi32, #tpu.memory_space<hbm>> -> memref<1x1x8x125xi32, #tpu.memory_space<hbm>>
      %dma_wait3A_312 = tpu.memref_squeeze %dma_wait3A_311 : memref<1x1x8x125xi32, #tpu.memory_space<hbm>> -> memref<8x125xi32, #tpu.memory_space<hbm>>
      %dma_wait3A_313 = arith.constant 0 : i32
      %dma_wait3A_314 = tpu.memref_slice %arg3[%dma_wait3A_309, %add3A, %multiple_of3A_301, %dma_wait3A_313] : memref<2x32x80x125xi32, #tpu.memory_space<hbm>> -> memref<1x1x8x125xi32, #tpu.memory_space<hbm>>
      %dma_wait3A_315 = tpu.memref_squeeze %dma_wait3A_314 : memref<1x1x8x125xi32, #tpu.memory_space<hbm>> -> memref<8x125xi32, #tpu.memory_space<hbm>>
      tpu.wait_dma2 semaphore(%arg16 : memref<!tpu.dma_semaphore, #tpu.memory_space<semaphore_mem>>) src(%dma_wait3A_315 : memref<8x125xi32, #tpu.memory_space<hbm>>) dst(%arg9 : memref<8x125xi32, #tpu.memory_space<vmem>>)
      %dma_start3A_316 = arith.constant 0 : i32
      %dma_start3A_317 = arith.constant 0 : i32
      %dma_start3A_318 = tpu.memref_slice %arg7[%dma_start3A_316, %dma_start3A_317] : memref<8x125xi32, #tpu.memory_space<vmem>> -> memref<1x125xi32, #tpu.memory_space<vmem>>
      %dma_start3A_319 = tpu.memref_squeeze %dma_start3A_318 : memref<1x125xi32, #tpu.memory_space<vmem>> -> memref<125xi32, #tpu.memory_space<vmem>>
      %dma_start3A_320 = arith.constant 0 : i32
      %dma_start3A_321 = arith.constant 0 : i32
      %dma_start3A_322 = tpu.memref_slice %arg2[%dma_start3A_320, %dma_start3A_321] : memref<10000x128xf32, #tpu.memory_space<hbm>> -> memref<10000x128xf32, #tpu.memory_space<hbm>>
      tpu.enqueue_indirect_dma source(%dma_start3A_322 : memref<10000x128xf32, #tpu.memory_space<hbm>>) target(%arg10 : memref<125x128xf32, #tpu.memory_space<vmem>>) offsets(%dma_start3A_319 : memref<125xi32, #tpu.memory_space<vmem>>) semaphore(%arg13 : memref<!tpu.dma_semaphore, #tpu.memory_space<semaphore_mem>>)
      %dma_start3A_323 = arith.constant 1 : i32
      %dma_start3A_324 = arith.constant 0 : i32
      %dma_start3A_325 = tpu.memref_slice %arg7[%dma_start3A_323, %dma_start3A_324] : memref<8x125xi32, #tpu.memory_space<vmem>> -> memref<1x125xi32, #tpu.memory_space<vmem>>
      %dma_start3A_326 = tpu.memref_squeeze %dma_start3A_325 : memref<1x125xi32, #tpu.memory_space<vmem>> -> memref<125xi32, #tpu.memory_space<vmem>>
      %dma_start3A_327 = arith.constant 0 : i32
      %dma_start3A_328 = arith.constant 0 : i32
      %dma_start3A_329 = tpu.memref_slice %arg2[%dma_start3A_327, %dma_start3A_328] : memref<10000x128xf32, #tpu.memory_space<hbm>> -> memref<10000x128xf32, #tpu.memory_space<hbm>>
      tpu.enqueue_indirect_dma source(%dma_start3A_329 : memref<10000x128xf32, #tpu.memory_space<hbm>>) target(%arg11 : memref<125x128xf32, #tpu.memory_space<vmem>>) offsets(%dma_start3A_326 : memref<125xi32, #tpu.memory_space<vmem>>) semaphore(%arg14 : memref<!tpu.dma_semaphore, #tpu.memory_space<semaphore_mem>>)
      %dma_wait3A_330 = arith.constant 0 : i32
      %dma_wait3A_331 = arith.constant 0 : i32
      %dma_wait3A_332 = tpu.memref_slice %arg7[%dma_wait3A_330, %dma_wait3A_331] : memref<8x125xi32, #tpu.memory_space<vmem>> -> memref<1x125xi32, #tpu.memory_space<vmem>>
      %dma_wait3A_333 = tpu.memref_squeeze %dma_wait3A_332 : memref<1x125xi32, #tpu.memory_space<vmem>> -> memref<125xi32, #tpu.memory_space<vmem>>
      %dma_wait3A_334 = arith.constant 0 : i32
      %dma_wait3A_335 = arith.constant 0 : i32
      %dma_wait3A_336 = tpu.memref_slice %arg2[%dma_wait3A_334, %dma_wait3A_335] : memref<10000x128xf32, #tpu.memory_space<hbm>> -> memref<10000x128xf32, #tpu.memory_space<hbm>>
      tpu.wait_indirect_dma semaphore(%arg13 : memref<!tpu.dma_semaphore, #tpu.memory_space<semaphore_mem>>) src(%dma_wait3A_336 : memref<10000x128xf32, #tpu.memory_space<hbm>>) dst(%arg10 : memref<125x128xf32, #tpu.memory_space<vmem>>)
      %dma_start3A_337 = arith.constant 0 : i32
      %dma_start3A_338 = arith.constant 0 : i32
      %dma_start3A_339 = tpu.memref_slice %arg9[%dma_start3A_337, %dma_start3A_338] : memref<8x125xi32, #tpu.memory_space<vmem>> -> memref<1x125xi32, #tpu.memory_space<vmem>>
      %dma_start3A_340 = tpu.memref_squeeze %dma_start3A_339 : memref<1x125xi32, #tpu.memory_space<vmem>> -> memref<125xi32, #tpu.memory_space<vmem>>
      %dma_start3A_341 = arith.constant 0 : i32
      %dma_start3A_342 = arith.constant 0 : i32
      %dma_start3A_343 = tpu.memref_slice %arg12[%dma_start3A_341, %dma_start3A_342] : memref<10000x128xf32, #tpu.memory_space<vmem_shared>> -> memref<10000x128xf32, #tpu.memory_space<vmem_shared>>
      tpu.enqueue_indirect_dma source(%arg10 : memref<125x128xf32, #tpu.memory_space<vmem>>) target(%dma_start3A_343 : memref<10000x128xf32, #tpu.memory_space<vmem_shared>>) offsets(%dma_start3A_340 : memref<125xi32, #tpu.memory_space<vmem>>) semaphore(%arg17 : memref<!tpu.dma_semaphore, #tpu.memory_space<semaphore_mem>>) {add = true}
      %dma_wait3A_344 = arith.constant 0 : i32
      %dma_wait3A_345 = arith.constant 0 : i32
      %dma_wait3A_346 = tpu.memref_slice %arg9[%dma_wait3A_344, %dma_wait3A_345] : memref<8x125xi32, #tpu.memory_space<vmem>> -> memref<1x125xi32, #tpu.memory_space<vmem>>
      %dma_wait3A_347 = tpu.memref_squeeze %dma_wait3A_346 : memref<1x125xi32, #tpu.memory_space<vmem>> -> memref<125xi32, #tpu.memory_space<vmem>>
      %dma_wait3A_348 = arith.constant 0 : i32
      %dma_wait3A_349 = arith.constant 0 : i32
      %dma_wait3A_350 = tpu.memref_slice %arg12[%dma_wait3A_348, %dma_wait3A_349] : memref<10000x128xf32, #tpu.memory_space<vmem_shared>> -> memref<10000x128xf32, #tpu.memory_space<vmem_shared>>
      tpu.wait_indirect_dma semaphore(%arg17 : memref<!tpu.dma_semaphore, #tpu.memory_space<semaphore_mem>>) src(%arg10 : memref<125x128xf32, #tpu.memory_space<vmem>>) dst(%dma_wait3A_350 : memref<10000x128xf32, #tpu.memory_space<vmem_shared>>)
      %dma_start3A_351 = arith.constant 2 : i32
      %dma_start3A_352 = arith.constant 0 : i32
      %dma_start3A_353 = tpu.memref_slice %arg7[%dma_start3A_351, %dma_start3A_352] : memref<8x125xi32, #tpu.memory_space<vmem>> -> memref<1x125xi32, #tpu.memory_space<vmem>>
      %dma_start3A_354 = tpu.memref_squeeze %dma_start3A_353 : memref<1x125xi32, #tpu.memory_space<vmem>> -> memref<125xi32, #tpu.memory_space<vmem>>
      %dma_start3A_355 = arith.constant 0 : i32
      %dma_start3A_356 = arith.constant 0 : i32
      %dma_start3A_357 = tpu.memref_slice %arg2[%dma_start3A_355, %dma_start3A_356] : memref<10000x128xf32, #tpu.memory_space<hbm>> -> memref<10000x128xf32, #tpu.memory_space<hbm>>
      tpu.enqueue_indirect_dma source(%dma_start3A_357 : memref<10000x128xf32, #tpu.memory_space<hbm>>) target(%arg10 : memref<125x128xf32, #tpu.memory_space<vmem>>) offsets(%dma_start3A_354 : memref<125xi32, #tpu.memory_space<vmem>>) semaphore(%arg13 : memref<!tpu.dma_semaphore, #tpu.memory_space<semaphore_mem>>)
      %dma_wait3A_358 = arith.constant 1 : i32
      %dma_wait3A_359 = arith.constant 0 : i32
      %dma_wait3A_360 = tpu.memref_slice %arg7[%dma_wait3A_358, %dma_wait3A_359] : memref<8x125xi32, #tpu.memory_space<vmem>> -> memref<1x125xi32, #tpu.memory_space<vmem>>
      %dma_wait3A_361 = tpu.memref_squeeze %dma_wait3A_360 : memref<1x125xi32, #tpu.memory_space<vmem>> -> memref<125xi32, #tpu.memory_space<vmem>>
      %dma_wait3A_362 = arith.constant 0 : i32
      %dma_wait3A_363 = arith.constant 0 : i32
      %dma_wait3A_364 = tpu.memref_slice %arg2[%dma_wait3A_362, %dma_wait3A_363] : memref<10000x128xf32, #tpu.memory_space<hbm>> -> memref<10000x128xf32, #tpu.memory_space<hbm>>
      tpu.wait_indirect_dma semaphore(%arg14 : memref<!tpu.dma_semaphore, #tpu.memory_space<semaphore_mem>>) src(%dma_wait3A_364 : memref<10000x128xf32, #tpu.memory_space<hbm>>) dst(%arg11 : memref<125x128xf32, #tpu.memory_space<vmem>>)
      %dma_start3A_365 = arith.constant 1 : i32
      %dma_start3A_366 = arith.constant 0 : i32
      %dma_start3A_367 = tpu.memref_slice %arg9[%dma_start3A_365, %dma_start3A_366] : memref<8x125xi32, #tpu.memory_space<vmem>> -> memref<1x125xi32, #tpu.memory_space<vmem>>
      %dma_start3A_368 = tpu.memref_squeeze %dma_start3A_367 : memref<1x125xi32, #tpu.memory_space<vmem>> -> memref<125xi32, #tpu.memory_space<vmem>>
      %dma_start3A_369 = arith.constant 0 : i32
      %dma_start3A_370 = arith.constant 0 : i32
      %dma_start3A_371 = tpu.memref_slice %arg12[%dma_start3A_369, %dma_start3A_370] : memref<10000x128xf32, #tpu.memory_space<vmem_shared>> -> memref<10000x128xf32, #tpu.memory_space<vmem_shared>>
      tpu.enqueue_indirect_dma source(%arg11 : memref<125x128xf32, #tpu.memory_space<vmem>>) target(%dma_start3A_371 : memref<10000x128xf32, #tpu.memory_space<vmem_shared>>) offsets(%dma_start3A_368 : memref<125xi32, #tpu.memory_space<vmem>>) semaphore(%arg18 : memref<!tpu.dma_semaphore, #tpu.memory_space<semaphore_mem>>) {add = true}
      %dma_wait3A_372 = arith.constant 1 : i32
      %dma_wait3A_373 = arith.constant 0 : i32
      %dma_wait3A_374 = tpu.memref_slice %arg9[%dma_wait3A_372, %dma_wait3A_373] : memref<8x125xi32, #tpu.memory_space<vmem>> -> memref<1x125xi32, #tpu.memory_space<vmem>>
      %dma_wait3A_375 = tpu.memref_squeeze %dma_wait3A_374 : memref<1x125xi32, #tpu.memory_space<vmem>> -> memref<125xi32, #tpu.memory_space<vmem>>
      %dma_wait3A_376 = arith.constant 0 : i32
      %dma_wait3A_377 = arith.constant 0 : i32
      %dma_wait3A_378 = tpu.memref_slice %arg12[%dma_wait3A_376, %dma_wait3A_377] : memref<10000x128xf32, #tpu.memory_space<vmem_shared>> -> memref<10000x128xf32, #tpu.memory_space<vmem_shared>>
      tpu.wait_indirect_dma semaphore(%arg18 : memref<!tpu.dma_semaphore, #tpu.memory_space<semaphore_mem>>) src(%arg11 : memref<125x128xf32, #tpu.memory_space<vmem>>) dst(%dma_wait3A_378 : memref<10000x128xf32, #tpu.memory_space<vmem_shared>>)
      %dma_start3A_379 = arith.constant 3 : i32
      %dma_start3A_380 = arith.constant 0 : i32
      %dma_start3A_381 = tpu.memref_slice %arg7[%dma_start3A_379, %dma_start3A_380] : memref<8x125xi32, #tpu.memory_space<vmem>> -> memref<1x125xi32, #tpu.memory_space<vmem>>
      %dma_start3A_382 = tpu.memref_squeeze %dma_start3A_381 : memref<1x125xi32, #tpu.memory_space<vmem>> -> memref<125xi32, #tpu.memory_space<vmem>>
      %dma_start3A_383 = arith.constant 0 : i32
      %dma_start3A_384 = arith.constant 0 : i32
      %dma_start3A_385 = tpu.memref_slice %arg2[%dma_start3A_383, %dma_start3A_384] : memref<10000x128xf32, #tpu.memory_space<hbm>> -> memref<10000x128xf32, #tpu.memory_space<hbm>>
      tpu.enqueue_indirect_dma source(%dma_start3A_385 : memref<10000x128xf32, #tpu.memory_space<hbm>>) target(%arg11 : memref<125x128xf32, #tpu.memory_space<vmem>>) offsets(%dma_start3A_382 : memref<125xi32, #tpu.memory_space<vmem>>) semaphore(%arg14 : memref<!tpu.dma_semaphore, #tpu.memory_space<semaphore_mem>>)
      %dma_wait3A_386 = arith.constant 2 : i32
      %dma_wait3A_387 = arith.constant 0 : i32
      %dma_wait3A_388 = tpu.memref_slice %arg7[%dma_wait3A_386, %dma_wait3A_387] : memref<8x125xi32, #tpu.memory_space<vmem>> -> memref<1x125xi32, #tpu.memory_space<vmem>>
      %dma_wait3A_389 = tpu.memref_squeeze %dma_wait3A_388 : memref<1x125xi32, #tpu.memory_space<vmem>> -> memref<125xi32, #tpu.memory_space<vmem>>
      %dma_wait3A_390 = arith.constant 0 : i32
      %dma_wait3A_391 = arith.constant 0 : i32
      %dma_wait3A_392 = tpu.memref_slice %arg2[%dma_wait3A_390, %dma_wait3A_391] : memref<10000x128xf32, #tpu.memory_space<hbm>> -> memref<10000x128xf32, #tpu.memory_space<hbm>>
      tpu.wait_indirect_dma semaphore(%arg13 : memref<!tpu.dma_semaphore, #tpu.memory_space<semaphore_mem>>) src(%dma_wait3A_392 : memref<10000x128xf32, #tpu.memory_space<hbm>>) dst(%arg10 : memref<125x128xf32, #tpu.memory_space<vmem>>)
      %dma_start3A_393 = arith.constant 2 : i32
      %dma_start3A_394 = arith.constant 0 : i32
      %dma_start3A_395 = tpu.memref_slice %arg9[%dma_start3A_393, %dma_start3A_394] : memref<8x125xi32, #tpu.memory_space<vmem>> -> memref<1x125xi32, #tpu.memory_space<vmem>>
      %dma_start3A_396 = tpu.memref_squeeze %dma_start3A_395 : memref<1x125xi32, #tpu.memory_space<vmem>> -> memref<125xi32, #tpu.memory_space<vmem>>
      %dma_start3A_397 = arith.constant 0 : i32
      %dma_start3A_398 = arith.constant 0 : i32
      %dma_start3A_399 = tpu.memref_slice %arg12[%dma_start3A_397, %dma_start3A_398] : memref<10000x128xf32, #tpu.memory_space<vmem_shared>> -> memref<10000x128xf32, #tpu.memory_space<vmem_shared>>
      tpu.enqueue_indirect_dma source(%arg10 : memref<125x128xf32, #tpu.memory_space<vmem>>) target(%dma_start3A_399 : memref<10000x128xf32, #tpu.memory_space<vmem_shared>>) offsets(%dma_start3A_396 : memref<125xi32, #tpu.memory_space<vmem>>) semaphore(%arg17 : memref<!tpu.dma_semaphore, #tpu.memory_space<semaphore_mem>>) {add = true}
      %dma_wait3A_400 = arith.constant 2 : i32
      %dma_wait3A_401 = arith.constant 0 : i32
      %dma_wait3A_402 = tpu.memref_slice %arg9[%dma_wait3A_400, %dma_wait3A_401] : memref<8x125xi32, #tpu.memory_space<vmem>> -> memref<1x125xi32, #tpu.memory_space<vmem>>
      %dma_wait3A_403 = tpu.memref_squeeze %dma_wait3A_402 : memref<1x125xi32, #tpu.memory_space<vmem>> -> memref<125xi32, #tpu.memory_space<vmem>>
      %dma_wait3A_404 = arith.constant 0 : i32
      %dma_wait3A_405 = arith.constant 0 : i32
      %dma_wait3A_406 = tpu.memref_slice %arg12[%dma_wait3A_404, %dma_wait3A_405] : memref<10000x128xf32, #tpu.memory_space<vmem_shared>> -> memref<10000x128xf32, #tpu.memory_space<vmem_shared>>
      tpu.wait_indirect_dma semaphore(%arg17 : memref<!tpu.dma_semaphore, #tpu.memory_space<semaphore_mem>>) src(%arg10 : memref<125x128xf32, #tpu.memory_space<vmem>>) dst(%dma_wait3A_406 : memref<10000x128xf32, #tpu.memory_space<vmem_shared>>)
      %dma_start3A_407 = arith.constant 4 : i32
      %dma_start3A_408 = arith.constant 0 : i32
      %dma_start3A_409 = tpu.memref_slice %arg7[%dma_start3A_407, %dma_start3A_408] : memref<8x125xi32, #tpu.memory_space<vmem>> -> memref<1x125xi32, #tpu.memory_space<vmem>>
      %dma_start3A_410 = tpu.memref_squeeze %dma_start3A_409 : memref<1x125xi32, #tpu.memory_space<vmem>> -> memref<125xi32, #tpu.memory_space<vmem>>
      %dma_start3A_411 = arith.constant 0 : i32
      %dma_start3A_412 = arith.constant 0 : i32
      %dma_start3A_413 = tpu.memref_slice %arg2[%dma_start3A_411, %dma_start3A_412] : memref<10000x128xf32, #tpu.memory_space<hbm>> -> memref<10000x128xf32, #tpu.memory_space<hbm>>
      tpu.enqueue_indirect_dma source(%dma_start3A_413 : memref<10000x128xf32, #tpu.memory_space<hbm>>) target(%arg10 : memref<125x128xf32, #tpu.memory_space<vmem>>) offsets(%dma_start3A_410 : memref<125xi32, #tpu.memory_space<vmem>>) semaphore(%arg13 : memref<!tpu.dma_semaphore, #tpu.memory_space<semaphore_mem>>)
      %dma_wait3A_414 = arith.constant 3 : i32
      %dma_wait3A_415 = arith.constant 0 : i32
      %dma_wait3A_416 = tpu.memref_slice %arg7[%dma_wait3A_414, %dma_wait3A_415] : memref<8x125xi32, #tpu.memory_space<vmem>> -> memref<1x125xi32, #tpu.memory_space<vmem>>
      %dma_wait3A_417 = tpu.memref_squeeze %dma_wait3A_416 : memref<1x125xi32, #tpu.memory_space<vmem>> -> memref<125xi32, #tpu.memory_space<vmem>>
      %dma_wait3A_418 = arith.constant 0 : i32
      %dma_wait3A_419 = arith.constant 0 : i32
      %dma_wait3A_420 = tpu.memref_slice %arg2[%dma_wait3A_418, %dma_wait3A_419] : memref<10000x128xf32, #tpu.memory_space<hbm>> -> memref<10000x128xf32, #tpu.memory_space<hbm>>
      tpu.wait_indirect_dma semaphore(%arg14 : memref<!tpu.dma_semaphore, #tpu.memory_space<semaphore_mem>>) src(%dma_wait3A_420 : memref<10000x128xf32, #tpu.memory_space<hbm>>) dst(%arg11 : memref<125x128xf32, #tpu.memory_space<vmem>>)
      %dma_start3A_421 = arith.constant 3 : i32
      %dma_start3A_422 = arith.constant 0 : i32
      %dma_start3A_423 = tpu.memref_slice %arg9[%dma_start3A_421, %dma_start3A_422] : memref<8x125xi32, #tpu.memory_space<vmem>> -> memref<1x125xi32, #tpu.memory_space<vmem>>
      %dma_start3A_424 = tpu.memref_squeeze %dma_start3A_423 : memref<1x125xi32, #tpu.memory_space<vmem>> -> memref<125xi32, #tpu.memory_space<vmem>>
      %dma_start3A_425 = arith.constant 0 : i32
      %dma_start3A_426 = arith.constant 0 : i32
      %dma_start3A_427 = tpu.memref_slice %arg12[%dma_start3A_425, %dma_start3A_426] : memref<10000x128xf32, #tpu.memory_space<vmem_shared>> -> memref<10000x128xf32, #tpu.memory_space<vmem_shared>>
      tpu.enqueue_indirect_dma source(%arg11 : memref<125x128xf32, #tpu.memory_space<vmem>>) target(%dma_start3A_427 : memref<10000x128xf32, #tpu.memory_space<vmem_shared>>) offsets(%dma_start3A_424 : memref<125xi32, #tpu.memory_space<vmem>>) semaphore(%arg18 : memref<!tpu.dma_semaphore, #tpu.memory_space<semaphore_mem>>) {add = true}
      %dma_wait3A_428 = arith.constant 3 : i32
      %dma_wait3A_429 = arith.constant 0 : i32
      %dma_wait3A_430 = tpu.memref_slice %arg9[%dma_wait3A_428, %dma_wait3A_429] : memref<8x125xi32, #tpu.memory_space<vmem>> -> memref<1x125xi32, #tpu.memory_space<vmem>>
      %dma_wait3A_431 = tpu.memref_squeeze %dma_wait3A_430 : memref<1x125xi32, #tpu.memory_space<vmem>> -> memref<125xi32, #tpu.memory_space<vmem>>
      %dma_wait3A_432 = arith.constant 0 : i32
      %dma_wait3A_433 = arith.constant 0 : i32
      %dma_wait3A_434 = tpu.memref_slice %arg12[%dma_wait3A_432, %dma_wait3A_433] : memref<10000x128xf32, #tpu.memory_space<vmem_shared>> -> memref<10000x128xf32, #tpu.memory_space<vmem_shared>>
      tpu.wait_indirect_dma semaphore(%arg18 : memref<!tpu.dma_semaphore, #tpu.memory_space<semaphore_mem>>) src(%arg11 : memref<125x128xf32, #tpu.memory_space<vmem>>) dst(%dma_wait3A_434 : memref<10000x128xf32, #tpu.memory_space<vmem_shared>>)
      %dma_start3A_435 = arith.constant 5 : i32
      %dma_start3A_436 = arith.constant 0 : i32
      %dma_start3A_437 = tpu.memref_slice %arg7[%dma_start3A_435, %dma_start3A_436] : memref<8x125xi32, #tpu.memory_space<vmem>> -> memref<1x125xi32, #tpu.memory_space<vmem>>
      %dma_start3A_438 = tpu.memref_squeeze %dma_start3A_437 : memref<1x125xi32, #tpu.memory_space<vmem>> -> memref<125xi32, #tpu.memory_space<vmem>>
      %dma_start3A_439 = arith.constant 0 : i32
      %dma_start3A_440 = arith.constant 0 : i32
      %dma_start3A_441 = tpu.memref_slice %arg2[%dma_start3A_439, %dma_start3A_440] : memref<10000x128xf32, #tpu.memory_space<hbm>> -> memref<10000x128xf32, #tpu.memory_space<hbm>>
      tpu.enqueue_indirect_dma source(%dma_start3A_441 : memref<10000x128xf32, #tpu.memory_space<hbm>>) target(%arg11 : memref<125x128xf32, #tpu.memory_space<vmem>>) offsets(%dma_start3A_438 : memref<125xi32, #tpu.memory_space<vmem>>) semaphore(%arg14 : memref<!tpu.dma_semaphore, #tpu.memory_space<semaphore_mem>>)
      %dma_wait3A_442 = arith.constant 4 : i32
      %dma_wait3A_443 = arith.constant 0 : i32
      %dma_wait3A_444 = tpu.memref_slice %arg7[%dma_wait3A_442, %dma_wait3A_443] : memref<8x125xi32, #tpu.memory_space<vmem>> -> memref<1x125xi32, #tpu.memory_space<vmem>>
      %dma_wait3A_445 = tpu.memref_squeeze %dma_wait3A_444 : memref<1x125xi32, #tpu.memory_space<vmem>> -> memref<125xi32, #tpu.memory_space<vmem>>
      %dma_wait3A_446 = arith.constant 0 : i32
      %dma_wait3A_447 = arith.constant 0 : i32
      %dma_wait3A_448 = tpu.memref_slice %arg2[%dma_wait3A_446, %dma_wait3A_447] : memref<10000x128xf32, #tpu.memory_space<hbm>> -> memref<10000x128xf32, #tpu.memory_space<hbm>>
      tpu.wait_indirect_dma semaphore(%arg13 : memref<!tpu.dma_semaphore, #tpu.memory_space<semaphore_mem>>) src(%dma_wait3A_448 : memref<10000x128xf32, #tpu.memory_space<hbm>>) dst(%arg10 : memref<125x128xf32, #tpu.memory_space<vmem>>)
      %dma_start3A_449 = arith.constant 4 : i32
      %dma_start3A_450 = arith.constant 0 : i32
      %dma_start3A_451 = tpu.memref_slice %arg9[%dma_start3A_449, %dma_start3A_450] : memref<8x125xi32, #tpu.memory_space<vmem>> -> memref<1x125xi32, #tpu.memory_space<vmem>>
      %dma_start3A_452 = tpu.memref_squeeze %dma_start3A_451 : memref<1x125xi32, #tpu.memory_space<vmem>> -> memref<125xi32, #tpu.memory_space<vmem>>
      %dma_start3A_453 = arith.constant 0 : i32
      %dma_start3A_454 = arith.constant 0 : i32
      %dma_start3A_455 = tpu.memref_slice %arg12[%dma_start3A_453, %dma_start3A_454] : memref<10000x128xf32, #tpu.memory_space<vmem_shared>> -> memref<10000x128xf32, #tpu.memory_space<vmem_shared>>
      tpu.enqueue_indirect_dma source(%arg10 : memref<125x128xf32, #tpu.memory_space<vmem>>) target(%dma_start3A_455 : memref<10000x128xf32, #tpu.memory_space<vmem_shared>>) offsets(%dma_start3A_452 : memref<125xi32, #tpu.memory_space<vmem>>) semaphore(%arg17 : memref<!tpu.dma_semaphore, #tpu.memory_space<semaphore_mem>>) {add = true}
      %dma_wait3A_456 = arith.constant 4 : i32
      %dma_wait3A_457 = arith.constant 0 : i32
      %dma_wait3A_458 = tpu.memref_slice %arg9[%dma_wait3A_456, %dma_wait3A_457] : memref<8x125xi32, #tpu.memory_space<vmem>> -> memref<1x125xi32, #tpu.memory_space<vmem>>
      %dma_wait3A_459 = tpu.memref_squeeze %dma_wait3A_458 : memref<1x125xi32, #tpu.memory_space<vmem>> -> memref<125xi32, #tpu.memory_space<vmem>>
      %dma_wait3A_460 = arith.constant 0 : i32
      %dma_wait3A_461 = arith.constant 0 : i32
      %dma_wait3A_462 = tpu.memref_slice %arg12[%dma_wait3A_460, %dma_wait3A_461] : memref<10000x128xf32, #tpu.memory_space<vmem_shared>> -> memref<10000x128xf32, #tpu.memory_space<vmem_shared>>
      tpu.wait_indirect_dma semaphore(%arg17 : memref<!tpu.dma_semaphore, #tpu.memory_space<semaphore_mem>>) src(%arg10 : memref<125x128xf32, #tpu.memory_space<vmem>>) dst(%dma_wait3A_462 : memref<10000x128xf32, #tpu.memory_space<vmem_shared>>)
      %dma_start3A_463 = arith.constant 6 : i32
      %dma_start3A_464 = arith.constant 0 : i32
      %dma_start3A_465 = tpu.memref_slice %arg7[%dma_start3A_463, %dma_start3A_464] : memref<8x125xi32, #tpu.memory_space<vmem>> -> memref<1x125xi32, #tpu.memory_space<vmem>>
      %dma_start3A_466 = tpu.memref_squeeze %dma_start3A_465 : memref<1x125xi32, #tpu.memory_space<vmem>> -> memref<125xi32, #tpu.memory_space<vmem>>
      %dma_start3A_467 = arith.constant 0 : i32
      %dma_start3A_468 = arith.constant 0 : i32
      %dma_start3A_469 = tpu.memref_slice %arg2[%dma_start3A_467, %dma_start3A_468] : memref<10000x128xf32, #tpu.memory_space<hbm>> -> memref<10000x128xf32, #tpu.memory_space<hbm>>
      tpu.enqueue_indirect_dma source(%dma_start3A_469 : memref<10000x128xf32, #tpu.memory_space<hbm>>) target(%arg10 : memref<125x128xf32, #tpu.memory_space<vmem>>) offsets(%dma_start3A_466 : memref<125xi32, #tpu.memory_space<vmem>>) semaphore(%arg13 : memref<!tpu.dma_semaphore, #tpu.memory_space<semaphore_mem>>)
      %dma_wait3A_470 = arith.constant 5 : i32
      %dma_wait3A_471 = arith.constant 0 : i32
      %dma_wait3A_472 = tpu.memref_slice %arg7[%dma_wait3A_470, %dma_wait3A_471] : memref<8x125xi32, #tpu.memory_space<vmem>> -> memref<1x125xi32, #tpu.memory_space<vmem>>
      %dma_wait3A_473 = tpu.memref_squeeze %dma_wait3A_472 : memref<1x125xi32, #tpu.memory_space<vmem>> -> memref<125xi32, #tpu.memory_space<vmem>>
      %dma_wait3A_474 = arith.constant 0 : i32
      %dma_wait3A_475 = arith.constant 0 : i32
      %dma_wait3A_476 = tpu.memref_slice %arg2[%dma_wait3A_474, %dma_wait3A_475] : memref<10000x128xf32, #tpu.memory_space<hbm>> -> memref<10000x128xf32, #tpu.memory_space<hbm>>
      tpu.wait_indirect_dma semaphore(%arg14 : memref<!tpu.dma_semaphore, #tpu.memory_space<semaphore_mem>>) src(%dma_wait3A_476 : memref<10000x128xf32, #tpu.memory_space<hbm>>) dst(%arg11 : memref<125x128xf32, #tpu.memory_space<vmem>>)
      %dma_start3A_477 = arith.constant 5 : i32
      %dma_start3A_478 = arith.constant 0 : i32
      %dma_start3A_479 = tpu.memref_slice %arg9[%dma_start3A_477, %dma_start3A_478] : memref<8x125xi32, #tpu.memory_space<vmem>> -> memref<1x125xi32, #tpu.memory_space<vmem>>
      %dma_start3A_480 = tpu.memref_squeeze %dma_start3A_479 : memref<1x125xi32, #tpu.memory_space<vmem>> -> memref<125xi32, #tpu.memory_space<vmem>>
      %dma_start3A_481 = arith.constant 0 : i32
      %dma_start3A_482 = arith.constant 0 : i32
      %dma_start3A_483 = tpu.memref_slice %arg12[%dma_start3A_481, %dma_start3A_482] : memref<10000x128xf32, #tpu.memory_space<vmem_shared>> -> memref<10000x128xf32, #tpu.memory_space<vmem_shared>>
      tpu.enqueue_indirect_dma source(%arg11 : memref<125x128xf32, #tpu.memory_space<vmem>>) target(%dma_start3A_483 : memref<10000x128xf32, #tpu.memory_space<vmem_shared>>) offsets(%dma_start3A_480 : memref<125xi32, #tpu.memory_space<vmem>>) semaphore(%arg18 : memref<!tpu.dma_semaphore, #tpu.memory_space<semaphore_mem>>) {add = true}
      %dma_wait3A_484 = arith.constant 5 : i32
      %dma_wait3A_485 = arith.constant 0 : i32
      %dma_wait3A_486 = tpu.memref_slice %arg9[%dma_wait3A_484, %dma_wait3A_485] : memref<8x125xi32, #tpu.memory_space<vmem>> -> memref<1x125xi32, #tpu.memory_space<vmem>>
      %dma_wait3A_487 = tpu.memref_squeeze %dma_wait3A_486 : memref<1x125xi32, #tpu.memory_space<vmem>> -> memref<125xi32, #tpu.memory_space<vmem>>
      %dma_wait3A_488 = arith.constant 0 : i32
      %dma_wait3A_489 = arith.constant 0 : i32
      %dma_wait3A_490 = tpu.memref_slice %arg12[%dma_wait3A_488, %dma_wait3A_489] : memref<10000x128xf32, #tpu.memory_space<vmem_shared>> -> memref<10000x128xf32, #tpu.memory_space<vmem_shared>>
      tpu.wait_indirect_dma semaphore(%arg18 : memref<!tpu.dma_semaphore, #tpu.memory_space<semaphore_mem>>) src(%arg11 : memref<125x128xf32, #tpu.memory_space<vmem>>) dst(%dma_wait3A_490 : memref<10000x128xf32, #tpu.memory_space<vmem_shared>>)
      %dma_start3A_491 = arith.constant 7 : i32
      %dma_start3A_492 = arith.constant 0 : i32
      %dma_start3A_493 = tpu.memref_slice %arg7[%dma_start3A_491, %dma_start3A_492] : memref<8x125xi32, #tpu.memory_space<vmem>> -> memref<1x125xi32, #tpu.memory_space<vmem>>
      %dma_start3A_494 = tpu.memref_squeeze %dma_start3A_493 : memref<1x125xi32, #tpu.memory_space<vmem>> -> memref<125xi32, #tpu.memory_space<vmem>>
      %dma_start3A_495 = arith.constant 0 : i32
      %dma_start3A_496 = arith.constant 0 : i32
      %dma_start3A_497 = tpu.memref_slice %arg2[%dma_start3A_495, %dma_start3A_496] : memref<10000x128xf32, #tpu.memory_space<hbm>> -> memref<10000x128xf32, #tpu.memory_space<hbm>>
      tpu.enqueue_indirect_dma source(%dma_start3A_497 : memref<10000x128xf32, #tpu.memory_space<hbm>>) target(%arg11 : memref<125x128xf32, #tpu.memory_space<vmem>>) offsets(%dma_start3A_494 : memref<125xi32, #tpu.memory_space<vmem>>) semaphore(%arg14 : memref<!tpu.dma_semaphore, #tpu.memory_space<semaphore_mem>>)
      %dma_wait3A_498 = arith.constant 6 : i32
      %dma_wait3A_499 = arith.constant 0 : i32
      %dma_wait3A_500 = tpu.memref_slice %arg7[%dma_wait3A_498, %dma_wait3A_499] : memref<8x125xi32, #tpu.memory_space<vmem>> -> memref<1x125xi32, #tpu.memory_space<vmem>>
      %dma_wait3A_501 = tpu.memref_squeeze %dma_wait3A_500 : memref<1x125xi32, #tpu.memory_space<vmem>> -> memref<125xi32, #tpu.memory_space<vmem>>
      %dma_wait3A_502 = arith.constant 0 : i32
      %dma_wait3A_503 = arith.constant 0 : i32
      %dma_wait3A_504 = tpu.memref_slice %arg2[%dma_wait3A_502, %dma_wait3A_503] : memref<10000x128xf32, #tpu.memory_space<hbm>> -> memref<10000x128xf32, #tpu.memory_space<hbm>>
      tpu.wait_indirect_dma semaphore(%arg13 : memref<!tpu.dma_semaphore, #tpu.memory_space<semaphore_mem>>) src(%dma_wait3A_504 : memref<10000x128xf32, #tpu.memory_space<hbm>>) dst(%arg10 : memref<125x128xf32, #tpu.memory_space<vmem>>)
      %dma_start3A_505 = arith.constant 6 : i32
      %dma_start3A_506 = arith.constant 0 : i32
      %dma_start3A_507 = tpu.memref_slice %arg9[%dma_start3A_505, %dma_start3A_506] : memref<8x125xi32, #tpu.memory_space<vmem>> -> memref<1x125xi32, #tpu.memory_space<vmem>>
      %dma_start3A_508 = tpu.memref_squeeze %dma_start3A_507 : memref<1x125xi32, #tpu.memory_space<vmem>> -> memref<125xi32, #tpu.memory_space<vmem>>
      %dma_start3A_509 = arith.constant 0 : i32
      %dma_start3A_510 = arith.constant 0 : i32
      %dma_start3A_511 = tpu.memref_slice %arg12[%dma_start3A_509, %dma_start3A_510] : memref<10000x128xf32, #tpu.memory_space<vmem_shared>> -> memref<10000x128xf32, #tpu.memory_space<vmem_shared>>
      tpu.enqueue_indirect_dma source(%arg10 : memref<125x128xf32, #tpu.memory_space<vmem>>) target(%dma_start3A_511 : memref<10000x128xf32, #tpu.memory_space<vmem_shared>>) offsets(%dma_start3A_508 : memref<125xi32, #tpu.memory_space<vmem>>) semaphore(%arg17 : memref<!tpu.dma_semaphore, #tpu.memory_space<semaphore_mem>>) {add = true}
      %dma_wait3A_512 = arith.constant 7 : i32
      %dma_wait3A_513 = arith.constant 0 : i32
      %dma_wait3A_514 = tpu.memref_slice %arg7[%dma_wait3A_512, %dma_wait3A_513] : memref<8x125xi32, #tpu.memory_space<vmem>> -> memref<1x125xi32, #tpu.memory_space<vmem>>
      %dma_wait3A_515 = tpu.memref_squeeze %dma_wait3A_514 : memref<1x125xi32, #tpu.memory_space<vmem>> -> memref<125xi32, #tpu.memory_space<vmem>>
      %dma_wait3A_516 = arith.constant 0 : i32
      %dma_wait3A_517 = arith.constant 0 : i32
      %dma_wait3A_518 = tpu.memref_slice %arg2[%dma_wait3A_516, %dma_wait3A_517] : memref<10000x128xf32, #tpu.memory_space<hbm>> -> memref<10000x128xf32, #tpu.memory_space<hbm>>
      tpu.wait_indirect_dma semaphore(%arg14 : memref<!tpu.dma_semaphore, #tpu.memory_space<semaphore_mem>>) src(%dma_wait3A_518 : memref<10000x128xf32, #tpu.memory_space<hbm>>) dst(%arg11 : memref<125x128xf32, #tpu.memory_space<vmem>>)
      %dma_start3A_519 = arith.constant 7 : i32
      %dma_start3A_520 = arith.constant 0 : i32
      %dma_start3A_521 = tpu.memref_slice %arg9[%dma_start3A_519, %dma_start3A_520] : memref<8x125xi32, #tpu.memory_space<vmem>> -> memref<1x125xi32, #tpu.memory_space<vmem>>
      %dma_start3A_522 = tpu.memref_squeeze %dma_start3A_521 : memref<1x125xi32, #tpu.memory_space<vmem>> -> memref<125xi32, #tpu.memory_space<vmem>>
      %dma_start3A_523 = arith.constant 0 : i32
      %dma_start3A_524 = arith.constant 0 : i32
      %dma_start3A_525 = tpu.memref_slice %arg12[%dma_start3A_523, %dma_start3A_524] : memref<10000x128xf32, #tpu.memory_space<vmem_shared>> -> memref<10000x128xf32, #tpu.memory_space<vmem_shared>>
      tpu.enqueue_indirect_dma source(%arg11 : memref<125x128xf32, #tpu.memory_space<vmem>>) target(%dma_start3A_525 : memref<10000x128xf32, #tpu.memory_space<vmem_shared>>) offsets(%dma_start3A_522 : memref<125xi32, #tpu.memory_space<vmem>>) semaphore(%arg18 : memref<!tpu.dma_semaphore, #tpu.memory_space<semaphore_mem>>) {add = true}
      %dma_wait3A_526 = arith.constant 6 : i32
      %dma_wait3A_527 = arith.constant 0 : i32
      %dma_wait3A_528 = tpu.memref_slice %arg9[%dma_wait3A_526, %dma_wait3A_527] : memref<8x125xi32, #tpu.memory_space<vmem>> -> memref<1x125xi32, #tpu.memory_space<vmem>>
      %dma_wait3A_529 = tpu.memref_squeeze %dma_wait3A_528 : memref<1x125xi32, #tpu.memory_space<vmem>> -> memref<125xi32, #tpu.memory_space<vmem>>
      %dma_wait3A_530 = arith.constant 0 : i32
      %dma_wait3A_531 = arith.constant 0 : i32
      %dma_wait3A_532 = tpu.memref_slice %arg12[%dma_wait3A_530, %dma_wait3A_531] : memref<10000x128xf32, #tpu.memory_space<vmem_shared>> -> memref<10000x128xf32, #tpu.memory_space<vmem_shared>>
      tpu.wait_indirect_dma semaphore(%arg17 : memref<!tpu.dma_semaphore, #tpu.memory_space<semaphore_mem>>) src(%arg10 : memref<125x128xf32, #tpu.memory_space<vmem>>) dst(%dma_wait3A_532 : memref<10000x128xf32, #tpu.memory_space<vmem_shared>>)
      %dma_wait3A_533 = arith.constant 7 : i32
      %dma_wait3A_534 = arith.constant 0 : i32
      %dma_wait3A_535 = tpu.memref_slice %arg9[%dma_wait3A_533, %dma_wait3A_534] : memref<8x125xi32, #tpu.memory_space<vmem>> -> memref<1x125xi32, #tpu.memory_space<vmem>>
      %dma_wait3A_536 = tpu.memref_squeeze %dma_wait3A_535 : memref<1x125xi32, #tpu.memory_space<vmem>> -> memref<125xi32, #tpu.memory_space<vmem>>
      %dma_wait3A_537 = arith.constant 0 : i32
      %dma_wait3A_538 = arith.constant 0 : i32
      %dma_wait3A_539 = tpu.memref_slice %arg12[%dma_wait3A_537, %dma_wait3A_538] : memref<10000x128xf32, #tpu.memory_space<vmem_shared>> -> memref<10000x128xf32, #tpu.memory_space<vmem_shared>>
      tpu.wait_indirect_dma semaphore(%arg18 : memref<!tpu.dma_semaphore, #tpu.memory_space<semaphore_mem>>) src(%arg11 : memref<125x128xf32, #tpu.memory_space<vmem>>) dst(%dma_wait3A_539 : memref<10000x128xf32, #tpu.memory_space<vmem_shared>>)
    }
    %scan3A_23 = arith.constant 5 : i32
    %barrier3A_24 = arith.constant 0 : index
    tpu.barrier barrier_id(%barrier3A_24)
    %lt3A_25 = arith.constant 10 : i32
    %lt3A_26 = arith.cmpi slt, %arg1, %lt3A_25 : i32
    %convert_element_type3A_27 = arith.extui %lt3A_26 : i1 to i32
    %cond3A_28 = arith.constant 0 : i32
    %cond3A_29 = arith.cmpi ne, %convert_element_type3A_27, %cond3A_28 : i32
    scf.if %cond3A_29 {
      "tpu.region"() ({
        %run_scoped3A = tpu.sem_alloc : memref<!tpu.dma_semaphore, #tpu.memory_space<semaphore_mem>>
        %dma_start3A_30 = arith.constant 0 : i32
        %dma_start3A_31 = tpu.memref_slice %arg5[%arg0, %mul3A_2, %dma_start3A_30] : memref<2x10000x128xf32, #tpu.memory_space<hbm>> -> memref<1x1000x128xf32, #tpu.memory_space<hbm>>
        %dma_start3A_32 = tpu.memref_squeeze %dma_start3A_31 : memref<1x1000x128xf32, #tpu.memory_space<hbm>> -> memref<1000x128xf32, #tpu.memory_space<hbm>>
        %dma_start3A_33 = arith.constant 0 : i32
        %dma_start3A_34 = tpu.memref_slice %arg12[%mul3A_2, %dma_start3A_33] : memref<10000x128xf32, #tpu.memory_space<vmem_shared>> -> memref<1000x128xf32, #tpu.memory_space<vmem_shared>>
        tpu.enqueue_dma source(%dma_start3A_34 : memref<1000x128xf32, #tpu.memory_space<vmem_shared>>) target(%dma_start3A_32 : memref<1000x128xf32, #tpu.memory_space<hbm>>) target_semaphore(%run_scoped3A : memref<!tpu.dma_semaphore, #tpu.memory_space<semaphore_mem>>)
        %dma_wait3A = arith.constant 0 : i32
        %dma_wait3A_35 = tpu.memref_slice %arg5[%arg0, %mul3A_2, %dma_wait3A] : memref<2x10000x128xf32, #tpu.memory_space<hbm>> -> memref<1x1000x128xf32, #tpu.memory_space<hbm>>
        %dma_wait3A_36 = tpu.memref_squeeze %dma_wait3A_35 : memref<1x1000x128xf32, #tpu.memory_space<hbm>> -> memref<1000x128xf32, #tpu.memory_space<hbm>>
        %dma_wait3A_37 = arith.constant 0 : i32
        %dma_wait3A_38 = tpu.memref_slice %arg12[%mul3A_2, %dma_wait3A_37] : memref<10000x128xf32, #tpu.memory_space<vmem_shared>> -> memref<1000x128xf32, #tpu.memory_space<vmem_shared>>
        tpu.wait_dma2 semaphore(%run_scoped3A : memref<!tpu.dma_semaphore, #tpu.memory_space<semaphore_mem>>) src(%dma_wait3A_38 : memref<1000x128xf32, #tpu.memory_space<vmem_shared>>) dst(%dma_wait3A_36 : memref<1000x128xf32, #tpu.memory_space<hbm>>)
        tpu.yield
      }) : () -> ()
    } else {
    }
    return
  }
}

module attributes {stable_mosaic.version = 14 : i64} {
  func.func @_msg_body(%arg0: i32, %arg1: memref<2000x128xf32, #tpu.memory_space<vmem>>, %arg2: memref<128x128xf32, #tpu.memory_space<vmem>>, %arg3: memref<1x128xf32, #tpu.memory_space<vmem>>, %arg4: memref<2000x128xf32, #tpu.memory_space<vmem>>) attributes {dimension_semantics = [#tpu.dimension_semantics<arbitrary>], iteration_bounds = array<i64: 5>, scalar_prefetch = 0 : i64, scratch_operands = 0 : i64, tpu.core_type = #tpu.core_type<tc>, window_params = [{transform_indices = @transform_0, window_bounds = array<i64: 2000, 128>}, {pipeline_mode = #tpu.pipeline_mode<synchronous>, transform_indices = @transform_1, window_bounds = array<i64: 128, 128>}, {pipeline_mode = #tpu.pipeline_mode<synchronous>, transform_indices = @transform_2, window_bounds = array<i64: 1, 128>}, {transform_indices = @transform_3, window_bounds = array<i64: 2000, 128>}]} {
    %get3A = arith.constant 0 : index
    %get3A_0 = arith.constant 0 : index
    %get3A_1 = vector.load %arg1[%get3A, %get3A_0] : memref<2000x128xf32, #tpu.memory_space<vmem>>, vector<2000x128xf32>
    %get3A_2 = arith.constant 0 : index
    %get3A_3 = arith.constant 0 : index
    %get3A_4 = vector.load %arg2[%get3A_2, %get3A_3] : memref<128x128xf32, #tpu.memory_space<vmem>>, vector<128x128xf32>
    %dot_general3A = arith.constant dense<0.000000e+00> : vector<2000x128xf32>
    %dot_general3A_5 = tpu.matmul %get3A_1, %get3A_4, %dot_general3A {dimension_numbers = #tpu.dot_dimension_numbers<[1], [0], [0], [1], [0, 0, 1, 1], [], []>, transpose_lhs_hint = false} : vector<2000x128xf32>, vector<128x128xf32>, vector<2000x128xf32> -> vector<2000x128xf32>
    %get3A_6 = arith.constant 0 : index
    %get3A_7 = arith.constant 0 : index
    %get3A_8 = vector.load %arg3[%get3A_6, %get3A_7] : memref<1x128xf32, #tpu.memory_space<vmem>>, vector<1x128xf32>
    %add3A = vector.broadcast %get3A_8 : vector<1x128xf32> to vector<2000x128xf32>
    %add3A_9 = arith.addf %dot_general3A_5, %add3A : vector<2000x128xf32>
    %max3A = arith.constant 0.000000e+00 : f32
    %max3A_10 = vector.broadcast %max3A : f32 to vector<2000x128xf32>
    %max3A_11 = arith.maximumf %add3A_9, %max3A_10 : vector<2000x128xf32>
    %swap3A = arith.constant 0 : index
    %swap3A_12 = arith.constant 0 : index
    %swap3A_13 = vector.load %arg4[%swap3A, %swap3A_12] : memref<2000x128xf32, #tpu.memory_space<vmem>>, vector<2000x128xf32>
    tpu.vector_store %arg4[%swap3A, %swap3A_12], %max3A_11 {strides = array<i32>} : memref<2000x128xf32, #tpu.memory_space<vmem>>, vector<2000x128xf32>,
    return
  }
  func.func @transform_0(%arg0: i32) -> (i32, i32) {
    %c0_i32 = arith.constant 0 : i32
    %c0_i32_0 = arith.constant 0 : i32
    return %arg0, %c0_i32 : i32, i32
  }
  func.func @transform_1(%arg0: i32) -> (i32, i32) {
    %c0_i32 = arith.constant 0 : i32
    %c0_i32_0 = arith.constant 0 : i32
    %c0_i32_1 = arith.constant 0 : i32
    return %c0_i32, %c0_i32_0 : i32, i32
  }
  func.func @transform_2(%arg0: i32) -> (i32, i32) {
    %c0_i32 = arith.constant 0 : i32
    %c0_i32_0 = arith.constant 0 : i32
    %c0_i32_1 = arith.constant 0 : i32
    return %c0_i32, %c0_i32_0 : i32, i32
  }
  func.func @transform_3(%arg0: i32) -> (i32, i32) {
    %c0_i32 = arith.constant 0 : i32
    %c0_i32_0 = arith.constant 0 : i32
    return %arg0, %c0_i32 : i32, i32
  }
}

module attributes {stable_mosaic.version = 14 : i64} {
  func.func @_upd_body(%arg0: i32, %arg1: memref<2000x128xf32, #tpu.memory_space<vmem>>, %arg2: memref<2x2000x128xf32, #tpu.memory_space<vmem>>, %arg3: memref<2x2000x16xf32, #tpu.memory_space<vmem>>, %arg4: memref<256x128xf32, #tpu.memory_space<vmem>>, %arg5: memref<1x128xf32, #tpu.memory_space<vmem>>, %arg6: memref<128x128xf32, #tpu.memory_space<vmem>>, %arg7: memref<1x128xf32, #tpu.memory_space<vmem>>, %arg8: memref<2000x128xf32, #tpu.memory_space<vmem>>, %arg9: memref<2000x128xf32, #tpu.memory_space<vmem>>) attributes {dimension_semantics = [#tpu.dimension_semantics<arbitrary>], iteration_bounds = array<i64: 5>, scalar_prefetch = 0 : i64, scratch_operands = 0 : i64, tpu.core_type = #tpu.core_type<tc>, window_params = [{transform_indices = @transform_0, window_bounds = array<i64: 2000, 128>}, {transform_indices = @transform_1, window_bounds = array<i64: 2, 2000, 128>}, {transform_indices = @transform_2, window_bounds = array<i64: 2, 2000, 16>}, {pipeline_mode = #tpu.pipeline_mode<synchronous>, transform_indices = @transform_3, window_bounds = array<i64: 256, 128>}, {pipeline_mode = #tpu.pipeline_mode<synchronous>, transform_indices = @transform_4, window_bounds = array<i64: 1, 128>}, {pipeline_mode = #tpu.pipeline_mode<synchronous>, transform_indices = @transform_5, window_bounds = array<i64: 128, 128>}, {pipeline_mode = #tpu.pipeline_mode<synchronous>, transform_indices = @transform_6, window_bounds = array<i64: 1, 128>}, {transform_indices = @transform_7, window_bounds = array<i64: 2000, 128>}, {transform_indices = @transform_8, window_bounds = array<i64: 2000, 128>}]} {
    %get3A = arith.constant 0 : index
    %get3A_0 = arith.constant 0 : index
    %get3A_1 = arith.constant 0 : index
    %get3A_2 = vector.load %arg2[%get3A, %get3A_0, %get3A_1] : memref<2x2000x128xf32, #tpu.memory_space<vmem>>, vector<1x2000x128xf32>
    %get3A_3 = vector.shape_cast %get3A_2 : vector<1x2000x128xf32> to vector<2000x128xf32>
    %get3A_4 = arith.constant 1 : index
    %get3A_5 = arith.constant 0 : index
    %get3A_6 = arith.constant 0 : index
    %get3A_7 = vector.load %arg2[%get3A_4, %get3A_5, %get3A_6] : memref<2x2000x128xf32, #tpu.memory_space<vmem>>, vector<1x2000x128xf32>
    %get3A_8 = vector.shape_cast %get3A_7 : vector<1x2000x128xf32> to vector<2000x128xf32>
    %add3A = arith.addf %get3A_3, %get3A_8 : vector<2000x128xf32>
    %get3A_9 = arith.constant 0 : index
    %get3A_10 = arith.constant 0 : index
    %get3A_11 = arith.constant 0 : index
    %get3A_12 = vector.load %arg3[%get3A_9, %get3A_10, %get3A_11] : memref<2x2000x16xf32, #tpu.memory_space<vmem>>, vector<1x2000x1xf32>
    %get3A_13 = vector.shape_cast %get3A_12 : vector<1x2000x1xf32> to vector<2000x1xf32>
    %get3A_14 = arith.constant 1 : index
    %get3A_15 = arith.constant 0 : index
    %get3A_16 = arith.constant 0 : index
    %get3A_17 = vector.load %arg3[%get3A_14, %get3A_15, %get3A_16] : memref<2x2000x16xf32, #tpu.memory_space<vmem>>, vector<1x2000x1xf32>
    %get3A_18 = vector.shape_cast %get3A_17 : vector<1x2000x1xf32> to vector<2000x1xf32>
    %add3A_19 = arith.addf %get3A_13, %get3A_18 : vector<2000x1xf32>
    %gt3A = arith.constant 9.99999974E-6 : f32
    %gt3A_20 = vector.broadcast %gt3A : f32 to vector<2000x1xf32>
    %gt3A_21 = arith.cmpf ogt, %add3A_19, %gt3A_20 : vector<2000x1xf32>
    %jit3A = arith.constant 1.000000e+00 : f32
    %jit3A_22 = arith.constant 0.000000e+00 : f32
    %broadcast_in_dim3A = vector.broadcast %jit3A : f32 to vector<2000x1xf32>
    %broadcast_in_dim3A_23 = vector.broadcast %jit3A_22 : f32 to vector<2000x1xf32>
    %select_n3A = arith.select %gt3A_21, %broadcast_in_dim3A, %broadcast_in_dim3A_23 : vector<2000x1xi1>, vector<2000x1xf32>
    %get3A_24 = arith.constant 0 : index
    %get3A_25 = arith.constant 0 : index
    %get3A_26 = vector.load %arg1[%get3A_24, %get3A_25] : memref<2000x128xf32, #tpu.memory_space<vmem>>, vector<2000x128xf32>
    %get3A_27 = arith.constant 0 : index
    %get3A_28 = arith.constant 0 : index
    %get3A_29 = vector.load %arg4[%get3A_27, %get3A_28] : memref<256x128xf32, #tpu.memory_space<vmem>>, vector<128x128xf32>
    %dot_general3A = arith.constant dense<0.000000e+00> : vector<2000x128xf32>
    %dot_general3A_30 = tpu.matmul %get3A_26, %get3A_29, %dot_general3A {dimension_numbers = #tpu.dot_dimension_numbers<[1], [0], [0], [1], [0, 0, 1, 1], [], []>, transpose_lhs_hint = false} : vector<2000x128xf32>, vector<128x128xf32>, vector<2000x128xf32> -> vector<2000x128xf32>
    %get3A_31 = arith.constant 128 : index
    %get3A_32 = arith.constant 0 : index
    %get3A_33 = vector.load %arg4[%get3A_31, %get3A_32] : memref<256x128xf32, #tpu.memory_space<vmem>>, vector<128x128xf32>
    %dot_general3A_34 = arith.constant dense<0.000000e+00> : vector<2000x128xf32>
    %dot_general3A_35 = tpu.matmul %add3A, %get3A_33, %dot_general3A_34 {dimension_numbers = #tpu.dot_dimension_numbers<[1], [0], [0], [1], [0, 0, 1, 1], [], []>, transpose_lhs_hint = false} : vector<2000x128xf32>, vector<128x128xf32>, vector<2000x128xf32> -> vector<2000x128xf32>
    %add3A_36 = arith.addf %dot_general3A_30, %dot_general3A_35 : vector<2000x128xf32>
    %get3A_37 = arith.constant 0 : index
    %get3A_38 = arith.constant 0 : index
    %get3A_39 = vector.load %arg5[%get3A_37, %get3A_38] : memref<1x128xf32, #tpu.memory_space<vmem>>, vector<1x128xf32>
    %add3A_40 = vector.broadcast %get3A_39 : vector<1x128xf32> to vector<2000x128xf32>
    %add3A_41 = arith.addf %add3A_36, %add3A_40 : vector<2000x128xf32>
    %max3A = arith.constant 0.000000e+00 : f32
    %max3A_42 = vector.broadcast %max3A : f32 to vector<2000x128xf32>
    %max3A_43 = arith.maximumf %add3A_41, %max3A_42 : vector<2000x128xf32>
    %mul3A = vector.broadcast %select_n3A : vector<2000x1xf32> to vector<2000x128xf32>
    %mul3A_44 = arith.mulf %max3A_43, %mul3A : vector<2000x128xf32>
    %swap3A = arith.constant 0 : index
    %swap3A_45 = arith.constant 0 : index
    %swap3A_46 = vector.load %arg8[%swap3A, %swap3A_45] : memref<2000x128xf32, #tpu.memory_space<vmem>>, vector<2000x128xf32>
    tpu.vector_store %arg8[%swap3A, %swap3A_45], %mul3A_44 {strides = array<i32>} : memref<2000x128xf32, #tpu.memory_space<vmem>>, vector<2000x128xf32>,
    %get3A_47 = arith.constant 0 : index
    %get3A_48 = arith.constant 0 : index
    %get3A_49 = vector.load %arg6[%get3A_47, %get3A_48] : memref<128x128xf32, #tpu.memory_space<vmem>>, vector<128x128xf32>
    %dot_general3A_50 = arith.constant dense<0.000000e+00> : vector<2000x128xf32>
    %dot_general3A_51 = tpu.matmul %mul3A_44, %get3A_49, %dot_general3A_50 {dimension_numbers = #tpu.dot_dimension_numbers<[1], [0], [0], [1], [0, 0, 1, 1], [], []>, transpose_lhs_hint = false} : vector<2000x128xf32>, vector<128x128xf32>, vector<2000x128xf32> -> vector<2000x128xf32>
    %get3A_52 = arith.constant 0 : index
    %get3A_53 = arith.constant 0 : index
    %get3A_54 = vector.load %arg7[%get3A_52, %get3A_53] : memref<1x128xf32, #tpu.memory_space<vmem>>, vector<1x128xf32>
    %add3A_55 = vector.broadcast %get3A_54 : vector<1x128xf32> to vector<2000x128xf32>
    %add3A_56 = arith.addf %dot_general3A_51, %add3A_55 : vector<2000x128xf32>
    %max3A_57 = arith.constant 0.000000e+00 : f32
    %max3A_58 = vector.broadcast %max3A_57 : f32 to vector<2000x128xf32>
    %max3A_59 = arith.maximumf %add3A_56, %max3A_58 : vector<2000x128xf32>
    %swap3A_60 = arith.constant 0 : index
    %swap3A_61 = arith.constant 0 : index
    %swap3A_62 = vector.load %arg9[%swap3A_60, %swap3A_61] : memref<2000x128xf32, #tpu.memory_space<vmem>>, vector<2000x128xf32>
    tpu.vector_store %arg9[%swap3A_60, %swap3A_61], %max3A_59 {strides = array<i32>} : memref<2000x128xf32, #tpu.memory_space<vmem>>, vector<2000x128xf32>,
    return
  }
  func.func @transform_0(%arg0: i32) -> (i32, i32) {
    %c0_i32 = arith.constant 0 : i32
    %c0_i32_0 = arith.constant 0 : i32
    return %arg0, %c0_i32 : i32, i32
  }
  func.func @transform_1(%arg0: i32) -> (i32, i32, i32) {
    %c0_i32 = arith.constant 0 : i32
    %c0_i32_0 = arith.constant 0 : i32
    %c0_i32_1 = arith.constant 0 : i32
    return %c0_i32, %arg0, %c0_i32_0 : i32, i32, i32
  }
  func.func @transform_2(%arg0: i32) -> (i32, i32, i32) {
    %c0_i32 = arith.constant 0 : i32
    %c0_i32_0 = arith.constant 0 : i32
    %c0_i32_1 = arith.constant 0 : i32
    return %c0_i32, %arg0, %c0_i32_0 : i32, i32, i32
  }
  func.func @transform_3(%arg0: i32) -> (i32, i32) {
    %c0_i32 = arith.constant 0 : i32
    %c0_i32_0 = arith.constant 0 : i32
    %c0_i32_1 = arith.constant 0 : i32
    return %c0_i32, %c0_i32_0 : i32, i32
  }
  func.func @transform_4(%arg0: i32) -> (i32, i32) {
    %c0_i32 = arith.constant 0 : i32
    %c0_i32_0 = arith.constant 0 : i32
    %c0_i32_1 = arith.constant 0 : i32
    return %c0_i32, %c0_i32_0 : i32, i32
  }
  func.func @transform_5(%arg0: i32) -> (i32, i32) {
    %c0_i32 = arith.constant 0 : i32
    %c0_i32_0 = arith.constant 0 : i32
    %c0_i32_1 = arith.constant 0 : i32
    return %c0_i32, %c0_i32_0 : i32, i32
  }
  func.func @transform_6(%arg0: i32) -> (i32, i32) {
    %c0_i32 = arith.constant 0 : i32
    %c0_i32_0 = arith.constant 0 : i32
    %c0_i32_1 = arith.constant 0 : i32
    return %c0_i32, %c0_i32_0 : i32, i32
  }
  func.func @transform_7(%arg0: i32) -> (i32, i32) {
    %c0_i32 = arith.constant 0 : i32
    %c0_i32_0 = arith.constant 0 : i32
    return %arg0, %c0_i32 : i32, i32
  }
  func.func @transform_8(%arg0: i32) -> (i32, i32) {
    %c0_i32 = arith.constant 0 : i32
    %c0_i32_0 = arith.constant 0 : i32
    return %arg0, %c0_i32 : i32, i32
  }
}

module attributes {stable_mosaic.version = 14 : i64} {
  func.func @_tail_body(%arg0: memref<10000x128xf32, #tpu.memory_space<vmem>>, %arg1: memref<2x10000x128xf32, #tpu.memory_space<vmem>>, %arg2: memref<2x10000x16xf32, #tpu.memory_space<vmem>>, %arg3: memref<256x128xf32, #tpu.memory_space<vmem>>, %arg4: memref<1x128xf32, #tpu.memory_space<vmem>>, %arg5: memref<128x256xf32, #tpu.memory_space<vmem>>, %arg6: memref<1x256xf32, #tpu.memory_space<vmem>>, %arg7: memref<256x128xf32, #tpu.memory_space<vmem>>, %arg8: memref<1x128xf32, #tpu.memory_space<vmem>>, %arg9: memref<8x128xf32, #tpu.memory_space<vmem>>) attributes {dimension_semantics = [], scalar_prefetch = 0 : i64, scratch_operands = 0 : i64, tpu.core_type = #tpu.core_type<tc>} {
    %get3A = arith.constant 0 : index
    %get3A_0 = arith.constant 0 : index
    %get3A_1 = arith.constant 0 : index
    %get3A_2 = vector.load %arg1[%get3A, %get3A_0, %get3A_1] : memref<2x10000x128xf32, #tpu.memory_space<vmem>>, vector<1x10000x128xf32>
    %get3A_3 = vector.shape_cast %get3A_2 : vector<1x10000x128xf32> to vector<10000x128xf32>
    %get3A_4 = arith.constant 1 : index
    %get3A_5 = arith.constant 0 : index
    %get3A_6 = arith.constant 0 : index
    %get3A_7 = vector.load %arg1[%get3A_4, %get3A_5, %get3A_6] : memref<2x10000x128xf32, #tpu.memory_space<vmem>>, vector<1x10000x128xf32>
    %get3A_8 = vector.shape_cast %get3A_7 : vector<1x10000x128xf32> to vector<10000x128xf32>
    %add3A = arith.addf %get3A_3, %get3A_8 : vector<10000x128xf32>
    %get3A_9 = arith.constant 0 : index
    %get3A_10 = arith.constant 0 : index
    %get3A_11 = arith.constant 0 : index
    %get3A_12 = vector.load %arg2[%get3A_9, %get3A_10, %get3A_11] : memref<2x10000x16xf32, #tpu.memory_space<vmem>>, vector<1x10000x1xf32>
    %get3A_13 = vector.shape_cast %get3A_12 : vector<1x10000x1xf32> to vector<10000x1xf32>
    %get3A_14 = arith.constant 1 : index
    %get3A_15 = arith.constant 0 : index
    %get3A_16 = arith.constant 0 : index
    %get3A_17 = vector.load %arg2[%get3A_14, %get3A_15, %get3A_16] : memref<2x10000x16xf32, #tpu.memory_space<vmem>>, vector<1x10000x1xf32>
    %get3A_18 = vector.shape_cast %get3A_17 : vector<1x10000x1xf32> to vector<10000x1xf32>
    %add3A_19 = arith.addf %get3A_13, %get3A_18 : vector<10000x1xf32>
    %gt3A = arith.constant 9.99999974E-6 : f32
    %gt3A_20 = vector.broadcast %gt3A : f32 to vector<10000x1xf32>
    %gt3A_21 = arith.cmpf ogt, %add3A_19, %gt3A_20 : vector<10000x1xf32>
    %jit3A = arith.constant 1.000000e+00 : f32
    %jit3A_22 = arith.constant 0.000000e+00 : f32
    %broadcast_in_dim3A = vector.broadcast %jit3A : f32 to vector<10000x1xf32>
    %broadcast_in_dim3A_23 = vector.broadcast %jit3A_22 : f32 to vector<10000x1xf32>
    %select_n3A = arith.select %gt3A_21, %broadcast_in_dim3A, %broadcast_in_dim3A_23 : vector<10000x1xi1>, vector<10000x1xf32>
    %get3A_24 = arith.constant 0 : index
    %get3A_25 = arith.constant 0 : index
    %get3A_26 = vector.load %arg0[%get3A_24, %get3A_25] : memref<10000x128xf32, #tpu.memory_space<vmem>>, vector<10000x128xf32>
    %get3A_27 = arith.constant 0 : index
    %get3A_28 = arith.constant 0 : index
    %get3A_29 = vector.load %arg3[%get3A_27, %get3A_28] : memref<256x128xf32, #tpu.memory_space<vmem>>, vector<128x128xf32>
    %dot_general3A = arith.constant dense<0.000000e+00> : vector<10000x128xf32>
    %dot_general3A_30 = tpu.matmul %get3A_26, %get3A_29, %dot_general3A {dimension_numbers = #tpu.dot_dimension_numbers<[1], [0], [0], [1], [0, 0, 1, 1], [], []>, transpose_lhs_hint = false} : vector<10000x128xf32>, vector<128x128xf32>, vector<10000x128xf32> -> vector<10000x128xf32>
    %get3A_31 = arith.constant 128 : index
    %get3A_32 = arith.constant 0 : index
    %get3A_33 = vector.load %arg3[%get3A_31, %get3A_32] : memref<256x128xf32, #tpu.memory_space<vmem>>, vector<128x128xf32>
    %dot_general3A_34 = arith.constant dense<0.000000e+00> : vector<10000x128xf32>
    %dot_general3A_35 = tpu.matmul %add3A, %get3A_33, %dot_general3A_34 {dimension_numbers = #tpu.dot_dimension_numbers<[1], [0], [0], [1], [0, 0, 1, 1], [], []>, transpose_lhs_hint = false} : vector<10000x128xf32>, vector<128x128xf32>, vector<10000x128xf32> -> vector<10000x128xf32>
    %add3A_36 = arith.addf %dot_general3A_30, %dot_general3A_35 : vector<10000x128xf32>
    %get3A_37 = arith.constant 0 : index
    %get3A_38 = arith.constant 0 : index
    %get3A_39 = vector.load %arg4[%get3A_37, %get3A_38] : memref<1x128xf32, #tpu.memory_space<vmem>>, vector<1x128xf32>
    %add3A_40 = vector.broadcast %get3A_39 : vector<1x128xf32> to vector<10000x128xf32>
    %add3A_41 = arith.addf %add3A_36, %add3A_40 : vector<10000x128xf32>
    %max3A = arith.constant 0.000000e+00 : f32
    %max3A_42 = vector.broadcast %max3A : f32 to vector<10000x128xf32>
    %max3A_43 = arith.maximumf %add3A_41, %max3A_42 : vector<10000x128xf32>
    %mul3A = vector.broadcast %select_n3A : vector<10000x1xf32> to vector<10000x128xf32>
    %mul3A_44 = arith.mulf %max3A_43, %mul3A : vector<10000x128xf32>
    %iota3A = tpu.iota {dimensions = array<i32: 1>} : vector<8x10000xi32>
    %jit3A_45 = arith.constant 1250 : i32
    %div3A = vector.broadcast %jit3A_45 : i32 to vector<8x10000xi32>
    %div3A_46 = arith.divsi %iota3A, %div3A : vector<8x10000xi32>
    %sign3A = arith.constant 0 : i32
    %sign3A_47 = vector.broadcast %sign3A : i32 to vector<8x10000xi32>
    %sign3A_48 = arith.cmpi sgt, %iota3A, %sign3A_47 : vector<8x10000xi32>
    %sign3A_49 = arith.extui %sign3A_48 : vector<8x10000xi1> to vector<8x10000xi32>
    %sign3A_50 = arith.constant 0 : i32
    %sign3A_51 = vector.broadcast %sign3A_50 : i32 to vector<8x10000xi32>
    %sign3A_52 = arith.cmpi slt, %iota3A, %sign3A_51 : vector<8x10000xi32>
    %sign3A_53 = arith.extui %sign3A_52 : vector<8x10000xi1> to vector<8x10000xi32>
    %sign3A_54 = arith.subi %sign3A_49, %sign3A_53 : vector<8x10000xi32>
    %sign3A_55 = arith.constant 0 : i32
    %sign3A_56 = arith.cmpi sgt, %jit3A_45, %sign3A_55 : i32
    %sign3A_57 = arith.extui %sign3A_56 : i1 to i32
    %sign3A_58 = arith.constant 0 : i32
    %sign3A_59 = arith.cmpi slt, %jit3A_45, %sign3A_58 : i32
    %sign3A_60 = arith.extui %sign3A_59 : i1 to i32
    %sign3A_61 = arith.subi %sign3A_57, %sign3A_60 : i32
    %ne3A = vector.broadcast %sign3A_61 : i32 to vector<8x10000xi32>
    %ne3A_62 = arith.cmpi ne, %sign3A_54, %ne3A : vector<8x10000xi32>
    %rem3A = vector.broadcast %jit3A_45 : i32 to vector<8x10000xi32>
    %rem3A_63 = arith.remsi %iota3A, %rem3A : vector<8x10000xi32>
    %ne3A_64 = arith.constant 0 : i32
    %ne3A_65 = vector.broadcast %ne3A_64 : i32 to vector<8x10000xi32>
    %ne3A_66 = arith.cmpi ne, %rem3A_63, %ne3A_65 : vector<8x10000xi32>
    %and3A = arith.andi %ne3A_62, %ne3A_66 : vector<8x10000xi1>
    %sub3A = arith.constant 1 : i32
    %sub3A_67 = vector.broadcast %sub3A : i32 to vector<8x10000xi32>
    %sub3A_68 = arith.subi %div3A_46, %sub3A_67 : vector<8x10000xi32>
    %select_n3A_69 = arith.select %and3A, %sub3A_68, %div3A_46 : vector<8x10000xi1>, vector<8x10000xi32>
    %iota3A_70 = tpu.iota {dimensions = array<i32: 0>} : vector<8x10000xi32>
    %eq3A = arith.cmpi eq, %select_n3A_69, %iota3A_70 : vector<8x10000xi32>
    %jit3A_71 = arith.constant 1.000000e+00 : f32
    %jit3A_72 = arith.constant 0.000000e+00 : f32
    %broadcast_in_dim3A_73 = vector.broadcast %jit3A_71 : f32 to vector<8x10000xf32>
    %broadcast_in_dim3A_74 = vector.broadcast %jit3A_72 : f32 to vector<8x10000xf32>
    %select_n3A_75 = arith.select %eq3A, %broadcast_in_dim3A_73, %broadcast_in_dim3A_74 : vector<8x10000xi1>, vector<8x10000xf32>
    %dot_general3A_76 = arith.constant dense<0.000000e+00> : vector<8x128xf32>
    %dot_general3A_77 = tpu.matmul %select_n3A_75, %mul3A_44, %dot_general3A_76 {dimension_numbers = #tpu.dot_dimension_numbers<[1], [0], [0], [1], [0, 0, 1, 1], [], []>, transpose_lhs_hint = false} : vector<8x10000xf32>, vector<10000x128xf32>, vector<8x128xf32> -> vector<8x128xf32>
    %dot_general3A_78 = arith.constant dense<0.000000e+00> : vector<8x1xf32>
    %dot_general3A_79 = tpu.matmul %select_n3A_75, %select_n3A, %dot_general3A_78 {dimension_numbers = #tpu.dot_dimension_numbers<[1], [0], [0], [1], [0, 0, 1, 1], [], []>, transpose_lhs_hint = false} : vector<8x10000xf32>, vector<10000x1xf32>, vector<8x1xf32> -> vector<8x1xf32>
    %div3A_80 = vector.broadcast %dot_general3A_79 : vector<8x1xf32> to vector<8x128xf32>
    %div3A_81 = arith.divf %dot_general3A_77, %div3A_80 : vector<8x128xf32>
    %get3A_82 = arith.constant 0 : index
    %get3A_83 = arith.constant 0 : index
    %get3A_84 = vector.load %arg5[%get3A_82, %get3A_83] : memref<128x256xf32, #tpu.memory_space<vmem>>, vector<128x256xf32>
    %dot_general3A_85 = arith.constant dense<0.000000e+00> : vector<8x256xf32>
    %dot_general3A_86 = tpu.matmul %div3A_81, %get3A_84, %dot_general3A_85 {dimension_numbers = #tpu.dot_dimension_numbers<[1], [0], [0], [1], [0, 0, 1, 1], [], []>, transpose_lhs_hint = false} : vector<8x128xf32>, vector<128x256xf32>, vector<8x256xf32> -> vector<8x256xf32>
    %get3A_87 = arith.constant 0 : index
    %get3A_88 = arith.constant 0 : index
    %get3A_89 = vector.load %arg6[%get3A_87, %get3A_88] : memref<1x256xf32, #tpu.memory_space<vmem>>, vector<1x256xf32>
    %add3A_90 = vector.broadcast %get3A_89 : vector<1x256xf32> to vector<8x256xf32>
    %add3A_91 = arith.addf %dot_general3A_86, %add3A_90 : vector<8x256xf32>
    %max3A_92 = arith.constant 0.000000e+00 : f32
    %max3A_93 = vector.broadcast %max3A_92 : f32 to vector<8x256xf32>
    %max3A_94 = arith.maximumf %add3A_91, %max3A_93 : vector<8x256xf32>
    %get3A_95 = arith.constant 0 : index
    %get3A_96 = arith.constant 0 : index
    %get3A_97 = vector.load %arg7[%get3A_95, %get3A_96] : memref<256x128xf32, #tpu.memory_space<vmem>>, vector<256x128xf32>
    %dot_general3A_98 = arith.constant dense<0.000000e+00> : vector<8x128xf32>
    %dot_general3A_99 = tpu.matmul %max3A_94, %get3A_97, %dot_general3A_98 {dimension_numbers = #tpu.dot_dimension_numbers<[1], [0], [0], [1], [0, 0, 1, 1], [], []>, transpose_lhs_hint = false} : vector<8x256xf32>, vector<256x128xf32>, vector<8x128xf32> -> vector<8x128xf32>
    %get3A_100 = arith.constant 0 : index
    %get3A_101 = arith.constant 0 : index
    %get3A_102 = vector.load %arg8[%get3A_100, %get3A_101] : memref<1x128xf32, #tpu.memory_space<vmem>>, vector<1x128xf32>
    %add3A_103 = vector.broadcast %get3A_102 : vector<1x128xf32> to vector<8x128xf32>
    %add3A_104 = arith.addf %dot_general3A_99, %add3A_103 : vector<8x128xf32>
    %swap3A = arith.constant 0 : index
    %swap3A_105 = arith.constant 0 : index
    %swap3A_106 = vector.load %arg9[%swap3A, %swap3A_105] : memref<8x128xf32, #tpu.memory_space<vmem>>, vector<8x128xf32>
    tpu.vector_store %arg9[%swap3A, %swap3A_105], %add3A_104 {strides = array<i32>} : memref<8x128xf32, #tpu.memory_space<vmem>>, vector<8x128xf32>,
    return
  }
}

</mosaic_0001>

<sc_bundles>
// kernel: kernel.11.cloned.1.call-start
scs
__scs_entry_jumppad:
0x0: {  	(pc) =	sbr.rel $0x88, $3  }
0x1: {  	(tag) =	ssettag $0x0;
	lr =	simm.s32 $0x1  }
0x2: {  	[smem:$0x3F97] =	sst lr;
	_ =	strace $0xD0000000  }
0x3: {  	_ = 	snop  }
0x4: {  	_ = 	snop  }
0x5: {  	_ = 	snop  }
0x6: {  	_ = 	snop  }
0x7: {  	_ = 	snop  }
__scs_overlays_trampoline_lowered:
0x8: {  	[smem:$0x3FA6] =	sst s0  }
0x9: {  	[smem:$0x3FA7] =	sst s1  }
0xa: {  	[smem:$0x3FA8] =	sst s2  }
0xb: {  	[smem:$0x3FA9] =	sst s3  }
0xc: {  	[smem:$0x3FAA] =	sst s4  }
0xd: {  	[smem:$0x3FAB] =	sst s5  }
0xe: {  	[smem:$0x3FAC] =	sst s6  }
0xf: {  	[smem:$0x3FAD] =	sst s7  }
0x10: {  	[smem:$0x3FAE] =	sst s8  }
0x11: {  	[smem:$0x3FAF] =	sst s9;
	s0 =	simm.s32 @!p0 $0x0  }
0x12: {  	s1 =	sld [smem:$0x3F95];
	s0 =	simm.s32 @p0 $0x1  }
0x13: {  	[smem:$0x3FB0] =	sst s0;
	s0 =	simm.s32 @!p1 $0x0  }
0x14: {  	s2 =	sld [smem:$0x3F94];
	s0 =	simm.s32 @p1 $0x1  }
0x15: {  	[smem:$0x3FB1] =	sst s0;
	s0 =	simm.s32 @!p2 $0x0  }
0x16: {  	s3 =	sld [smem:$0x3FDB];
	s0 =	simm.s32 @p2 $0x1  }
0x17: {  	s4 =	simm.s32 $0x1BF5;
	[smem:$0x3FB3] =	sst s0  }
0x18: {  	s0 =	sld [smem:$0x3F96];
	_ =	swait.ge [sflag:s4], $0x0  }
0x19: {  	s7 =	sld [smem:$0x3F97]  }
0x1a: {  	s8 =	sadd.s32 $0xFFFFE003, lr  }
0x1b: {  	s9 =	sadd.s32 $0xFFFFFEF7, lr;
	s5 =	simm.s32 $0xFFFFFFFF;
	p2 =	slt.u32 s8, $0xFFFFF086  }
0x1c: {  	p1 =	slt.u32 s9, $0xF7A;
	s5 =	simm.s32 @!p2 $0x0  }
0x1d: {  	s5 =	simm.s32 @p1 $0x1;
	p0 =	seq.s32 s7, s2  }
0x1e: {  	s7 =	smul.u32 @!p0 $0xF7A, s2;
	p2 =	seq.s32 @!p0 s5, $0x0  }
0x1f: {  	s9 =	smul.u32 $0xF7A, s1;
	s8 =	simm.s32 @!p0 $0x1BF5;
	p2 =	por !p2, p0  }
0x20: {  	[sflag:s8] =	ssyncset.s32 @!p0 $0xFFFFF086;
	s6 =	sadd.s32 @!p0 s3, s7;
	s7 =	simm.s32 @!p0 $0x108  }
0x21: {  	s3 =	sadd.s32 s3, s9;
	s6 =	sadd.s32 @!p0 $0x88, s6;
	s7 =	simm.s32 @p2 $0x1082  }
0x22: {  	[simem:s7], [sflag:s8] =	dma.local @!p0 [hbm:s6], $0xF7A  }
0x23: {  	s9 =	sor.u32 $0xD0000000, s2;
	s6 =	simm.s32 $0x108;
	_ =	swait.ge @!p0 [sflag:s8], $0x0  }
0x24: {  	s3 =	sadd.s32 $0x88, s3;
	s6 =	simm.s32 @!p1 $0x1082;
	[sflag:s4] =	ssyncset.s32 $0xFFFFF086  }
0x25: {  	[simem:s6], [sflag:s4] =	dma.local [hbm:s3], $0xF7A  }
0x26: {  	[smem:$0x3F97] =	sst s1;
	(tag) =	ssettag s2;
	_ =	strace s9  }
0x27: {  	s1 =	sld [smem:$0x3FA7]  }
0x28: {  	s2 =	sld [smem:$0x3FA8]  }
0x29: {  	s4 =	sld [smem:$0x3FAA]  }
0x2a: {  	p0 =	seq.s32 s5, $0x0;
	s5 =	sld [smem:$0x3FAB]  }
0x2b: {  	s6 =	sld [smem:$0x3FAC]  }
0x2c: {  	s7 =	sld [smem:$0x3FAD]  }
0x2d: {  	s3 =	simm.s32 $0x108;
	s8 =	sld [smem:$0x3FAE]  }
0x2e: {  	s3 =	simm.s32 @!p0 $0x1082;
	s9 =	sld [smem:$0x3FAF]  }
0x2f: {  	lr =	sadd.s32 s0, s3;
	s0 =	sld [smem:$0x3FA6]  }
0x30: {  	s3 =	sld [smem:$0x3FA9]  }
0x31: {  	[smem:$0x3FB2] =	sst s10  }
0x32: {  	s10 =	sld [smem:$0x3FB0];
	_ =	sdelay $0x3  }
0x33: {  	p0 =	seq.s32 s10, $0x1;
	s10 =	sld [smem:$0x3FB2];
	_ =	sdelay $0x3  }
0x34: {  	[smem:$0x3FB2] =	sst s10  }
0x35: {  	s10 =	sld [smem:$0x3FB1];
	_ =	sdelay $0x3  }
0x36: {  	p1 =	seq.s32 s10, $0x1;
	s10 =	sld [smem:$0x3FB2];
	_ =	sdelay $0x3  }
0x37: {  	[smem:$0x3FB2] =	sst s10  }
0x38: {  	s10 =	sld [smem:$0x3FB3]  }
0x39: {  	_ = 	snop;
	(pc) =	sbr.ind lr, $3  }
0x3a: {  	_ = 	snop  }
0x3b: {  	_ = 	snop  }
0x3c: {  	p2 =	seq.s32 s10, $0x1;
	s10 =	sld [smem:$0x3FB2]  }
0x3d: {  	_ =	shalt  }
0x3e: {  	_ =	shalt  }
0x3f: {  	_ =	shalt  }
0x40: {  	_ =	shalt  }
0x41: {  	_ =	shalt  }
0x42: {  	_ =	shalt  }
0x43: {  	_ =	shalt  }
0x44: {  	_ =	shalt  }
0x45: {  	_ =	shalt  }
0x46: {  	_ =	shalt  }
0x47: {  	_ =	shalt  }
0x48: {  	_ =	shalt  }
0x49: {  	_ =	shalt  }
0x4a: {  	_ =	shalt  }
0x4b: {  	_ =	shalt  }
0x4c: {  	_ =	shalt  }
0x4d: {  	_ =	shalt  }
0x4e: {  	_ =	shalt  }
0x4f: {  	_ =	shalt  }
0x50: {  	_ =	shalt  }
0x51: {  	_ =	shalt  }
0x52: {  	_ =	shalt  }
0x53: {  	_ =	shalt  }
0x54: {  	_ =	shalt  }
0x55: {  	_ =	shalt  }
0x56: {  	_ =	shalt  }
0x57: {  	_ =	shalt  }
0x58: {  	_ =	shalt  }
0x59: {  	_ =	shalt  }
0x5a: {  	_ =	shalt  }
0x5b: {  	_ =	shalt  }
0x5c: {  	_ =	shalt  }
0x5d: {  	_ =	shalt  }
0x5e: {  	_ =	shalt  }
0x5f: {  	_ =	shalt  }
0x60: {  	_ =	shalt  }
0x61: {  	_ =	shalt  }
0x62: {  	_ =	shalt  }
0x63: {  	_ =	shalt  }
0x64: {  	_ =	shalt  }
0x65: {  	_ =	shalt  }
0x66: {  	_ =	shalt  }
0x67: {  	_ =	shalt  }
0x68: {  	_ =	shalt  }
0x69: {  	_ =	shalt  }
0x6a: {  	_ =	shalt  }
0x6b: {  	_ =	shalt  }
0x6c: {  	_ =	shalt  }
0x6d: {  	_ =	shalt  }
0x6e: {  	_ =	shalt  }
0x6f: {  	_ =	shalt  }
0x70: {  	_ =	shalt  }
0x71: {  	_ =	shalt  }
0x72: {  	_ =	shalt  }
0x73: {  	_ =	shalt  }
0x74: {  	_ =	shalt  }
0x75: {  	_ =	shalt  }
0x76: {  	_ =	shalt  }
0x77: {  	_ =	shalt  }
0x78: {  	_ =	shalt  }
0x79: {  	_ =	shalt  }
0x7a: {  	_ =	shalt  }
0x7b: {  	_ =	shalt  }
0x7c: {  	_ =	shalt  }
0x7d: {  	_ =	shalt  }
0x7e: {  	_ =	shalt  }
0x7f: {  	_ =	shalt  }
0x80: {  	_ =	shalt  }
0x81: {  	_ =	shalt  }
0x82: {  	_ =	shalt  }
0x83: {  	_ =	shalt  }
0x84: {  	_ =	shalt  }
0x85: {  	_ =	shalt  }
0x86: {  	_ =	shalt  }
0x87: {  	_ =	shalt  }
.Lfunc_end0:
.L_simem_size_0:
called_computation.1_lowered:
.L_overlay_start_0:
0x88: {  	s2 =	sld [smem:$0x3FD9]  }
0x89: {  	s3 =	sld [smem:$0x3FFE];
	_ =	sdelay $0x1  }
0x8a: {  	s1 =	srdreg.scid  }
0x8b: {  	s0 =	sand.u32 $0x1, s1  }
0x8c: {  	s16 =	sshll.u32 s0, $0xA;
	s2 =	sadd.s32 s3, s2  }
0x8d: {  	s2 =	sadd.s32 s2, s16  }
0x8e: {  	[smem:$0x3FBE] =	sst s2  }
0x8f: {  	_ = 	snop  }
0x90: {  	(tm) =	ssettm $0x1  }
0x91: {  	s17 =	sld [smem:$0x3FFB];
	_ =	sdelay $0x3  }
0x92: {  	_ =	strace s17  }
0x93: {  	s2 =	sld [smem:$0x3FFC];
	_ =	sdelay $0x3  }
0x94: {  	_ =	strace s2  }
0x95: {  	s2 =	sld [smem:$0x3FFD];
	_ =	sdelay $0x3  }
0x96: {  	_ =	strace s2  }
0x97: {  	_ =	strace $0x8FFFFFFF  }
0x98: {  	s18 =	sld [smem:$0x3FDB];
	_ =	sdelay $0x1  }
0x99: {  	s19 =	simm.s32 $_scs_section_size  }
0x9a: {  	s4 =	simm.s32 $_size__tile_overlayer_lowered;
	s5 =	simm.s32 $_tile_overlayer_lowered  }
0x9b: {  	s22 =	simm.s32 $0x1BFF;
	s21 =	sshll.u32 s5, $0x1;
	s2 =	sadd.s32 s19, s18  }
0x9c: {  	s6 =	simm.s32 $0x0;
	s20 =	sshll.u32 s4, $0x1;
	s4 =	sadd.s32 s21, s2  }
0x9d: {  	[timem:s6], [sflag:s22] =	dma.local [hbm:s4], s20  }
0x9e: {  	_ =	swait.ge [sflag:s22], s20  }
0x9f: {  	s3 =	ssub.s32 $0x0, s20;
	[sflag:s22] =	ssyncset.done $0x0  }
0xa0: {  	[sflag:s22] =	ssyncadd.s32 s3;
	_ =	sdelay $0x1  }
0xa1: {  	s23 =	simm.s32 $0x1B8B  }
0xa2: {  	_ =	swait.ge [sflag:s23], $0x1  }
0xa3: {  	[sflag:s23] =	ssyncset.done $0x0  }
0xa4: {  	s25 =	simm.s32 $0x1B8E;
	s24 =	sld [smem:$0x3FFE];
	[sflag:s23] =	ssyncadd.s32 $0xFFFFFFFF  }
0xa5: {  	s26 =	simm.s32 $execute0_lowered;
	[smem:$0x3FD2] =	sst s25  }
0xa6: {  	s4 =	sshll.u32 s26, $0x1;
	_ =	strace $0x80000049;
	[dreg:$0x1] =	wrdreg $0xFFFFFFFF  }
0xa7: {  	s28 =	simm.s32 $_size_execute0_lowered;
	s2 =	sadd.s32 s2, s4;
	[dreg:$0x0] =	wrdreg $0x0  }
0xa8: {  	s4 =	sshll.u32 s28, $0x1;
	[dreg:$0x2] =	wrdreg s2  }
0xa9: {  	[dreg:$0x3] =	wrdreg s4  }
0xaa: {  	[dreg:$0x4] =	wrdreg $0xC0  }
0xab: {  	_ =	task [dreg:s6], $0x5FFFF  }
0xac: {  	[dreg:$0x1] =	wrdreg $0xFFFFFFFF  }
0xad: {  	[dreg:$0x0] =	wrdreg $0x60  }
0xae: {  	[dreg:$0x2] =	wrdreg s24  }
0xaf: {  	[dreg:$0x3] =	wrdreg $0x90000  }
0xb0: {  	[dreg:$0x4] =	wrdreg $0x9  }
0xb1: {  	_ =	task.clear_ibuf [dreg:s6], $0x5FFFF;
	_ =	strace $0x90000049  }
0xb2: {  	s29 =	simm.s32 $0x9;
	_ =	strace $0x8000004B  }
0xb3: {  	_ =	swait.ge [sflag:s29], $0x1  }
0xb4: {  	[sflag:s29] =	ssyncadd.s32 $0xFFFFFFFF  }
0xb5: {  	_ =	strace $0x9000004B  }
0xb6: {  	_ =	sfence  }
0xb7: {  	s30 =	sld [smem:$0x0];
	_ =	sdelay $0x2  }
0xb8: {  	s31 =	sshll.u32 s1, $0xD;
	s1 =	sshrl.u32 s1, $0x2  }
0xb9: {  	s3 =	sand.u32 $0x4000, s31;
	s1 =	sadd.s32 s1, s30  }
0xba: {  	s0 =	sor.u32 s3, s0;
	s1 =	sshll.u32 s1, $0x11  }
0xbb: {  	s0 =	sor.u32 s1, s0  }
0xbc: {  	s0 =	sadd.s32 $0x8F2B, s0  }
0xbd: {  	[sflag:s0] =	ssyncadd.remote.s32 $0x1  }
0xbe: {  	_ =	sfence.sel $0xFFFF  }
0xbf: {  	[dreg:$0x0] =	wrdreg $0xFFFFFFFF;
	(pc) =	sbr.abs _section_cstart, $3  }
0xc0: {  	[dreg:$0x1] =	wrdreg $0xFFFFFFFF  }
0xc1: {  	_ =	task.clear_ibuf [dreg:s6], $0x2FFFF;
	_ =	strace $0x9FFFFFFF  }
0xc2: {  	(tm) =	ssettm $0x7FFFFFFF  }
0xc3: {  	_ =	shalt  }
tec
execute0_lowered:
.L_overlay_start_1:
0x0: {  	(tag) =	ssettag $0x1  }
0x1: {  	s0 =	rddreg [dreg:$0x0]  }
0x2: {  	s1 =	rddreg [dreg:$0x1];
	s2 =	srdreg.scid  }
0x3: {  	s3 =	simm.s32 $0x0;
	s12 =	stileid.u32;
	s19 =	simm.s32 $0x80  }
0x4: {  	s20 =	simm.s32 $0x100;
	s21 =	simm.s32 $0x880;
	s22 =	simm.s32 $0x180  }
0x5: {  	s24 =	simm.s32 $0x900;
	s25 =	simm.s32 $0x200;
	s26 =	simm.s32 $0x980  }
0x6: {  	s28 =	simm.s32 $0xE80;
	[smem:$0x7FF] =	sst s3;
	s9 =	sadd.s32 $0x16C00, s0  }
0x7: {  	s29 =	simm.s32 $0x780;
	_ =	strace $0x8000004A;
	[dreg:$0x1d] =	wrdreg s9  }
0x8: {  	s30 =	simm.s32 $0xF00;
	s31 =	simm.s32 $0xF80;
	[dreg:$0x6] =	wrdreg s19  }
0x9: {  	s2 =	sand.u32 $0x1, s2;
	s7 =	smul.u32 $0x1F400, s12;
	[dreg:$0x7] =	wrdreg s20  }
0xa: {  	s4 =	sadd.s32 $0x69600, s0;
	s11 =	smul.u32 $0x2800, s12;
	[dreg:$0x8] =	wrdreg s21  }
0xb: {  	s5 =	sadd.s32 $0x2C00, s0;
	s15 =	smul.u32 $0x7D000, s12;
	[dreg:$0x9] =	wrdreg s22  }
0xc: {  	p0 =	sgt.u32 s12, $0x9;
	s6 =	smul.u32 $0x138800, s2;
	[dreg:$0xa] =	wrdreg s24  }
0xd: {  	s8 =	smul.u32 $0x28000, s2;
	s13 =	ssub.s32 $0x2, s2;
	[dreg:$0xb] =	wrdreg s25  }
0xe: {  	s2 =	sshll.u32 s2, $0x4;
	[dreg:$0xc] =	wrdreg s26;
	s19 =	simm.s32 $0x500  }
0xf: {  	s20 =	simm.s32 $0xC80;
	s21 =	simm.s32 $0x580;
	s22 =	simm.s32 $0xD00  }
0x10: {  	s24 =	simm.s32 $0xD80;
	s25 =	simm.s32 $0x680;
	[dreg:$0x15] =	wrdreg s19  }
0x11: {  	s26 =	simm.s32 $0xE00;
	s14 =	sshrl.u32 s13, $0x1;
	[dreg:$0x16] =	wrdreg s20  }
0x12: {  	s2 =	sor.u32 s12, s2;
	s9 =	sshrl.u32 s15, $0x2;
	[dreg:$0x17] =	wrdreg s21  }
0x13: {  	s15 =	simm.s32 $0x380;
	s19 =	simm.s32 $0x1000;
	[dreg:$0x18] =	wrdreg s22  }
0x14: {  	s20 =	simm.s32 $0x5000;
	s21 =	simm.s32 $0x1;
	[dreg:$0x1a] =	wrdreg s24  }
0x15: {  	s22 =	simm.s32 $0x5;
	[dreg:$0x1b] =	wrdreg s25;
	s24 =	simm.s32 $0x6  }
0x16: {  	[dreg:$0x1c] =	wrdreg s26;
	s6 =	sadd.s32 s7, s6;
	s8 =	sadd.s32 s11, s8  }
0x17: {  	s2 =	smul.u32 $0x2800, s2;
	[dreg:$0x11] =	wrdreg s15;
	s6 =	sshrl.u32 s6, $0x3  }
0x18: {  	s7 =	sadd.s32 $0x50800, s8;
	s10 =	sor.u32 $0x400, s8;
	s11 =	sadd.s32 $0x50400, s8  }
0x19: {  	s0 =	sadd.s32 s6, s0;
	s17 =	sshrl.u32 s11, $0x3;
	s11 =	simm.s32 $0xA00  }
0x1a: {  	s6 =	ssub.s32 s13, s14;
	s13 =	simm.s32 $0x300;
	[dreg:$0xe] =	wrdreg s11  }
0x1b: {  	s7 =	sshrl.u32 s7, $0x3;
	s14 =	simm.s32 $0xA80;
	[dreg:$0xf] =	wrdreg s13  }
0x1c: {  	s10 =	sshrl.u32 s10, $0x3;
	s7 =	sadd.s32 s7, s5;
	[dreg:$0x10] =	wrdreg s14  }
0x1d: {  	s25 =	simm.s32 $0x4;
	s16 =	sadd.s32 s10, s5;
	[dreg:$0x3] =	wrdreg s7  }
0x1e: {  	s2 =	sshrl.u32 s2, $0x3;
	s18 =	sadd.s32 s17, s5;
	[dreg:$0x4] =	wrdreg s16  }
0x1f: {  	s26 =	simm.s32 $0x700;
	s23 =	sadd.s32 s5, s2;
	[dreg:$0x5] =	wrdreg s18  }
0x20: {  	s9 =	sadd.s32 s9, s1;
	s0 =	sadd.s32 $0x90800, s0;
	[dreg:$0x1e] =	wrdreg s23  }
0x21: {  	s15 =	simm.s32 $0x400;
	s6 =	smax.u32 s6, $0x1;
	[smem:$0x7FB] =	sst s0  }
0x22: {  	s10 =	sadd.s32 $0x800, s8;
	s2 =	sshll.u32 @!p0 s12, $0x6;
	[smem:$0x7FC] =	sst s6  }
0x23: {  	s13 =	sshrl.u32 @!p0 s9, $0x3;
	s17 =	simm.s32 $0xB80;
	[smem:$0x7FD] =	sst s10  }
0x24: {  	s14 =	simm.s32 $0x800;
	s7 =	sadd.s32 $0xA000, s23;
	[dreg:$0x13] =	wrdreg s17  }
0x25: {  	s12 =	sor.u32 @!p0 $0x1C07, s2;
	s16 =	simm.s32 $0xB00;
	[dreg:$0x1f] =	wrdreg s7  }
0x26: {  	s18 =	simm.s32 $0x480;
	s17 =	simm.s32 $0x3;
	[dreg:$0x12] =	wrdreg s16  }
0x27: {  	s23 =	simm.s32 $0x600;
	s0 =	simm.s32 $0x0;
	[dreg:$0x14] =	wrdreg s18  }
0x28: {  	s7 =	simm.s32 $0x280;
	s16 =	simm.s32 $0xC00;
	[dreg:$0x19] =	wrdreg s23  }
0x29: {  	s18 =	simm.s32 $0x7D;
	s23 =	simm.s32 $0x2;
	[dreg:$0xd] =	wrdreg s7  }
.LBB2_1:
0x2a: {  	s2 =	rddreg [dreg:$0x1d]  }
0x2b: {  	[spmem:s13], [sflag:s12] =	dma.local @!p0 [hbm:s2], $0x3E80  }
0x2c: {  	s2 =	simm.s32 @!p0 $0x7  }
0x2d: {  	_ =	swait.ge @!p0 [sflag:s2], $0x3E80  }
0x2e: {  	[sflag:s2] =	ssyncset.done @!p0 $0x0  }
0x2f: {  	s7 =	rddreg [dreg:$0x1e];
	[sflag:s2] =	ssyncadd.s32 @!p0 $0xFFFFC180  }
0x30: {  	[tilespmem:s3], [sflag:$0x3] =	stream.linear.gather [hbm4b:s7+s3], $0x400, $0x38;
	[tilespmem:$0x1C880] =	vst v63  }
0x31: {  	s8 =	rddreg [dreg:$0x1f]  }
0x32: {  	[tilespmem:s14], [sflag:$0x3] =	stream.linear.gather [hbm4b:s8+s3], $0x400, $0x38;
	[tilespmem:$0x1C880] =	vst v63  }
0x33: {  	[bflag:$0x0] =	sbarrier.arrive $0xFFFF  }
0x34: {  	s9 =	rddreg [dreg:$0x4]  }
0x35: {  	s8 =	rddreg [dreg:$0x5];
	s2 =	sadd.s32 $0x0, s9  }
0x36: {  	[tilespmem:s15], [sflag:$0x4] =	stream.linear.gather [hbm4b:s2+s3], $0x400, $0x38;
	[tilespmem:$0x1C880] =	vst v63  }
0x37: {  	s10 =	sadd.s32 $0x0, s8  }
0x38: {  	[tilespmem:s16], [sflag:$0x4] =	stream.linear.gather [hbm4b:s10+s3], $0x400, $0x38;
	[tilespmem:$0x1C880] =	vst v63  }
0x39: {  	_ =	swait.ge [sflag:s17], $0x400  }
0x3a: {  	[sflag:s17] =	ssyncset.done $0x0  }
0x3b: {  	[sflag:s17] =	ssyncadd.s32 $0xFFFFFC00  }
0x3c: {  	_ =	swait.ge [sflag:s17], $0x400  }
0x3d: {  	[sflag:s17] =	ssyncset.done $0x0  }
0x3e: {  	[sflag:s17] =	ssyncadd.s32 $0xFFFFFC00  }
0x3f: {  	[tilespmem:s19], [sflag:$0x1] =	stream.indirect.gather [hbm4b:s4+s18], $0x80, s3, s18, $0xb8;
	[tilespmem:$0x1C880] =	vst v63  }
0x40: {  	s11 =	rddreg [dreg:$0x6]  }
0x41: {  	[tilespmem:s20], [sflag:$0x2] =	stream.indirect.gather [hbm4b:s4+s18], $0x80, s11, s18, $0xb8;
	[tilespmem:$0x1C880] =	vst v63  }
0x42: {  	_ =	swait.ge [sflag:s21], $0x3E80  }
0x43: {  	[sflag:s21] =	ssyncset.done $0x0  }
0x44: {  	[sflag:s21] =	ssyncadd.s32 $0xFFFFC180  }
0x45: {  	[spmem:s1] =	stream.indirect.scatter.add.f32 [tilespmem:s19], [sflag:$0x5], $0x80, s14, s18, $0xb8;
	[tilespmem:$0x1C880] =	vst v63  }
0x46: {  	_ =	swait.ge [sflag:s22], $0x3E80  }
0x47: {  	[sflag:s22] =	ssyncset.done $0x0  }
0x48: {  	s6 =	rddreg [dreg:$0x7];
	[sflag:s22] =	ssyncadd.s32 $0xFFFFC180  }
0x49: {  	[tilespmem:s19], [sflag:$0x1] =	stream.indirect.gather [hbm4b:s4+s18], $0x80, s6, s18, $0xb8;
	[tilespmem:$0x1C880] =	vst v63  }
0x4a: {  	_ =	swait.ge [sflag:s23], $0x3E80  }
0x4b: {  	[sflag:s23] =	ssyncset.done $0x0  }
0x4c: {  	s7 =	rddreg [dreg:$0x8];
	[sflag:s23] =	ssyncadd.s32 $0xFFFFC180  }
0x4d: {  	[spmem:s1] =	stream.indirect.scatter.add.f32 [tilespmem:s20], [sflag:$0x6], $0x80, s7, s18, $0xb8;
	[tilespmem:$0x1C880] =	vst v63  }
0x4e: {  	_ =	swait.ge [sflag:s24], $0x3E80  }
0x4f: {  	[sflag:s24] =	ssyncset.done $0x0  }
0x50: {  	s8 =	rddreg [dreg:$0x9];
	[sflag:s24] =	ssyncadd.s32 $0xFFFFC180  }
0x51: {  	[tilespmem:s20], [sflag:$0x2] =	stream.indirect.gather [hbm4b:s4+s18], $0x80, s8, s18, $0xb8;
	[tilespmem:$0x1C880] =	vst v63  }
0x52: {  	_ =	swait.ge [sflag:s21], $0x3E80  }
0x53: {  	[sflag:s21] =	ssyncset.done $0x0  }
0x54: {  	s9 =	rddreg [dreg:$0xa];
	[sflag:s21] =	ssyncadd.s32 $0xFFFFC180  }
0x55: {  	[spmem:s1] =	stream.indirect.scatter.add.f32 [tilespmem:s19], [sflag:$0x5], $0x80, s9, s18, $0xb8;
	[tilespmem:$0x1C880] =	vst v63  }
0x56: {  	_ =	swait.ge [sflag:s22], $0x3E80  }
0x57: {  	[sflag:s22] =	ssyncset.done $0x0  }
0x58: {  	s10 =	rddreg [dreg:$0xb];
	[sflag:s22] =	ssyncadd.s32 $0xFFFFC180  }
0x59: {  	[tilespmem:s19], [sflag:$0x1] =	stream.indirect.gather [hbm4b:s4+s18], $0x80, s10, s18, $0xb8;
	[tilespmem:$0x1C880] =	vst v63  }
0x5a: {  	_ =	swait.ge [sflag:s23], $0x3E80  }
0x5b: {  	[sflag:s23] =	ssyncset.done $0x0  }
0x5c: {  	s11 =	rddreg [dreg:$0xc];
	[sflag:s23] =	ssyncadd.s32 $0xFFFFC180  }
0x5d: {  	[spmem:s1] =	stream.indirect.scatter.add.f32 [tilespmem:s20], [sflag:$0x6], $0x80, s11, s18, $0xb8;
	[tilespmem:$0x1C880] =	vst v63  }
0x5e: {  	_ =	swait.ge [sflag:s24], $0x3E80  }
0x5f: {  	[sflag:s24] =	ssyncset.done $0x0  }
0x60: {  	s6 =	rddreg [dreg:$0xd];
	[sflag:s24] =	ssyncadd.s32 $0xFFFFC180  }
0x61: {  	[tilespmem:s20], [sflag:$0x2] =	stream.indirect.gather [hbm4b:s4+s18], $0x80, s6, s18, $0xb8;
	[tilespmem:$0x1C880] =	vst v63  }
0x62: {  	_ =	swait.ge [sflag:s21], $0x3E80  }
0x63: {  	[sflag:s21] =	ssyncset.done $0x0  }
0x64: {  	s7 =	rddreg [dreg:$0xe];
	[sflag:s21] =	ssyncadd.s32 $0xFFFFC180  }
0x65: {  	[spmem:s1] =	stream.indirect.scatter.add.f32 [tilespmem:s19], [sflag:$0x5], $0x80, s7, s18, $0xb8;
	[tilespmem:$0x1C880] =	vst v63  }
0x66: {  	_ =	swait.ge [sflag:s22], $0x3E80  }
0x67: {  	[sflag:s22] =	ssyncset.done $0x0  }
0x68: {  	s8 =	rddreg [dreg:$0xf];
	[sflag:s22] =	ssyncadd.s32 $0xFFFFC180  }
0x69: {  	[tilespmem:s19], [sflag:$0x1] =	stream.indirect.gather [hbm4b:s4+s18], $0x80, s8, s18, $0xb8;
	[tilespmem:$0x1C880] =	vst v63  }
0x6a: {  	_ =	swait.ge [sflag:s23], $0x3E80  }
0x6b: {  	[sflag:s23] =	ssyncset.done $0x0  }
0x6c: {  	s9 =	rddreg [dreg:$0x10];
	[sflag:s23] =	ssyncadd.s32 $0xFFFFC180  }
0x6d: {  	[spmem:s1] =	stream.indirect.scatter.add.f32 [tilespmem:s20], [sflag:$0x6], $0x80, s9, s18, $0xb8;
	[tilespmem:$0x1C880] =	vst v63  }
0x6e: {  	_ =	swait.ge [sflag:s24], $0x3E80  }
0x6f: {  	[sflag:s24] =	ssyncset.done $0x0  }
0x70: {  	s10 =	rddreg [dreg:$0x11];
	[sflag:s24] =	ssyncadd.s32 $0xFFFFC180  }
0x71: {  	[tilespmem:s20], [sflag:$0x2] =	stream.indirect.gather [hbm4b:s4+s18], $0x80, s10, s18, $0xb8;
	[tilespmem:$0x1C880] =	vst v63  }
0x72: {  	_ =	swait.ge [sflag:s21], $0x3E80  }
0x73: {  	[sflag:s21] =	ssyncset.done $0x0  }
0x74: {  	s11 =	rddreg [dreg:$0x12];
	[sflag:s21] =	ssyncadd.s32 $0xFFFFC180  }
0x75: {  	[spmem:s1] =	stream.indirect.scatter.add.f32 [tilespmem:s19], [sflag:$0x5], $0x80, s11, s18, $0xb8;
	[tilespmem:$0x1C880] =	vst v63  }
0x76: {  	_ =	swait.ge [sflag:s23], $0x3E80  }
0x77: {  	[sflag:s23] =	ssyncset.done $0x0  }
0x78: {  	s6 =	rddreg [dreg:$0x13];
	[sflag:s23] =	ssyncadd.s32 $0xFFFFC180  }
0x79: {  	[spmem:s1] =	stream.indirect.scatter.add.f32 [tilespmem:s20], [sflag:$0x6], $0x80, s6, s18, $0xb8;
	[tilespmem:$0x1C880] =	vst v63  }
0x7a: {  	_ =	swait.ge [sflag:s22], $0x3E80  }
0x7b: {  	[sflag:s22] =	ssyncset.done $0x0  }
0x7c: {  	[sflag:s22] =	ssyncadd.s32 $0xFFFFC180  }
0x7d: {  	_ =	swait.ge [sflag:s24], $0x3E80  }
0x7e: {  	s11 =	sld [smem:$0x7FD];
	_ =	sdelay $0x1  }
0x7f: {  	p1 =	por $0x0, $0x0  }
0x80: {  	s9 =	simm.s32 @!p1 $0x0;
	[sflag:s24] =	ssyncset.done $0x0;
	s2 =	sshrl.u32 @!p1 s11, $0x3  }
0x81: {  	s8 =	rddreg [dreg:$0x3];
	[sflag:s24] =	ssyncadd.s32 $0xFFFFC180;
	s2 =	sadd.s32 @!p1 s5, s2  }
0x82: {  	[tilespmem:s9], [sflag:$0x3] =	stream.linear.gather @!p1 [hbm4b:s2+s9], $0x400, $0x38;
	[tilespmem:$0x1C880] =	vst v63  }
0x83: {  	s2 =	sadd.s32 @!p1 $0x0, s8;
	s8 =	simm.s32 @!p1 $0x800  }
0x84: {  	[tilespmem:s8], [sflag:$0x3] =	stream.linear.gather @!p1 [hbm4b:s2+s9], $0x400, $0x38;
	[tilespmem:$0x1C880] =	vst v63  }
0x85: {  	_ =	swait.ge [sflag:s25], $0x400  }
0x86: {  	[sflag:s25] =	ssyncset.done $0x0  }
0x87: {  	[sflag:s25] =	ssyncadd.s32 $0xFFFFFC00  }
0x88: {  	_ =	swait.ge [sflag:s25], $0x400  }
0x89: {  	[sflag:s25] =	ssyncset.done $0x0  }
0x8a: {  	[sflag:s25] =	ssyncadd.s32 $0xFFFFFC00  }
0x8b: {  	[tilespmem:s19], [sflag:$0x1] =	stream.indirect.gather [hbm4b:s4+s18], $0x80, s15, s18, $0xb8;
	[tilespmem:$0x1C880] =	vst v63  }
0x8c: {  	s7 =	rddreg [dreg:$0x14]  }
0x8d: {  	[tilespmem:s20], [sflag:$0x2] =	stream.indirect.gather [hbm4b:s4+s18], $0x80, s7, s18, $0xb8;
	[tilespmem:$0x1C880] =	vst v63  }
0x8e: {  	_ =	swait.ge [sflag:s21], $0x3E80  }
0x8f: {  	[sflag:s21] =	ssyncset.done $0x0  }
0x90: {  	[sflag:s21] =	ssyncadd.s32 $0xFFFFC180  }
0x91: {  	[spmem:s1] =	stream.indirect.scatter.add.f32 [tilespmem:s19], [sflag:$0x5], $0x80, s16, s18, $0xb8;
	[tilespmem:$0x1C880] =	vst v63  }
0x92: {  	_ =	swait.ge [sflag:s22], $0x3E80  }
0x93: {  	[sflag:s22] =	ssyncset.done $0x0  }
0x94: {  	s8 =	rddreg [dreg:$0x15];
	[sflag:s22] =	ssyncadd.s32 $0xFFFFC180  }
0x95: {  	[tilespmem:s19], [sflag:$0x1] =	stream.indirect.gather [hbm4b:s4+s18], $0x80, s8, s18, $0xb8;
	[tilespmem:$0x1C880] =	vst v63  }
0x96: {  	_ =	swait.ge [sflag:s23], $0x3E80  }
0x97: {  	[sflag:s23] =	ssyncset.done $0x0  }
0x98: {  	s9 =	rddreg [dreg:$0x16];
	[sflag:s23] =	ssyncadd.s32 $0xFFFFC180  }
0x99: {  	[spmem:s1] =	stream.indirect.scatter.add.f32 [tilespmem:s20], [sflag:$0x6], $0x80, s9, s18, $0xb8;
	[tilespmem:$0x1C880] =	vst v63  }
0x9a: {  	_ =	swait.ge [sflag:s24], $0x3E80  }
0x9b: {  	[sflag:s24] =	ssyncset.done $0x0  }
0x9c: {  	s10 =	rddreg [dreg:$0x17];
	[sflag:s24] =	ssyncadd.s32 $0xFFFFC180  }
0x9d: {  	[tilespmem:s20], [sflag:$0x2] =	stream.indirect.gather [hbm4b:s4+s18], $0x80, s10, s18, $0xb8;
	[tilespmem:$0x1C880] =	vst v63  }
0x9e: {  	_ =	swait.ge [sflag:s21], $0x3E80  }
0x9f: {  	[sflag:s21] =	ssyncset.done $0x0  }
0xa0: {  	s6 =	rddreg [dreg:$0x18];
	[sflag:s21] =	ssyncadd.s32 $0xFFFFC180  }
0xa1: {  	[spmem:s1] =	stream.indirect.scatter.add.f32 [tilespmem:s19], [sflag:$0x5], $0x80, s6, s18, $0xb8;
	[tilespmem:$0x1C880] =	vst v63  }
0xa2: {  	_ =	swait.ge [sflag:s22], $0x3E80  }
0xa3: {  	[sflag:s22] =	ssyncset.done $0x0  }
0xa4: {  	s7 =	rddreg [dreg:$0x19];
	[sflag:s22] =	ssyncadd.s32 $0xFFFFC180  }
0xa5: {  	[tilespmem:s19], [sflag:$0x1] =	stream.indirect.gather [hbm4b:s4+s18], $0x80, s7, s18, $0xb8;
	[tilespmem:$0x1C880] =	vst v63  }
0xa6: {  	_ =	swait.ge [sflag:s23], $0x3E80  }
0xa7: {  	[sflag:s23] =	ssyncset.done $0x0  }
0xa8: {  	s8 =	rddreg [dreg:$0x1a];
	[sflag:s23] =	ssyncadd.s32 $0xFFFFC180  }
0xa9: {  	[spmem:s1] =	stream.indirect.scatter.add.f32 [tilespmem:s20], [sflag:$0x6], $0x80, s8, s18, $0xb8;
	[tilespmem:$0x1C880] =	vst v63  }
0xaa: {  	_ =	swait.ge [sflag:s24], $0x3E80  }
0xab: {  	[sflag:s24] =	ssyncset.done $0x0  }
0xac: {  	s9 =	rddreg [dreg:$0x1b];
	[sflag:s24] =	ssyncadd.s32 $0xFFFFC180  }
0xad: {  	[tilespmem:s20], [sflag:$0x2] =	stream.indirect.gather [hbm4b:s4+s18], $0x80, s9, s18, $0xb8;
	[tilespmem:$0x1C880] =	vst v63  }
0xae: {  	_ =	swait.ge [sflag:s21], $0x3E80  }
0xaf: {  	[sflag:s21] =	ssyncset.done $0x0  }
0xb0: {  	s10 =	rddreg [dreg:$0x1c];
	[sflag:s21] =	ssyncadd.s32 $0xFFFFC180  }
0xb1: {  	[spmem:s1] =	stream.indirect.scatter.add.f32 [tilespmem:s19], [sflag:$0x5], $0x80, s10, s18, $0xb8;
	[tilespmem:$0x1C880] =	vst v63  }
0xb2: {  	_ =	swait.ge [sflag:s22], $0x3E80  }
0xb3: {  	[sflag:s22] =	ssyncset.done $0x0  }
0xb4: {  	[sflag:s22] =	ssyncadd.s32 $0xFFFFC180  }
0xb5: {  	[tilespmem:s19], [sflag:$0x1] =	stream.indirect.gather [hbm4b:s4+s18], $0x80, s26, s18, $0xb8;
	[tilespmem:$0x1C880] =	vst v63  }
0xb6: {  	_ =	swait.ge [sflag:s23], $0x3E80  }
0xb7: {  	[sflag:s23] =	ssyncset.done $0x0  }
0xb8: {  	[sflag:s23] =	ssyncadd.s32 $0xFFFFC180  }
0xb9: {  	[spmem:s1] =	stream.indirect.scatter.add.f32 [tilespmem:s20], [sflag:$0x6], $0x80, s28, s18, $0xb8;
	[tilespmem:$0x1C880] =	vst v63  }
0xba: {  	_ =	swait.ge [sflag:s24], $0x3E80  }
0xbb: {  	[sflag:s24] =	ssyncset.done $0x0  }
0xbc: {  	[sflag:s24] =	ssyncadd.s32 $0xFFFFC180  }
0xbd: {  	[tilespmem:s20], [sflag:$0x2] =	stream.indirect.gather [hbm4b:s4+s18], $0x80, s29, s18, $0xb8;
	[tilespmem:$0x1C880] =	vst v63  }
0xbe: {  	_ =	swait.ge [sflag:s21], $0x3E80  }
0xbf: {  	[sflag:s21] =	ssyncset.done $0x0  }
0xc0: {  	[sflag:s21] =	ssyncadd.s32 $0xFFFFC180  }
0xc1: {  	[spmem:s1] =	stream.indirect.scatter.add.f32 [tilespmem:s19], [sflag:$0x5], $0x80, s30, s18, $0xb8;
	[tilespmem:$0x1C880] =	vst v63  }
0xc2: {  	_ =	swait.ge [sflag:s23], $0x3E80  }
0xc3: {  	[sflag:s23] =	ssyncset.done $0x0  }
0xc4: {  	[sflag:s23] =	ssyncadd.s32 $0xFFFFC180  }
0xc5: {  	[spmem:s1] =	stream.indirect.scatter.add.f32 [tilespmem:s20], [sflag:$0x6], $0x80, s31, s18, $0xb8;
	[tilespmem:$0x1C880] =	vst v63  }
0xc6: {  	_ =	swait.ge [sflag:s22], $0x3E80  }
0xc7: {  	[sflag:s22] =	ssyncset.done $0x0  }
0xc8: {  	[sflag:s22] =	ssyncadd.s32 $0xFFFFC180  }
0xc9: {  	s2 =	simm.s32 $0x100;
	_ =	swait.ge [sflag:s24], $0x3E80  }
0xca: {  	s8 =	simm.s32 $0x200;
	s10 =	rddreg [dreg:$0x4];
	[sflag:s24] =	ssyncset.done $0x0  }
.LBB2_2:
0xcb: {  	[sflag:s24] =	ssyncadd.s32 $0xFFFFC180;
	s7 =	rddreg [dreg:$0x5];
	s10 =	sadd.s32 s2, s10  }
0xcc: {  	[tilespmem:s15], [sflag:$0x4] =	stream.linear.gather [hbm4b:s10+s3], $0x400, $0x38;
	[tilespmem:$0x1C880] =	vst v63  }
0xcd: {  	s7 =	sadd.s32 s2, s7  }
0xce: {  	[tilespmem:s16], [sflag:$0x4] =	stream.linear.gather [hbm4b:s7+s3], $0x400, $0x38;
	[tilespmem:$0x1C880] =	vst v63  }
0xcf: {  	_ =	swait.ge [sflag:s17], $0x400  }
0xd0: {  	[sflag:s17] =	ssyncset.done $0x0  }
0xd1: {  	[sflag:s17] =	ssyncadd.s32 $0xFFFFFC00  }
0xd2: {  	_ =	swait.ge [sflag:s17], $0x400  }
0xd3: {  	[sflag:s17] =	ssyncset.done $0x0  }
0xd4: {  	[sflag:s17] =	ssyncadd.s32 $0xFFFFFC00  }
0xd5: {  	[tilespmem:s19], [sflag:$0x1] =	stream.indirect.gather [hbm4b:s4+s18], $0x80, s3, s18, $0xb8;
	[tilespmem:$0x1C880] =	vst v63  }
0xd6: {  	s10 =	rddreg [dreg:$0x6]  }
0xd7: {  	[tilespmem:s20], [sflag:$0x2] =	stream.indirect.gather [hbm4b:s4+s18], $0x80, s10, s18, $0xb8;
	[tilespmem:$0x1C880] =	vst v63  }
0xd8: {  	_ =	swait.ge [sflag:s21], $0x3E80  }
0xd9: {  	[sflag:s21] =	ssyncset.done $0x0  }
0xda: {  	[sflag:s21] =	ssyncadd.s32 $0xFFFFC180  }
0xdb: {  	[spmem:s1] =	stream.indirect.scatter.add.f32 [tilespmem:s19], [sflag:$0x5], $0x80, s14, s18, $0xb8;
	[tilespmem:$0x1C880] =	vst v63  }
0xdc: {  	_ =	swait.ge [sflag:s22], $0x3E80  }
0xdd: {  	[sflag:s22] =	ssyncset.done $0x0  }
0xde: {  	s6 =	rddreg [dreg:$0x7];
	[sflag:s22] =	ssyncadd.s32 $0xFFFFC180  }
0xdf: {  	[tilespmem:s19], [sflag:$0x1] =	stream.indirect.gather [hbm4b:s4+s18], $0x80, s6, s18, $0xb8;
	[tilespmem:$0x1C880] =	vst v63  }
0xe0: {  	_ =	swait.ge [sflag:s23], $0x3E80  }
0xe1: {  	[sflag:s23] =	ssyncset.done $0x0  }
0xe2: {  	s10 =	rddreg [dreg:$0x8];
	[sflag:s23] =	ssyncadd.s32 $0xFFFFC180  }
0xe3: {  	[spmem:s1] =	stream.indirect.scatter.add.f32 [tilespmem:s20], [sflag:$0x6], $0x80, s10, s18, $0xb8;
	[tilespmem:$0x1C880] =	vst v63  }
0xe4: {  	_ =	swait.ge [sflag:s24], $0x3E80  }
0xe5: {  	[sflag:s24] =	ssyncset.done $0x0  }
0xe6: {  	s6 =	rddreg [dreg:$0x9];
	[sflag:s24] =	ssyncadd.s32 $0xFFFFC180  }
0xe7: {  	[tilespmem:s20], [sflag:$0x2] =	stream.indirect.gather [hbm4b:s4+s18], $0x80, s6, s18, $0xb8;
	[tilespmem:$0x1C880] =	vst v63  }
0xe8: {  	_ =	swait.ge [sflag:s21], $0x3E80  }
0xe9: {  	[sflag:s21] =	ssyncset.done $0x0  }
0xea: {  	s10 =	rddreg [dreg:$0xa];
	[sflag:s21] =	ssyncadd.s32 $0xFFFFC180  }
0xeb: {  	[spmem:s1] =	stream.indirect.scatter.add.f32 [tilespmem:s19], [sflag:$0x5], $0x80, s10, s18, $0xb8;
	[tilespmem:$0x1C880] =	vst v63  }
0xec: {  	_ =	swait.ge [sflag:s22], $0x3E80  }
0xed: {  	[sflag:s22] =	ssyncset.done $0x0  }
0xee: {  	s6 =	rddreg [dreg:$0xb];
	[sflag:s22] =	ssyncadd.s32 $0xFFFFC180  }
0xef: {  	[tilespmem:s19], [sflag:$0x1] =	stream.indirect.gather [hbm4b:s4+s18], $0x80, s6, s18, $0xb8;
	[tilespmem:$0x1C880] =	vst v63  }
0xf0: {  	_ =	swait.ge [sflag:s23], $0x3E80  }
0xf1: {  	[sflag:s23] =	ssyncset.done $0x0  }
0xf2: {  	s10 =	rddreg [dreg:$0xc];
	[sflag:s23] =	ssyncadd.s32 $0xFFFFC180  }
0xf3: {  	[spmem:s1] =	stream.indirect.scatter.add.f32 [tilespmem:s20], [sflag:$0x6], $0x80, s10, s18, $0xb8;
	[tilespmem:$0x1C880] =	vst v63  }
0xf4: {  	_ =	swait.ge [sflag:s24], $0x3E80  }
0xf5: {  	[sflag:s24] =	ssyncset.done $0x0  }
0xf6: {  	s6 =	rddreg [dreg:$0xd];
	[sflag:s24] =	ssyncadd.s32 $0xFFFFC180  }
0xf7: {  	[tilespmem:s20], [sflag:$0x2] =	stream.indirect.gather [hbm4b:s4+s18], $0x80, s6, s18, $0xb8;
	[tilespmem:$0x1C880] =	vst v63  }
0xf8: {  	_ =	swait.ge [sflag:s21], $0x3E80  }
0xf9: {  	[sflag:s21] =	ssyncset.done $0x0  }
0xfa: {  	s10 =	rddreg [dreg:$0xe];
	[sflag:s21] =	ssyncadd.s32 $0xFFFFC180  }
0xfb: {  	[spmem:s1] =	stream.indirect.scatter.add.f32 [tilespmem:s19], [sflag:$0x5], $0x80, s10, s18, $0xb8;
	[tilespmem:$0x1C880] =	vst v63  }
0xfc: {  	_ =	swait.ge [sflag:s22], $0x3E80  }
0xfd: {  	[sflag:s22] =	ssyncset.done $0x0  }
0xfe: {  	s6 =	rddreg [dreg:$0xf];
	[sflag:s22] =	ssyncadd.s32 $0xFFFFC180  }
0xff: {  	[tilespmem:s19], [sflag:$0x1] =	stream.indirect.gather [hbm4b:s4+s18], $0x80, s6, s18, $0xb8;
	[tilespmem:$0x1C880] =	vst v63  }
0x100: {  	_ =	swait.ge [sflag:s23], $0x3E80  }
0x101: {  	[sflag:s23] =	ssyncset.done $0x0  }
0x102: {  	s10 =	rddreg [dreg:$0x10];
	[sflag:s23] =	ssyncadd.s32 $0xFFFFC180  }
0x103: {  	[spmem:s1] =	stream.indirect.scatter.add.f32 [tilespmem:s20], [sflag:$0x6], $0x80, s10, s18, $0xb8;
	[tilespmem:$0x1C880] =	vst v63  }
0x104: {  	_ =	swait.ge [sflag:s24], $0x3E80  }
0x105: {  	[sflag:s24] =	ssyncset.done $0x0  }
0x106: {  	s6 =	rddreg [dreg:$0x11];
	[sflag:s24] =	ssyncadd.s32 $0xFFFFC180  }
0x107: {  	[tilespmem:s20], [sflag:$0x2] =	stream.indirect.gather [hbm4b:s4+s18], $0x80, s6, s18, $0xb8;
	[tilespmem:$0x1C880] =	vst v63  }
0x108: {  	_ =	swait.ge [sflag:s21], $0x3E80  }
0x109: {  	[sflag:s21] =	ssyncset.done $0x0  }
0x10a: {  	s10 =	rddreg [dreg:$0x12];
	[sflag:s21] =	ssyncadd.s32 $0xFFFFC180  }
0x10b: {  	[spmem:s1] =	stream.indirect.scatter.add.f32 [tilespmem:s19], [sflag:$0x5], $0x80, s10, s18, $0xb8;
	[tilespmem:$0x1C880] =	vst v63  }
0x10c: {  	_ =	swait.ge [sflag:s23], $0x3E80  }
0x10d: {  	[sflag:s23] =	ssyncset.done $0x0  }
0x10e: {  	s6 =	rddreg [dreg:$0x13];
	[sflag:s23] =	ssyncadd.s32 $0xFFFFC180  }
0x10f: {  	[spmem:s1] =	stream.indirect.scatter.add.f32 [tilespmem:s20], [sflag:$0x6], $0x80, s6, s18, $0xb8;
	[tilespmem:$0x1C880] =	vst v63  }
0x110: {  	_ =	swait.ge [sflag:s22], $0x3E80  }
0x111: {  	[sflag:s22] =	ssyncset.done $0x0  }
0x112: {  	s11 =	sadd.s32 $0x800, s11;
	p2 =	seq.s32 s2, $0x400;
	[sflag:s22] =	ssyncadd.s32 $0xFFFFC180  }
0x113: {  	s7 =	sshrl.u32 @!p2 s11, $0x3;
	_ =	swait.ge [sflag:s24], $0x3E80  }
0x114: {  	s7 =	sadd.s32 @!p2 s5, s7;
	[sflag:s24] =	ssyncset.done $0x0  }
0x115: {  	s6 =	simm.s32 @!p2 $0x0;
	s10 =	rddreg [dreg:$0x3];
	[sflag:s24] =	ssyncadd.s32 $0xFFFFC180  }
0x116: {  	[tilespmem:s6], [sflag:$0x3] =	stream.linear.gather @!p2 [hbm4b:s7+s6], $0x400, $0x38;
	[tilespmem:$0x1C880] =	vst v63  }
0x117: {  	s7 =	sadd.s32 @!p2 s2, s10;
	s10 =	simm.s32 @!p2 $0x800  }
0x118: {  	[tilespmem:s10], [sflag:$0x3] =	stream.linear.gather @!p2 [hbm4b:s7+s6], $0x400, $0x38;
	[tilespmem:$0x1C880] =	vst v63  }
0x119: {  	_ =	swait.ge [sflag:s25], $0x400  }
0x11a: {  	[sflag:s25] =	ssyncset.done $0x0  }
0x11b: {  	[sflag:s25] =	ssyncadd.s32 $0xFFFFFC00  }
0x11c: {  	_ =	swait.ge [sflag:s25], $0x400  }
0x11d: {  	[sflag:s25] =	ssyncset.done $0x0  }
0x11e: {  	[sflag:s25] =	ssyncadd.s32 $0xFFFFFC00  }
0x11f: {  	[tilespmem:s19], [sflag:$0x1] =	stream.indirect.gather [hbm4b:s4+s18], $0x80, s15, s18, $0xb8;
	[tilespmem:$0x1C880] =	vst v63  }
0x120: {  	s7 =	rddreg [dreg:$0x14]  }
0x121: {  	[tilespmem:s20], [sflag:$0x2] =	stream.indirect.gather [hbm4b:s4+s18], $0x80, s7, s18, $0xb8;
	[tilespmem:$0x1C880] =	vst v63  }
0x122: {  	_ =	swait.ge [sflag:s21], $0x3E80  }
0x123: {  	[sflag:s21] =	ssyncset.done $0x0  }
0x124: {  	[sflag:s21] =	ssyncadd.s32 $0xFFFFC180  }
0x125: {  	[spmem:s1] =	stream.indirect.scatter.add.f32 [tilespmem:s19], [sflag:$0x5], $0x80, s16, s18, $0xb8;
	[tilespmem:$0x1C880] =	vst v63  }
0x126: {  	_ =	swait.ge [sflag:s22], $0x3E80  }
0x127: {  	s9 =	smov.u32 s8;
	[sflag:s22] =	ssyncset.done $0x0  }
0x128: {  	s2 =	smov.u32 s9;
	s9 =	rddreg [dreg:$0x15];
	[sflag:s22] =	ssyncadd.s32 $0xFFFFC180  }
0x129: {  	[tilespmem:s19], [sflag:$0x1] =	stream.indirect.gather [hbm4b:s4+s18], $0x80, s9, s18, $0xb8;
	[tilespmem:$0x1C880] =	vst v63  }
0x12a: {  	_ =	swait.ge [sflag:s23], $0x3E80  }
0x12b: {  	[sflag:s23] =	ssyncset.done $0x0  }
0x12c: {  	s10 =	rddreg [dreg:$0x16];
	[sflag:s23] =	ssyncadd.s32 $0xFFFFC180  }
0x12d: {  	[spmem:s1] =	stream.indirect.scatter.add.f32 [tilespmem:s20], [sflag:$0x6], $0x80, s10, s18, $0xb8;
	[tilespmem:$0x1C880] =	vst v63  }
0x12e: {  	_ =	swait.ge [sflag:s24], $0x3E80  }
0x12f: {  	[sflag:s24] =	ssyncset.done $0x0  }
0x130: {  	s7 =	rddreg [dreg:$0x17];
	[sflag:s24] =	ssyncadd.s32 $0xFFFFC180  }
0x131: {  	[tilespmem:s20], [sflag:$0x2] =	stream.indirect.gather [hbm4b:s4+s18], $0x80, s7, s18, $0xb8;
	[tilespmem:$0x1C880] =	vst v63  }
0x132: {  	_ =	swait.ge [sflag:s21], $0x3E80  }
0x133: {  	[sflag:s21] =	ssyncset.done $0x0  }
0x134: {  	s9 =	rddreg [dreg:$0x18];
	[sflag:s21] =	ssyncadd.s32 $0xFFFFC180  }
0x135: {  	[spmem:s1] =	stream.indirect.scatter.add.f32 [tilespmem:s19], [sflag:$0x5], $0x80, s9, s18, $0xb8;
	[tilespmem:$0x1C880] =	vst v63  }
0x136: {  	_ =	swait.ge [sflag:s22], $0x3E80  }
0x137: {  	[sflag:s22] =	ssyncset.done $0x0  }
0x138: {  	s10 =	rddreg [dreg:$0x19];
	[sflag:s22] =	ssyncadd.s32 $0xFFFFC180  }
0x139: {  	[tilespmem:s19], [sflag:$0x1] =	stream.indirect.gather [hbm4b:s4+s18], $0x80, s10, s18, $0xb8;
	[tilespmem:$0x1C880] =	vst v63  }
0x13a: {  	_ =	swait.ge [sflag:s23], $0x3E80  }
0x13b: {  	[sflag:s23] =	ssyncset.done $0x0  }
0x13c: {  	s7 =	rddreg [dreg:$0x1a];
	[sflag:s23] =	ssyncadd.s32 $0xFFFFC180  }
0x13d: {  	[spmem:s1] =	stream.indirect.scatter.add.f32 [tilespmem:s20], [sflag:$0x6], $0x80, s7, s18, $0xb8;
	[tilespmem:$0x1C880] =	vst v63  }
0x13e: {  	_ =	swait.ge [sflag:s24], $0x3E80  }
0x13f: {  	[sflag:s24] =	ssyncset.done $0x0  }
0x140: {  	s9 =	rddreg [dreg:$0x1b];
	[sflag:s24] =	ssyncadd.s32 $0xFFFFC180  }
0x141: {  	[tilespmem:s20], [sflag:$0x2] =	stream.indirect.gather [hbm4b:s4+s18], $0x80, s9, s18, $0xb8;
	[tilespmem:$0x1C880] =	vst v63  }
0x142: {  	_ =	swait.ge [sflag:s21], $0x3E80  }
0x143: {  	[sflag:s21] =	ssyncset.done $0x0  }
0x144: {  	s10 =	rddreg [dreg:$0x1c];
	[sflag:s21] =	ssyncadd.s32 $0xFFFFC180  }
0x145: {  	[spmem:s1] =	stream.indirect.scatter.add.f32 [tilespmem:s19], [sflag:$0x5], $0x80, s10, s18, $0xb8;
	[tilespmem:$0x1C880] =	vst v63  }
0x146: {  	_ =	swait.ge [sflag:s22], $0x3E80  }
0x147: {  	[sflag:s22] =	ssyncset.done $0x0  }
0x148: {  	[sflag:s22] =	ssyncadd.s32 $0xFFFFC180  }
0x149: {  	[tilespmem:s19], [sflag:$0x1] =	stream.indirect.gather [hbm4b:s4+s18], $0x80, s26, s18, $0xb8;
	[tilespmem:$0x1C880] =	vst v63  }
0x14a: {  	_ =	swait.ge [sflag:s23], $0x3E80  }
0x14b: {  	[sflag:s23] =	ssyncset.done $0x0  }
0x14c: {  	[sflag:s23] =	ssyncadd.s32 $0xFFFFC180  }
0x14d: {  	[spmem:s1] =	stream.indirect.scatter.add.f32 [tilespmem:s20], [sflag:$0x6], $0x80, s28, s18, $0xb8;
	[tilespmem:$0x1C880] =	vst v63  }
0x14e: {  	_ =	swait.ge [sflag:s24], $0x3E80  }
0x14f: {  	[sflag:s24] =	ssyncset.done $0x0  }
0x150: {  	[sflag:s24] =	ssyncadd.s32 $0xFFFFC180  }
0x151: {  	[tilespmem:s20], [sflag:$0x2] =	stream.indirect.gather [hbm4b:s4+s18], $0x80, s29, s18, $0xb8;
	[tilespmem:$0x1C880] =	vst v63  }
0x152: {  	_ =	swait.ge [sflag:s21], $0x3E80  }
0x153: {  	[sflag:s21] =	ssyncset.done $0x0  }
0x154: {  	[sflag:s21] =	ssyncadd.s32 $0xFFFFC180  }
0x155: {  	[spmem:s1] =	stream.indirect.scatter.add.f32 [tilespmem:s19], [sflag:$0x5], $0x80, s30, s18, $0xb8;
	[tilespmem:$0x1C880] =	vst v63  }
0x156: {  	_ =	swait.ge [sflag:s23], $0x3E80  }
0x157: {  	s8 =	sadd.s32 $0x100, s8;
	[sflag:s23] =	ssyncset.done $0x0  }
0x158: {  	p1 =	sne.s32 s8, $0x500;
	[sflag:s23] =	ssyncadd.s32 $0xFFFFC180  }
0x159: {  	[spmem:s1] =	stream.indirect.scatter.add.f32 [tilespmem:s20], [sflag:$0x6], $0x80, s31, s18, $0xb8;
	[tilespmem:$0x1C880] =	vst v63  }
.Ltmp0:
0x15a: {  	_ =	swait.ge [sflag:s22], $0x3E80;
	(pc) =	sbr.rel @p1 .LBB2_2-.Ltmp0, $4  }
0x15b: {  	[sflag:s22] =	ssyncset.done $0x0  }
0x15c: {  	[sflag:s22] =	ssyncadd.s32 $0xFFFFC180  }
0x15d: {  	_ =	swait.ge [sflag:s24], $0x3E80  }
0x15e: {  	s10 =	rddreg [dreg:$0x4];
	[sflag:s24] =	ssyncset.done $0x0  }
0x15f: {  	s6 =	rddreg [dreg:$0x5];
	[sflag:s24] =	ssyncadd.s32 $0xFFFFC180;
	s7 =	sadd.s32 s2, s10  }
0x160: {  	[tilespmem:s15], [sflag:$0x4] =	stream.linear.gather [hbm4b:s7+s3], $0x400, $0x38;
	[tilespmem:$0x1C880] =	vst v63  }
0x161: {  	s6 =	sadd.s32 s2, s6  }
0x162: {  	[tilespmem:s16], [sflag:$0x4] =	stream.linear.gather [hbm4b:s6+s3], $0x400, $0x38;
	[tilespmem:$0x1C880] =	vst v63  }
0x163: {  	_ =	swait.ge [sflag:s17], $0x400  }
0x164: {  	[sflag:s17] =	ssyncset.done $0x0  }
0x165: {  	[sflag:s17] =	ssyncadd.s32 $0xFFFFFC00  }
0x166: {  	_ =	swait.ge [sflag:s17], $0x400  }
0x167: {  	[sflag:s17] =	ssyncset.done $0x0  }
0x168: {  	[sflag:s17] =	ssyncadd.s32 $0xFFFFFC00  }
0x169: {  	[tilespmem:s19], [sflag:$0x1] =	stream.indirect.gather [hbm4b:s4+s18], $0x80, s3, s18, $0xb8;
	[tilespmem:$0x1C880] =	vst v63  }
0x16a: {  	s10 =	rddreg [dreg:$0x6]  }
0x16b: {  	[tilespmem:s20], [sflag:$0x2] =	stream.indirect.gather [hbm4b:s4+s18], $0x80, s10, s18, $0xb8;
	[tilespmem:$0x1C880] =	vst v63  }
0x16c: {  	_ =	swait.ge [sflag:s21], $0x3E80  }
0x16d: {  	[sflag:s21] =	ssyncset.done $0x0  }
0x16e: {  	[sflag:s21] =	ssyncadd.s32 $0xFFFFC180  }
0x16f: {  	[spmem:s1] =	stream.indirect.scatter.add.f32 [tilespmem:s19], [sflag:$0x5], $0x80, s14, s18, $0xb8;
	[tilespmem:$0x1C880] =	vst v63  }
0x170: {  	_ =	swait.ge [sflag:s22], $0x3E80  }
0x171: {  	[sflag:s22] =	ssyncset.done $0x0  }
0x172: {  	s7 =	rddreg [dreg:$0x7];
	[sflag:s22] =	ssyncadd.s32 $0xFFFFC180  }
0x173: {  	[tilespmem:s19], [sflag:$0x1] =	stream.indirect.gather [hbm4b:s4+s18], $0x80, s7, s18, $0xb8;
	[tilespmem:$0x1C880] =	vst v63  }
0x174: {  	_ =	swait.ge [sflag:s23], $0x3E80  }
0x175: {  	[sflag:s23] =	ssyncset.done $0x0  }
0x176: {  	s8 =	rddreg [dreg:$0x8];
	[sflag:s23] =	ssyncadd.s32 $0xFFFFC180  }
0x177: {  	[spmem:s1] =	stream.indirect.scatter.add.f32 [tilespmem:s20], [sflag:$0x6], $0x80, s8, s18, $0xb8;
	[tilespmem:$0x1C880] =	vst v63  }
0x178: {  	_ =	swait.ge [sflag:s24], $0x3E80  }
0x179: {  	[sflag:s24] =	ssyncset.done $0x0  }
0x17a: {  	s9 =	rddreg [dreg:$0x9];
	[sflag:s24] =	ssyncadd.s32 $0xFFFFC180  }
0x17b: {  	[tilespmem:s20], [sflag:$0x2] =	stream.indirect.gather [hbm4b:s4+s18], $0x80, s9, s18, $0xb8;
	[tilespmem:$0x1C880] =	vst v63  }
0x17c: {  	_ =	swait.ge [sflag:s21], $0x3E80  }
0x17d: {  	[sflag:s21] =	ssyncset.done $0x0  }
0x17e: {  	s10 =	rddreg [dreg:$0xa];
	[sflag:s21] =	ssyncadd.s32 $0xFFFFC180  }
0x17f: {  	[spmem:s1] =	stream.indirect.scatter.add.f32 [tilespmem:s19], [sflag:$0x5], $0x80, s10, s18, $0xb8;
	[tilespmem:$0x1C880] =	vst v63  }
0x180: {  	_ =	swait.ge [sflag:s22], $0x3E80  }
0x181: {  	[sflag:s22] =	ssyncset.done $0x0  }
0x182: {  	s7 =	rddreg [dreg:$0xb];
	[sflag:s22] =	ssyncadd.s32 $0xFFFFC180  }
0x183: {  	[tilespmem:s19], [sflag:$0x1] =	stream.indirect.gather [hbm4b:s4+s18], $0x80, s7, s18, $0xb8;
	[tilespmem:$0x1C880] =	vst v63  }
0x184: {  	_ =	swait.ge [sflag:s23], $0x3E80  }
0x185: {  	[sflag:s23] =	ssyncset.done $0x0  }
0x186: {  	s8 =	rddreg [dreg:$0xc];
	[sflag:s23] =	ssyncadd.s32 $0xFFFFC180  }
0x187: {  	[spmem:s1] =	stream.indirect.scatter.add.f32 [tilespmem:s20], [sflag:$0x6], $0x80, s8, s18, $0xb8;
	[tilespmem:$0x1C880] =	vst v63  }
0x188: {  	_ =	swait.ge [sflag:s24], $0x3E80  }
0x189: {  	[sflag:s24] =	ssyncset.done $0x0  }
0x18a: {  	s9 =	rddreg [dreg:$0xd];
	[sflag:s24] =	ssyncadd.s32 $0xFFFFC180  }
0x18b: {  	[tilespmem:s20], [sflag:$0x2] =	stream.indirect.gather [hbm4b:s4+s18], $0x80, s9, s18, $0xb8;
	[tilespmem:$0x1C880] =	vst v63  }
0x18c: {  	_ =	swait.ge [sflag:s21], $0x3E80  }
0x18d: {  	[sflag:s21] =	ssyncset.done $0x0  }
0x18e: {  	s10 =	rddreg [dreg:$0xe];
	[sflag:s21] =	ssyncadd.s32 $0xFFFFC180  }
0x18f: {  	[spmem:s1] =	stream.indirect.scatter.add.f32 [tilespmem:s19], [sflag:$0x5], $0x80, s10, s18, $0xb8;
	[tilespmem:$0x1C880] =	vst v63  }
0x190: {  	_ =	swait.ge [sflag:s22], $0x3E80  }
0x191: {  	[sflag:s22] =	ssyncset.done $0x0  }
0x192: {  	s7 =	rddreg [dreg:$0xf];
	[sflag:s22] =	ssyncadd.s32 $0xFFFFC180  }
0x193: {  	[tilespmem:s19], [sflag:$0x1] =	stream.indirect.gather [hbm4b:s4+s18], $0x80, s7, s18, $0xb8;
	[tilespmem:$0x1C880] =	vst v63  }
0x194: {  	_ =	swait.ge [sflag:s23], $0x3E80  }
0x195: {  	[sflag:s23] =	ssyncset.done $0x0  }
0x196: {  	s8 =	rddreg [dreg:$0x10];
	[sflag:s23] =	ssyncadd.s32 $0xFFFFC180  }
0x197: {  	[spmem:s1] =	stream.indirect.scatter.add.f32 [tilespmem:s20], [sflag:$0x6], $0x80, s8, s18, $0xb8;
	[tilespmem:$0x1C880] =	vst v63  }
0x198: {  	_ =	swait.ge [sflag:s24], $0x3E80  }
0x199: {  	[sflag:s24] =	ssyncset.done $0x0  }
0x19a: {  	s9 =	rddreg [dreg:$0x11];
	[sflag:s24] =	ssyncadd.s32 $0xFFFFC180  }
0x19b: {  	[tilespmem:s20], [sflag:$0x2] =	stream.indirect.gather [hbm4b:s4+s18], $0x80, s9, s18, $0xb8;
	[tilespmem:$0x1C880] =	vst v63  }
0x19c: {  	_ =	swait.ge [sflag:s21], $0x3E80  }
0x19d: {  	[sflag:s21] =	ssyncset.done $0x0  }
0x19e: {  	s10 =	rddreg [dreg:$0x12];
	[sflag:s21] =	ssyncadd.s32 $0xFFFFC180  }
0x19f: {  	[spmem:s1] =	stream.indirect.scatter.add.f32 [tilespmem:s19], [sflag:$0x5], $0x80, s10, s18, $0xb8;
	[tilespmem:$0x1C880] =	vst v63  }
0x1a0: {  	_ =	swait.ge [sflag:s23], $0x3E80  }
0x1a1: {  	[sflag:s23] =	ssyncset.done $0x0  }
0x1a2: {  	s7 =	rddreg [dreg:$0x13];
	[sflag:s23] =	ssyncadd.s32 $0xFFFFC180  }
0x1a3: {  	[spmem:s1] =	stream.indirect.scatter.add.f32 [tilespmem:s20], [sflag:$0x6], $0x80, s7, s18, $0xb8;
	[tilespmem:$0x1C880] =	vst v63  }
0x1a4: {  	_ =	swait.ge [sflag:s22], $0x3E80  }
0x1a5: {  	[sflag:s22] =	ssyncset.done $0x0  }
0x1a6: {  	p1 =	seq.s32 s2, $0x400;
	s6 =	sadd.s32 $0x800, s11;
	[sflag:s22] =	ssyncadd.s32 $0xFFFFC180  }
0x1a7: {  	s6 =	sshrl.u32 @!p1 s6, $0x3;
	_ =	swait.ge [sflag:s24], $0x3E80  }
0x1a8: {  	s6 =	sadd.s32 @!p1 s5, s6;
	[sflag:s24] =	ssyncset.done $0x0  }
0x1a9: {  	s8 =	simm.s32 @!p1 $0x0;
	s7 =	rddreg [dreg:$0x3];
	[sflag:s24] =	ssyncadd.s32 $0xFFFFC180  }
0x1aa: {  	[tilespmem:s8], [sflag:$0x3] =	stream.linear.gather @!p1 [hbm4b:s6+s8], $0x400, $0x38;
	[tilespmem:$0x1C880] =	vst v63  }
0x1ab: {  	s2 =	sadd.s32 @!p1 s2, s7;
	s6 =	simm.s32 @!p1 $0x800  }
0x1ac: {  	[tilespmem:s6], [sflag:$0x3] =	stream.linear.gather @!p1 [hbm4b:s2+s8], $0x400, $0x38;
	[tilespmem:$0x1C880] =	vst v63  }
0x1ad: {  	_ =	swait.ge [sflag:s25], $0x400  }
0x1ae: {  	[sflag:s25] =	ssyncset.done $0x0  }
0x1af: {  	[sflag:s25] =	ssyncadd.s32 $0xFFFFFC00  }
0x1b0: {  	_ =	swait.ge [sflag:s25], $0x400  }
0x1b1: {  	[sflag:s25] =	ssyncset.done $0x0  }
0x1b2: {  	[sflag:s25] =	ssyncadd.s32 $0xFFFFFC00  }
0x1b3: {  	[tilespmem:s19], [sflag:$0x1] =	stream.indirect.gather [hbm4b:s4+s18], $0x80, s15, s18, $0xb8;
	[tilespmem:$0x1C880] =	vst v63  }
0x1b4: {  	s8 =	rddreg [dreg:$0x14]  }
0x1b5: {  	[tilespmem:s20], [sflag:$0x2] =	stream.indirect.gather [hbm4b:s4+s18], $0x80, s8, s18, $0xb8;
	[tilespmem:$0x1C880] =	vst v63  }
0x1b6: {  	_ =	swait.ge [sflag:s21], $0x3E80  }
0x1b7: {  	[sflag:s21] =	ssyncset.done $0x0  }
0x1b8: {  	[sflag:s21] =	ssyncadd.s32 $0xFFFFC180  }
0x1b9: {  	[spmem:s1] =	stream.indirect.scatter.add.f32 [tilespmem:s19], [sflag:$0x5], $0x80, s16, s18, $0xb8;
	[tilespmem:$0x1C880] =	vst v63  }
0x1ba: {  	_ =	swait.ge [sflag:s22], $0x3E80  }
0x1bb: {  	[sflag:s22] =	ssyncset.done $0x0  }
0x1bc: {  	s9 =	rddreg [dreg:$0x15];
	[sflag:s22] =	ssyncadd.s32 $0xFFFFC180  }
0x1bd: {  	[tilespmem:s19], [sflag:$0x1] =	stream.indirect.gather [hbm4b:s4+s18], $0x80, s9, s18, $0xb8;
	[tilespmem:$0x1C880] =	vst v63  }
0x1be: {  	_ =	swait.ge [sflag:s23], $0x3E80  }
0x1bf: {  	[sflag:s23] =	ssyncset.done $0x0  }
0x1c0: {  	s10 =	rddreg [dreg:$0x16];
	[sflag:s23] =	ssyncadd.s32 $0xFFFFC180  }
0x1c1: {  	[spmem:s1] =	stream.indirect.scatter.add.f32 [tilespmem:s20], [sflag:$0x6], $0x80, s10, s18, $0xb8;
	[tilespmem:$0x1C880] =	vst v63  }
0x1c2: {  	_ =	swait.ge [sflag:s24], $0x3E80  }
0x1c3: {  	[sflag:s24] =	ssyncset.done $0x0  }
0x1c4: {  	s11 =	rddreg [dreg:$0x17];
	[sflag:s24] =	ssyncadd.s32 $0xFFFFC180  }
0x1c5: {  	[tilespmem:s20], [sflag:$0x2] =	stream.indirect.gather [hbm4b:s4+s18], $0x80, s11, s18, $0xb8;
	[tilespmem:$0x1C880] =	vst v63  }
0x1c6: {  	_ =	swait.ge [sflag:s21], $0x3E80  }
0x1c7: {  	[sflag:s21] =	ssyncset.done $0x0  }
0x1c8: {  	s6 =	rddreg [dreg:$0x18];
	[sflag:s21] =	ssyncadd.s32 $0xFFFFC180  }
0x1c9: {  	[spmem:s1] =	stream.indirect.scatter.add.f32 [tilespmem:s19], [sflag:$0x5], $0x80, s6, s18, $0xb8;
	[tilespmem:$0x1C880] =	vst v63  }
0x1ca: {  	_ =	swait.ge [sflag:s22], $0x3E80  }
0x1cb: {  	[sflag:s22] =	ssyncset.done $0x0  }
0x1cc: {  	s7 =	rddreg [dreg:$0x19];
	[sflag:s22] =	ssyncadd.s32 $0xFFFFC180  }
0x1cd: {  	[tilespmem:s19], [sflag:$0x1] =	stream.indirect.gather [hbm4b:s4+s18], $0x80, s7, s18, $0xb8;
	[tilespmem:$0x1C880] =	vst v63  }
0x1ce: {  	_ =	swait.ge [sflag:s23], $0x3E80  }
0x1cf: {  	[sflag:s23] =	ssyncset.done $0x0  }
0x1d0: {  	s8 =	rddreg [dreg:$0x1a];
	[sflag:s23] =	ssyncadd.s32 $0xFFFFC180  }
0x1d1: {  	[spmem:s1] =	stream.indirect.scatter.add.f32 [tilespmem:s20], [sflag:$0x6], $0x80, s8, s18, $0xb8;
	[tilespmem:$0x1C880] =	vst v63  }
0x1d2: {  	_ =	swait.ge [sflag:s24], $0x3E80  }
0x1d3: {  	[sflag:s24] =	ssyncset.done $0x0  }
0x1d4: {  	s9 =	rddreg [dreg:$0x1b];
	[sflag:s24] =	ssyncadd.s32 $0xFFFFC180  }
0x1d5: {  	[tilespmem:s20], [sflag:$0x2] =	stream.indirect.gather [hbm4b:s4+s18], $0x80, s9, s18, $0xb8;
	[tilespmem:$0x1C880] =	vst v63  }
0x1d6: {  	_ =	swait.ge [sflag:s21], $0x3E80  }
0x1d7: {  	[sflag:s21] =	ssyncset.done $0x0  }
0x1d8: {  	s10 =	rddreg [dreg:$0x1c];
	[sflag:s21] =	ssyncadd.s32 $0xFFFFC180  }
0x1d9: {  	[spmem:s1] =	stream.indirect.scatter.add.f32 [tilespmem:s19], [sflag:$0x5], $0x80, s10, s18, $0xb8;
	[tilespmem:$0x1C880] =	vst v63  }
0x1da: {  	_ =	swait.ge [sflag:s22], $0x3E80  }
0x1db: {  	[sflag:s22] =	ssyncset.done $0x0  }
0x1dc: {  	[sflag:s22] =	ssyncadd.s32 $0xFFFFC180  }
0x1dd: {  	[tilespmem:s19], [sflag:$0x1] =	stream.indirect.gather [hbm4b:s4+s18], $0x80, s26, s18, $0xb8;
	[tilespmem:$0x1C880] =	vst v63  }
0x1de: {  	_ =	swait.ge [sflag:s23], $0x3E80  }
0x1df: {  	[sflag:s23] =	ssyncset.done $0x0  }
0x1e0: {  	[sflag:s23] =	ssyncadd.s32 $0xFFFFC180  }
0x1e1: {  	[spmem:s1] =	stream.indirect.scatter.add.f32 [tilespmem:s20], [sflag:$0x6], $0x80, s28, s18, $0xb8;
	[tilespmem:$0x1C880] =	vst v63  }
0x1e2: {  	_ =	swait.ge [sflag:s24], $0x3E80  }
0x1e3: {  	[sflag:s24] =	ssyncset.done $0x0  }
0x1e4: {  	[sflag:s24] =	ssyncadd.s32 $0xFFFFC180  }
0x1e5: {  	[tilespmem:s20], [sflag:$0x2] =	stream.indirect.gather [hbm4b:s4+s18], $0x80, s29, s18, $0xb8;
	[tilespmem:$0x1C880] =	vst v63  }
0x1e6: {  	_ =	swait.ge [sflag:s21], $0x3E80  }
0x1e7: {  	[sflag:s21] =	ssyncset.done $0x0  }
0x1e8: {  	[sflag:s21] =	ssyncadd.s32 $0xFFFFC180  }
0x1e9: {  	[spmem:s1] =	stream.indirect.scatter.add.f32 [tilespmem:s19], [sflag:$0x5], $0x80, s30, s18, $0xb8;
	[tilespmem:$0x1C880] =	vst v63  }
0x1ea: {  	_ =	swait.ge [sflag:s23], $0x3E80  }
0x1eb: {  	[sflag:s23] =	ssyncset.done $0x0  }
0x1ec: {  	[sflag:s23] =	ssyncadd.s32 $0xFFFFC180  }
0x1ed: {  	[spmem:s1] =	stream.indirect.scatter.add.f32 [tilespmem:s20], [sflag:$0x6], $0x80, s31, s18, $0xb8;
	[tilespmem:$0x1C880] =	vst v63  }
0x1ee: {  	_ =	swait.ge [sflag:s22], $0x3E80  }
0x1ef: {  	[sflag:s22] =	ssyncset.done $0x0  }
0x1f0: {  	[sflag:s22] =	ssyncadd.s32 $0xFFFFC180  }
0x1f1: {  	_ =	swait.ge [sflag:s24], $0x3E80  }
0x1f2: {  	[sflag:s24] =	ssyncset.done $0x0  }
0x1f3: {  	[sflag:s24] =	ssyncadd.s32 $0xFFFFC180  }
0x1f4: {  	[bflag:$0x0] =	sbarrier.arrive $0xFFFF  }
0x1f5: {  	s2 =	sld [smem:$0x7FB];
	_ =	sdelay $0x2  }
0x1f6: {  	[hbm:s2], [sflag:s12] =	dma.local @!p0 [spmem:s13], $0x3E80  }
0x1f7: {  	s2 =	simm.s32 @!p0 $0x7  }
0x1f8: {  	_ =	swait.ge @!p0 [sflag:s2], $0x3E80  }
0x1f9: {  	s11 =	sld [smem:$0x7FC];
	_ =	sdelay $0x1  }
0x1fa: {  	s0 =	sadd.s32 $0x1, s0  }
0x1fb: {  	p1 =	sne.s32 s0, s11  }
.Ltmp1:
0x1fc: {  	_ = 	snop;
	(pc) =	sbr.rel @p1 .LBB2_1-.Ltmp1, $3  }
0x1fd: {  	_ =	sdelay $0x1  }
0x1fe: {  	[sflag:s2] =	ssyncset.done @!p0 $0x0  }
0x1ff: {  	[sflag:s2] =	ssyncadd.s32 @!p0 $0xFFFFC180  }
0x200: {  	_ =	sfence.sel $0x180000  }
0x201: {  	[bflag:$0x0] =	sbarrier.arrive $0xFFFF  }
0x202: {  	_ =	strace $0x9000004A  }
0x203: {  	s0 =	stileid.u32;
	[bflag:$0x2] =	sbarrier.arrive $0xFFFF  }
0x204: {  	p0 =	sne.s32 s0, $0x0;
	s0 =	rddreg [dreg:$0x2]  }
0x205: {  	s0 =	sadd.s32 @!p0 $0x100000, s0  }
0x206: {  	[sflag:s0] =	ssyncadd.tile.s32 @!p0 $0x1;
	_ =	shalt  }
.Lfunc_end2:
_tile_overlayer_lowered:
.L_overlay_start_2:
0x207: {  	(tag) =	ssettag $0x2  }
0x208: {  	s0 =	rddreg [dreg:$0x0];
	s2 =	stileid.u32  }
0x209: {  	s1 =	rddreg [dreg:$0x1];
	p0 =	sne.s32 s2, $0x0  }
0x20a: {  	s3 =	rddreg [dreg:$0x2];
	[bflag:$0x3] =	sbarrier.arrive $0xFFFF;
	s2 =	simm.s32 @!p0 $0x1C07  }
0x20b: {  	[timem:s3], [sflag:s2] =	dma.local @!p0 [hbm:s0], s1  }
0x20c: {  	s0 =	simm.s32 @!p0 $0x7  }
0x20d: {  	_ =	swait.ge @!p0 [sflag:s0], s1  }
0x20e: {  	s1 =	ssub.s32 @!p0 $0x0, s1;
	[sflag:s0] =	ssyncset.done @!p0 $0x0  }
0x20f: {  	[sflag:s0] =	ssyncadd.s32 @!p0 s1  }
0x210: {  	[bflag:$0x3] =	sbarrier.arrive $0xFFFF  }
0x211: {  	_ =	shalt  }

// kernel: kernel.14.cloned.1.call-start
scs
__scs_entry_jumppad:
0x0: {  	(pc) =	sbr.rel $0x88, $3  }
0x1: {  	(tag) =	ssettag $0x0;
	lr =	simm.s32 $0x1  }
0x2: {  	[smem:$0x3F97] =	sst lr;
	_ =	strace $0xD0000000  }
0x3: {  	_ = 	snop  }
0x4: {  	_ = 	snop  }
0x5: {  	_ = 	snop  }
0x6: {  	_ = 	snop  }
0x7: {  	_ = 	snop  }
__scs_overlays_trampoline_lowered:
0x8: {  	[smem:$0x3FA6] =	sst s0  }
0x9: {  	[smem:$0x3FA7] =	sst s1  }
0xa: {  	[smem:$0x3FA8] =	sst s2  }
0xb: {  	[smem:$0x3FA9] =	sst s3  }
0xc: {  	[smem:$0x3FAA] =	sst s4  }
0xd: {  	[smem:$0x3FAB] =	sst s5  }
0xe: {  	[smem:$0x3FAC] =	sst s6  }
0xf: {  	[smem:$0x3FAD] =	sst s7  }
0x10: {  	[smem:$0x3FAE] =	sst s8  }
0x11: {  	[smem:$0x3FAF] =	sst s9;
	s0 =	simm.s32 @!p0 $0x0  }
0x12: {  	s1 =	sld [smem:$0x3F95];
	s0 =	simm.s32 @p0 $0x1  }
0x13: {  	[smem:$0x3FB0] =	sst s0;
	s0 =	simm.s32 @!p1 $0x0  }
0x14: {  	s2 =	sld [smem:$0x3F94];
	s0 =	simm.s32 @p1 $0x1  }
0x15: {  	[smem:$0x3FB1] =	sst s0;
	s0 =	simm.s32 @!p2 $0x0  }
0x16: {  	s3 =	sld [smem:$0x3FDB];
	s0 =	simm.s32 @p2 $0x1  }
0x17: {  	s4 =	simm.s32 $0x1BF5;
	[smem:$0x3FB3] =	sst s0  }
0x18: {  	s0 =	sld [smem:$0x3F96];
	_ =	swait.ge [sflag:s4], $0x0  }
0x19: {  	s7 =	sld [smem:$0x3F97]  }
0x1a: {  	s8 =	sadd.s32 $0xFFFFE003, lr  }
0x1b: {  	s9 =	sadd.s32 $0xFFFFFEF7, lr;
	s5 =	simm.s32 $0xFFFFFFFF;
	p2 =	slt.u32 s8, $0xFFFFF086  }
0x1c: {  	p1 =	slt.u32 s9, $0xF7A;
	s5 =	simm.s32 @!p2 $0x0  }
0x1d: {  	s5 =	simm.s32 @p1 $0x1;
	p0 =	seq.s32 s7, s2  }
0x1e: {  	s7 =	smul.u32 @!p0 $0xF7A, s2;
	p2 =	seq.s32 @!p0 s5, $0x0  }
0x1f: {  	s9 =	smul.u32 $0xF7A, s1;
	s8 =	simm.s32 @!p0 $0x1BF5;
	p2 =	por !p2, p0  }
0x20: {  	[sflag:s8] =	ssyncset.s32 @!p0 $0xFFFFF086;
	s6 =	sadd.s32 @!p0 s3, s7;
	s7 =	simm.s32 @!p0 $0x108  }
0x21: {  	s3 =	sadd.s32 s3, s9;
	s6 =	sadd.s32 @!p0 $0x88, s6;
	s7 =	simm.s32 @p2 $0x1082  }
0x22: {  	[simem:s7], [sflag:s8] =	dma.local @!p0 [hbm:s6], $0xF7A  }
0x23: {  	s9 =	sor.u32 $0xD0000000, s2;
	s6 =	simm.s32 $0x108;
	_ =	swait.ge @!p0 [sflag:s8], $0x0  }
0x24: {  	s3 =	sadd.s32 $0x88, s3;
	s6 =	simm.s32 @!p1 $0x1082;
	[sflag:s4] =	ssyncset.s32 $0xFFFFF086  }
0x25: {  	[simem:s6], [sflag:s4] =	dma.local [hbm:s3], $0xF7A  }
0x26: {  	[smem:$0x3F97] =	sst s1;
	(tag) =	ssettag s2;
	_ =	strace s9  }
0x27: {  	s1 =	sld [smem:$0x3FA7]  }
0x28: {  	s2 =	sld [smem:$0x3FA8]  }
0x29: {  	s4 =	sld [smem:$0x3FAA]  }
0x2a: {  	p0 =	seq.s32 s5, $0x0;
	s5 =	sld [smem:$0x3FAB]  }
0x2b: {  	s6 =	sld [smem:$0x3FAC]  }
0x2c: {  	s7 =	sld [smem:$0x3FAD]  }
0x2d: {  	s3 =	simm.s32 $0x108;
	s8 =	sld [smem:$0x3FAE]  }
0x2e: {  	s3 =	simm.s32 @!p0 $0x1082;
	s9 =	sld [smem:$0x3FAF]  }
0x2f: {  	lr =	sadd.s32 s0, s3;
	s0 =	sld [smem:$0x3FA6]  }
0x30: {  	s3 =	sld [smem:$0x3FA9]  }
0x31: {  	[smem:$0x3FB2] =	sst s10  }
0x32: {  	s10 =	sld [smem:$0x3FB0];
	_ =	sdelay $0x3  }
0x33: {  	p0 =	seq.s32 s10, $0x1;
	s10 =	sld [smem:$0x3FB2];
	_ =	sdelay $0x3  }
0x34: {  	[smem:$0x3FB2] =	sst s10  }
0x35: {  	s10 =	sld [smem:$0x3FB1];
	_ =	sdelay $0x3  }
0x36: {  	p1 =	seq.s32 s10, $0x1;
	s10 =	sld [smem:$0x3FB2];
	_ =	sdelay $0x3  }
0x37: {  	[smem:$0x3FB2] =	sst s10  }
0x38: {  	s10 =	sld [smem:$0x3FB3]  }
0x39: {  	_ = 	snop;
	(pc) =	sbr.ind lr, $3  }
0x3a: {  	_ = 	snop  }
0x3b: {  	_ = 	snop  }
0x3c: {  	p2 =	seq.s32 s10, $0x1;
	s10 =	sld [smem:$0x3FB2]  }
0x3d: {  	_ =	shalt  }
0x3e: {  	_ =	shalt  }
0x3f: {  	_ =	shalt  }
0x40: {  	_ =	shalt  }
0x41: {  	_ =	shalt  }
0x42: {  	_ =	shalt  }
0x43: {  	_ =	shalt  }
0x44: {  	_ =	shalt  }
0x45: {  	_ =	shalt  }
0x46: {  	_ =	shalt  }
0x47: {  	_ =	shalt  }
0x48: {  	_ =	shalt  }
0x49: {  	_ =	shalt  }
0x4a: {  	_ =	shalt  }
0x4b: {  	_ =	shalt  }
0x4c: {  	_ =	shalt  }
0x4d: {  	_ =	shalt  }
0x4e: {  	_ =	shalt  }
0x4f: {  	_ =	shalt  }
0x50: {  	_ =	shalt  }
0x51: {  	_ =	shalt  }
0x52: {  	_ =	shalt  }
0x53: {  	_ =	shalt  }
0x54: {  	_ =	shalt  }
0x55: {  	_ =	shalt  }
0x56: {  	_ =	shalt  }
0x57: {  	_ =	shalt  }
0x58: {  	_ =	shalt  }
0x59: {  	_ =	shalt  }
0x5a: {  	_ =	shalt  }
0x5b: {  	_ =	shalt  }
0x5c: {  	_ =	shalt  }
0x5d: {  	_ =	shalt  }
0x5e: {  	_ =	shalt  }
0x5f: {  	_ =	shalt  }
0x60: {  	_ =	shalt  }
0x61: {  	_ =	shalt  }
0x62: {  	_ =	shalt  }
0x63: {  	_ =	shalt  }
0x64: {  	_ =	shalt  }
0x65: {  	_ =	shalt  }
0x66: {  	_ =	shalt  }
0x67: {  	_ =	shalt  }
0x68: {  	_ =	shalt  }
0x69: {  	_ =	shalt  }
0x6a: {  	_ =	shalt  }
0x6b: {  	_ =	shalt  }
0x6c: {  	_ =	shalt  }
0x6d: {  	_ =	shalt  }
0x6e: {  	_ =	shalt  }
0x6f: {  	_ =	shalt  }
0x70: {  	_ =	shalt  }
0x71: {  	_ =	shalt  }
0x72: {  	_ =	shalt  }
0x73: {  	_ =	shalt  }
0x74: {  	_ =	shalt  }
0x75: {  	_ =	shalt  }
0x76: {  	_ =	shalt  }
0x77: {  	_ =	shalt  }
0x78: {  	_ =	shalt  }
0x79: {  	_ =	shalt  }
0x7a: {  	_ =	shalt  }
0x7b: {  	_ =	shalt  }
0x7c: {  	_ =	shalt  }
0x7d: {  	_ =	shalt  }
0x7e: {  	_ =	shalt  }
0x7f: {  	_ =	shalt  }
0x80: {  	_ =	shalt  }
0x81: {  	_ =	shalt  }
0x82: {  	_ =	shalt  }
0x83: {  	_ =	shalt  }
0x84: {  	_ =	shalt  }
0x85: {  	_ =	shalt  }
0x86: {  	_ =	shalt  }
0x87: {  	_ =	shalt  }
.Lfunc_end0:
.L_simem_size_0:
called_computation.2_lowered:
.L_overlay_start_0:
0x88: {  	s2 =	sld [smem:$0x3FD9]  }
0x89: {  	s3 =	sld [smem:$0x3FFE];
	_ =	sdelay $0x1  }
0x8a: {  	s1 =	srdreg.scid  }
0x8b: {  	s0 =	sand.u32 $0x1, s1  }
0x8c: {  	s16 =	sshll.u32 s0, $0xA;
	s2 =	sadd.s32 s3, s2  }
0x8d: {  	s2 =	sadd.s32 s2, s16  }
0x8e: {  	[smem:$0x3FBE] =	sst s2  }
0x8f: {  	_ = 	snop  }
0x90: {  	(tm) =	ssettm $0x1  }
0x91: {  	s17 =	sld [smem:$0x3FFB];
	_ =	sdelay $0x3  }
0x92: {  	_ =	strace s17  }
0x93: {  	s2 =	sld [smem:$0x3FFC];
	_ =	sdelay $0x3  }
0x94: {  	_ =	strace s2  }
0x95: {  	s2 =	sld [smem:$0x3FFD];
	_ =	sdelay $0x3  }
0x96: {  	_ =	strace s2  }
0x97: {  	_ =	strace $0x8FFFFFFF  }
0x98: {  	s18 =	sld [smem:$0x3FDB];
	_ =	sdelay $0x1  }
0x99: {  	s19 =	simm.s32 $_scs_section_size  }
0x9a: {  	s4 =	simm.s32 $_size__tile_overlayer_lowered;
	s5 =	simm.s32 $_tile_overlayer_lowered  }
0x9b: {  	s22 =	simm.s32 $0x1BFF;
	s21 =	sshll.u32 s5, $0x1;
	s2 =	sadd.s32 s19, s18  }
0x9c: {  	s6 =	simm.s32 $0x0;
	s20 =	sshll.u32 s4, $0x1;
	s4 =	sadd.s32 s21, s2  }
0x9d: {  	[timem:s6], [sflag:s22] =	dma.local [hbm:s4], s20  }
0x9e: {  	_ =	swait.ge [sflag:s22], s20  }
0x9f: {  	s3 =	ssub.s32 $0x0, s20;
	[sflag:s22] =	ssyncset.done $0x0  }
0xa0: {  	[sflag:s22] =	ssyncadd.s32 s3;
	_ =	sdelay $0x1  }
0xa1: {  	s23 =	simm.s32 $0x1B8B  }
0xa2: {  	_ =	swait.ge [sflag:s23], $0x1  }
0xa3: {  	[sflag:s23] =	ssyncset.done $0x0  }
0xa4: {  	s25 =	simm.s32 $0x1B8E;
	s24 =	sld [smem:$0x3FFE];
	[sflag:s23] =	ssyncadd.s32 $0xFFFFFFFF  }
0xa5: {  	s26 =	simm.s32 $execute0_lowered;
	[smem:$0x3FD2] =	sst s25  }
0xa6: {  	s4 =	sshll.u32 s26, $0x1;
	_ =	strace $0x8000004C;
	[dreg:$0x1] =	wrdreg $0xFFFFFFFF  }
0xa7: {  	s28 =	simm.s32 $_size_execute0_lowered;
	s2 =	sadd.s32 s2, s4;
	[dreg:$0x0] =	wrdreg $0x0  }
0xa8: {  	s4 =	sshll.u32 s28, $0x1;
	[dreg:$0x2] =	wrdreg s2  }
0xa9: {  	[dreg:$0x3] =	wrdreg s4  }
0xaa: {  	[dreg:$0x4] =	wrdreg $0xC0  }
0xab: {  	_ =	task [dreg:s6], $0x5FFFF  }
0xac: {  	[dreg:$0x1] =	wrdreg $0xFFFFFFFF  }
0xad: {  	[dreg:$0x0] =	wrdreg $0x60  }
0xae: {  	[dreg:$0x2] =	wrdreg s24  }
0xaf: {  	[dreg:$0x3] =	wrdreg $0x90000  }
0xb0: {  	[dreg:$0x4] =	wrdreg $0x9  }
0xb1: {  	_ =	task.clear_ibuf [dreg:s6], $0x5FFFF;
	_ =	strace $0x9000004C  }
0xb2: {  	s29 =	simm.s32 $0x9;
	_ =	strace $0x8000004E  }
0xb3: {  	_ =	swait.ge [sflag:s29], $0x1  }
0xb4: {  	[sflag:s29] =	ssyncadd.s32 $0xFFFFFFFF  }
0xb5: {  	_ =	strace $0x9000004E  }
0xb6: {  	_ =	sfence  }
0xb7: {  	s30 =	sld [smem:$0x0];
	_ =	sdelay $0x2  }
0xb8: {  	s31 =	sshll.u32 s1, $0xD;
	s1 =	sshrl.u32 s1, $0x2  }
0xb9: {  	s3 =	sand.u32 $0x4000, s31;
	s1 =	sadd.s32 s1, s30  }
0xba: {  	s0 =	sor.u32 s3, s0;
	s1 =	sshll.u32 s1, $0x11  }
0xbb: {  	s0 =	sor.u32 s1, s0  }
0xbc: {  	s0 =	sadd.s32 $0x8F2B, s0  }
0xbd: {  	[sflag:s0] =	ssyncadd.remote.s32 $0x1  }
0xbe: {  	_ =	sfence.sel $0xFFFF  }
0xbf: {  	[dreg:$0x0] =	wrdreg $0xFFFFFFFF;
	(pc) =	sbr.abs _section_cstart, $3  }
0xc0: {  	[dreg:$0x1] =	wrdreg $0xFFFFFFFF  }
0xc1: {  	_ =	task.clear_ibuf [dreg:s6], $0x2FFFF;
	_ =	strace $0x9FFFFFFF  }
0xc2: {  	(tm) =	ssettm $0x7FFFFFFF  }
0xc3: {  	_ =	shalt  }
tec
execute0_lowered:
.L_overlay_start_1:
0x0: {  	(tag) =	ssettag $0x1  }
0x1: {  	s0 =	rddreg [dreg:$0x0]  }
0x2: {  	s1 =	rddreg [dreg:$0x1];
	s2 =	srdreg.scid  }
0x3: {  	s3 =	simm.s32 $0x0;
	s12 =	stileid.u32;
	s19 =	simm.s32 $0x80  }
0x4: {  	s20 =	simm.s32 $0x100;
	s21 =	simm.s32 $0x880;
	s22 =	simm.s32 $0x180  }
0x5: {  	s24 =	simm.s32 $0x900;
	s25 =	simm.s32 $0x200;
	s26 =	simm.s32 $0x980  }
0x6: {  	s28 =	simm.s32 $0xE80;
	[smem:$0x7FF] =	sst s3;
	s9 =	sadd.s32 $0x16C00, s0  }
0x7: {  	s29 =	simm.s32 $0x780;
	_ =	strace $0x8000004D;
	[dreg:$0x1d] =	wrdreg s9  }
0x8: {  	s30 =	simm.s32 $0xF00;
	s31 =	simm.s32 $0xF80;
	[dreg:$0x6] =	wrdreg s19  }
0x9: {  	s2 =	sand.u32 $0x1, s2;
	s7 =	smul.u32 $0x1F400, s12;
	[dreg:$0x7] =	wrdreg s20  }
0xa: {  	s4 =	sadd.s32 $0x69600, s0;
	s11 =	smul.u32 $0x2800, s12;
	[dreg:$0x8] =	wrdreg s21  }
0xb: {  	s5 =	sadd.s32 $0x2C00, s0;
	s15 =	smul.u32 $0x7D000, s12;
	[dreg:$0x9] =	wrdreg s22  }
0xc: {  	p0 =	sgt.u32 s12, $0x9;
	s6 =	smul.u32 $0x138800, s2;
	[dreg:$0xa] =	wrdreg s24  }
0xd: {  	s8 =	smul.u32 $0x28000, s2;
	s13 =	ssub.s32 $0x2, s2;
	[dreg:$0xb] =	wrdreg s25  }
0xe: {  	s2 =	sshll.u32 s2, $0x4;
	[dreg:$0xc] =	wrdreg s26;
	s19 =	simm.s32 $0x500  }
0xf: {  	s20 =	simm.s32 $0xC80;
	s21 =	simm.s32 $0x580;
	s22 =	simm.s32 $0xD00  }
0x10: {  	s24 =	simm.s32 $0xD80;
	s25 =	simm.s32 $0x680;
	[dreg:$0x15] =	wrdreg s19  }
0x11: {  	s26 =	simm.s32 $0xE00;
	s14 =	sshrl.u32 s13, $0x1;
	[dreg:$0x16] =	wrdreg s20  }
0x12: {  	s2 =	sor.u32 s12, s2;
	s9 =	sshrl.u32 s15, $0x2;
	[dreg:$0x17] =	wrdreg s21  }
0x13: {  	s15 =	simm.s32 $0x380;
	s19 =	simm.s32 $0x1000;
	[dreg:$0x18] =	wrdreg s22  }
0x14: {  	s20 =	simm.s32 $0x5000;
	s21 =	simm.s32 $0x1;
	[dreg:$0x1a] =	wrdreg s24  }
0x15: {  	s22 =	simm.s32 $0x5;
	[dreg:$0x1b] =	wrdreg s25;
	s24 =	simm.s32 $0x6  }
0x16: {  	[dreg:$0x1c] =	wrdreg s26;
	s6 =	sadd.s32 s7, s6;
	s8 =	sadd.s32 s11, s8  }
0x17: {  	s2 =	smul.u32 $0x2800, s2;
	[dreg:$0x11] =	wrdreg s15;
	s6 =	sshrl.u32 s6, $0x3  }
0x18: {  	s7 =	sadd.s32 $0x50800, s8;
	s10 =	sor.u32 $0x400, s8;
	s11 =	sadd.s32 $0x50400, s8  }
0x19: {  	s0 =	sadd.s32 s6, s0;
	s17 =	sshrl.u32 s11, $0x3;
	s11 =	simm.s32 $0xA00  }
0x1a: {  	s6 =	ssub.s32 s13, s14;
	s13 =	simm.s32 $0x300;
	[dreg:$0xe] =	wrdreg s11  }
0x1b: {  	s7 =	sshrl.u32 s7, $0x3;
	s14 =	simm.s32 $0xA80;
	[dreg:$0xf] =	wrdreg s13  }
0x1c: {  	s10 =	sshrl.u32 s10, $0x3;
	s7 =	sadd.s32 s7, s5;
	[dreg:$0x10] =	wrdreg s14  }
0x1d: {  	s25 =	simm.s32 $0x4;
	s16 =	sadd.s32 s10, s5;
	[dreg:$0x3] =	wrdreg s7  }
0x1e: {  	s2 =	sshrl.u32 s2, $0x3;
	s18 =	sadd.s32 s17, s5;
	[dreg:$0x4] =	wrdreg s16  }
0x1f: {  	s26 =	simm.s32 $0x700;
	s23 =	sadd.s32 s5, s2;
	[dreg:$0x5] =	wrdreg s18  }
0x20: {  	s9 =	sadd.s32 s9, s1;
	s0 =	sadd.s32 $0x90800, s0;
	[dreg:$0x1e] =	wrdreg s23  }
0x21: {  	s15 =	simm.s32 $0x400;
	s6 =	smax.u32 s6, $0x1;
	[smem:$0x7FB] =	sst s0  }
0x22: {  	s10 =	sadd.s32 $0x800, s8;
	s2 =	sshll.u32 @!p0 s12, $0x6;
	[smem:$0x7FC] =	sst s6  }
0x23: {  	s13 =	sshrl.u32 @!p0 s9, $0x3;
	s17 =	simm.s32 $0xB80;
	[smem:$0x7FD] =	sst s10  }
0x24: {  	s14 =	simm.s32 $0x800;
	s7 =	sadd.s32 $0xA000, s23;
	[dreg:$0x13] =	wrdreg s17  }
0x25: {  	s12 =	sor.u32 @!p0 $0x1C07, s2;
	s16 =	simm.s32 $0xB00;
	[dreg:$0x1f] =	wrdreg s7  }
0x26: {  	s18 =	simm.s32 $0x480;
	s17 =	simm.s32 $0x3;
	[dreg:$0x12] =	wrdreg s16  }
0x27: {  	s23 =	simm.s32 $0x600;
	s0 =	simm.s32 $0x0;
	[dreg:$0x14] =	wrdreg s18  }
0x28: {  	s7 =	simm.s32 $0x280;
	s16 =	simm.s32 $0xC00;
	[dreg:$0x19] =	wrdreg s23  }
0x29: {  	s18 =	simm.s32 $0x7D;
	s23 =	simm.s32 $0x2;
	[dreg:$0xd] =	wrdreg s7  }
.LBB2_1:
0x2a: {  	s2 =	rddreg [dreg:$0x1d]  }
0x2b: {  	[spmem:s13], [sflag:s12] =	dma.local @!p0 [hbm:s2], $0x3E80  }
0x2c: {  	s2 =	simm.s32 @!p0 $0x7  }
0x2d: {  	_ =	swait.ge @!p0 [sflag:s2], $0x3E80  }
0x2e: {  	[sflag:s2] =	ssyncset.done @!p0 $0x0  }
0x2f: {  	s7 =	rddreg [dreg:$0x1e];
	[sflag:s2] =	ssyncadd.s32 @!p0 $0xFFFFC180  }
0x30: {  	[tilespmem:s3], [sflag:$0x3] =	stream.linear.gather [hbm4b:s7+s3], $0x400, $0x38;
	[tilespmem:$0x1C880] =	vst v63  }
0x31: {  	s8 =	rddreg [dreg:$0x1f]  }
0x32: {  	[tilespmem:s14], [sflag:$0x3] =	stream.linear.gather [hbm4b:s8+s3], $0x400, $0x38;
	[tilespmem:$0x1C880] =	vst v63  }
0x33: {  	[bflag:$0x0] =	sbarrier.arrive $0xFFFF  }
0x34: {  	s9 =	rddreg [dreg:$0x4]  }
0x35: {  	s8 =	rddreg [dreg:$0x5];
	s2 =	sadd.s32 $0x0, s9  }
0x36: {  	[tilespmem:s15], [sflag:$0x4] =	stream.linear.gather [hbm4b:s2+s3], $0x400, $0x38;
	[tilespmem:$0x1C880] =	vst v63  }
0x37: {  	s10 =	sadd.s32 $0x0, s8  }
0x38: {  	[tilespmem:s16], [sflag:$0x4] =	stream.linear.gather [hbm4b:s10+s3], $0x400, $0x38;
	[tilespmem:$0x1C880] =	vst v63  }
0x39: {  	_ =	swait.ge [sflag:s17], $0x400  }
0x3a: {  	[sflag:s17] =	ssyncset.done $0x0  }
0x3b: {  	[sflag:s17] =	ssyncadd.s32 $0xFFFFFC00  }
0x3c: {  	_ =	swait.ge [sflag:s17], $0x400  }
0x3d: {  	[sflag:s17] =	ssyncset.done $0x0  }
0x3e: {  	[sflag:s17] =	ssyncadd.s32 $0xFFFFFC00  }
0x3f: {  	[tilespmem:s19], [sflag:$0x1] =	stream.indirect.gather [hbm4b:s4+s18], $0x80, s3, s18, $0xb8;
	[tilespmem:$0x1C880] =	vst v63  }
0x40: {  	s11 =	rddreg [dreg:$0x6]  }
0x41: {  	[tilespmem:s20], [sflag:$0x2] =	stream.indirect.gather [hbm4b:s4+s18], $0x80, s11, s18, $0xb8;
	[tilespmem:$0x1C880] =	vst v63  }
0x42: {  	_ =	swait.ge [sflag:s21], $0x3E80  }
0x43: {  	[sflag:s21] =	ssyncset.done $0x0  }
0x44: {  	[sflag:s21] =	ssyncadd.s32 $0xFFFFC180  }
0x45: {  	[spmem:s1] =	stream.indirect.scatter.add.f32 [tilespmem:s19], [sflag:$0x5], $0x80, s14, s18, $0xb8;
	[tilespmem:$0x1C880] =	vst v63  }
0x46: {  	_ =	swait.ge [sflag:s22], $0x3E80  }
0x47: {  	[sflag:s22] =	ssyncset.done $0x0  }
0x48: {  	s6 =	rddreg [dreg:$0x7];
	[sflag:s22] =	ssyncadd.s32 $0xFFFFC180  }
0x49: {  	[tilespmem:s19], [sflag:$0x1] =	stream.indirect.gather [hbm4b:s4+s18], $0x80, s6, s18, $0xb8;
	[tilespmem:$0x1C880] =	vst v63  }
0x4a: {  	_ =	swait.ge [sflag:s23], $0x3E80  }
0x4b: {  	[sflag:s23] =	ssyncset.done $0x0  }
0x4c: {  	s7 =	rddreg [dreg:$0x8];
	[sflag:s23] =	ssyncadd.s32 $0xFFFFC180  }
0x4d: {  	[spmem:s1] =	stream.indirect.scatter.add.f32 [tilespmem:s20], [sflag:$0x6], $0x80, s7, s18, $0xb8;
	[tilespmem:$0x1C880] =	vst v63  }
0x4e: {  	_ =	swait.ge [sflag:s24], $0x3E80  }
0x4f: {  	[sflag:s24] =	ssyncset.done $0x0  }
0x50: {  	s8 =	rddreg [dreg:$0x9];
	[sflag:s24] =	ssyncadd.s32 $0xFFFFC180  }
0x51: {  	[tilespmem:s20], [sflag:$0x2] =	stream.indirect.gather [hbm4b:s4+s18], $0x80, s8, s18, $0xb8;
	[tilespmem:$0x1C880] =	vst v63  }
0x52: {  	_ =	swait.ge [sflag:s21], $0x3E80  }
0x53: {  	[sflag:s21] =	ssyncset.done $0x0  }
0x54: {  	s9 =	rddreg [dreg:$0xa];
	[sflag:s21] =	ssyncadd.s32 $0xFFFFC180  }
0x55: {  	[spmem:s1] =	stream.indirect.scatter.add.f32 [tilespmem:s19], [sflag:$0x5], $0x80, s9, s18, $0xb8;
	[tilespmem:$0x1C880] =	vst v63  }
0x56: {  	_ =	swait.ge [sflag:s22], $0x3E80  }
0x57: {  	[sflag:s22] =	ssyncset.done $0x0  }
0x58: {  	s10 =	rddreg [dreg:$0xb];
	[sflag:s22] =	ssyncadd.s32 $0xFFFFC180  }
0x59: {  	[tilespmem:s19], [sflag:$0x1] =	stream.indirect.gather [hbm4b:s4+s18], $0x80, s10, s18, $0xb8;
	[tilespmem:$0x1C880] =	vst v63  }
0x5a: {  	_ =	swait.ge [sflag:s23], $0x3E80  }
0x5b: {  	[sflag:s23] =	ssyncset.done $0x0  }
0x5c: {  	s11 =	rddreg [dreg:$0xc];
	[sflag:s23] =	ssyncadd.s32 $0xFFFFC180  }
0x5d: {  	[spmem:s1] =	stream.indirect.scatter.add.f32 [tilespmem:s20], [sflag:$0x6], $0x80, s11, s18, $0xb8;
	[tilespmem:$0x1C880] =	vst v63  }
0x5e: {  	_ =	swait.ge [sflag:s24], $0x3E80  }
0x5f: {  	[sflag:s24] =	ssyncset.done $0x0  }
0x60: {  	s6 =	rddreg [dreg:$0xd];
	[sflag:s24] =	ssyncadd.s32 $0xFFFFC180  }
0x61: {  	[tilespmem:s20], [sflag:$0x2] =	stream.indirect.gather [hbm4b:s4+s18], $0x80, s6, s18, $0xb8;
	[tilespmem:$0x1C880] =	vst v63  }
0x62: {  	_ =	swait.ge [sflag:s21], $0x3E80  }
0x63: {  	[sflag:s21] =	ssyncset.done $0x0  }
0x64: {  	s7 =	rddreg [dreg:$0xe];
	[sflag:s21] =	ssyncadd.s32 $0xFFFFC180  }
0x65: {  	[spmem:s1] =	stream.indirect.scatter.add.f32 [tilespmem:s19], [sflag:$0x5], $0x80, s7, s18, $0xb8;
	[tilespmem:$0x1C880] =	vst v63  }
0x66: {  	_ =	swait.ge [sflag:s22], $0x3E80  }
0x67: {  	[sflag:s22] =	ssyncset.done $0x0  }
0x68: {  	s8 =	rddreg [dreg:$0xf];
	[sflag:s22] =	ssyncadd.s32 $0xFFFFC180  }
0x69: {  	[tilespmem:s19], [sflag:$0x1] =	stream.indirect.gather [hbm4b:s4+s18], $0x80, s8, s18, $0xb8;
	[tilespmem:$0x1C880] =	vst v63  }
0x6a: {  	_ =	swait.ge [sflag:s23], $0x3E80  }
0x6b: {  	[sflag:s23] =	ssyncset.done $0x0  }
0x6c: {  	s9 =	rddreg [dreg:$0x10];
	[sflag:s23] =	ssyncadd.s32 $0xFFFFC180  }
0x6d: {  	[spmem:s1] =	stream.indirect.scatter.add.f32 [tilespmem:s20], [sflag:$0x6], $0x80, s9, s18, $0xb8;
	[tilespmem:$0x1C880] =	vst v63  }
0x6e: {  	_ =	swait.ge [sflag:s24], $0x3E80  }
0x6f: {  	[sflag:s24] =	ssyncset.done $0x0  }
0x70: {  	s10 =	rddreg [dreg:$0x11];
	[sflag:s24] =	ssyncadd.s32 $0xFFFFC180  }
0x71: {  	[tilespmem:s20], [sflag:$0x2] =	stream.indirect.gather [hbm4b:s4+s18], $0x80, s10, s18, $0xb8;
	[tilespmem:$0x1C880] =	vst v63  }
0x72: {  	_ =	swait.ge [sflag:s21], $0x3E80  }
0x73: {  	[sflag:s21] =	ssyncset.done $0x0  }
0x74: {  	s11 =	rddreg [dreg:$0x12];
	[sflag:s21] =	ssyncadd.s32 $0xFFFFC180  }
0x75: {  	[spmem:s1] =	stream.indirect.scatter.add.f32 [tilespmem:s19], [sflag:$0x5], $0x80, s11, s18, $0xb8;
	[tilespmem:$0x1C880] =	vst v63  }
0x76: {  	_ =	swait.ge [sflag:s23], $0x3E80  }
0x77: {  	[sflag:s23] =	ssyncset.done $0x0  }
0x78: {  	s6 =	rddreg [dreg:$0x13];
	[sflag:s23] =	ssyncadd.s32 $0xFFFFC180  }
0x79: {  	[spmem:s1] =	stream.indirect.scatter.add.f32 [tilespmem:s20], [sflag:$0x6], $0x80, s6, s18, $0xb8;
	[tilespmem:$0x1C880] =	vst v63  }
0x7a: {  	_ =	swait.ge [sflag:s22], $0x3E80  }
0x7b: {  	[sflag:s22] =	ssyncset.done $0x0  }
0x7c: {  	[sflag:s22] =	ssyncadd.s32 $0xFFFFC180  }
0x7d: {  	_ =	swait.ge [sflag:s24], $0x3E80  }
0x7e: {  	s11 =	sld [smem:$0x7FD];
	_ =	sdelay $0x1  }
0x7f: {  	p1 =	por $0x0, $0x0  }
0x80: {  	s9 =	simm.s32 @!p1 $0x0;
	[sflag:s24] =	ssyncset.done $0x0;
	s2 =	sshrl.u32 @!p1 s11, $0x3  }
0x81: {  	s8 =	rddreg [dreg:$0x3];
	[sflag:s24] =	ssyncadd.s32 $0xFFFFC180;
	s2 =	sadd.s32 @!p1 s5, s2  }
0x82: {  	[tilespmem:s9], [sflag:$0x3] =	stream.linear.gather @!p1 [hbm4b:s2+s9], $0x400, $0x38;
	[tilespmem:$0x1C880] =	vst v63  }
0x83: {  	s2 =	sadd.s32 @!p1 $0x0, s8;
	s8 =	simm.s32 @!p1 $0x800  }
0x84: {  	[tilespmem:s8], [sflag:$0x3] =	stream.linear.gather @!p1 [hbm4b:s2+s9], $0x400, $0x38;
	[tilespmem:$0x1C880] =	vst v63  }
0x85: {  	_ =	swait.ge [sflag:s25], $0x400  }
0x86: {  	[sflag:s25] =	ssyncset.done $0x0  }
0x87: {  	[sflag:s25] =	ssyncadd.s32 $0xFFFFFC00  }
0x88: {  	_ =	swait.ge [sflag:s25], $0x400  }
0x89: {  	[sflag:s25] =	ssyncset.done $0x0  }
0x8a: {  	[sflag:s25] =	ssyncadd.s32 $0xFFFFFC00  }
0x8b: {  	[tilespmem:s19], [sflag:$0x1] =	stream.indirect.gather [hbm4b:s4+s18], $0x80, s15, s18, $0xb8;
	[tilespmem:$0x1C880] =	vst v63  }
0x8c: {  	s7 =	rddreg [dreg:$0x14]  }
0x8d: {  	[tilespmem:s20], [sflag:$0x2] =	stream.indirect.gather [hbm4b:s4+s18], $0x80, s7, s18, $0xb8;
	[tilespmem:$0x1C880] =	vst v63  }
0x8e: {  	_ =	swait.ge [sflag:s21], $0x3E80  }
0x8f: {  	[sflag:s21] =	ssyncset.done $0x0  }
0x90: {  	[sflag:s21] =	ssyncadd.s32 $0xFFFFC180  }
0x91: {  	[spmem:s1] =	stream.indirect.scatter.add.f32 [tilespmem:s19], [sflag:$0x5], $0x80, s16, s18, $0xb8;
	[tilespmem:$0x1C880] =	vst v63  }
0x92: {  	_ =	swait.ge [sflag:s22], $0x3E80  }
0x93: {  	[sflag:s22] =	ssyncset.done $0x0  }
0x94: {  	s8 =	rddreg [dreg:$0x15];
	[sflag:s22] =	ssyncadd.s32 $0xFFFFC180  }
0x95: {  	[tilespmem:s19], [sflag:$0x1] =	stream.indirect.gather [hbm4b:s4+s18], $0x80, s8, s18, $0xb8;
	[tilespmem:$0x1C880] =	vst v63  }
0x96: {  	_ =	swait.ge [sflag:s23], $0x3E80  }
0x97: {  	[sflag:s23] =	ssyncset.done $0x0  }
0x98: {  	s9 =	rddreg [dreg:$0x16];
	[sflag:s23] =	ssyncadd.s32 $0xFFFFC180  }
0x99: {  	[spmem:s1] =	stream.indirect.scatter.add.f32 [tilespmem:s20], [sflag:$0x6], $0x80, s9, s18, $0xb8;
	[tilespmem:$0x1C880] =	vst v63  }
0x9a: {  	_ =	swait.ge [sflag:s24], $0x3E80  }
0x9b: {  	[sflag:s24] =	ssyncset.done $0x0  }
0x9c: {  	s10 =	rddreg [dreg:$0x17];
	[sflag:s24] =	ssyncadd.s32 $0xFFFFC180  }
0x9d: {  	[tilespmem:s20], [sflag:$0x2] =	stream.indirect.gather [hbm4b:s4+s18], $0x80, s10, s18, $0xb8;
	[tilespmem:$0x1C880] =	vst v63  }
0x9e: {  	_ =	swait.ge [sflag:s21], $0x3E80  }
0x9f: {  	[sflag:s21] =	ssyncset.done $0x0  }
0xa0: {  	s6 =	rddreg [dreg:$0x18];
	[sflag:s21] =	ssyncadd.s32 $0xFFFFC180  }
0xa1: {  	[spmem:s1] =	stream.indirect.scatter.add.f32 [tilespmem:s19], [sflag:$0x5], $0x80, s6, s18, $0xb8;
	[tilespmem:$0x1C880] =	vst v63  }
0xa2: {  	_ =	swait.ge [sflag:s22], $0x3E80  }
0xa3: {  	[sflag:s22] =	ssyncset.done $0x0  }
0xa4: {  	s7 =	rddreg [dreg:$0x19];
	[sflag:s22] =	ssyncadd.s32 $0xFFFFC180  }
0xa5: {  	[tilespmem:s19], [sflag:$0x1] =	stream.indirect.gather [hbm4b:s4+s18], $0x80, s7, s18, $0xb8;
	[tilespmem:$0x1C880] =	vst v63  }
0xa6: {  	_ =	swait.ge [sflag:s23], $0x3E80  }
0xa7: {  	[sflag:s23] =	ssyncset.done $0x0  }
0xa8: {  	s8 =	rddreg [dreg:$0x1a];
	[sflag:s23] =	ssyncadd.s32 $0xFFFFC180  }
0xa9: {  	[spmem:s1] =	stream.indirect.scatter.add.f32 [tilespmem:s20], [sflag:$0x6], $0x80, s8, s18, $0xb8;
	[tilespmem:$0x1C880] =	vst v63  }
0xaa: {  	_ =	swait.ge [sflag:s24], $0x3E80  }
0xab: {  	[sflag:s24] =	ssyncset.done $0x0  }
0xac: {  	s9 =	rddreg [dreg:$0x1b];
	[sflag:s24] =	ssyncadd.s32 $0xFFFFC180  }
0xad: {  	[tilespmem:s20], [sflag:$0x2] =	stream.indirect.gather [hbm4b:s4+s18], $0x80, s9, s18, $0xb8;
	[tilespmem:$0x1C880] =	vst v63  }
0xae: {  	_ =	swait.ge [sflag:s21], $0x3E80  }
0xaf: {  	[sflag:s21] =	ssyncset.done $0x0  }
0xb0: {  	s10 =	rddreg [dreg:$0x1c];
	[sflag:s21] =	ssyncadd.s32 $0xFFFFC180  }
0xb1: {  	[spmem:s1] =	stream.indirect.scatter.add.f32 [tilespmem:s19], [sflag:$0x5], $0x80, s10, s18, $0xb8;
	[tilespmem:$0x1C880] =	vst v63  }
0xb2: {  	_ =	swait.ge [sflag:s22], $0x3E80  }
0xb3: {  	[sflag:s22] =	ssyncset.done $0x0  }
0xb4: {  	[sflag:s22] =	ssyncadd.s32 $0xFFFFC180  }
0xb5: {  	[tilespmem:s19], [sflag:$0x1] =	stream.indirect.gather [hbm4b:s4+s18], $0x80, s26, s18, $0xb8;
	[tilespmem:$0x1C880] =	vst v63  }
0xb6: {  	_ =	swait.ge [sflag:s23], $0x3E80  }
0xb7: {  	[sflag:s23] =	ssyncset.done $0x0  }
0xb8: {  	[sflag:s23] =	ssyncadd.s32 $0xFFFFC180  }
0xb9: {  	[spmem:s1] =	stream.indirect.scatter.add.f32 [tilespmem:s20], [sflag:$0x6], $0x80, s28, s18, $0xb8;
	[tilespmem:$0x1C880] =	vst v63  }
0xba: {  	_ =	swait.ge [sflag:s24], $0x3E80  }
0xbb: {  	[sflag:s24] =	ssyncset.done $0x0  }
0xbc: {  	[sflag:s24] =	ssyncadd.s32 $0xFFFFC180  }
0xbd: {  	[tilespmem:s20], [sflag:$0x2] =	stream.indirect.gather [hbm4b:s4+s18], $0x80, s29, s18, $0xb8;
	[tilespmem:$0x1C880] =	vst v63  }
0xbe: {  	_ =	swait.ge [sflag:s21], $0x3E80  }
0xbf: {  	[sflag:s21] =	ssyncset.done $0x0  }
0xc0: {  	[sflag:s21] =	ssyncadd.s32 $0xFFFFC180  }
0xc1: {  	[spmem:s1] =	stream.indirect.scatter.add.f32 [tilespmem:s19], [sflag:$0x5], $0x80, s30, s18, $0xb8;
	[tilespmem:$0x1C880] =	vst v63  }
0xc2: {  	_ =	swait.ge [sflag:s23], $0x3E80  }
0xc3: {  	[sflag:s23] =	ssyncset.done $0x0  }
0xc4: {  	[sflag:s23] =	ssyncadd.s32 $0xFFFFC180  }
0xc5: {  	[spmem:s1] =	stream.indirect.scatter.add.f32 [tilespmem:s20], [sflag:$0x6], $0x80, s31, s18, $0xb8;
	[tilespmem:$0x1C880] =	vst v63  }
0xc6: {  	_ =	swait.ge [sflag:s22], $0x3E80  }
0xc7: {  	[sflag:s22] =	ssyncset.done $0x0  }
0xc8: {  	[sflag:s22] =	ssyncadd.s32 $0xFFFFC180  }
0xc9: {  	s2 =	simm.s32 $0x100;
	_ =	swait.ge [sflag:s24], $0x3E80  }
0xca: {  	s8 =	simm.s32 $0x200;
	s10 =	rddreg [dreg:$0x4];
	[sflag:s24] =	ssyncset.done $0x0  }
.LBB2_2:
0xcb: {  	[sflag:s24] =	ssyncadd.s32 $0xFFFFC180;
	s7 =	rddreg [dreg:$0x5];
	s10 =	sadd.s32 s2, s10  }
0xcc: {  	[tilespmem:s15], [sflag:$0x4] =	stream.linear.gather [hbm4b:s10+s3], $0x400, $0x38;
	[tilespmem:$0x1C880] =	vst v63  }
0xcd: {  	s7 =	sadd.s32 s2, s7  }
0xce: {  	[tilespmem:s16], [sflag:$0x4] =	stream.linear.gather [hbm4b:s7+s3], $0x400, $0x38;
	[tilespmem:$0x1C880] =	vst v63  }
0xcf: {  	_ =	swait.ge [sflag:s17], $0x400  }
0xd0: {  	[sflag:s17] =	ssyncset.done $0x0  }
0xd1: {  	[sflag:s17] =	ssyncadd.s32 $0xFFFFFC00  }
0xd2: {  	_ =	swait.ge [sflag:s17], $0x400  }
0xd3: {  	[sflag:s17] =	ssyncset.done $0x0  }
0xd4: {  	[sflag:s17] =	ssyncadd.s32 $0xFFFFFC00  }
0xd5: {  	[tilespmem:s19], [sflag:$0x1] =	stream.indirect.gather [hbm4b:s4+s18], $0x80, s3, s18, $0xb8;
	[tilespmem:$0x1C880] =	vst v63  }
0xd6: {  	s10 =	rddreg [dreg:$0x6]  }
0xd7: {  	[tilespmem:s20], [sflag:$0x2] =	stream.indirect.gather [hbm4b:s4+s18], $0x80, s10, s18, $0xb8;
	[tilespmem:$0x1C880] =	vst v63  }
0xd8: {  	_ =	swait.ge [sflag:s21], $0x3E80  }
0xd9: {  	[sflag:s21] =	ssyncset.done $0x0  }
0xda: {  	[sflag:s21] =	ssyncadd.s32 $0xFFFFC180  }
0xdb: {  	[spmem:s1] =	stream.indirect.scatter.add.f32 [tilespmem:s19], [sflag:$0x5], $0x80, s14, s18, $0xb8;
	[tilespmem:$0x1C880] =	vst v63  }
0xdc: {  	_ =	swait.ge [sflag:s22], $0x3E80  }
0xdd: {  	[sflag:s22] =	ssyncset.done $0x0  }
0xde: {  	s6 =	rddreg [dreg:$0x7];
	[sflag:s22] =	ssyncadd.s32 $0xFFFFC180  }
0xdf: {  	[tilespmem:s19], [sflag:$0x1] =	stream.indirect.gather [hbm4b:s4+s18], $0x80, s6, s18, $0xb8;
	[tilespmem:$0x1C880] =	vst v63  }
0xe0: {  	_ =	swait.ge [sflag:s23], $0x3E80  }
0xe1: {  	[sflag:s23] =	ssyncset.done $0x0  }
0xe2: {  	s10 =	rddreg [dreg:$0x8];
	[sflag:s23] =	ssyncadd.s32 $0xFFFFC180  }
0xe3: {  	[spmem:s1] =	stream.indirect.scatter.add.f32 [tilespmem:s20], [sflag:$0x6], $0x80, s10, s18, $0xb8;
	[tilespmem:$0x1C880] =	vst v63  }
0xe4: {  	_ =	swait.ge [sflag:s24], $0x3E80  }
0xe5: {  	[sflag:s24] =	ssyncset.done $0x0  }
0xe6: {  	s6 =	rddreg [dreg:$0x9];
	[sflag:s24] =	ssyncadd.s32 $0xFFFFC180  }
0xe7: {  	[tilespmem:s20], [sflag:$0x2] =	stream.indirect.gather [hbm4b:s4+s18], $0x80, s6, s18, $0xb8;
	[tilespmem:$0x1C880] =	vst v63  }
0xe8: {  	_ =	swait.ge [sflag:s21], $0x3E80  }
0xe9: {  	[sflag:s21] =	ssyncset.done $0x0  }
0xea: {  	s10 =	rddreg [dreg:$0xa];
	[sflag:s21] =	ssyncadd.s32 $0xFFFFC180  }
0xeb: {  	[spmem:s1] =	stream.indirect.scatter.add.f32 [tilespmem:s19], [sflag:$0x5], $0x80, s10, s18, $0xb8;
	[tilespmem:$0x1C880] =	vst v63  }
0xec: {  	_ =	swait.ge [sflag:s22], $0x3E80  }
0xed: {  	[sflag:s22] =	ssyncset.done $0x0  }
0xee: {  	s6 =	rddreg [dreg:$0xb];
	[sflag:s22] =	ssyncadd.s32 $0xFFFFC180  }
0xef: {  	[tilespmem:s19], [sflag:$0x1] =	stream.indirect.gather [hbm4b:s4+s18], $0x80, s6, s18, $0xb8;
	[tilespmem:$0x1C880] =	vst v63  }
0xf0: {  	_ =	swait.ge [sflag:s23], $0x3E80  }
0xf1: {  	[sflag:s23] =	ssyncset.done $0x0  }
0xf2: {  	s10 =	rddreg [dreg:$0xc];
	[sflag:s23] =	ssyncadd.s32 $0xFFFFC180  }
0xf3: {  	[spmem:s1] =	stream.indirect.scatter.add.f32 [tilespmem:s20], [sflag:$0x6], $0x80, s10, s18, $0xb8;
	[tilespmem:$0x1C880] =	vst v63  }
0xf4: {  	_ =	swait.ge [sflag:s24], $0x3E80  }
0xf5: {  	[sflag:s24] =	ssyncset.done $0x0  }
0xf6: {  	s6 =	rddreg [dreg:$0xd];
	[sflag:s24] =	ssyncadd.s32 $0xFFFFC180  }
0xf7: {  	[tilespmem:s20], [sflag:$0x2] =	stream.indirect.gather [hbm4b:s4+s18], $0x80, s6, s18, $0xb8;
	[tilespmem:$0x1C880] =	vst v63  }
0xf8: {  	_ =	swait.ge [sflag:s21], $0x3E80  }
0xf9: {  	[sflag:s21] =	ssyncset.done $0x0  }
0xfa: {  	s10 =	rddreg [dreg:$0xe];
	[sflag:s21] =	ssyncadd.s32 $0xFFFFC180  }
0xfb: {  	[spmem:s1] =	stream.indirect.scatter.add.f32 [tilespmem:s19], [sflag:$0x5], $0x80, s10, s18, $0xb8;
	[tilespmem:$0x1C880] =	vst v63  }
0xfc: {  	_ =	swait.ge [sflag:s22], $0x3E80  }
0xfd: {  	[sflag:s22] =	ssyncset.done $0x0  }
0xfe: {  	s6 =	rddreg [dreg:$0xf];
	[sflag:s22] =	ssyncadd.s32 $0xFFFFC180  }
0xff: {  	[tilespmem:s19], [sflag:$0x1] =	stream.indirect.gather [hbm4b:s4+s18], $0x80, s6, s18, $0xb8;
	[tilespmem:$0x1C880] =	vst v63  }
0x100: {  	_ =	swait.ge [sflag:s23], $0x3E80  }
0x101: {  	[sflag:s23] =	ssyncset.done $0x0  }
0x102: {  	s10 =	rddreg [dreg:$0x10];
	[sflag:s23] =	ssyncadd.s32 $0xFFFFC180  }
0x103: {  	[spmem:s1] =	stream.indirect.scatter.add.f32 [tilespmem:s20], [sflag:$0x6], $0x80, s10, s18, $0xb8;
	[tilespmem:$0x1C880] =	vst v63  }
0x104: {  	_ =	swait.ge [sflag:s24], $0x3E80  }
0x105: {  	[sflag:s24] =	ssyncset.done $0x0  }
0x106: {  	s6 =	rddreg [dreg:$0x11];
	[sflag:s24] =	ssyncadd.s32 $0xFFFFC180  }
0x107: {  	[tilespmem:s20], [sflag:$0x2] =	stream.indirect.gather [hbm4b:s4+s18], $0x80, s6, s18, $0xb8;
	[tilespmem:$0x1C880] =	vst v63  }
0x108: {  	_ =	swait.ge [sflag:s21], $0x3E80  }
0x109: {  	[sflag:s21] =	ssyncset.done $0x0  }
0x10a: {  	s10 =	rddreg [dreg:$0x12];
	[sflag:s21] =	ssyncadd.s32 $0xFFFFC180  }
0x10b: {  	[spmem:s1] =	stream.indirect.scatter.add.f32 [tilespmem:s19], [sflag:$0x5], $0x80, s10, s18, $0xb8;
	[tilespmem:$0x1C880] =	vst v63  }
0x10c: {  	_ =	swait.ge [sflag:s23], $0x3E80  }
0x10d: {  	[sflag:s23] =	ssyncset.done $0x0  }
0x10e: {  	s6 =	rddreg [dreg:$0x13];
	[sflag:s23] =	ssyncadd.s32 $0xFFFFC180  }
0x10f: {  	[spmem:s1] =	stream.indirect.scatter.add.f32 [tilespmem:s20], [sflag:$0x6], $0x80, s6, s18, $0xb8;
	[tilespmem:$0x1C880] =	vst v63  }
0x110: {  	_ =	swait.ge [sflag:s22], $0x3E80  }
0x111: {  	[sflag:s22] =	ssyncset.done $0x0  }
0x112: {  	s11 =	sadd.s32 $0x800, s11;
	p2 =	seq.s32 s2, $0x400;
	[sflag:s22] =	ssyncadd.s32 $0xFFFFC180  }
0x113: {  	s7 =	sshrl.u32 @!p2 s11, $0x3;
	_ =	swait.ge [sflag:s24], $0x3E80  }
0x114: {  	s7 =	sadd.s32 @!p2 s5, s7;
	[sflag:s24] =	ssyncset.done $0x0  }
0x115: {  	s6 =	simm.s32 @!p2 $0x0;
	s10 =	rddreg [dreg:$0x3];
	[sflag:s24] =	ssyncadd.s32 $0xFFFFC180  }
0x116: {  	[tilespmem:s6], [sflag:$0x3] =	stream.linear.gather @!p2 [hbm4b:s7+s6], $0x400, $0x38;
	[tilespmem:$0x1C880] =	vst v63  }
0x117: {  	s7 =	sadd.s32 @!p2 s2, s10;
	s10 =	simm.s32 @!p2 $0x800  }
0x118: {  	[tilespmem:s10], [sflag:$0x3] =	stream.linear.gather @!p2 [hbm4b:s7+s6], $0x400, $0x38;
	[tilespmem:$0x1C880] =	vst v63  }
0x119: {  	_ =	swait.ge [sflag:s25], $0x400  }
0x11a: {  	[sflag:s25] =	ssyncset.done $0x0  }
0x11b: {  	[sflag:s25] =	ssyncadd.s32 $0xFFFFFC00  }
0x11c: {  	_ =	swait.ge [sflag:s25], $0x400  }
0x11d: {  	[sflag:s25] =	ssyncset.done $0x0  }
0x11e: {  	[sflag:s25] =	ssyncadd.s32 $0xFFFFFC00  }
0x11f: {  	[tilespmem:s19], [sflag:$0x1] =	stream.indirect.gather [hbm4b:s4+s18], $0x80, s15, s18, $0xb8;
	[tilespmem:$0x1C880] =	vst v63  }
0x120: {  	s7 =	rddreg [dreg:$0x14]  }
0x121: {  	[tilespmem:s20], [sflag:$0x2] =	stream.indirect.gather [hbm4b:s4+s18], $0x80, s7, s18, $0xb8;
	[tilespmem:$0x1C880] =	vst v63  }
0x122: {  	_ =	swait.ge [sflag:s21], $0x3E80  }
0x123: {  	[sflag:s21] =	ssyncset.done $0x0  }
0x124: {  	[sflag:s21] =	ssyncadd.s32 $0xFFFFC180  }
0x125: {  	[spmem:s1] =	stream.indirect.scatter.add.f32 [tilespmem:s19], [sflag:$0x5], $0x80, s16, s18, $0xb8;
	[tilespmem:$0x1C880] =	vst v63  }
0x126: {  	_ =	swait.ge [sflag:s22], $0x3E80  }
0x127: {  	s9 =	smov.u32 s8;
	[sflag:s22] =	ssyncset.done $0x0  }
0x128: {  	s2 =	smov.u32 s9;
	s9 =	rddreg [dreg:$0x15];
	[sflag:s22] =	ssyncadd.s32 $0xFFFFC180  }
0x129: {  	[tilespmem:s19], [sflag:$0x1] =	stream.indirect.gather [hbm4b:s4+s18], $0x80, s9, s18, $0xb8;
	[tilespmem:$0x1C880] =	vst v63  }
0x12a: {  	_ =	swait.ge [sflag:s23], $0x3E80  }
0x12b: {  	[sflag:s23] =	ssyncset.done $0x0  }
0x12c: {  	s10 =	rddreg [dreg:$0x16];
	[sflag:s23] =	ssyncadd.s32 $0xFFFFC180  }
0x12d: {  	[spmem:s1] =	stream.indirect.scatter.add.f32 [tilespmem:s20], [sflag:$0x6], $0x80, s10, s18, $0xb8;
	[tilespmem:$0x1C880] =	vst v63  }
0x12e: {  	_ =	swait.ge [sflag:s24], $0x3E80  }
0x12f: {  	[sflag:s24] =	ssyncset.done $0x0  }
0x130: {  	s7 =	rddreg [dreg:$0x17];
	[sflag:s24] =	ssyncadd.s32 $0xFFFFC180  }
0x131: {  	[tilespmem:s20], [sflag:$0x2] =	stream.indirect.gather [hbm4b:s4+s18], $0x80, s7, s18, $0xb8;
	[tilespmem:$0x1C880] =	vst v63  }
0x132: {  	_ =	swait.ge [sflag:s21], $0x3E80  }
0x133: {  	[sflag:s21] =	ssyncset.done $0x0  }
0x134: {  	s9 =	rddreg [dreg:$0x18];
	[sflag:s21] =	ssyncadd.s32 $0xFFFFC180  }
0x135: {  	[spmem:s1] =	stream.indirect.scatter.add.f32 [tilespmem:s19], [sflag:$0x5], $0x80, s9, s18, $0xb8;
	[tilespmem:$0x1C880] =	vst v63  }
0x136: {  	_ =	swait.ge [sflag:s22], $0x3E80  }
0x137: {  	[sflag:s22] =	ssyncset.done $0x0  }
0x138: {  	s10 =	rddreg [dreg:$0x19];
	[sflag:s22] =	ssyncadd.s32 $0xFFFFC180  }
0x139: {  	[tilespmem:s19], [sflag:$0x1] =	stream.indirect.gather [hbm4b:s4+s18], $0x80, s10, s18, $0xb8;
	[tilespmem:$0x1C880] =	vst v63  }
0x13a: {  	_ =	swait.ge [sflag:s23], $0x3E80  }
0x13b: {  	[sflag:s23] =	ssyncset.done $0x0  }
0x13c: {  	s7 =	rddreg [dreg:$0x1a];
	[sflag:s23] =	ssyncadd.s32 $0xFFFFC180  }
0x13d: {  	[spmem:s1] =	stream.indirect.scatter.add.f32 [tilespmem:s20], [sflag:$0x6], $0x80, s7, s18, $0xb8;
	[tilespmem:$0x1C880] =	vst v63  }
0x13e: {  	_ =	swait.ge [sflag:s24], $0x3E80  }
0x13f: {  	[sflag:s24] =	ssyncset.done $0x0  }
0x140: {  	s9 =	rddreg [dreg:$0x1b];
	[sflag:s24] =	ssyncadd.s32 $0xFFFFC180  }
0x141: {  	[tilespmem:s20], [sflag:$0x2] =	stream.indirect.gather [hbm4b:s4+s18], $0x80, s9, s18, $0xb8;
	[tilespmem:$0x1C880] =	vst v63  }
0x142: {  	_ =	swait.ge [sflag:s21], $0x3E80  }
0x143: {  	[sflag:s21] =	ssyncset.done $0x0  }
0x144: {  	s10 =	rddreg [dreg:$0x1c];
	[sflag:s21] =	ssyncadd.s32 $0xFFFFC180  }
0x145: {  	[spmem:s1] =	stream.indirect.scatter.add.f32 [tilespmem:s19], [sflag:$0x5], $0x80, s10, s18, $0xb8;
	[tilespmem:$0x1C880] =	vst v63  }
0x146: {  	_ =	swait.ge [sflag:s22], $0x3E80  }
0x147: {  	[sflag:s22] =	ssyncset.done $0x0  }
0x148: {  	[sflag:s22] =	ssyncadd.s32 $0xFFFFC180  }
0x149: {  	[tilespmem:s19], [sflag:$0x1] =	stream.indirect.gather [hbm4b:s4+s18], $0x80, s26, s18, $0xb8;
	[tilespmem:$0x1C880] =	vst v63  }
0x14a: {  	_ =	swait.ge [sflag:s23], $0x3E80  }
0x14b: {  	[sflag:s23] =	ssyncset.done $0x0  }
0x14c: {  	[sflag:s23] =	ssyncadd.s32 $0xFFFFC180  }
0x14d: {  	[spmem:s1] =	stream.indirect.scatter.add.f32 [tilespmem:s20], [sflag:$0x6], $0x80, s28, s18, $0xb8;
	[tilespmem:$0x1C880] =	vst v63  }
0x14e: {  	_ =	swait.ge [sflag:s24], $0x3E80  }
0x14f: {  	[sflag:s24] =	ssyncset.done $0x0  }
0x150: {  	[sflag:s24] =	ssyncadd.s32 $0xFFFFC180  }
0x151: {  	[tilespmem:s20], [sflag:$0x2] =	stream.indirect.gather [hbm4b:s4+s18], $0x80, s29, s18, $0xb8;
	[tilespmem:$0x1C880] =	vst v63  }
0x152: {  	_ =	swait.ge [sflag:s21], $0x3E80  }
0x153: {  	[sflag:s21] =	ssyncset.done $0x0  }
0x154: {  	[sflag:s21] =	ssyncadd.s32 $0xFFFFC180  }
0x155: {  	[spmem:s1] =	stream.indirect.scatter.add.f32 [tilespmem:s19], [sflag:$0x5], $0x80, s30, s18, $0xb8;
	[tilespmem:$0x1C880] =	vst v63  }
0x156: {  	_ =	swait.ge [sflag:s23], $0x3E80  }
0x157: {  	s8 =	sadd.s32 $0x100, s8;
	[sflag:s23] =	ssyncset.done $0x0  }
0x158: {  	p1 =	sne.s32 s8, $0x500;
	[sflag:s23] =	ssyncadd.s32 $0xFFFFC180  }
0x159: {  	[spmem:s1] =	stream.indirect.scatter.add.f32 [tilespmem:s20], [sflag:$0x6], $0x80, s31, s18, $0xb8;
	[tilespmem:$0x1C880] =	vst v63  }
.Ltmp0:
0x15a: {  	_ =	swait.ge [sflag:s22], $0x3E80;
	(pc) =	sbr.rel @p1 .LBB2_2-.Ltmp0, $4  }
0x15b: {  	[sflag:s22] =	ssyncset.done $0x0  }
0x15c: {  	[sflag:s22] =	ssyncadd.s32 $0xFFFFC180  }
0x15d: {  	_ =	swait.ge [sflag:s24], $0x3E80  }
0x15e: {  	s10 =	rddreg [dreg:$0x4];
	[sflag:s24] =	ssyncset.done $0x0  }
0x15f: {  	s6 =	rddreg [dreg:$0x5];
	[sflag:s24] =	ssyncadd.s32 $0xFFFFC180;
	s7 =	sadd.s32 s2, s10  }
0x160: {  	[tilespmem:s15], [sflag:$0x4] =	stream.linear.gather [hbm4b:s7+s3], $0x400, $0x38;
	[tilespmem:$0x1C880] =	vst v63  }
0x161: {  	s6 =	sadd.s32 s2, s6  }
0x162: {  	[tilespmem:s16], [sflag:$0x4] =	stream.linear.gather [hbm4b:s6+s3], $0x400, $0x38;
	[tilespmem:$0x1C880] =	vst v63  }
0x163: {  	_ =	swait.ge [sflag:s17], $0x400  }
0x164: {  	[sflag:s17] =	ssyncset.done $0x0  }
0x165: {  	[sflag:s17] =	ssyncadd.s32 $0xFFFFFC00  }
0x166: {  	_ =	swait.ge [sflag:s17], $0x400  }
0x167: {  	[sflag:s17] =	ssyncset.done $0x0  }
0x168: {  	[sflag:s17] =	ssyncadd.s32 $0xFFFFFC00  }
0x169: {  	[tilespmem:s19], [sflag:$0x1] =	stream.indirect.gather [hbm4b:s4+s18], $0x80, s3, s18, $0xb8;
	[tilespmem:$0x1C880] =	vst v63  }
0x16a: {  	s10 =	rddreg [dreg:$0x6]  }
0x16b: {  	[tilespmem:s20], [sflag:$0x2] =	stream.indirect.gather [hbm4b:s4+s18], $0x80, s10, s18, $0xb8;
	[tilespmem:$0x1C880] =	vst v63  }
0x16c: {  	_ =	swait.ge [sflag:s21], $0x3E80  }
0x16d: {  	[sflag:s21] =	ssyncset.done $0x0  }
0x16e: {  	[sflag:s21] =	ssyncadd.s32 $0xFFFFC180  }
0x16f: {  	[spmem:s1] =	stream.indirect.scatter.add.f32 [tilespmem:s19], [sflag:$0x5], $0x80, s14, s18, $0xb8;
	[tilespmem:$0x1C880] =	vst v63  }
0x170: {  	_ =	swait.ge [sflag:s22], $0x3E80  }
0x171: {  	[sflag:s22] =	ssyncset.done $0x0  }
0x172: {  	s7 =	rddreg [dreg:$0x7];
	[sflag:s22] =	ssyncadd.s32 $0xFFFFC180  }
0x173: {  	[tilespmem:s19], [sflag:$0x1] =	stream.indirect.gather [hbm4b:s4+s18], $0x80, s7, s18, $0xb8;
	[tilespmem:$0x1C880] =	vst v63  }
0x174: {  	_ =	swait.ge [sflag:s23], $0x3E80  }
0x175: {  	[sflag:s23] =	ssyncset.done $0x0  }
0x176: {  	s8 =	rddreg [dreg:$0x8];
	[sflag:s23] =	ssyncadd.s32 $0xFFFFC180  }
0x177: {  	[spmem:s1] =	stream.indirect.scatter.add.f32 [tilespmem:s20], [sflag:$0x6], $0x80, s8, s18, $0xb8;
	[tilespmem:$0x1C880] =	vst v63  }
0x178: {  	_ =	swait.ge [sflag:s24], $0x3E80  }
0x179: {  	[sflag:s24] =	ssyncset.done $0x0  }
0x17a: {  	s9 =	rddreg [dreg:$0x9];
	[sflag:s24] =	ssyncadd.s32 $0xFFFFC180  }
0x17b: {  	[tilespmem:s20], [sflag:$0x2] =	stream.indirect.gather [hbm4b:s4+s18], $0x80, s9, s18, $0xb8;
	[tilespmem:$0x1C880] =	vst v63  }
0x17c: {  	_ =	swait.ge [sflag:s21], $0x3E80  }
0x17d: {  	[sflag:s21] =	ssyncset.done $0x0  }
0x17e: {  	s10 =	rddreg [dreg:$0xa];
	[sflag:s21] =	ssyncadd.s32 $0xFFFFC180  }
0x17f: {  	[spmem:s1] =	stream.indirect.scatter.add.f32 [tilespmem:s19], [sflag:$0x5], $0x80, s10, s18, $0xb8;
	[tilespmem:$0x1C880] =	vst v63  }
0x180: {  	_ =	swait.ge [sflag:s22], $0x3E80  }
0x181: {  	[sflag:s22] =	ssyncset.done $0x0  }
0x182: {  	s7 =	rddreg [dreg:$0xb];
	[sflag:s22] =	ssyncadd.s32 $0xFFFFC180  }
0x183: {  	[tilespmem:s19], [sflag:$0x1] =	stream.indirect.gather [hbm4b:s4+s18], $0x80, s7, s18, $0xb8;
	[tilespmem:$0x1C880] =	vst v63  }
0x184: {  	_ =	swait.ge [sflag:s23], $0x3E80  }
0x185: {  	[sflag:s23] =	ssyncset.done $0x0  }
0x186: {  	s8 =	rddreg [dreg:$0xc];
	[sflag:s23] =	ssyncadd.s32 $0xFFFFC180  }
0x187: {  	[spmem:s1] =	stream.indirect.scatter.add.f32 [tilespmem:s20], [sflag:$0x6], $0x80, s8, s18, $0xb8;
	[tilespmem:$0x1C880] =	vst v63  }
0x188: {  	_ =	swait.ge [sflag:s24], $0x3E80  }
0x189: {  	[sflag:s24] =	ssyncset.done $0x0  }
0x18a: {  	s9 =	rddreg [dreg:$0xd];
	[sflag:s24] =	ssyncadd.s32 $0xFFFFC180  }
0x18b: {  	[tilespmem:s20], [sflag:$0x2] =	stream.indirect.gather [hbm4b:s4+s18], $0x80, s9, s18, $0xb8;
	[tilespmem:$0x1C880] =	vst v63  }
0x18c: {  	_ =	swait.ge [sflag:s21], $0x3E80  }
0x18d: {  	[sflag:s21] =	ssyncset.done $0x0  }
0x18e: {  	s10 =	rddreg [dreg:$0xe];
	[sflag:s21] =	ssyncadd.s32 $0xFFFFC180  }
0x18f: {  	[spmem:s1] =	stream.indirect.scatter.add.f32 [tilespmem:s19], [sflag:$0x5], $0x80, s10, s18, $0xb8;
	[tilespmem:$0x1C880] =	vst v63  }
0x190: {  	_ =	swait.ge [sflag:s22], $0x3E80  }
0x191: {  	[sflag:s22] =	ssyncset.done $0x0  }
0x192: {  	s7 =	rddreg [dreg:$0xf];
	[sflag:s22] =	ssyncadd.s32 $0xFFFFC180  }
0x193: {  	[tilespmem:s19], [sflag:$0x1] =	stream.indirect.gather [hbm4b:s4+s18], $0x80, s7, s18, $0xb8;
	[tilespmem:$0x1C880] =	vst v63  }
0x194: {  	_ =	swait.ge [sflag:s23], $0x3E80  }
0x195: {  	[sflag:s23] =	ssyncset.done $0x0  }
0x196: {  	s8 =	rddreg [dreg:$0x10];
	[sflag:s23] =	ssyncadd.s32 $0xFFFFC180  }
0x197: {  	[spmem:s1] =	stream.indirect.scatter.add.f32 [tilespmem:s20], [sflag:$0x6], $0x80, s8, s18, $0xb8;
	[tilespmem:$0x1C880] =	vst v63  }
0x198: {  	_ =	swait.ge [sflag:s24], $0x3E80  }
0x199: {  	[sflag:s24] =	ssyncset.done $0x0  }
0x19a: {  	s9 =	rddreg [dreg:$0x11];
	[sflag:s24] =	ssyncadd.s32 $0xFFFFC180  }
0x19b: {  	[tilespmem:s20], [sflag:$0x2] =	stream.indirect.gather [hbm4b:s4+s18], $0x80, s9, s18, $0xb8;
	[tilespmem:$0x1C880] =	vst v63  }
0x19c: {  	_ =	swait.ge [sflag:s21], $0x3E80  }
0x19d: {  	[sflag:s21] =	ssyncset.done $0x0  }
0x19e: {  	s10 =	rddreg [dreg:$0x12];
	[sflag:s21] =	ssyncadd.s32 $0xFFFFC180  }
0x19f: {  	[spmem:s1] =	stream.indirect.scatter.add.f32 [tilespmem:s19], [sflag:$0x5], $0x80, s10, s18, $0xb8;
	[tilespmem:$0x1C880] =	vst v63  }
0x1a0: {  	_ =	swait.ge [sflag:s23], $0x3E80  }
0x1a1: {  	[sflag:s23] =	ssyncset.done $0x0  }
0x1a2: {  	s7 =	rddreg [dreg:$0x13];
	[sflag:s23] =	ssyncadd.s32 $0xFFFFC180  }
0x1a3: {  	[spmem:s1] =	stream.indirect.scatter.add.f32 [tilespmem:s20], [sflag:$0x6], $0x80, s7, s18, $0xb8;
	[tilespmem:$0x1C880] =	vst v63  }
0x1a4: {  	_ =	swait.ge [sflag:s22], $0x3E80  }
0x1a5: {  	[sflag:s22] =	ssyncset.done $0x0  }
0x1a6: {  	p1 =	seq.s32 s2, $0x400;
	s6 =	sadd.s32 $0x800, s11;
	[sflag:s22] =	ssyncadd.s32 $0xFFFFC180  }
0x1a7: {  	s6 =	sshrl.u32 @!p1 s6, $0x3;
	_ =	swait.ge [sflag:s24], $0x3E80  }
0x1a8: {  	s6 =	sadd.s32 @!p1 s5, s6;
	[sflag:s24] =	ssyncset.done $0x0  }
0x1a9: {  	s8 =	simm.s32 @!p1 $0x0;
	s7 =	rddreg [dreg:$0x3];
	[sflag:s24] =	ssyncadd.s32 $0xFFFFC180  }
0x1aa: {  	[tilespmem:s8], [sflag:$0x3] =	stream.linear.gather @!p1 [hbm4b:s6+s8], $0x400, $0x38;
	[tilespmem:$0x1C880] =	vst v63  }
0x1ab: {  	s2 =	sadd.s32 @!p1 s2, s7;
	s6 =	simm.s32 @!p1 $0x800  }
0x1ac: {  	[tilespmem:s6], [sflag:$0x3] =	stream.linear.gather @!p1 [hbm4b:s2+s8], $0x400, $0x38;
	[tilespmem:$0x1C880] =	vst v63  }
0x1ad: {  	_ =	swait.ge [sflag:s25], $0x400  }
0x1ae: {  	[sflag:s25] =	ssyncset.done $0x0  }
0x1af: {  	[sflag:s25] =	ssyncadd.s32 $0xFFFFFC00  }
0x1b0: {  	_ =	swait.ge [sflag:s25], $0x400  }
0x1b1: {  	[sflag:s25] =	ssyncset.done $0x0  }
0x1b2: {  	[sflag:s25] =	ssyncadd.s32 $0xFFFFFC00  }
0x1b3: {  	[tilespmem:s19], [sflag:$0x1] =	stream.indirect.gather [hbm4b:s4+s18], $0x80, s15, s18, $0xb8;
	[tilespmem:$0x1C880] =	vst v63  }
0x1b4: {  	s8 =	rddreg [dreg:$0x14]  }
0x1b5: {  	[tilespmem:s20], [sflag:$0x2] =	stream.indirect.gather [hbm4b:s4+s18], $0x80, s8, s18, $0xb8;
	[tilespmem:$0x1C880] =	vst v63  }
0x1b6: {  	_ =	swait.ge [sflag:s21], $0x3E80  }
0x1b7: {  	[sflag:s21] =	ssyncset.done $0x0  }
0x1b8: {  	[sflag:s21] =	ssyncadd.s32 $0xFFFFC180  }
0x1b9: {  	[spmem:s1] =	stream.indirect.scatter.add.f32 [tilespmem:s19], [sflag:$0x5], $0x80, s16, s18, $0xb8;
	[tilespmem:$0x1C880] =	vst v63  }
0x1ba: {  	_ =	swait.ge [sflag:s22], $0x3E80  }
0x1bb: {  	[sflag:s22] =	ssyncset.done $0x0  }
0x1bc: {  	s9 =	rddreg [dreg:$0x15];
	[sflag:s22] =	ssyncadd.s32 $0xFFFFC180  }
0x1bd: {  	[tilespmem:s19], [sflag:$0x1] =	stream.indirect.gather [hbm4b:s4+s18], $0x80, s9, s18, $0xb8;
	[tilespmem:$0x1C880] =	vst v63  }
0x1be: {  	_ =	swait.ge [sflag:s23], $0x3E80  }
0x1bf: {  	[sflag:s23] =	ssyncset.done $0x0  }
0x1c0: {  	s10 =	rddreg [dreg:$0x16];
	[sflag:s23] =	ssyncadd.s32 $0xFFFFC180  }
0x1c1: {  	[spmem:s1] =	stream.indirect.scatter.add.f32 [tilespmem:s20], [sflag:$0x6], $0x80, s10, s18, $0xb8;
	[tilespmem:$0x1C880] =	vst v63  }
0x1c2: {  	_ =	swait.ge [sflag:s24], $0x3E80  }
0x1c3: {  	[sflag:s24] =	ssyncset.done $0x0  }
0x1c4: {  	s11 =	rddreg [dreg:$0x17];
	[sflag:s24] =	ssyncadd.s32 $0xFFFFC180  }
0x1c5: {  	[tilespmem:s20], [sflag:$0x2] =	stream.indirect.gather [hbm4b:s4+s18], $0x80, s11, s18, $0xb8;
	[tilespmem:$0x1C880] =	vst v63  }
0x1c6: {  	_ =	swait.ge [sflag:s21], $0x3E80  }
0x1c7: {  	[sflag:s21] =	ssyncset.done $0x0  }
0x1c8: {  	s6 =	rddreg [dreg:$0x18];
	[sflag:s21] =	ssyncadd.s32 $0xFFFFC180  }
0x1c9: {  	[spmem:s1] =	stream.indirect.scatter.add.f32 [tilespmem:s19], [sflag:$0x5], $0x80, s6, s18, $0xb8;
	[tilespmem:$0x1C880] =	vst v63  }
0x1ca: {  	_ =	swait.ge [sflag:s22], $0x3E80  }
0x1cb: {  	[sflag:s22] =	ssyncset.done $0x0  }
0x1cc: {  	s7 =	rddreg [dreg:$0x19];
	[sflag:s22] =	ssyncadd.s32 $0xFFFFC180  }
0x1cd: {  	[tilespmem:s19], [sflag:$0x1] =	stream.indirect.gather [hbm4b:s4+s18], $0x80, s7, s18, $0xb8;
	[tilespmem:$0x1C880] =	vst v63  }
0x1ce: {  	_ =	swait.ge [sflag:s23], $0x3E80  }
0x1cf: {  	[sflag:s23] =	ssyncset.done $0x0  }
0x1d0: {  	s8 =	rddreg [dreg:$0x1a];
	[sflag:s23] =	ssyncadd.s32 $0xFFFFC180  }
0x1d1: {  	[spmem:s1] =	stream.indirect.scatter.add.f32 [tilespmem:s20], [sflag:$0x6], $0x80, s8, s18, $0xb8;
	[tilespmem:$0x1C880] =	vst v63  }
0x1d2: {  	_ =	swait.ge [sflag:s24], $0x3E80  }
0x1d3: {  	[sflag:s24] =	ssyncset.done $0x0  }
0x1d4: {  	s9 =	rddreg [dreg:$0x1b];
	[sflag:s24] =	ssyncadd.s32 $0xFFFFC180  }
0x1d5: {  	[tilespmem:s20], [sflag:$0x2] =	stream.indirect.gather [hbm4b:s4+s18], $0x80, s9, s18, $0xb8;
	[tilespmem:$0x1C880] =	vst v63  }
0x1d6: {  	_ =	swait.ge [sflag:s21], $0x3E80  }
0x1d7: {  	[sflag:s21] =	ssyncset.done $0x0  }
0x1d8: {  	s10 =	rddreg [dreg:$0x1c];
	[sflag:s21] =	ssyncadd.s32 $0xFFFFC180  }
0x1d9: {  	[spmem:s1] =	stream.indirect.scatter.add.f32 [tilespmem:s19], [sflag:$0x5], $0x80, s10, s18, $0xb8;
	[tilespmem:$0x1C880] =	vst v63  }
0x1da: {  	_ =	swait.ge [sflag:s22], $0x3E80  }
0x1db: {  	[sflag:s22] =	ssyncset.done $0x0  }
0x1dc: {  	[sflag:s22] =	ssyncadd.s32 $0xFFFFC180  }
0x1dd: {  	[tilespmem:s19], [sflag:$0x1] =	stream.indirect.gather [hbm4b:s4+s18], $0x80, s26, s18, $0xb8;
	[tilespmem:$0x1C880] =	vst v63  }
0x1de: {  	_ =	swait.ge [sflag:s23], $0x3E80  }
0x1df: {  	[sflag:s23] =	ssyncset.done $0x0  }
0x1e0: {  	[sflag:s23] =	ssyncadd.s32 $0xFFFFC180  }
0x1e1: {  	[spmem:s1] =	stream.indirect.scatter.add.f32 [tilespmem:s20], [sflag:$0x6], $0x80, s28, s18, $0xb8;
	[tilespmem:$0x1C880] =	vst v63  }
0x1e2: {  	_ =	swait.ge [sflag:s24], $0x3E80  }
0x1e3: {  	[sflag:s24] =	ssyncset.done $0x0  }
0x1e4: {  	[sflag:s24] =	ssyncadd.s32 $0xFFFFC180  }
0x1e5: {  	[tilespmem:s20], [sflag:$0x2] =	stream.indirect.gather [hbm4b:s4+s18], $0x80, s29, s18, $0xb8;
	[tilespmem:$0x1C880] =	vst v63  }
0x1e6: {  	_ =	swait.ge [sflag:s21], $0x3E80  }
0x1e7: {  	[sflag:s21] =	ssyncset.done $0x0  }
0x1e8: {  	[sflag:s21] =	ssyncadd.s32 $0xFFFFC180  }
0x1e9: {  	[spmem:s1] =	stream.indirect.scatter.add.f32 [tilespmem:s19], [sflag:$0x5], $0x80, s30, s18, $0xb8;
	[tilespmem:$0x1C880] =	vst v63  }
0x1ea: {  	_ =	swait.ge [sflag:s23], $0x3E80  }
0x1eb: {  	[sflag:s23] =	ssyncset.done $0x0  }
0x1ec: {  	[sflag:s23] =	ssyncadd.s32 $0xFFFFC180  }
0x1ed: {  	[spmem:s1] =	stream.indirect.scatter.add.f32 [tilespmem:s20], [sflag:$0x6], $0x80, s31, s18, $0xb8;
	[tilespmem:$0x1C880] =	vst v63  }
0x1ee: {  	_ =	swait.ge [sflag:s22], $0x3E80  }
0x1ef: {  	[sflag:s22] =	ssyncset.done $0x0  }
0x1f0: {  	[sflag:s22] =	ssyncadd.s32 $0xFFFFC180  }
0x1f1: {  	_ =	swait.ge [sflag:s24], $0x3E80  }
0x1f2: {  	[sflag:s24] =	ssyncset.done $0x0  }
0x1f3: {  	[sflag:s24] =	ssyncadd.s32 $0xFFFFC180  }
0x1f4: {  	[bflag:$0x0] =	sbarrier.arrive $0xFFFF  }
0x1f5: {  	s2 =	sld [smem:$0x7FB];
	_ =	sdelay $0x2  }
0x1f6: {  	[hbm:s2], [sflag:s12] =	dma.local @!p0 [spmem:s13], $0x3E80  }
0x1f7: {  	s2 =	simm.s32 @!p0 $0x7  }
0x1f8: {  	_ =	swait.ge @!p0 [sflag:s2], $0x3E80  }
0x1f9: {  	s11 =	sld [smem:$0x7FC];
	_ =	sdelay $0x1  }
0x1fa: {  	s0 =	sadd.s32 $0x1, s0  }
0x1fb: {  	p1 =	sne.s32 s0, s11  }
.Ltmp1:
0x1fc: {  	_ = 	snop;
	(pc) =	sbr.rel @p1 .LBB2_1-.Ltmp1, $3  }
0x1fd: {  	_ =	sdelay $0x1  }
0x1fe: {  	[sflag:s2] =	ssyncset.done @!p0 $0x0  }
0x1ff: {  	[sflag:s2] =	ssyncadd.s32 @!p0 $0xFFFFC180  }
0x200: {  	_ =	sfence.sel $0x180000  }
0x201: {  	[bflag:$0x0] =	sbarrier.arrive $0xFFFF  }
0x202: {  	_ =	strace $0x9000004D  }
0x203: {  	s0 =	stileid.u32;
	[bflag:$0x2] =	sbarrier.arrive $0xFFFF  }
0x204: {  	p0 =	sne.s32 s0, $0x0;
	s0 =	rddreg [dreg:$0x2]  }
0x205: {  	s0 =	sadd.s32 @!p0 $0x100000, s0  }
0x206: {  	[sflag:s0] =	ssyncadd.tile.s32 @!p0 $0x1;
	_ =	shalt  }
.Lfunc_end2:
_tile_overlayer_lowered:
.L_overlay_start_2:
0x207: {  	(tag) =	ssettag $0x2  }
0x208: {  	s0 =	rddreg [dreg:$0x0];
	s2 =	stileid.u32  }
0x209: {  	s1 =	rddreg [dreg:$0x1];
	p0 =	sne.s32 s2, $0x0  }
0x20a: {  	s3 =	rddreg [dreg:$0x2];
	[bflag:$0x3] =	sbarrier.arrive $0xFFFF;
	s2 =	simm.s32 @!p0 $0x1C07  }
0x20b: {  	[timem:s3], [sflag:s2] =	dma.local @!p0 [hbm:s0], s1  }
0x20c: {  	s0 =	simm.s32 @!p0 $0x7  }
0x20d: {  	_ =	swait.ge @!p0 [sflag:s0], s1  }
0x20e: {  	s1 =	ssub.s32 @!p0 $0x0, s1;
	[sflag:s0] =	ssyncset.done @!p0 $0x0  }
0x20f: {  	[sflag:s0] =	ssyncadd.s32 @!p0 s1  }
0x210: {  	[bflag:$0x3] =	sbarrier.arrive $0xFFFF  }
0x211: {  	_ =	shalt  }

// kernel: kernel.8.cloned.1.call-start
scs
__scs_entry_jumppad:
0x0: {  	(pc) =	sbr.rel $0x88, $3  }
0x1: {  	(tag) =	ssettag $0x0;
	lr =	simm.s32 $0x1  }
0x2: {  	[smem:$0x3F97] =	sst lr;
	_ =	strace $0xD0000000  }
0x3: {  	_ = 	snop  }
0x4: {  	_ = 	snop  }
0x5: {  	_ = 	snop  }
0x6: {  	_ = 	snop  }
0x7: {  	_ = 	snop  }
__scs_overlays_trampoline_lowered:
0x8: {  	[smem:$0x3FA6] =	sst s0  }
0x9: {  	[smem:$0x3FA7] =	sst s1  }
0xa: {  	[smem:$0x3FA8] =	sst s2  }
0xb: {  	[smem:$0x3FA9] =	sst s3  }
0xc: {  	[smem:$0x3FAA] =	sst s4  }
0xd: {  	[smem:$0x3FAB] =	sst s5  }
0xe: {  	[smem:$0x3FAC] =	sst s6  }
0xf: {  	[smem:$0x3FAD] =	sst s7  }
0x10: {  	[smem:$0x3FAE] =	sst s8  }
0x11: {  	[smem:$0x3FAF] =	sst s9;
	s0 =	simm.s32 @!p0 $0x0  }
0x12: {  	s1 =	sld [smem:$0x3F95];
	s0 =	simm.s32 @p0 $0x1  }
0x13: {  	[smem:$0x3FB0] =	sst s0;
	s0 =	simm.s32 @!p1 $0x0  }
0x14: {  	s2 =	sld [smem:$0x3F94];
	s0 =	simm.s32 @p1 $0x1  }
0x15: {  	[smem:$0x3FB1] =	sst s0;
	s0 =	simm.s32 @!p2 $0x0  }
0x16: {  	s3 =	sld [smem:$0x3FDB];
	s0 =	simm.s32 @p2 $0x1  }
0x17: {  	s4 =	simm.s32 $0x1BF5;
	[smem:$0x3FB3] =	sst s0  }
0x18: {  	s0 =	sld [smem:$0x3F96];
	_ =	swait.ge [sflag:s4], $0x0  }
0x19: {  	s7 =	sld [smem:$0x3F97]  }
0x1a: {  	s8 =	sadd.s32 $0xFFFFE003, lr  }
0x1b: {  	s9 =	sadd.s32 $0xFFFFFEF7, lr;
	s5 =	simm.s32 $0xFFFFFFFF;
	p2 =	slt.u32 s8, $0xFFFFF086  }
0x1c: {  	p1 =	slt.u32 s9, $0xF7A;
	s5 =	simm.s32 @!p2 $0x0  }
0x1d: {  	s5 =	simm.s32 @p1 $0x1;
	p0 =	seq.s32 s7, s2  }
0x1e: {  	s7 =	smul.u32 @!p0 $0xF7A, s2;
	p2 =	seq.s32 @!p0 s5, $0x0  }
0x1f: {  	s9 =	smul.u32 $0xF7A, s1;
	s8 =	simm.s32 @!p0 $0x1BF5;
	p2 =	por !p2, p0  }
0x20: {  	[sflag:s8] =	ssyncset.s32 @!p0 $0xFFFFF086;
	s6 =	sadd.s32 @!p0 s3, s7;
	s7 =	simm.s32 @!p0 $0x108  }
0x21: {  	s3 =	sadd.s32 s3, s9;
	s6 =	sadd.s32 @!p0 $0x88, s6;
	s7 =	simm.s32 @p2 $0x1082  }
0x22: {  	[simem:s7], [sflag:s8] =	dma.local @!p0 [hbm:s6], $0xF7A  }
0x23: {  	s9 =	sor.u32 $0xD0000000, s2;
	s6 =	simm.s32 $0x108;
	_ =	swait.ge @!p0 [sflag:s8], $0x0  }
0x24: {  	s3 =	sadd.s32 $0x88, s3;
	s6 =	simm.s32 @!p1 $0x1082;
	[sflag:s4] =	ssyncset.s32 $0xFFFFF086  }
0x25: {  	[simem:s6], [sflag:s4] =	dma.local [hbm:s3], $0xF7A  }
0x26: {  	[smem:$0x3F97] =	sst s1;
	(tag) =	ssettag s2;
	_ =	strace s9  }
0x27: {  	s1 =	sld [smem:$0x3FA7]  }
0x28: {  	s2 =	sld [smem:$0x3FA8]  }
0x29: {  	s4 =	sld [smem:$0x3FAA]  }
0x2a: {  	p0 =	seq.s32 s5, $0x0;
	s5 =	sld [smem:$0x3FAB]  }
0x2b: {  	s6 =	sld [smem:$0x3FAC]  }
0x2c: {  	s7 =	sld [smem:$0x3FAD]  }
0x2d: {  	s3 =	simm.s32 $0x108;
	s8 =	sld [smem:$0x3FAE]  }
0x2e: {  	s3 =	simm.s32 @!p0 $0x1082;
	s9 =	sld [smem:$0x3FAF]  }
0x2f: {  	lr =	sadd.s32 s0, s3;
	s0 =	sld [smem:$0x3FA6]  }
0x30: {  	s3 =	sld [smem:$0x3FA9]  }
0x31: {  	[smem:$0x3FB2] =	sst s10  }
0x32: {  	s10 =	sld [smem:$0x3FB0];
	_ =	sdelay $0x3  }
0x33: {  	p0 =	seq.s32 s10, $0x1;
	s10 =	sld [smem:$0x3FB2];
	_ =	sdelay $0x3  }
0x34: {  	[smem:$0x3FB2] =	sst s10  }
0x35: {  	s10 =	sld [smem:$0x3FB1];
	_ =	sdelay $0x3  }
0x36: {  	p1 =	seq.s32 s10, $0x1;
	s10 =	sld [smem:$0x3FB2];
	_ =	sdelay $0x3  }
0x37: {  	[smem:$0x3FB2] =	sst s10  }
0x38: {  	s10 =	sld [smem:$0x3FB3]  }
0x39: {  	_ = 	snop;
	(pc) =	sbr.ind lr, $3  }
0x3a: {  	_ = 	snop  }
0x3b: {  	_ = 	snop  }
0x3c: {  	p2 =	seq.s32 s10, $0x1;
	s10 =	sld [smem:$0x3FB2]  }
0x3d: {  	_ =	shalt  }
0x3e: {  	_ =	shalt  }
0x3f: {  	_ =	shalt  }
0x40: {  	_ =	shalt  }
0x41: {  	_ =	shalt  }
0x42: {  	_ =	shalt  }
0x43: {  	_ =	shalt  }
0x44: {  	_ =	shalt  }
0x45: {  	_ =	shalt  }
0x46: {  	_ =	shalt  }
0x47: {  	_ =	shalt  }
0x48: {  	_ =	shalt  }
0x49: {  	_ =	shalt  }
0x4a: {  	_ =	shalt  }
0x4b: {  	_ =	shalt  }
0x4c: {  	_ =	shalt  }
0x4d: {  	_ =	shalt  }
0x4e: {  	_ =	shalt  }
0x4f: {  	_ =	shalt  }
0x50: {  	_ =	shalt  }
0x51: {  	_ =	shalt  }
0x52: {  	_ =	shalt  }
0x53: {  	_ =	shalt  }
0x54: {  	_ =	shalt  }
0x55: {  	_ =	shalt  }
0x56: {  	_ =	shalt  }
0x57: {  	_ =	shalt  }
0x58: {  	_ =	shalt  }
0x59: {  	_ =	shalt  }
0x5a: {  	_ =	shalt  }
0x5b: {  	_ =	shalt  }
0x5c: {  	_ =	shalt  }
0x5d: {  	_ =	shalt  }
0x5e: {  	_ =	shalt  }
0x5f: {  	_ =	shalt  }
0x60: {  	_ =	shalt  }
0x61: {  	_ =	shalt  }
0x62: {  	_ =	shalt  }
0x63: {  	_ =	shalt  }
0x64: {  	_ =	shalt  }
0x65: {  	_ =	shalt  }
0x66: {  	_ =	shalt  }
0x67: {  	_ =	shalt  }
0x68: {  	_ =	shalt  }
0x69: {  	_ =	shalt  }
0x6a: {  	_ =	shalt  }
0x6b: {  	_ =	shalt  }
0x6c: {  	_ =	shalt  }
0x6d: {  	_ =	shalt  }
0x6e: {  	_ =	shalt  }
0x6f: {  	_ =	shalt  }
0x70: {  	_ =	shalt  }
0x71: {  	_ =	shalt  }
0x72: {  	_ =	shalt  }
0x73: {  	_ =	shalt  }
0x74: {  	_ =	shalt  }
0x75: {  	_ =	shalt  }
0x76: {  	_ =	shalt  }
0x77: {  	_ =	shalt  }
0x78: {  	_ =	shalt  }
0x79: {  	_ =	shalt  }
0x7a: {  	_ =	shalt  }
0x7b: {  	_ =	shalt  }
0x7c: {  	_ =	shalt  }
0x7d: {  	_ =	shalt  }
0x7e: {  	_ =	shalt  }
0x7f: {  	_ =	shalt  }
0x80: {  	_ =	shalt  }
0x81: {  	_ =	shalt  }
0x82: {  	_ =	shalt  }
0x83: {  	_ =	shalt  }
0x84: {  	_ =	shalt  }
0x85: {  	_ =	shalt  }
0x86: {  	_ =	shalt  }
0x87: {  	_ =	shalt  }
.Lfunc_end0:
.L_simem_size_0:
called_computation_lowered:
.L_overlay_start_0:
0x88: {  	s2 =	sld [smem:$0x3FD9]  }
0x89: {  	s3 =	sld [smem:$0x3FFE];
	_ =	sdelay $0x1  }
0x8a: {  	s1 =	srdreg.scid  }
0x8b: {  	s0 =	sand.u32 $0x1, s1  }
0x8c: {  	s16 =	sshll.u32 s0, $0xA;
	s2 =	sadd.s32 s3, s2  }
0x8d: {  	s2 =	sadd.s32 s2, s16  }
0x8e: {  	[smem:$0x3FBE] =	sst s2  }
0x8f: {  	_ = 	snop  }
0x90: {  	(tm) =	ssettm $0x1  }
0x91: {  	s17 =	sld [smem:$0x3FFB];
	_ =	sdelay $0x3  }
0x92: {  	_ =	strace s17  }
0x93: {  	s2 =	sld [smem:$0x3FFC];
	_ =	sdelay $0x3  }
0x94: {  	_ =	strace s2  }
0x95: {  	s2 =	sld [smem:$0x3FFD];
	_ =	sdelay $0x3  }
0x96: {  	_ =	strace s2  }
0x97: {  	_ =	strace $0x8FFFFFFF  }
0x98: {  	s18 =	sld [smem:$0x3FDB];
	_ =	sdelay $0x1  }
0x99: {  	s19 =	simm.s32 $_scs_section_size  }
0x9a: {  	s4 =	simm.s32 $_size__tile_overlayer_lowered;
	s5 =	simm.s32 $_tile_overlayer_lowered  }
0x9b: {  	s22 =	simm.s32 $0x1BFF;
	s21 =	sshll.u32 s5, $0x1;
	s2 =	sadd.s32 s19, s18  }
0x9c: {  	s6 =	simm.s32 $0x0;
	s20 =	sshll.u32 s4, $0x1;
	s4 =	sadd.s32 s21, s2  }
0x9d: {  	[timem:s6], [sflag:s22] =	dma.local [hbm:s4], s20  }
0x9e: {  	_ =	swait.ge [sflag:s22], s20  }
0x9f: {  	s3 =	ssub.s32 $0x0, s20;
	[sflag:s22] =	ssyncset.done $0x0  }
0xa0: {  	[sflag:s22] =	ssyncadd.s32 s3;
	_ =	sdelay $0x1  }
0xa1: {  	s23 =	simm.s32 $0x1B8B  }
0xa2: {  	_ =	swait.ge [sflag:s23], $0x1  }
0xa3: {  	[sflag:s23] =	ssyncset.done $0x0  }
0xa4: {  	s25 =	simm.s32 $0x1B8E;
	s24 =	sld [smem:$0x3FFE];
	[sflag:s23] =	ssyncadd.s32 $0xFFFFFFFF  }
0xa5: {  	s26 =	simm.s32 $execute0_lowered;
	[smem:$0x3FD2] =	sst s25  }
0xa6: {  	s4 =	sshll.u32 s26, $0x1;
	_ =	strace $0x80000046;
	[dreg:$0x1] =	wrdreg $0xFFFFFFFF  }
0xa7: {  	s28 =	simm.s32 $_size_execute0_lowered;
	s2 =	sadd.s32 s2, s4;
	[dreg:$0x0] =	wrdreg $0x0  }
0xa8: {  	s4 =	sshll.u32 s28, $0x1;
	[dreg:$0x2] =	wrdreg s2  }
0xa9: {  	[dreg:$0x3] =	wrdreg s4  }
0xaa: {  	[dreg:$0x4] =	wrdreg $0xC0  }
0xab: {  	_ =	task [dreg:s6], $0x5FFFF  }
0xac: {  	[dreg:$0x1] =	wrdreg $0xFFFFFFFF  }
0xad: {  	[dreg:$0x0] =	wrdreg $0x60  }
0xae: {  	[dreg:$0x2] =	wrdreg s24  }
0xaf: {  	[dreg:$0x3] =	wrdreg $0x48000  }
0xb0: {  	[dreg:$0x4] =	wrdreg $0x9  }
0xb1: {  	_ =	task.clear_ibuf [dreg:s6], $0x5FFFF;
	_ =	strace $0x90000046  }
0xb2: {  	s29 =	simm.s32 $0x9;
	_ =	strace $0x80000048  }
0xb3: {  	_ =	swait.ge [sflag:s29], $0x1  }
0xb4: {  	[sflag:s29] =	ssyncadd.s32 $0xFFFFFFFF  }
0xb5: {  	_ =	strace $0x90000048  }
0xb6: {  	_ =	sfence  }
0xb7: {  	s30 =	sld [smem:$0x0];
	_ =	sdelay $0x2  }
0xb8: {  	s31 =	sshll.u32 s1, $0xD;
	s1 =	sshrl.u32 s1, $0x2  }
0xb9: {  	s3 =	sand.u32 $0x4000, s31;
	s1 =	sadd.s32 s1, s30  }
0xba: {  	s0 =	sor.u32 s3, s0;
	s1 =	sshll.u32 s1, $0x11  }
0xbb: {  	s0 =	sor.u32 s1, s0  }
0xbc: {  	s0 =	sadd.s32 $0x8F2B, s0  }
0xbd: {  	[sflag:s0] =	ssyncadd.remote.s32 $0x1  }
0xbe: {  	_ =	sfence.sel $0xFFFF  }
0xbf: {  	[dreg:$0x0] =	wrdreg $0xFFFFFFFF;
	(pc) =	sbr.abs _section_cstart, $3  }
0xc0: {  	[dreg:$0x1] =	wrdreg $0xFFFFFFFF  }
0xc1: {  	_ =	task.clear_ibuf [dreg:s6], $0x2FFFF;
	_ =	strace $0x9FFFFFFF  }
0xc2: {  	(tm) =	ssettm $0x7FFFFFFF  }
0xc3: {  	_ =	shalt  }
tec
execute0_lowered:
.L_overlay_start_1:
0x0: {  	(tag) =	ssettag $0x1  }
0x1: {  	s0 =	rddreg [dreg:$0x0]  }
0x2: {  	s1 =	rddreg [dreg:$0x1];
	s2 =	srdreg.scid  }
0x3: {  	s3 =	simm.s32 $0x0;
	s10 =	stileid.u32;
	s13 =	simm.s32 $0x800  }
0x4: {  	s15 =	simm.s32 $0x400;
	s16 =	simm.s32 $0x3;
	s17 =	simm.s32 $0x7D  }
0x5: {  	s18 =	simm.s32 $0x80;
	s19 =	simm.s32 $0x100;
	s28 =	simm.s32 $0x500  }
0x6: {  	s29 =	simm.s32 $0x580;
	s30 =	simm.s32 $0x600;
	s31 =	simm.s32 $0x680  }
0x7: {  	s12 =	simm.s32 $0x0;
	s2 =	sand.u32 $0x1, s2;
	s5 =	smul.u32 $0x1F400, s10  }
0x8: {  	[smem:$0x7FF] =	sst s3;
	s6 =	sadd.s32 $0x2C00, s0;
	s23 =	smul.u32 $0x7D000, s10  }
0x9: {  	s8 =	sadd.s32 $0x16C00, s0;
	s21 =	sadd.s32 $0x1AC00, s0;
	s9 =	smul.u32 $0x2800, s10  }
0xa: {  	p0 =	sgt.u32 s10, $0x9;
	_ =	strace $0x80000047;
	[dreg:$0x3] =	wrdreg s8  }
0xb: {  	s4 =	smul.u32 $0x138800, s2;
	s7 =	sshll.u32 s2, $0x4;
	[dreg:$0x4] =	wrdreg s21  }
0xc: {  	s22 =	ssub.s32 $0x2, s2;
	s2 =	smul.u32 $0x28000, s2;
	s21 =	simm.s32 $0x200  }
0xd: {  	s20 =	sor.u32 s10, s7;
	s24 =	sshrl.u32 s22, $0x1;
	s7 =	sshrl.u32 s23, $0x2  }
0xe: {  	s23 =	simm.s32 $0x300;
	s4 =	sadd.s32 s5, s4;
	s5 =	smul.u32 $0x2800, s20  }
0xf: {  	s7 =	sadd.s32 s7, s1;
	s26 =	sadd.s32 s9, s2;
	s20 =	simm.s32 $0x180  }
0x10: {  	s4 =	sshrl.u32 s4, $0x3;
	s2 =	sadd.s32 $0x50800, s26;
	s11 =	sshrl.u32 @!p0 s7, $0x3  }
0x11: {  	s0 =	sadd.s32 s4, s0;
	s5 =	sshrl.u32 s5, $0x3;
	s4 =	ssub.s32 s22, s24  }
0x12: {  	s2 =	sshrl.u32 s2, $0x3;
	s22 =	simm.s32 $0x280;
	s24 =	simm.s32 $0x380  }
0x13: {  	[dreg:$0x9] =	wrdreg s11;
	s5 =	sadd.s32 s6, s5;
	s0 =	sadd.s32 $0x1B400, s0  }
0x14: {  	s25 =	smax.u32 s4, $0x1;
	s4 =	sshll.u32 @!p0 s10, $0x6;
	s9 =	sadd.s32 s2, s6  }
0x15: {  	s2 =	simm.s32 $0x780;
	s5 =	sadd.s32 $0xA000, s5;
	[dreg:$0x6] =	wrdreg s0  }
0x16: {  	[dreg:$0x7] =	wrdreg s25;
	s0 =	sadd.s32 $0x50400, s26;
	s8 =	sor.u32 @!p0 $0x1C05, s4  }
0x17: {  	s25 =	simm.s32 $0x4;
	s26 =	simm.s32 $0x480;
	s4 =	simm.s32 $0x1  }
0x18: {  	[dreg:$0x5] =	wrdreg s5;
	s0 =	sshrl.u32 s0, $0x3;
	s5 =	simm.s32 $0x2  }
0x19: {  	[dreg:$0x8] =	wrdreg s8;
	s10 =	sadd.s32 s0, s6;
	s0 =	simm.s32 $0x700  }
.LBB2_1:
0x1a: {  	[dreg:$0xa] =	wrdreg s12  }
0x1b: {  	s6 =	rddreg [dreg:$0x3];
	s7 =	simm.s32 @!p0 $0x5  }
0x1c: {  	[spmem:s11], [sflag:s8] =	dma.local @!p0 [hbm:s6], $0x3E80  }
0x1d: {  	_ =	swait.ge @!p0 [sflag:s7], $0x3E80  }
0x1e: {  	[sflag:s7] =	ssyncset.done @!p0 $0x0  }
0x1f: {  	s11 =	simm.s32 $0x5;
	s8 =	rddreg [dreg:$0x4];
	[sflag:s7] =	ssyncadd.s32 @!p0 $0xFFFFC180  }
0x20: {  	[tilespmem:s13], [sflag:$0x5] =	stream.linear.gather [hbm4b:s8+s3], $0x3E80, $0x38;
	[tilespmem:$0x6F10] =	vst v63  }
0x21: {  	_ =	swait.ge [sflag:s11], $0x3E80  }
0x22: {  	p1 =	por $0x1, $0x1;
	[sflag:s11] =	ssyncset.done $0x0  }
0x23: {  	p1 =	por p1, p1;
	s12 =	rddreg [dreg:$0x5];
	[sflag:s11] =	ssyncadd.s32 $0xFFFFC180  }
0x24: {  	[tilespmem:s3], [sflag:$0x3] =	stream.linear.gather [hbm4b:s12+s3], $0x400, $0x38;
	[tilespmem:$0x6F10] =	vst v63  }
0x25: {  	s7 =	simm.s32 @!p1 $0x2;
	[bflag:$0x0] =	sbarrier.arrive $0xFFFF  }
0x26: {  	_ =	swait.ge @!p1 [sflag:s7], $0x7D0  }
0x27: {  	[sflag:s7] =	ssyncset.done @!p1 $0x0  }
0x28: {  	[sflag:s7] =	ssyncadd.s32 @!p1 $0xFFFFF830  }
0x29: {  	_ =	swait.ge @!p1 [sflag:s7], $0x7D0  }
0x2a: {  	[sflag:s7] =	ssyncset.done @!p1 $0x0  }
0x2b: {  	[sflag:s7] =	ssyncadd.s32 @!p1 $0xFFFFF830  }
0x2c: {  	_ =	swait.ge @!p1 [sflag:s7], $0x7D0  }
0x2d: {  	[sflag:s7] =	ssyncset.done @!p1 $0x0  }
0x2e: {  	[sflag:s7] =	ssyncadd.s32 @!p1 $0xFFFFF830  }
0x2f: {  	_ =	swait.ge @!p1 [sflag:s7], $0x7D0  }
0x30: {  	[sflag:s7] =	ssyncset.done @!p1 $0x0  }
0x31: {  	[sflag:s7] =	ssyncadd.s32 @!p1 $0xFFFFF830  }
0x32: {  	_ =	swait.ge @!p1 [sflag:s7], $0x7D0  }
0x33: {  	[sflag:s7] =	ssyncset.done @!p1 $0x0  }
0x34: {  	[sflag:s7] =	ssyncadd.s32 @!p1 $0xFFFFF830  }
0x35: {  	_ =	swait.ge @!p1 [sflag:s7], $0x7D0  }
0x36: {  	[sflag:s7] =	ssyncset.done @!p1 $0x0  }
0x37: {  	[sflag:s7] =	ssyncadd.s32 @!p1 $0xFFFFF830  }
0x38: {  	_ =	swait.ge @!p1 [sflag:s7], $0x7D0  }
0x39: {  	[sflag:s7] =	ssyncset.done @!p1 $0x0  }
0x3a: {  	[sflag:s7] =	ssyncadd.s32 @!p1 $0xFFFFF830  }
0x3b: {  	_ =	swait.ge @!p1 [sflag:s7], $0x7D0  }
0x3c: {  	[sflag:s7] =	ssyncset.done @!p1 $0x0  }
0x3d: {  	s14 =	sadd.s32 $0x0, s10;
	[sflag:s7] =	ssyncadd.s32 @!p1 $0xFFFFF830  }
0x3e: {  	[tilespmem:s15], [sflag:$0x4] =	stream.linear.gather [hbm4b:s14+s3], $0x400, $0x38;
	[tilespmem:$0x6F10] =	vst v63  }
0x3f: {  	_ =	swait.ge [sflag:s16], $0x400  }
0x40: {  	[sflag:s16] =	ssyncset.done $0x0  }
0x41: {  	[sflag:s16] =	ssyncadd.s32 $0xFFFFFC00  }
0x42: {  	[spmem:s1] =	stream.indirect.scatter.add.f32 [tilespmem:s13], [sflag:$0x1], $0x10, s3, s17, $0xb8;
	[tilespmem:$0x6F10] =	vst v63  }
0x43: {  	_ = 	snop  }
0x44: {  	[spmem:s1] =	stream.indirect.scatter.add.f32 [tilespmem:s13], [sflag:$0x1], $0x10, s18, s17, $0xb8;
	[tilespmem:$0x6F10] =	vst v63  }
0x45: {  	_ = 	snop  }
0x46: {  	[spmem:s1] =	stream.indirect.scatter.add.f32 [tilespmem:s13], [sflag:$0x1], $0x10, s19, s17, $0xb8;
	[tilespmem:$0x6F10] =	vst v63  }
0x47: {  	_ = 	snop  }
0x48: {  	[spmem:s1] =	stream.indirect.scatter.add.f32 [tilespmem:s13], [sflag:$0x1], $0x10, s20, s17, $0xb8;
	[tilespmem:$0x6F10] =	vst v63  }
0x49: {  	_ = 	snop  }
0x4a: {  	[spmem:s1] =	stream.indirect.scatter.add.f32 [tilespmem:s13], [sflag:$0x1], $0x10, s21, s17, $0xb8;
	[tilespmem:$0x6F10] =	vst v63  }
0x4b: {  	_ = 	snop  }
0x4c: {  	[spmem:s1] =	stream.indirect.scatter.add.f32 [tilespmem:s13], [sflag:$0x1], $0x10, s22, s17, $0xb8;
	[tilespmem:$0x6F10] =	vst v63  }
0x4d: {  	p1 =	por $0x0, $0x0  }
0x4e: {  	[spmem:s1] =	stream.indirect.scatter.add.f32 [tilespmem:s13], [sflag:$0x1], $0x10, s23, s17, $0xb8;
	[tilespmem:$0x6F10] =	vst v63  }
0x4f: {  	s7 =	simm.s32 @!p1 $0x1  }
0x50: {  	[spmem:s1] =	stream.indirect.scatter.add.f32 [tilespmem:s13], [sflag:$0x1], $0x10, s24, s17, $0xb8;
	[tilespmem:$0x6F10] =	vst v63  }
0x51: {  	_ =	swait.ge @!p1 [sflag:s7], $0x7D0  }
0x52: {  	[sflag:s7] =	ssyncset.done @!p1 $0x0  }
0x53: {  	[sflag:s7] =	ssyncadd.s32 @!p1 $0xFFFFF830  }
0x54: {  	_ =	swait.ge @!p1 [sflag:s7], $0x7D0  }
0x55: {  	[sflag:s7] =	ssyncset.done @!p1 $0x0  }
0x56: {  	[sflag:s7] =	ssyncadd.s32 @!p1 $0xFFFFF830  }
0x57: {  	_ =	swait.ge @!p1 [sflag:s7], $0x7D0  }
0x58: {  	[sflag:s7] =	ssyncset.done @!p1 $0x0  }
0x59: {  	[sflag:s7] =	ssyncadd.s32 @!p1 $0xFFFFF830  }
0x5a: {  	_ =	swait.ge @!p1 [sflag:s7], $0x7D0  }
0x5b: {  	[sflag:s7] =	ssyncset.done @!p1 $0x0  }
0x5c: {  	[sflag:s7] =	ssyncadd.s32 @!p1 $0xFFFFF830  }
0x5d: {  	_ =	swait.ge @!p1 [sflag:s7], $0x7D0  }
0x5e: {  	[sflag:s7] =	ssyncset.done @!p1 $0x0  }
0x5f: {  	[sflag:s7] =	ssyncadd.s32 @!p1 $0xFFFFF830  }
0x60: {  	_ =	swait.ge @!p1 [sflag:s7], $0x7D0  }
0x61: {  	[sflag:s7] =	ssyncset.done @!p1 $0x0  }
0x62: {  	[sflag:s7] =	ssyncadd.s32 @!p1 $0xFFFFF830  }
0x63: {  	_ =	swait.ge @!p1 [sflag:s7], $0x7D0  }
0x64: {  	[sflag:s7] =	ssyncset.done @!p1 $0x0  }
0x65: {  	[sflag:s7] =	ssyncadd.s32 @!p1 $0xFFFFF830  }
0x66: {  	_ =	swait.ge @!p1 [sflag:s7], $0x7D0  }
0x67: {  	[sflag:s7] =	ssyncset.done @!p1 $0x0  }
0x68: {  	s8 =	sadd.s32 @!p1 $0x0, s9;
	[sflag:s7] =	ssyncadd.s32 @!p1 $0xFFFFF830;
	s7 =	simm.s32 @!p1 $0x0  }
0x69: {  	[tilespmem:s7], [sflag:$0x3] =	stream.linear.gather @!p1 [hbm4b:s8+s7], $0x400, $0x38;
	[tilespmem:$0x6F10] =	vst v63  }
0x6a: {  	_ =	swait.ge [sflag:s25], $0x400  }
0x6b: {  	[sflag:s25] =	ssyncset.done $0x0  }
0x6c: {  	[sflag:s25] =	ssyncadd.s32 $0xFFFFFC00  }
0x6d: {  	[spmem:s1] =	stream.indirect.scatter.add.f32 [tilespmem:s13], [sflag:$0x2], $0x10, s15, s17, $0xb8;
	[tilespmem:$0x6F10] =	vst v63  }
0x6e: {  	_ = 	snop  }
0x6f: {  	[spmem:s1] =	stream.indirect.scatter.add.f32 [tilespmem:s13], [sflag:$0x2], $0x10, s26, s17, $0xb8;
	[tilespmem:$0x6F10] =	vst v63  }
0x70: {  	_ = 	snop  }
0x71: {  	[spmem:s1] =	stream.indirect.scatter.add.f32 [tilespmem:s13], [sflag:$0x2], $0x10, s28, s17, $0xb8;
	[tilespmem:$0x6F10] =	vst v63  }
0x72: {  	_ = 	snop  }
0x73: {  	[spmem:s1] =	stream.indirect.scatter.add.f32 [tilespmem:s13], [sflag:$0x2], $0x10, s29, s17, $0xb8;
	[tilespmem:$0x6F10] =	vst v63  }
0x74: {  	_ = 	snop  }
0x75: {  	[spmem:s1] =	stream.indirect.scatter.add.f32 [tilespmem:s13], [sflag:$0x2], $0x10, s30, s17, $0xb8;
	[tilespmem:$0x6F10] =	vst v63  }
0x76: {  	p6 =	por $0x0, $0x0  }
0x77: {  	[spmem:s1] =	stream.indirect.scatter.add.f32 [tilespmem:s13], [sflag:$0x2], $0x10, s31, s17, $0xb8;
	[tilespmem:$0x6F10] =	vst v63  }
0x78: {  	s7 =	simm.s32 $0x100;
	s8 =	simm.s32 $0x200;
	p1 =	por p6, p6  }
0x79: {  	[spmem:s1] =	stream.indirect.scatter.add.f32 [tilespmem:s13], [sflag:$0x2], $0x10, s0, s17, $0xb8;
	[tilespmem:$0x6F10] =	vst v63  }
.LBB2_2:
0x7a: {  	p3 =	seq.s32 s8, $0x0  }
0x7b: {  	s11 =	simm.s32 @!p1 $0x2;
	s14 =	smov.u32 s8;
	s8 =	sadd.s32 $0x100, s8  }
0x7c: {  	[spmem:s1] =	stream.indirect.scatter.add.f32 [tilespmem:s13], [sflag:$0x2], $0x10, s2, s17, $0xb8;
	[tilespmem:$0x6F10] =	vst v63  }
0x7d: {  	p2 =	sne.s32 s8, $0x500;
	_ =	swait.ge @!p1 [sflag:s11], $0x7D0  }
0x7e: {  	[sflag:s11] =	ssyncset.done @!p1 $0x0  }
0x7f: {  	[sflag:s11] =	ssyncadd.s32 @!p1 $0xFFFFF830  }
0x80: {  	_ =	swait.ge @!p1 [sflag:s11], $0x7D0  }
0x81: {  	[sflag:s11] =	ssyncset.done @!p1 $0x0  }
0x82: {  	[sflag:s11] =	ssyncadd.s32 @!p1 $0xFFFFF830  }
0x83: {  	_ =	swait.ge @!p1 [sflag:s11], $0x7D0  }
0x84: {  	[sflag:s11] =	ssyncset.done @!p1 $0x0  }
0x85: {  	[sflag:s11] =	ssyncadd.s32 @!p1 $0xFFFFF830  }
0x86: {  	_ =	swait.ge @!p1 [sflag:s11], $0x7D0  }
0x87: {  	[sflag:s11] =	ssyncset.done @!p1 $0x0  }
0x88: {  	[sflag:s11] =	ssyncadd.s32 @!p1 $0xFFFFF830  }
0x89: {  	_ =	swait.ge @!p1 [sflag:s11], $0x7D0  }
0x8a: {  	[sflag:s11] =	ssyncset.done @!p1 $0x0  }
0x8b: {  	[sflag:s11] =	ssyncadd.s32 @!p1 $0xFFFFF830  }
0x8c: {  	_ =	swait.ge @!p1 [sflag:s11], $0x7D0  }
0x8d: {  	[sflag:s11] =	ssyncset.done @!p1 $0x0  }
0x8e: {  	[sflag:s11] =	ssyncadd.s32 @!p1 $0xFFFFF830  }
0x8f: {  	_ =	swait.ge @!p1 [sflag:s11], $0x7D0  }
0x90: {  	[sflag:s11] =	ssyncset.done @!p1 $0x0  }
0x91: {  	[sflag:s11] =	ssyncadd.s32 @!p1 $0xFFFFF830  }
0x92: {  	_ =	swait.ge @!p1 [sflag:s11], $0x7D0  }
0x93: {  	[sflag:s11] =	ssyncset.done @!p1 $0x0  }
0x94: {  	[sflag:s11] =	ssyncadd.s32 @!p1 $0xFFFFF830;
	s11 =	sadd.s32 s7, s10;
	p1 =	por p3, p3  }
0x95: {  	[tilespmem:s15], [sflag:$0x4] =	stream.linear.gather [hbm4b:s11+s3], $0x400, $0x38;
	[tilespmem:$0x6F10] =	vst v63  }
0x96: {  	_ =	swait.ge [sflag:s16], $0x400  }
0x97: {  	[sflag:s16] =	ssyncset.done $0x0  }
0x98: {  	[sflag:s16] =	ssyncadd.s32 $0xFFFFFC00  }
0x99: {  	[spmem:s1] =	stream.indirect.scatter.add.f32 [tilespmem:s13], [sflag:$0x1], $0x10, s3, s17, $0xb8;
	[tilespmem:$0x6F10] =	vst v63  }
0x9a: {  	_ = 	snop  }
0x9b: {  	[spmem:s1] =	stream.indirect.scatter.add.f32 [tilespmem:s13], [sflag:$0x1], $0x10, s18, s17, $0xb8;
	[tilespmem:$0x6F10] =	vst v63  }
0x9c: {  	_ = 	snop  }
0x9d: {  	[spmem:s1] =	stream.indirect.scatter.add.f32 [tilespmem:s13], [sflag:$0x1], $0x10, s19, s17, $0xb8;
	[tilespmem:$0x6F10] =	vst v63  }
0x9e: {  	_ = 	snop  }
0x9f: {  	[spmem:s1] =	stream.indirect.scatter.add.f32 [tilespmem:s13], [sflag:$0x1], $0x10, s20, s17, $0xb8;
	[tilespmem:$0x6F10] =	vst v63  }
0xa0: {  	_ = 	snop  }
0xa1: {  	[spmem:s1] =	stream.indirect.scatter.add.f32 [tilespmem:s13], [sflag:$0x1], $0x10, s21, s17, $0xb8;
	[tilespmem:$0x6F10] =	vst v63  }
0xa2: {  	_ = 	snop  }
0xa3: {  	[spmem:s1] =	stream.indirect.scatter.add.f32 [tilespmem:s13], [sflag:$0x1], $0x10, s22, s17, $0xb8;
	[tilespmem:$0x6F10] =	vst v63  }
0xa4: {  	_ = 	snop  }
0xa5: {  	[spmem:s1] =	stream.indirect.scatter.add.f32 [tilespmem:s13], [sflag:$0x1], $0x10, s23, s17, $0xb8;
	[tilespmem:$0x6F10] =	vst v63  }
0xa6: {  	p3 =	seq.s32 s7, $0x400  }
0xa7: {  	[spmem:s1] =	stream.indirect.scatter.add.f32 [tilespmem:s13], [sflag:$0x1], $0x10, s24, s17, $0xb8;
	[tilespmem:$0x6F10] =	vst v63  }
0xa8: {  	s11 =	simm.s32 @!p3 $0x1  }
0xa9: {  	_ =	swait.ge @!p3 [sflag:s11], $0x7D0  }
0xaa: {  	[sflag:s11] =	ssyncset.done @!p3 $0x0  }
0xab: {  	[sflag:s11] =	ssyncadd.s32 @!p3 $0xFFFFF830  }
0xac: {  	_ =	swait.ge @!p3 [sflag:s11], $0x7D0  }
0xad: {  	[sflag:s11] =	ssyncset.done @!p3 $0x0  }
0xae: {  	[sflag:s11] =	ssyncadd.s32 @!p3 $0xFFFFF830  }
0xaf: {  	_ =	swait.ge @!p3 [sflag:s11], $0x7D0  }
0xb0: {  	[sflag:s11] =	ssyncset.done @!p3 $0x0  }
0xb1: {  	[sflag:s11] =	ssyncadd.s32 @!p3 $0xFFFFF830  }
0xb2: {  	_ =	swait.ge @!p3 [sflag:s11], $0x7D0  }
0xb3: {  	[sflag:s11] =	ssyncset.done @!p3 $0x0  }
0xb4: {  	[sflag:s11] =	ssyncadd.s32 @!p3 $0xFFFFF830  }
0xb5: {  	_ =	swait.ge @!p3 [sflag:s11], $0x7D0  }
0xb6: {  	[sflag:s11] =	ssyncset.done @!p3 $0x0  }
0xb7: {  	[sflag:s11] =	ssyncadd.s32 @!p3 $0xFFFFF830  }
0xb8: {  	_ =	swait.ge @!p3 [sflag:s11], $0x7D0  }
0xb9: {  	[sflag:s11] =	ssyncset.done @!p3 $0x0  }
0xba: {  	[sflag:s11] =	ssyncadd.s32 @!p3 $0xFFFFF830  }
0xbb: {  	_ =	swait.ge @!p3 [sflag:s11], $0x7D0  }
0xbc: {  	[sflag:s11] =	ssyncset.done @!p3 $0x0  }
0xbd: {  	[sflag:s11] =	ssyncadd.s32 @!p3 $0xFFFFF830  }
0xbe: {  	_ =	swait.ge @!p3 [sflag:s11], $0x7D0  }
0xbf: {  	s12 =	sadd.s32 @!p3 s7, s9;
	s6 =	simm.s32 @!p3 $0x0;
	[sflag:s11] =	ssyncset.done @!p3 $0x0  }
0xc0: {  	s7 =	smov.u32 s14;
	[sflag:s11] =	ssyncadd.s32 @!p3 $0xFFFFF830  }
0xc1: {  	[tilespmem:s6], [sflag:$0x3] =	stream.linear.gather @!p3 [hbm4b:s12+s6], $0x400, $0x38;
	[tilespmem:$0x6F10] =	vst v63  }
0xc2: {  	_ =	swait.ge [sflag:s25], $0x400  }
0xc3: {  	[sflag:s25] =	ssyncset.done $0x0  }
0xc4: {  	[sflag:s25] =	ssyncadd.s32 $0xFFFFFC00  }
0xc5: {  	[spmem:s1] =	stream.indirect.scatter.add.f32 [tilespmem:s13], [sflag:$0x2], $0x10, s15, s17, $0xb8;
	[tilespmem:$0x6F10] =	vst v63  }
0xc6: {  	_ = 	snop  }
0xc7: {  	[spmem:s1] =	stream.indirect.scatter.add.f32 [tilespmem:s13], [sflag:$0x2], $0x10, s26, s17, $0xb8;
	[tilespmem:$0x6F10] =	vst v63  }
0xc8: {  	_ = 	snop  }
0xc9: {  	[spmem:s1] =	stream.indirect.scatter.add.f32 [tilespmem:s13], [sflag:$0x2], $0x10, s28, s17, $0xb8;
	[tilespmem:$0x6F10] =	vst v63  }
0xca: {  	_ = 	snop  }
0xcb: {  	[spmem:s1] =	stream.indirect.scatter.add.f32 [tilespmem:s13], [sflag:$0x2], $0x10, s29, s17, $0xb8;
	[tilespmem:$0x6F10] =	vst v63  }
0xcc: {  	_ = 	snop  }
0xcd: {  	[spmem:s1] =	stream.indirect.scatter.add.f32 [tilespmem:s13], [sflag:$0x2], $0x10, s30, s17, $0xb8;
	[tilespmem:$0x6F10] =	vst v63  }
.Ltmp0:
0xce: {  	_ = 	snop;
	(pc) =	sbr.rel @p2 .LBB2_2-.Ltmp0, $4  }
0xcf: {  	_ = 	snop  }
0xd0: {  	[spmem:s1] =	stream.indirect.scatter.add.f32 [tilespmem:s13], [sflag:$0x2], $0x10, s31, s17, $0xb8;
	[tilespmem:$0x6F10] =	vst v63  }
0xd1: {  	_ = 	snop  }
0xd2: {  	[spmem:s1] =	stream.indirect.scatter.add.f32 [tilespmem:s13], [sflag:$0x2], $0x10, s0, s17, $0xb8;
	[tilespmem:$0x6F10] =	vst v63  }
0xd3: {  	s6 =	simm.s32 @!p1 $0x2  }
0xd4: {  	[spmem:s1] =	stream.indirect.scatter.add.f32 [tilespmem:s13], [sflag:$0x2], $0x10, s2, s17, $0xb8;
	[tilespmem:$0x6F10] =	vst v63  }
0xd5: {  	_ =	swait.ge @!p1 [sflag:s6], $0x7D0  }
0xd6: {  	[sflag:s6] =	ssyncset.done @!p1 $0x0  }
0xd7: {  	[sflag:s6] =	ssyncadd.s32 @!p1 $0xFFFFF830  }
0xd8: {  	_ =	swait.ge @!p1 [sflag:s6], $0x7D0  }
0xd9: {  	[sflag:s6] =	ssyncset.done @!p1 $0x0  }
0xda: {  	[sflag:s6] =	ssyncadd.s32 @!p1 $0xFFFFF830  }
0xdb: {  	_ =	swait.ge @!p1 [sflag:s6], $0x7D0  }
0xdc: {  	[sflag:s6] =	ssyncset.done @!p1 $0x0  }
0xdd: {  	[sflag:s6] =	ssyncadd.s32 @!p1 $0xFFFFF830  }
0xde: {  	_ =	swait.ge @!p1 [sflag:s6], $0x7D0  }
0xdf: {  	[sflag:s6] =	ssyncset.done @!p1 $0x0  }
0xe0: {  	[sflag:s6] =	ssyncadd.s32 @!p1 $0xFFFFF830  }
0xe1: {  	_ =	swait.ge @!p1 [sflag:s6], $0x7D0  }
0xe2: {  	[sflag:s6] =	ssyncset.done @!p1 $0x0  }
0xe3: {  	[sflag:s6] =	ssyncadd.s32 @!p1 $0xFFFFF830  }
0xe4: {  	_ =	swait.ge @!p1 [sflag:s6], $0x7D0  }
0xe5: {  	[sflag:s6] =	ssyncset.done @!p1 $0x0  }
0xe6: {  	[sflag:s6] =	ssyncadd.s32 @!p1 $0xFFFFF830  }
0xe7: {  	_ =	swait.ge @!p1 [sflag:s6], $0x7D0  }
0xe8: {  	[sflag:s6] =	ssyncset.done @!p1 $0x0  }
0xe9: {  	[sflag:s6] =	ssyncadd.s32 @!p1 $0xFFFFF830  }
0xea: {  	_ =	swait.ge @!p1 [sflag:s6], $0x7D0  }
0xeb: {  	[sflag:s6] =	ssyncset.done @!p1 $0x0  }
0xec: {  	s12 =	sadd.s32 s7, s10;
	[sflag:s6] =	ssyncadd.s32 @!p1 $0xFFFFF830  }
0xed: {  	[tilespmem:s15], [sflag:$0x4] =	stream.linear.gather [hbm4b:s12+s3], $0x400, $0x38;
	[tilespmem:$0x6F10] =	vst v63  }
0xee: {  	_ =	swait.ge [sflag:s16], $0x400  }
0xef: {  	[sflag:s16] =	ssyncset.done $0x0  }
0xf0: {  	[sflag:s16] =	ssyncadd.s32 $0xFFFFFC00  }
0xf1: {  	[spmem:s1] =	stream.indirect.scatter.add.f32 [tilespmem:s13], [sflag:$0x1], $0x10, s3, s17, $0xb8;
	[tilespmem:$0x6F10] =	vst v63  }
0xf2: {  	_ = 	snop  }
0xf3: {  	[spmem:s1] =	stream.indirect.scatter.add.f32 [tilespmem:s13], [sflag:$0x1], $0x10, s18, s17, $0xb8;
	[tilespmem:$0x6F10] =	vst v63  }
0xf4: {  	_ = 	snop  }
0xf5: {  	[spmem:s1] =	stream.indirect.scatter.add.f32 [tilespmem:s13], [sflag:$0x1], $0x10, s19, s17, $0xb8;
	[tilespmem:$0x6F10] =	vst v63  }
0xf6: {  	_ = 	snop  }
0xf7: {  	[spmem:s1] =	stream.indirect.scatter.add.f32 [tilespmem:s13], [sflag:$0x1], $0x10, s20, s17, $0xb8;
	[tilespmem:$0x6F10] =	vst v63  }
0xf8: {  	_ = 	snop  }
0xf9: {  	[spmem:s1] =	stream.indirect.scatter.add.f32 [tilespmem:s13], [sflag:$0x1], $0x10, s21, s17, $0xb8;
	[tilespmem:$0x6F10] =	vst v63  }
0xfa: {  	_ = 	snop  }
0xfb: {  	[spmem:s1] =	stream.indirect.scatter.add.f32 [tilespmem:s13], [sflag:$0x1], $0x10, s22, s17, $0xb8;
	[tilespmem:$0x6F10] =	vst v63  }
0xfc: {  	p1 =	seq.s32 s7, $0x400  }
0xfd: {  	[spmem:s1] =	stream.indirect.scatter.add.f32 [tilespmem:s13], [sflag:$0x1], $0x10, s23, s17, $0xb8;
	[tilespmem:$0x6F10] =	vst v63  }
0xfe: {  	s6 =	simm.s32 @!p1 $0x1  }
0xff: {  	[spmem:s1] =	stream.indirect.scatter.add.f32 [tilespmem:s13], [sflag:$0x1], $0x10, s24, s17, $0xb8;
	[tilespmem:$0x6F10] =	vst v63  }
0x100: {  	_ =	swait.ge @!p1 [sflag:s6], $0x7D0  }
0x101: {  	[sflag:s6] =	ssyncset.done @!p1 $0x0  }
0x102: {  	[sflag:s6] =	ssyncadd.s32 @!p1 $0xFFFFF830  }
0x103: {  	_ =	swait.ge @!p1 [sflag:s6], $0x7D0  }
0x104: {  	[sflag:s6] =	ssyncset.done @!p1 $0x0  }
0x105: {  	[sflag:s6] =	ssyncadd.s32 @!p1 $0xFFFFF830  }
0x106: {  	_ =	swait.ge @!p1 [sflag:s6], $0x7D0  }
0x107: {  	[sflag:s6] =	ssyncset.done @!p1 $0x0  }
0x108: {  	[sflag:s6] =	ssyncadd.s32 @!p1 $0xFFFFF830  }
0x109: {  	_ =	swait.ge @!p1 [sflag:s6], $0x7D0  }
0x10a: {  	[sflag:s6] =	ssyncset.done @!p1 $0x0  }
0x10b: {  	[sflag:s6] =	ssyncadd.s32 @!p1 $0xFFFFF830  }
0x10c: {  	_ =	swait.ge @!p1 [sflag:s6], $0x7D0  }
0x10d: {  	[sflag:s6] =	ssyncset.done @!p1 $0x0  }
0x10e: {  	[sflag:s6] =	ssyncadd.s32 @!p1 $0xFFFFF830  }
0x10f: {  	_ =	swait.ge @!p1 [sflag:s6], $0x7D0  }
0x110: {  	[sflag:s6] =	ssyncset.done @!p1 $0x0  }
0x111: {  	[sflag:s6] =	ssyncadd.s32 @!p1 $0xFFFFF830  }
0x112: {  	_ =	swait.ge @!p1 [sflag:s6], $0x7D0  }
0x113: {  	[sflag:s6] =	ssyncset.done @!p1 $0x0  }
0x114: {  	[sflag:s6] =	ssyncadd.s32 @!p1 $0xFFFFF830  }
0x115: {  	_ =	swait.ge @!p1 [sflag:s6], $0x7D0  }
0x116: {  	[sflag:s6] =	ssyncset.done @!p1 $0x0  }
0x117: {  	s7 =	sadd.s32 @!p1 s7, s9;
	[sflag:s6] =	ssyncadd.s32 @!p1 $0xFFFFF830;
	s6 =	simm.s32 @!p1 $0x0  }
0x118: {  	[tilespmem:s6], [sflag:$0x3] =	stream.linear.gather @!p1 [hbm4b:s7+s6], $0x400, $0x38;
	[tilespmem:$0x6F10] =	vst v63  }
0x119: {  	_ =	swait.ge [sflag:s25], $0x400  }
0x11a: {  	[sflag:s25] =	ssyncset.done $0x0  }
0x11b: {  	[sflag:s25] =	ssyncadd.s32 $0xFFFFFC00  }
0x11c: {  	[spmem:s1] =	stream.indirect.scatter.add.f32 [tilespmem:s13], [sflag:$0x2], $0x10, s15, s17, $0xb8;
	[tilespmem:$0x6F10] =	vst v63  }
0x11d: {  	_ = 	snop  }
0x11e: {  	[spmem:s1] =	stream.indirect.scatter.add.f32 [tilespmem:s13], [sflag:$0x2], $0x10, s26, s17, $0xb8;
	[tilespmem:$0x6F10] =	vst v63  }
0x11f: {  	_ = 	snop  }
0x120: {  	[spmem:s1] =	stream.indirect.scatter.add.f32 [tilespmem:s13], [sflag:$0x2], $0x10, s28, s17, $0xb8;
	[tilespmem:$0x6F10] =	vst v63  }
0x121: {  	_ = 	snop  }
0x122: {  	[spmem:s1] =	stream.indirect.scatter.add.f32 [tilespmem:s13], [sflag:$0x2], $0x10, s29, s17, $0xb8;
	[tilespmem:$0x6F10] =	vst v63  }
0x123: {  	_ = 	snop  }
0x124: {  	[spmem:s1] =	stream.indirect.scatter.add.f32 [tilespmem:s13], [sflag:$0x2], $0x10, s30, s17, $0xb8;
	[tilespmem:$0x6F10] =	vst v63  }
0x125: {  	_ = 	snop  }
0x126: {  	[spmem:s1] =	stream.indirect.scatter.add.f32 [tilespmem:s13], [sflag:$0x2], $0x10, s31, s17, $0xb8;
	[tilespmem:$0x6F10] =	vst v63  }
0x127: {  	_ = 	snop  }
0x128: {  	[spmem:s1] =	stream.indirect.scatter.add.f32 [tilespmem:s13], [sflag:$0x2], $0x10, s0, s17, $0xb8;
	[tilespmem:$0x6F10] =	vst v63  }
0x129: {  	_ = 	snop  }
0x12a: {  	[spmem:s1] =	stream.indirect.scatter.add.f32 [tilespmem:s13], [sflag:$0x2], $0x10, s2, s17, $0xb8;
	[tilespmem:$0x6F10] =	vst v63  }
0x12b: {  	_ =	swait.ge [sflag:s4], $0x7D0  }
0x12c: {  	[sflag:s4] =	ssyncset.done $0x0  }
0x12d: {  	[sflag:s4] =	ssyncadd.s32 $0xFFFFF830  }
0x12e: {  	_ =	swait.ge [sflag:s4], $0x7D0  }
0x12f: {  	[sflag:s4] =	ssyncset.done $0x0  }
0x130: {  	[sflag:s4] =	ssyncadd.s32 $0xFFFFF830  }
0x131: {  	_ =	swait.ge [sflag:s4], $0x7D0  }
0x132: {  	[sflag:s4] =	ssyncset.done $0x0  }
0x133: {  	[sflag:s4] =	ssyncadd.s32 $0xFFFFF830  }
0x134: {  	_ =	swait.ge [sflag:s4], $0x7D0  }
0x135: {  	[sflag:s4] =	ssyncset.done $0x0  }
0x136: {  	[sflag:s4] =	ssyncadd.s32 $0xFFFFF830  }
0x137: {  	_ =	swait.ge [sflag:s4], $0x7D0  }
0x138: {  	[sflag:s4] =	ssyncset.done $0x0  }
0x139: {  	[sflag:s4] =	ssyncadd.s32 $0xFFFFF830  }
0x13a: {  	_ =	swait.ge [sflag:s4], $0x7D0  }
0x13b: {  	[sflag:s4] =	ssyncset.done $0x0  }
0x13c: {  	[sflag:s4] =	ssyncadd.s32 $0xFFFFF830  }
0x13d: {  	_ =	swait.ge [sflag:s4], $0x7D0  }
0x13e: {  	[sflag:s4] =	ssyncset.done $0x0  }
0x13f: {  	[sflag:s4] =	ssyncadd.s32 $0xFFFFF830  }
0x140: {  	_ =	swait.ge [sflag:s4], $0x7D0  }
0x141: {  	[sflag:s4] =	ssyncset.done $0x0  }
0x142: {  	[sflag:s4] =	ssyncadd.s32 $0xFFFFF830  }
0x143: {  	_ =	swait.ge [sflag:s5], $0x7D0  }
0x144: {  	[sflag:s5] =	ssyncset.done $0x0  }
0x145: {  	[sflag:s5] =	ssyncadd.s32 $0xFFFFF830  }
0x146: {  	_ =	swait.ge [sflag:s5], $0x7D0  }
0x147: {  	[sflag:s5] =	ssyncset.done $0x0  }
0x148: {  	[sflag:s5] =	ssyncadd.s32 $0xFFFFF830  }
0x149: {  	_ =	swait.ge [sflag:s5], $0x7D0  }
0x14a: {  	[sflag:s5] =	ssyncset.done $0x0  }
0x14b: {  	[sflag:s5] =	ssyncadd.s32 $0xFFFFF830  }
0x14c: {  	_ =	swait.ge [sflag:s5], $0x7D0  }
0x14d: {  	[sflag:s5] =	ssyncset.done $0x0  }
0x14e: {  	[sflag:s5] =	ssyncadd.s32 $0xFFFFF830  }
0x14f: {  	_ =	swait.ge [sflag:s5], $0x7D0  }
0x150: {  	[sflag:s5] =	ssyncset.done $0x0  }
0x151: {  	[sflag:s5] =	ssyncadd.s32 $0xFFFFF830  }
0x152: {  	_ =	swait.ge [sflag:s5], $0x7D0  }
0x153: {  	[sflag:s5] =	ssyncset.done $0x0  }
0x154: {  	[sflag:s5] =	ssyncadd.s32 $0xFFFFF830  }
0x155: {  	_ =	swait.ge [sflag:s5], $0x7D0  }
0x156: {  	[sflag:s5] =	ssyncset.done $0x0  }
0x157: {  	[sflag:s5] =	ssyncadd.s32 $0xFFFFF830  }
0x158: {  	_ =	swait.ge [sflag:s5], $0x7D0  }
0x159: {  	[sflag:s5] =	ssyncset.done $0x0  }
0x15a: {  	[sflag:s5] =	ssyncadd.s32 $0xFFFFF830  }
0x15b: {  	[bflag:$0x0] =	sbarrier.arrive $0xFFFF  }
0x15c: {  	s6 =	rddreg [dreg:$0x6]  }
0x15d: {  	s8 =	rddreg [dreg:$0x8]  }
0x15e: {  	s11 =	rddreg [dreg:$0x9]  }
0x15f: {  	[hbm:s6], [sflag:s8] =	dma.local @!p0 [spmem:s11], $0x3E80  }
0x160: {  	s6 =	simm.s32 @!p0 $0x5  }
0x161: {  	_ =	swait.ge @!p0 [sflag:s6], $0x3E80  }
0x162: {  	s12 =	rddreg [dreg:$0xa]  }
0x163: {  	s14 =	rddreg [dreg:$0x7];
	s12 =	sadd.s32 $0x1, s12  }
0x164: {  	p1 =	sne.s32 s12, s14  }
.Ltmp1:
0x165: {  	_ = 	snop;
	(pc) =	sbr.rel @p1 .LBB2_1-.Ltmp1, $3  }
0x166: {  	_ =	sdelay $0x1  }
0x167: {  	[sflag:s6] =	ssyncset.done @!p0 $0x0  }
0x168: {  	[sflag:s6] =	ssyncadd.s32 @!p0 $0xFFFFC180  }
0x169: {  	_ =	sfence.sel $0x180000  }
0x16a: {  	[bflag:$0x0] =	sbarrier.arrive $0xFFFF  }
0x16b: {  	_ =	strace $0x90000047  }
0x16c: {  	s0 =	stileid.u32;
	[bflag:$0x2] =	sbarrier.arrive $0xFFFF  }
0x16d: {  	p0 =	sne.s32 s0, $0x0;
	s0 =	rddreg [dreg:$0x2]  }
0x16e: {  	s0 =	sadd.s32 @!p0 $0x100000, s0  }
0x16f: {  	[sflag:s0] =	ssyncadd.tile.s32 @!p0 $0x1;
	_ =	shalt  }
.Lfunc_end2:
_tile_overlayer_lowered:
.L_overlay_start_2:
0x170: {  	(tag) =	ssettag $0x2  }
0x171: {  	s0 =	rddreg [dreg:$0x0];
	s2 =	stileid.u32  }
0x172: {  	s1 =	rddreg [dreg:$0x1];
	p0 =	sne.s32 s2, $0x0  }
0x173: {  	s3 =	rddreg [dreg:$0x2];
	[bflag:$0x3] =	sbarrier.arrive $0xFFFF;
	s2 =	simm.s32 @!p0 $0x1C05  }
0x174: {  	[timem:s3], [sflag:s2] =	dma.local @!p0 [hbm:s0], s1  }
0x175: {  	s0 =	simm.s32 @!p0 $0x5  }
0x176: {  	_ =	swait.ge @!p0 [sflag:s0], s1  }
0x177: {  	s1 =	ssub.s32 @!p0 $0x0, s1;
	[sflag:s0] =	ssyncset.done @!p0 $0x0  }
0x178: {  	[sflag:s0] =	ssyncadd.s32 @!p0 s1  }
0x179: {  	[bflag:$0x3] =	sbarrier.arrive $0xFFFF  }
0x17a: {  	_ =	shalt  }

</sc_bundles>
